<compile_context>
chip_gen: v7x
topology: tpu7x:2x2x1
jax: 0.10.2.dev20260603
libtpu: 0.0.44.dev20260713+nightly
codegen_flags: <defaults>
</compile_context>

<pallas_src>
import jax
import jax.numpy as jnp
from jax import lax
from jax.experimental import pallas as pl
from jax.experimental.pallas import tpu as pltpu
from jax.experimental.pallas import tpu_sc as plsc

_B, _N = 64, 256
_L = 16
_NCH = _N // _L
_NEG = float(jnp.finfo(jnp.float32).min)
_NUM_CORES = 2
_NUM_SUBCORES = 16
_PER_WORKER = _B // (_NUM_CORES * _NUM_SUBCORES)


def _greedy_body(inp_hbm, out_hbm, a_ref, row_max, row_arg, colneg,
                 tmpi, sem):
    lanes = lax.iota(jnp.int32, _L)
    lane0 = lanes == 0
    zeros_f = jnp.zeros((_L,), jnp.float32)
    neg_f = jnp.full((_L,), _NEG, jnp.float32)
    ones_f = jnp.ones((_L,), jnp.float32)

    wid = lax.axis_index("s") * _NUM_CORES + lax.axis_index("c")

    def rowscan(r):
        rbase = r * _N
        bv = neg_f
        bc = jnp.zeros((_L,), jnp.int32)
        for j in range(_NCH):
            col = j * _L + lanes
            av = a_ref[pl.ds(rbase + j * _L, _L)]
            upd = av > bv
            bv = jnp.where(upd, av, bv)
            bc = jnp.where(upd, col, bc)
        return bv, bc

    def finalize(bv, bc):
        m = jnp.max(bv)
        c = jnp.min(jnp.where(bv >= m, bc, _N))
        return m, c

    def rowpass(r):
        rbase = r * _N
        bv = neg_f
        bc = jnp.zeros((_L,), jnp.int32)
        for j in range(_NCH):
            col = j * _L + lanes
            av = a_ref[pl.ds(rbase + j * _L, _L)]
            v = av + colneg[pl.ds(j * _L, _L)]
            upd = v > bv
            bv = jnp.where(upd, v, bv)
            bc = jnp.where(upd, col, bc)
        return finalize(bv, bc)

    for k in range(_PER_WORKER):
        b = wid * _PER_WORKER + k

        with jax.named_scope("sc_load"):
            def fire_row(r, carry):
                pltpu.make_async_copy(
                    inp_hbm.at[b, r], a_ref.at[pl.ds(r * _N, _N)], sem
                ).start()
                return carry

            lax.fori_loop(0, _N, fire_row, 0)

            for j in range(_NCH):
                colneg[pl.ds(j * _L, _L)] = zeros_f

            def drain_row(r, carry):
                pltpu.make_async_copy(
                    inp_hbm.at[b, r], a_ref.at[pl.ds(r * _N, _N)], sem
                ).wait()
                return carry

            lax.fori_loop(0, _N, drain_row, 0)

        with jax.named_scope("sc_init"):
            def init_quad(i, carry):
                r0 = i * 4
                scans = [rowscan(r0 + d) for d in range(4)]
                fins = [finalize(bv, bc) for bv, bc in scans]
                for d, (m, c) in enumerate(fins):
                    plsc.store_scatter(
                        row_max, [jnp.full((_L,), r0 + d, jnp.int32)],
                        jnp.full((_L,), m), mask=lane0)
                    plsc.store_scatter(
                        row_arg, [jnp.full((_L,), r0 + d, jnp.int32)],
                        jnp.full((_L,), c, jnp.int32), mask=lane0)
                return carry

            lax.fori_loop(0, _N // 4, init_quad, 0)

        bv16 = neg_f
        br16 = jnp.zeros((_L,), jnp.int32)
        for j in range(_NCH):
            ch = row_max[pl.ds(j * _L, _L)]
            mj = jnp.max(ch)
            fj = jnp.zeros((_L,), jnp.int32) + plsc.all_reduce_ffs(ch >= mj)
            sel = lanes == j
            bv16 = jnp.where(sel, mj, bv16)
            br16 = jnp.where(sel, j * _L + fj, br16)
        tmpi[...] = br16

        def not_done(st):
            return st[0] < jnp.int32(_N)

        def attempt(st):
            cnt, bv16 = st
            m = jnp.max(bv16)
            fvec = (jnp.zeros((_L,), jnp.int32)
                    + plsc.all_reduce_ffs(bv16 >= m))
            rvec = plsc.load_gather(tmpi, [fvec])
            cvec = plsc.load_gather(row_arg, [rvec])
            cmask_v = plsc.load_gather(colneg, [cvec])
            r = rvec[0]
            ok = cmask_v[0] == jnp.float32(0.0)

            @pl.when(ok)
            def _assign():
                plsc.store_scatter(colneg, [cvec], neg_f, mask=lane0)
                plsc.store_scatter(row_max, [rvec], neg_f, mask=lane0)

            @pl.when(jnp.logical_not(ok))
            def _refresh():
                nm, nc = rowpass(r)
                plsc.store_scatter(
                    row_max, [rvec], jnp.full((_L,), nm), mask=lane0)
                plsc.store_scatter(
                    row_arg, [rvec], jnp.full((_L,), nc), mask=lane0)

            j = lax.shift_right_logical(r, 4)
            ch = row_max[pl.ds(j * _L, _L)]
            mj = jnp.max(ch)
            fj = (jnp.zeros((_L,), jnp.int32)
                  + plsc.all_reduce_ffs(ch >= mj))
            selj = lanes == j
            bv16 = jnp.where(selj, mj, bv16)
            plsc.store_scatter(tmpi, [jnp.full((_L,), j, jnp.int32)],
                               j * _L + fj, mask=lane0)

            return (cnt + jnp.where(ok, jnp.int32(1), jnp.int32(0)), bv16)

        with jax.named_scope("sc_greedy"):
            lax.while_loop(not_done, attempt, (jnp.int32(0), bv16))

        def zero_row(r, carry):
            rb = r * _N
            for j in range(_NCH):
                a_ref[pl.ds(rb + j * _L, _L)] = zeros_f
            return carry

        with jax.named_scope("sc_emit"):
            lax.fori_loop(0, _N, zero_row, 0)
            for j in range(_NCH):
                rows = j * _L + lanes
                cols = row_arg[pl.ds(j * _L, _L)]
                plsc.store_scatter(a_ref, [rows * _N + cols], ones_f)

            def fire_out(r, carry):
                pltpu.make_async_copy(
                    a_ref.at[pl.ds(r * _N, _N)], out_hbm.at[b, r], sem
                ).start()
                return carry

            lax.fori_loop(0, _N, fire_out, 0)

            def drain_out(r, carry):
                pltpu.make_async_copy(
                    a_ref.at[pl.ds(r * _N, _N)], out_hbm.at[b, r], sem
                ).wait()
                return carry

            lax.fori_loop(0, _N, drain_out, 0)


@jax.jit
def _greedy_hard_perm_sc(soft_perm):
    mesh = plsc.VectorSubcoreMesh(
        core_axis_name="c", subcore_axis_name="s",
        num_cores=_NUM_CORES, num_subcores=_NUM_SUBCORES)
    return pl.kernel(
        _greedy_body,
        out_type=jax.ShapeDtypeStruct((_B, _N, _N), jnp.float32),
        mesh=mesh,
        compiler_params=pltpu.CompilerParams(needs_layout_passes=False),
        scratch_types=[
            pltpu.VMEM((_N * _N,), jnp.float32),
            pltpu.VMEM((_N,), jnp.float32),
            pltpu.VMEM((_N,), jnp.int32),
            pltpu.VMEM((_N,), jnp.float32),
            pltpu.VMEM((_L,), jnp.int32),
            pltpu.SemaphoreType.DMA,
        ],
    )(soft_perm)


def kernel(soft_perm):
    return lax.stop_gradient(_greedy_hard_perm_sc(soft_perm))

# --- scband reference (transcript-rebuilt; emitter-appended) ---
"""Pipeline reference for scband-tour-constructor-59700045414695 (READ-ONLY COPY).

The authoritative reference and input builder live on the scoring server;
editing this copy changes nothing except your own understanding.
"""

import jax, jax.numpy as jnp
import numpy as np

B, N = 64, 256

def setup_inputs(seed: int = 0) -> dict:
    key = jax.random.key(seed)
    soft_perm = jax.random.uniform(key, (B, N, N), dtype=jnp.float32)
    return {"soft_perm": soft_perm}

def greedy_hard_perm(soft_perm):
    Bb, Nn, _ = soft_perm.shape
    NEG = jnp.finfo(soft_perm.dtype).min
    bidx = jnp.arange(Bb)

    def body(i, carry):
        hard, rmask, cmask = carry
        # Equivalent to torch's cumulative in-place masked_fill_: masks only grow,
        # so re-masking the original soft_perm each step yields identical scores.
        scores = jnp.where(rmask[:, :, None], NEG, soft_perm)
        scores = jnp.where(cmask[:, None, :], NEG, scores)
        flat = jnp.argmax(scores.reshape(Bb, -1), axis=1)
        row = flat // Nn
        col = flat % Nn
        hard = hard.at[bidx, row, col].set(1.0)
        rmask = rmask.at[bidx, row].set(True)
        cmask = cmask.at[bidx, col].set(True)
        return (hard, rmask, cmask)

    hard0 = jnp.zeros_like(soft_perm)
    rmask0 = jnp.zeros((Bb, Nn), dtype=bool)
    cmask0 = jnp.zeros((Bb, Nn), dtype=bool)
    hard, _, _ = jax.lax.fori_loop(0, Nn, body, (hard0, rmask0, cmask0))
    return hard

def reference(soft_perm):
    # method == 'greedy'
    hard_perm = jax.lax.stop_gradient(greedy_hard_perm(soft_perm))
    # straight-through estimator: hard forward, soft gradient
    straight_through_perm = hard_perm + (soft_perm - jax.lax.stop_gradient(soft_perm))
    return straight_through_perm

if __name__ == "__main__":
    import jax
    _d = setup_inputs()
    print(jax.jit(kernel)(*tuple(_d.values())))

</pallas_src>

<mosaic_0001>
#map = affine_map<(d0, d1) -> (0, 0, 0)>
module attributes {stable_mosaic.version = 14 : i64} {
  func.func @_greedy_body(%arg0: i32, %arg1: i32, %arg2: memref<64x256x256xf32, #tpu.memory_space<hbm>>, %arg3: memref<64x256x256xf32, #tpu.memory_space<hbm>>, %arg4: memref<65536xf32, #tpu.memory_space<vmem>>, %arg5: memref<256xf32, #tpu.memory_space<vmem>>, %arg6: memref<256xi32, #tpu.memory_space<vmem>>, %arg7: memref<256xf32, #tpu.memory_space<vmem>>, %arg8: memref<16xi32, #tpu.memory_space<vmem>>, %arg9: memref<!tpu.dma_semaphore, #tpu.memory_space<semaphore_mem>>) attributes {dimension_semantics = [#tpu.dimension_semantics<core_parallel>, #tpu.dimension_semantics<subcore_parallel>], iteration_bounds = array<i64: 2, 16>, scalar_prefetch = 0 : i64, scratch_operands = 6 : i64, tpu.core_type = #tpu.core_type<sc_vector_subcore>, window_params = [{transform_indices = #map}, {transform_indices = #map}]} {
    %iota3A = tpu.iota {dimensions = array<i32: 0>} : vector<16xi32>
    %eq3A = arith.constant 0 : i32
    %eq3A_0 = vector.broadcast %eq3A : i32 to vector<16xi32>
    %eq3A_1 = arith.cmpi eq, %iota3A, %eq3A_0 : vector<16xi32>
    %broadcast_in_dim3A = arith.constant 0.000000e+00 : f32
    %broadcast_in_dim3A_2 = vector.broadcast %broadcast_in_dim3A : f32 to vector<16xf32>
    %broadcast_in_dim3A_3 = arith.constant -3.40282347E+38 : f32
    %broadcast_in_dim3A_4 = vector.broadcast %broadcast_in_dim3A_3 : f32 to vector<16xf32>
    %broadcast_in_dim3A_5 = arith.constant 1.000000e+00 : f32
    %broadcast_in_dim3A_6 = vector.broadcast %broadcast_in_dim3A_5 : f32 to vector<16xf32>
    %mul3A = arith.constant 2 : i32
    %mul3A_7 = arith.muli %arg1, %mul3A : i32
    %add3A = arith.addi %mul3A_7, %arg0 : i32
    %mul3A_8 = arith.constant 2 : i32
    %mul3A_9 = arith.muli %add3A, %mul3A_8 : i32
    %add3A_10 = arith.constant 0 : i32
    %add3A_11 = arith.addi %mul3A_9, %add3A_10 : i32
    "tpu.trace_start"() <{level = 10 : i32, message = "sc_load"}> : () -> ()
    %scan3A = arith.constant 0 : i32
    %scan3A_12 = arith.constant 0 : i32
    %scan3A_13 = arith.constant 256 : i32
    %scan3A_14 = arith.addi %scan3A_12, %scan3A_13 : i32
    %scan3A_15 = arith.constant 1 : i32
    scf.for %scan3A_1116 = %scan3A_12 to %scan3A_14 step %scan3A_15  : i32 {
      %mul3A_1117 = arith.constant 256 : i32
      %mul3A_1118 = arith.muli %scan3A_1116, %mul3A_1117 : i32
      %dma_start3A = tpu.memref_slice %arg4[%mul3A_1118] : memref<65536xf32, #tpu.memory_space<vmem>> -> memref<256xf32, #tpu.memory_space<vmem>>
      %dma_start3A_1119 = arith.constant 0 : i32
      %dma_start3A_1120 = tpu.memref_slice %arg2[%add3A_11, %scan3A_1116, %dma_start3A_1119] : memref<64x256x256xf32, #tpu.memory_space<hbm>> -> memref<1x1x256xf32, #tpu.memory_space<hbm>>
      %dma_start3A_1121 = tpu.memref_squeeze %dma_start3A_1120 : memref<1x1x256xf32, #tpu.memory_space<hbm>> -> memref<256xf32, #tpu.memory_space<hbm>>
      %dma_start3A_1122 = tpu.memref_slice %arg4[%mul3A_1118] : memref<65536xf32, #tpu.memory_space<vmem>> -> memref<256xf32, #tpu.memory_space<vmem>>
      %dma_start3A_1123 = arith.constant 0 : i32
      %dma_start3A_1124 = tpu.memref_slice %arg2[%add3A_11, %scan3A_1116, %dma_start3A_1123] : memref<64x256x256xf32, #tpu.memory_space<hbm>> -> memref<1x1x256xf32, #tpu.memory_space<hbm>>
      %dma_start3A_1125 = tpu.memref_squeeze %dma_start3A_1124 : memref<1x1x256xf32, #tpu.memory_space<hbm>> -> memref<256xf32, #tpu.memory_space<hbm>>
      tpu.enqueue_dma source(%dma_start3A_1125 : memref<256xf32, #tpu.memory_space<hbm>>) target(%dma_start3A_1122 : memref<256xf32, #tpu.memory_space<vmem>>) target_semaphore(%arg9 : memref<!tpu.dma_semaphore, #tpu.memory_space<semaphore_mem>>)
    }
    %scan3A_16 = arith.constant 256 : i32
    %swap3A = arith.constant 0 : index
    %swap3A_17 = tpu.vector_load %arg7[%swap3A] {strides = array<i32>} : memref<256xf32, #tpu.memory_space<vmem>>, vector<16xf32>,
    tpu.vector_store %arg7[%swap3A], %broadcast_in_dim3A_2 {strides = array<i32>} : memref<256xf32, #tpu.memory_space<vmem>>, vector<16xf32>,
    %swap3A_18 = arith.constant 16 : index
    %swap3A_19 = tpu.vector_load %arg7[%swap3A_18] {strides = array<i32>} : memref<256xf32, #tpu.memory_space<vmem>>, vector<16xf32>,
    tpu.vector_store %arg7[%swap3A_18], %broadcast_in_dim3A_2 {strides = array<i32>} : memref<256xf32, #tpu.memory_space<vmem>>, vector<16xf32>,
    %swap3A_20 = arith.constant 32 : index
    %swap3A_21 = tpu.vector_load %arg7[%swap3A_20] {strides = array<i32>} : memref<256xf32, #tpu.memory_space<vmem>>, vector<16xf32>,
    tpu.vector_store %arg7[%swap3A_20], %broadcast_in_dim3A_2 {strides = array<i32>} : memref<256xf32, #tpu.memory_space<vmem>>, vector<16xf32>,
    %swap3A_22 = arith.constant 48 : index
    %swap3A_23 = tpu.vector_load %arg7[%swap3A_22] {strides = array<i32>} : memref<256xf32, #tpu.memory_space<vmem>>, vector<16xf32>,
    tpu.vector_store %arg7[%swap3A_22], %broadcast_in_dim3A_2 {strides = array<i32>} : memref<256xf32, #tpu.memory_space<vmem>>, vector<16xf32>,
    %swap3A_24 = arith.constant 64 : index
    %swap3A_25 = tpu.vector_load %arg7[%swap3A_24] {strides = array<i32>} : memref<256xf32, #tpu.memory_space<vmem>>, vector<16xf32>,
    tpu.vector_store %arg7[%swap3A_24], %broadcast_in_dim3A_2 {strides = array<i32>} : memref<256xf32, #tpu.memory_space<vmem>>, vector<16xf32>,
    %swap3A_26 = arith.constant 80 : index
    %swap3A_27 = tpu.vector_load %arg7[%swap3A_26] {strides = array<i32>} : memref<256xf32, #tpu.memory_space<vmem>>, vector<16xf32>,
    tpu.vector_store %arg7[%swap3A_26], %broadcast_in_dim3A_2 {strides = array<i32>} : memref<256xf32, #tpu.memory_space<vmem>>, vector<16xf32>,
    %swap3A_28 = arith.constant 96 : index
    %swap3A_29 = tpu.vector_load %arg7[%swap3A_28] {strides = array<i32>} : memref<256xf32, #tpu.memory_space<vmem>>, vector<16xf32>,
    tpu.vector_store %arg7[%swap3A_28], %broadcast_in_dim3A_2 {strides = array<i32>} : memref<256xf32, #tpu.memory_space<vmem>>, vector<16xf32>,
    %swap3A_30 = arith.constant 112 : index
    %swap3A_31 = tpu.vector_load %arg7[%swap3A_30] {strides = array<i32>} : memref<256xf32, #tpu.memory_space<vmem>>, vector<16xf32>,
    tpu.vector_store %arg7[%swap3A_30], %broadcast_in_dim3A_2 {strides = array<i32>} : memref<256xf32, #tpu.memory_space<vmem>>, vector<16xf32>,
    %swap3A_32 = arith.constant 128 : index
    %swap3A_33 = tpu.vector_load %arg7[%swap3A_32] {strides = array<i32>} : memref<256xf32, #tpu.memory_space<vmem>>, vector<16xf32>,
    tpu.vector_store %arg7[%swap3A_32], %broadcast_in_dim3A_2 {strides = array<i32>} : memref<256xf32, #tpu.memory_space<vmem>>, vector<16xf32>,
    %swap3A_34 = arith.constant 144 : index
    %swap3A_35 = tpu.vector_load %arg7[%swap3A_34] {strides = array<i32>} : memref<256xf32, #tpu.memory_space<vmem>>, vector<16xf32>,
    tpu.vector_store %arg7[%swap3A_34], %broadcast_in_dim3A_2 {strides = array<i32>} : memref<256xf32, #tpu.memory_space<vmem>>, vector<16xf32>,
    %swap3A_36 = arith.constant 160 : index
    %swap3A_37 = tpu.vector_load %arg7[%swap3A_36] {strides = array<i32>} : memref<256xf32, #tpu.memory_space<vmem>>, vector<16xf32>,
    tpu.vector_store %arg7[%swap3A_36], %broadcast_in_dim3A_2 {strides = array<i32>} : memref<256xf32, #tpu.memory_space<vmem>>, vector<16xf32>,
    %swap3A_38 = arith.constant 176 : index
    %swap3A_39 = tpu.vector_load %arg7[%swap3A_38] {strides = array<i32>} : memref<256xf32, #tpu.memory_space<vmem>>, vector<16xf32>,
    tpu.vector_store %arg7[%swap3A_38], %broadcast_in_dim3A_2 {strides = array<i32>} : memref<256xf32, #tpu.memory_space<vmem>>, vector<16xf32>,
    %swap3A_40 = arith.constant 192 : index
    %swap3A_41 = tpu.vector_load %arg7[%swap3A_40] {strides = array<i32>} : memref<256xf32, #tpu.memory_space<vmem>>, vector<16xf32>,
    tpu.vector_store %arg7[%swap3A_40], %broadcast_in_dim3A_2 {strides = array<i32>} : memref<256xf32, #tpu.memory_space<vmem>>, vector<16xf32>,
    %swap3A_42 = arith.constant 208 : index
    %swap3A_43 = tpu.vector_load %arg7[%swap3A_42] {strides = array<i32>} : memref<256xf32, #tpu.memory_space<vmem>>, vector<16xf32>,
    tpu.vector_store %arg7[%swap3A_42], %broadcast_in_dim3A_2 {strides = array<i32>} : memref<256xf32, #tpu.memory_space<vmem>>, vector<16xf32>,
    %swap3A_44 = arith.constant 224 : index
    %swap3A_45 = tpu.vector_load %arg7[%swap3A_44] {strides = array<i32>} : memref<256xf32, #tpu.memory_space<vmem>>, vector<16xf32>,
    tpu.vector_store %arg7[%swap3A_44], %broadcast_in_dim3A_2 {strides = array<i32>} : memref<256xf32, #tpu.memory_space<vmem>>, vector<16xf32>,
    %swap3A_46 = arith.constant 240 : index
    %swap3A_47 = tpu.vector_load %arg7[%swap3A_46] {strides = array<i32>} : memref<256xf32, #tpu.memory_space<vmem>>, vector<16xf32>,
    tpu.vector_store %arg7[%swap3A_46], %broadcast_in_dim3A_2 {strides = array<i32>} : memref<256xf32, #tpu.memory_space<vmem>>, vector<16xf32>,
    %scan3A_48 = arith.constant 0 : i32
    %scan3A_49 = arith.constant 0 : i32
    %scan3A_50 = arith.constant 256 : i32
    %scan3A_51 = arith.addi %scan3A_49, %scan3A_50 : i32
    %scan3A_52 = arith.constant 1 : i32
    scf.for %scan3A_1116 = %scan3A_49 to %scan3A_51 step %scan3A_52  : i32 {
      %mul3A_1117 = arith.constant 256 : i32
      %mul3A_1118 = arith.muli %scan3A_1116, %mul3A_1117 : i32
      %dma_wait3A = tpu.memref_slice %arg4[%mul3A_1118] : memref<65536xf32, #tpu.memory_space<vmem>> -> memref<256xf32, #tpu.memory_space<vmem>>
      %dma_wait3A_1119 = arith.constant 0 : i32
      %dma_wait3A_1120 = tpu.memref_slice %arg2[%add3A_11, %scan3A_1116, %dma_wait3A_1119] : memref<64x256x256xf32, #tpu.memory_space<hbm>> -> memref<1x1x256xf32, #tpu.memory_space<hbm>>
      %dma_wait3A_1121 = tpu.memref_squeeze %dma_wait3A_1120 : memref<1x1x256xf32, #tpu.memory_space<hbm>> -> memref<256xf32, #tpu.memory_space<hbm>>
      %dma_wait3A_1122 = tpu.memref_slice %arg4[%mul3A_1118] : memref<65536xf32, #tpu.memory_space<vmem>> -> memref<256xf32, #tpu.memory_space<vmem>>
      %dma_wait3A_1123 = arith.constant 0 : i32
      %dma_wait3A_1124 = tpu.memref_slice %arg2[%add3A_11, %scan3A_1116, %dma_wait3A_1123] : memref<64x256x256xf32, #tpu.memory_space<hbm>> -> memref<1x1x256xf32, #tpu.memory_space<hbm>>
      %dma_wait3A_1125 = tpu.memref_squeeze %dma_wait3A_1124 : memref<1x1x256xf32, #tpu.memory_space<hbm>> -> memref<256xf32, #tpu.memory_space<hbm>>
      tpu.wait_dma2 semaphore(%arg9 : memref<!tpu.dma_semaphore, #tpu.memory_space<semaphore_mem>>) src(%dma_wait3A_1125 : memref<256xf32, #tpu.memory_space<hbm>>) dst(%dma_wait3A_1122 : memref<256xf32, #tpu.memory_space<vmem>>)
    }
    %scan3A_53 = arith.constant 256 : i32
    "tpu.trace_stop"() : () -> ()
    "tpu.trace_start"() <{level = 10 : i32, message = "sc_init"}> : () -> ()
    %scan3A_54 = arith.constant 0 : i32
    %scan3A_55 = arith.constant 0 : i32
    %scan3A_56 = arith.constant 64 : i32
    %scan3A_57 = arith.addi %scan3A_55, %scan3A_56 : i32
    %scan3A_58 = arith.constant 1 : i32
    scf.for %scan3A_1116 = %scan3A_55 to %scan3A_57 step %scan3A_58  : i32 {
      %mul3A_1117 = arith.constant 4 : i32
      %mul3A_1118 = arith.muli %scan3A_1116, %mul3A_1117 : i32
      %add3A_1119 = arith.constant 0 : i32
      %add3A_1120 = arith.addi %mul3A_1118, %add3A_1119 : i32
      %mul3A_1121 = arith.constant 256 : i32
      %mul3A_1122 = arith.muli %add3A_1120, %mul3A_1121 : i32
      %broadcast_in_dim3A_1123 = arith.constant 0 : i32
      %broadcast_in_dim3A_1124 = vector.broadcast %broadcast_in_dim3A_1123 : i32 to vector<16xi32>
      %add3A_1125 = arith.constant 0 : i32
      %add3A_1126 = vector.broadcast %add3A_1125 : i32 to vector<16xi32>
      %add3A_1127 = arith.addi %add3A_1126, %iota3A : vector<16xi32>
      %add3A_1128 = arith.constant 0 : i32
      %add3A_1129 = arith.addi %mul3A_1122, %add3A_1128 : i32
      %get3A_1130 = arith.index_cast %add3A_1129 : i32 to index
      %get3A_1131 = tpu.vector_load %arg4[%get3A_1130] {strides = array<i32>} : memref<65536xf32, #tpu.memory_space<vmem>>, vector<16xf32>,
      %gt3A = arith.cmpf ogt, %get3A_1131, %broadcast_in_dim3A_4 : vector<16xf32>
      %select_n3A_1132 = arith.select %gt3A, %get3A_1131, %broadcast_in_dim3A_4 : vector<16xi1>, vector<16xf32>
      %select_n3A_1133 = arith.select %gt3A, %add3A_1127, %broadcast_in_dim3A_1124 : vector<16xi1>, vector<16xi32>
      %add3A_1134 = arith.constant 16 : i32
      %add3A_1135 = vector.broadcast %add3A_1134 : i32 to vector<16xi32>
      %add3A_1136 = arith.addi %add3A_1135, %iota3A : vector<16xi32>
      %add3A_1137 = arith.constant 16 : i32
      %add3A_1138 = arith.addi %mul3A_1122, %add3A_1137 : i32
      %get3A_1139 = arith.index_cast %add3A_1138 : i32 to index
      %get3A_1140 = tpu.vector_load %arg4[%get3A_1139] {strides = array<i32>} : memref<65536xf32, #tpu.memory_space<vmem>>, vector<16xf32>,
      %gt3A_1141 = arith.cmpf ogt, %get3A_1140, %select_n3A_1132 : vector<16xf32>
      %select_n3A_1142 = arith.select %gt3A_1141, %get3A_1140, %select_n3A_1132 : vector<16xi1>, vector<16xf32>
      %select_n3A_1143 = arith.select %gt3A_1141, %add3A_1136, %select_n3A_1133 : vector<16xi1>, vector<16xi32>
      %add3A_1144 = arith.constant 32 : i32
      %add3A_1145 = vector.broadcast %add3A_1144 : i32 to vector<16xi32>
      %add3A_1146 = arith.addi %add3A_1145, %iota3A : vector<16xi32>
      %add3A_1147 = arith.constant 32 : i32
      %add3A_1148 = arith.addi %mul3A_1122, %add3A_1147 : i32
      %get3A_1149 = arith.index_cast %add3A_1148 : i32 to index
      %get3A_1150 = tpu.vector_load %arg4[%get3A_1149] {strides = array<i32>} : memref<65536xf32, #tpu.memory_space<vmem>>, vector<16xf32>,
      %gt3A_1151 = arith.cmpf ogt, %get3A_1150, %select_n3A_1142 : vector<16xf32>
      %select_n3A_1152 = arith.select %gt3A_1151, %get3A_1150, %select_n3A_1142 : vector<16xi1>, vector<16xf32>
      %select_n3A_1153 = arith.select %gt3A_1151, %add3A_1146, %select_n3A_1143 : vector<16xi1>, vector<16xi32>
      %add3A_1154 = arith.constant 48 : i32
      %add3A_1155 = vector.broadcast %add3A_1154 : i32 to vector<16xi32>
      %add3A_1156 = arith.addi %add3A_1155, %iota3A : vector<16xi32>
      %add3A_1157 = arith.constant 48 : i32
      %add3A_1158 = arith.addi %mul3A_1122, %add3A_1157 : i32
      %get3A_1159 = arith.index_cast %add3A_1158 : i32 to index
      %get3A_1160 = tpu.vector_load %arg4[%get3A_1159] {strides = array<i32>} : memref<65536xf32, #tpu.memory_space<vmem>>, vector<16xf32>,
      %gt3A_1161 = arith.cmpf ogt, %get3A_1160, %select_n3A_1152 : vector<16xf32>
      %select_n3A_1162 = arith.select %gt3A_1161, %get3A_1160, %select_n3A_1152 : vector<16xi1>, vector<16xf32>
      %select_n3A_1163 = arith.select %gt3A_1161, %add3A_1156, %select_n3A_1153 : vector<16xi1>, vector<16xi32>
      %add3A_1164 = arith.constant 64 : i32
      %add3A_1165 = vector.broadcast %add3A_1164 : i32 to vector<16xi32>
      %add3A_1166 = arith.addi %add3A_1165, %iota3A : vector<16xi32>
      %add3A_1167 = arith.constant 64 : i32
      %add3A_1168 = arith.addi %mul3A_1122, %add3A_1167 : i32
      %get3A_1169 = arith.index_cast %add3A_1168 : i32 to index
      %get3A_1170 = tpu.vector_load %arg4[%get3A_1169] {strides = array<i32>} : memref<65536xf32, #tpu.memory_space<vmem>>, vector<16xf32>,
      %gt3A_1171 = arith.cmpf ogt, %get3A_1170, %select_n3A_1162 : vector<16xf32>
      %select_n3A_1172 = arith.select %gt3A_1171, %get3A_1170, %select_n3A_1162 : vector<16xi1>, vector<16xf32>
      %select_n3A_1173 = arith.select %gt3A_1171, %add3A_1166, %select_n3A_1163 : vector<16xi1>, vector<16xi32>
      %add3A_1174 = arith.constant 80 : i32
      %add3A_1175 = vector.broadcast %add3A_1174 : i32 to vector<16xi32>
      %add3A_1176 = arith.addi %add3A_1175, %iota3A : vector<16xi32>
      %add3A_1177 = arith.constant 80 : i32
      %add3A_1178 = arith.addi %mul3A_1122, %add3A_1177 : i32
      %get3A_1179 = arith.index_cast %add3A_1178 : i32 to index
      %get3A_1180 = tpu.vector_load %arg4[%get3A_1179] {strides = array<i32>} : memref<65536xf32, #tpu.memory_space<vmem>>, vector<16xf32>,
      %gt3A_1181 = arith.cmpf ogt, %get3A_1180, %select_n3A_1172 : vector<16xf32>
      %select_n3A_1182 = arith.select %gt3A_1181, %get3A_1180, %select_n3A_1172 : vector<16xi1>, vector<16xf32>
      %select_n3A_1183 = arith.select %gt3A_1181, %add3A_1176, %select_n3A_1173 : vector<16xi1>, vector<16xi32>
      %add3A_1184 = arith.constant 96 : i32
      %add3A_1185 = vector.broadcast %add3A_1184 : i32 to vector<16xi32>
      %add3A_1186 = arith.addi %add3A_1185, %iota3A : vector<16xi32>
      %add3A_1187 = arith.constant 96 : i32
      %add3A_1188 = arith.addi %mul3A_1122, %add3A_1187 : i32
      %get3A_1189 = arith.index_cast %add3A_1188 : i32 to index
      %get3A_1190 = tpu.vector_load %arg4[%get3A_1189] {strides = array<i32>} : memref<65536xf32, #tpu.memory_space<vmem>>, vector<16xf32>,
      %gt3A_1191 = arith.cmpf ogt, %get3A_1190, %select_n3A_1182 : vector<16xf32>
      %select_n3A_1192 = arith.select %gt3A_1191, %get3A_1190, %select_n3A_1182 : vector<16xi1>, vector<16xf32>
      %select_n3A_1193 = arith.select %gt3A_1191, %add3A_1186, %select_n3A_1183 : vector<16xi1>, vector<16xi32>
      %add3A_1194 = arith.constant 112 : i32
      %add3A_1195 = vector.broadcast %add3A_1194 : i32 to vector<16xi32>
      %add3A_1196 = arith.addi %add3A_1195, %iota3A : vector<16xi32>
      %add3A_1197 = arith.constant 112 : i32
      %add3A_1198 = arith.addi %mul3A_1122, %add3A_1197 : i32
      %get3A_1199 = arith.index_cast %add3A_1198 : i32 to index
      %get3A_1200 = tpu.vector_load %arg4[%get3A_1199] {strides = array<i32>} : memref<65536xf32, #tpu.memory_space<vmem>>, vector<16xf32>,
      %gt3A_1201 = arith.cmpf ogt, %get3A_1200, %select_n3A_1192 : vector<16xf32>
      %select_n3A_1202 = arith.select %gt3A_1201, %get3A_1200, %select_n3A_1192 : vector<16xi1>, vector<16xf32>
      %select_n3A_1203 = arith.select %gt3A_1201, %add3A_1196, %select_n3A_1193 : vector<16xi1>, vector<16xi32>
      %add3A_1204 = arith.constant 128 : i32
      %add3A_1205 = vector.broadcast %add3A_1204 : i32 to vector<16xi32>
      %add3A_1206 = arith.addi %add3A_1205, %iota3A : vector<16xi32>
      %add3A_1207 = arith.constant 128 : i32
      %add3A_1208 = arith.addi %mul3A_1122, %add3A_1207 : i32
      %get3A_1209 = arith.index_cast %add3A_1208 : i32 to index
      %get3A_1210 = tpu.vector_load %arg4[%get3A_1209] {strides = array<i32>} : memref<65536xf32, #tpu.memory_space<vmem>>, vector<16xf32>,
      %gt3A_1211 = arith.cmpf ogt, %get3A_1210, %select_n3A_1202 : vector<16xf32>
      %select_n3A_1212 = arith.select %gt3A_1211, %get3A_1210, %select_n3A_1202 : vector<16xi1>, vector<16xf32>
      %select_n3A_1213 = arith.select %gt3A_1211, %add3A_1206, %select_n3A_1203 : vector<16xi1>, vector<16xi32>
      %add3A_1214 = arith.constant 144 : i32
      %add3A_1215 = vector.broadcast %add3A_1214 : i32 to vector<16xi32>
      %add3A_1216 = arith.addi %add3A_1215, %iota3A : vector<16xi32>
      %add3A_1217 = arith.constant 144 : i32
      %add3A_1218 = arith.addi %mul3A_1122, %add3A_1217 : i32
      %get3A_1219 = arith.index_cast %add3A_1218 : i32 to index
      %get3A_1220 = tpu.vector_load %arg4[%get3A_1219] {strides = array<i32>} : memref<65536xf32, #tpu.memory_space<vmem>>, vector<16xf32>,
      %gt3A_1221 = arith.cmpf ogt, %get3A_1220, %select_n3A_1212 : vector<16xf32>
      %select_n3A_1222 = arith.select %gt3A_1221, %get3A_1220, %select_n3A_1212 : vector<16xi1>, vector<16xf32>
      %select_n3A_1223 = arith.select %gt3A_1221, %add3A_1216, %select_n3A_1213 : vector<16xi1>, vector<16xi32>
      %add3A_1224 = arith.constant 160 : i32
      %add3A_1225 = vector.broadcast %add3A_1224 : i32 to vector<16xi32>
      %add3A_1226 = arith.addi %add3A_1225, %iota3A : vector<16xi32>
      %add3A_1227 = arith.constant 160 : i32
      %add3A_1228 = arith.addi %mul3A_1122, %add3A_1227 : i32
      %get3A_1229 = arith.index_cast %add3A_1228 : i32 to index
      %get3A_1230 = tpu.vector_load %arg4[%get3A_1229] {strides = array<i32>} : memref<65536xf32, #tpu.memory_space<vmem>>, vector<16xf32>,
      %gt3A_1231 = arith.cmpf ogt, %get3A_1230, %select_n3A_1222 : vector<16xf32>
      %select_n3A_1232 = arith.select %gt3A_1231, %get3A_1230, %select_n3A_1222 : vector<16xi1>, vector<16xf32>
      %select_n3A_1233 = arith.select %gt3A_1231, %add3A_1226, %select_n3A_1223 : vector<16xi1>, vector<16xi32>
      %add3A_1234 = arith.constant 176 : i32
      %add3A_1235 = vector.broadcast %add3A_1234 : i32 to vector<16xi32>
      %add3A_1236 = arith.addi %add3A_1235, %iota3A : vector<16xi32>
      %add3A_1237 = arith.constant 176 : i32
      %add3A_1238 = arith.addi %mul3A_1122, %add3A_1237 : i32
      %get3A_1239 = arith.index_cast %add3A_1238 : i32 to index
      %get3A_1240 = tpu.vector_load %arg4[%get3A_1239] {strides = array<i32>} : memref<65536xf32, #tpu.memory_space<vmem>>, vector<16xf32>,
      %gt3A_1241 = arith.cmpf ogt, %get3A_1240, %select_n3A_1232 : vector<16xf32>
      %select_n3A_1242 = arith.select %gt3A_1241, %get3A_1240, %select_n3A_1232 : vector<16xi1>, vector<16xf32>
      %select_n3A_1243 = arith.select %gt3A_1241, %add3A_1236, %select_n3A_1233 : vector<16xi1>, vector<16xi32>
      %add3A_1244 = arith.constant 192 : i32
      %add3A_1245 = vector.broadcast %add3A_1244 : i32 to vector<16xi32>
      %add3A_1246 = arith.addi %add3A_1245, %iota3A : vector<16xi32>
      %add3A_1247 = arith.constant 192 : i32
      %add3A_1248 = arith.addi %mul3A_1122, %add3A_1247 : i32
      %get3A_1249 = arith.index_cast %add3A_1248 : i32 to index
      %get3A_1250 = tpu.vector_load %arg4[%get3A_1249] {strides = array<i32>} : memref<65536xf32, #tpu.memory_space<vmem>>, vector<16xf32>,
      %gt3A_1251 = arith.cmpf ogt, %get3A_1250, %select_n3A_1242 : vector<16xf32>
      %select_n3A_1252 = arith.select %gt3A_1251, %get3A_1250, %select_n3A_1242 : vector<16xi1>, vector<16xf32>
      %select_n3A_1253 = arith.select %gt3A_1251, %add3A_1246, %select_n3A_1243 : vector<16xi1>, vector<16xi32>
      %add3A_1254 = arith.constant 208 : i32
      %add3A_1255 = vector.broadcast %add3A_1254 : i32 to vector<16xi32>
      %add3A_1256 = arith.addi %add3A_1255, %iota3A : vector<16xi32>
      %add3A_1257 = arith.constant 208 : i32
      %add3A_1258 = arith.addi %mul3A_1122, %add3A_1257 : i32
      %get3A_1259 = arith.index_cast %add3A_1258 : i32 to index
      %get3A_1260 = tpu.vector_load %arg4[%get3A_1259] {strides = array<i32>} : memref<65536xf32, #tpu.memory_space<vmem>>, vector<16xf32>,
      %gt3A_1261 = arith.cmpf ogt, %get3A_1260, %select_n3A_1252 : vector<16xf32>
      %select_n3A_1262 = arith.select %gt3A_1261, %get3A_1260, %select_n3A_1252 : vector<16xi1>, vector<16xf32>
      %select_n3A_1263 = arith.select %gt3A_1261, %add3A_1256, %select_n3A_1253 : vector<16xi1>, vector<16xi32>
      %add3A_1264 = arith.constant 224 : i32
      %add3A_1265 = vector.broadcast %add3A_1264 : i32 to vector<16xi32>
      %add3A_1266 = arith.addi %add3A_1265, %iota3A : vector<16xi32>
      %add3A_1267 = arith.constant 224 : i32
      %add3A_1268 = arith.addi %mul3A_1122, %add3A_1267 : i32
      %get3A_1269 = arith.index_cast %add3A_1268 : i32 to index
      %get3A_1270 = tpu.vector_load %arg4[%get3A_1269] {strides = array<i32>} : memref<65536xf32, #tpu.memory_space<vmem>>, vector<16xf32>,
      %gt3A_1271 = arith.cmpf ogt, %get3A_1270, %select_n3A_1262 : vector<16xf32>
      %select_n3A_1272 = arith.select %gt3A_1271, %get3A_1270, %select_n3A_1262 : vector<16xi1>, vector<16xf32>
      %select_n3A_1273 = arith.select %gt3A_1271, %add3A_1266, %select_n3A_1263 : vector<16xi1>, vector<16xi32>
      %add3A_1274 = arith.constant 240 : i32
      %add3A_1275 = vector.broadcast %add3A_1274 : i32 to vector<16xi32>
      %add3A_1276 = arith.addi %add3A_1275, %iota3A : vector<16xi32>
      %add3A_1277 = arith.constant 240 : i32
      %add3A_1278 = arith.addi %mul3A_1122, %add3A_1277 : i32
      %get3A_1279 = arith.index_cast %add3A_1278 : i32 to index
      %get3A_1280 = tpu.vector_load %arg4[%get3A_1279] {strides = array<i32>} : memref<65536xf32, #tpu.memory_space<vmem>>, vector<16xf32>,
      %gt3A_1281 = arith.cmpf ogt, %get3A_1280, %select_n3A_1272 : vector<16xf32>
      %select_n3A_1282 = arith.select %gt3A_1281, %get3A_1280, %select_n3A_1272 : vector<16xi1>, vector<16xf32>
      %select_n3A_1283 = arith.select %gt3A_1281, %add3A_1276, %select_n3A_1273 : vector<16xi1>, vector<16xi32>
      %add3A_1284 = arith.constant 1 : i32
      %add3A_1285 = arith.addi %mul3A_1118, %add3A_1284 : i32
      %mul3A_1286 = arith.constant 256 : i32
      %mul3A_1287 = arith.muli %add3A_1285, %mul3A_1286 : i32
      %broadcast_in_dim3A_1288 = arith.constant 0 : i32
      %broadcast_in_dim3A_1289 = vector.broadcast %broadcast_in_dim3A_1288 : i32 to vector<16xi32>
      %add3A_1290 = arith.constant 0 : i32
      %add3A_1291 = vector.broadcast %add3A_1290 : i32 to vector<16xi32>
      %add3A_1292 = arith.addi %add3A_1291, %iota3A : vector<16xi32>
      %add3A_1293 = arith.constant 0 : i32
      %add3A_1294 = arith.addi %mul3A_1287, %add3A_1293 : i32
      %get3A_1295 = arith.index_cast %add3A_1294 : i32 to index
      %get3A_1296 = tpu.vector_load %arg4[%get3A_1295] {strides = array<i32>} : memref<65536xf32, #tpu.memory_space<vmem>>, vector<16xf32>,
      %gt3A_1297 = arith.cmpf ogt, %get3A_1296, %broadcast_in_dim3A_4 : vector<16xf32>
      %select_n3A_1298 = arith.select %gt3A_1297, %get3A_1296, %broadcast_in_dim3A_4 : vector<16xi1>, vector<16xf32>
      %select_n3A_1299 = arith.select %gt3A_1297, %add3A_1292, %broadcast_in_dim3A_1289 : vector<16xi1>, vector<16xi32>
      %add3A_1300 = arith.constant 16 : i32
      %add3A_1301 = vector.broadcast %add3A_1300 : i32 to vector<16xi32>
      %add3A_1302 = arith.addi %add3A_1301, %iota3A : vector<16xi32>
      %add3A_1303 = arith.constant 16 : i32
      %add3A_1304 = arith.addi %mul3A_1287, %add3A_1303 : i32
      %get3A_1305 = arith.index_cast %add3A_1304 : i32 to index
      %get3A_1306 = tpu.vector_load %arg4[%get3A_1305] {strides = array<i32>} : memref<65536xf32, #tpu.memory_space<vmem>>, vector<16xf32>,
      %gt3A_1307 = arith.cmpf ogt, %get3A_1306, %select_n3A_1298 : vector<16xf32>
      %select_n3A_1308 = arith.select %gt3A_1307, %get3A_1306, %select_n3A_1298 : vector<16xi1>, vector<16xf32>
      %select_n3A_1309 = arith.select %gt3A_1307, %add3A_1302, %select_n3A_1299 : vector<16xi1>, vector<16xi32>
      %add3A_1310 = arith.constant 32 : i32
      %add3A_1311 = vector.broadcast %add3A_1310 : i32 to vector<16xi32>
      %add3A_1312 = arith.addi %add3A_1311, %iota3A : vector<16xi32>
      %add3A_1313 = arith.constant 32 : i32
      %add3A_1314 = arith.addi %mul3A_1287, %add3A_1313 : i32
      %get3A_1315 = arith.index_cast %add3A_1314 : i32 to index
      %get3A_1316 = tpu.vector_load %arg4[%get3A_1315] {strides = array<i32>} : memref<65536xf32, #tpu.memory_space<vmem>>, vector<16xf32>,
      %gt3A_1317 = arith.cmpf ogt, %get3A_1316, %select_n3A_1308 : vector<16xf32>
      %select_n3A_1318 = arith.select %gt3A_1317, %get3A_1316, %select_n3A_1308 : vector<16xi1>, vector<16xf32>
      %select_n3A_1319 = arith.select %gt3A_1317, %add3A_1312, %select_n3A_1309 : vector<16xi1>, vector<16xi32>
      %add3A_1320 = arith.constant 48 : i32
      %add3A_1321 = vector.broadcast %add3A_1320 : i32 to vector<16xi32>
      %add3A_1322 = arith.addi %add3A_1321, %iota3A : vector<16xi32>
      %add3A_1323 = arith.constant 48 : i32
      %add3A_1324 = arith.addi %mul3A_1287, %add3A_1323 : i32
      %get3A_1325 = arith.index_cast %add3A_1324 : i32 to index
      %get3A_1326 = tpu.vector_load %arg4[%get3A_1325] {strides = array<i32>} : memref<65536xf32, #tpu.memory_space<vmem>>, vector<16xf32>,
      %gt3A_1327 = arith.cmpf ogt, %get3A_1326, %select_n3A_1318 : vector<16xf32>
      %select_n3A_1328 = arith.select %gt3A_1327, %get3A_1326, %select_n3A_1318 : vector<16xi1>, vector<16xf32>
      %select_n3A_1329 = arith.select %gt3A_1327, %add3A_1322, %select_n3A_1319 : vector<16xi1>, vector<16xi32>
      %add3A_1330 = arith.constant 64 : i32
      %add3A_1331 = vector.broadcast %add3A_1330 : i32 to vector<16xi32>
      %add3A_1332 = arith.addi %add3A_1331, %iota3A : vector<16xi32>
      %add3A_1333 = arith.constant 64 : i32
      %add3A_1334 = arith.addi %mul3A_1287, %add3A_1333 : i32
      %get3A_1335 = arith.index_cast %add3A_1334 : i32 to index
      %get3A_1336 = tpu.vector_load %arg4[%get3A_1335] {strides = array<i32>} : memref<65536xf32, #tpu.memory_space<vmem>>, vector<16xf32>,
      %gt3A_1337 = arith.cmpf ogt, %get3A_1336, %select_n3A_1328 : vector<16xf32>
      %select_n3A_1338 = arith.select %gt3A_1337, %get3A_1336, %select_n3A_1328 : vector<16xi1>, vector<16xf32>
      %select_n3A_1339 = arith.select %gt3A_1337, %add3A_1332, %select_n3A_1329 : vector<16xi1>, vector<16xi32>
      %add3A_1340 = arith.constant 80 : i32
      %add3A_1341 = vector.broadcast %add3A_1340 : i32 to vector<16xi32>
      %add3A_1342 = arith.addi %add3A_1341, %iota3A : vector<16xi32>
      %add3A_1343 = arith.constant 80 : i32
      %add3A_1344 = arith.addi %mul3A_1287, %add3A_1343 : i32
      %get3A_1345 = arith.index_cast %add3A_1344 : i32 to index
      %get3A_1346 = tpu.vector_load %arg4[%get3A_1345] {strides = array<i32>} : memref<65536xf32, #tpu.memory_space<vmem>>, vector<16xf32>,
      %gt3A_1347 = arith.cmpf ogt, %get3A_1346, %select_n3A_1338 : vector<16xf32>
      %select_n3A_1348 = arith.select %gt3A_1347, %get3A_1346, %select_n3A_1338 : vector<16xi1>, vector<16xf32>
      %select_n3A_1349 = arith.select %gt3A_1347, %add3A_1342, %select_n3A_1339 : vector<16xi1>, vector<16xi32>
      %add3A_1350 = arith.constant 96 : i32
      %add3A_1351 = vector.broadcast %add3A_1350 : i32 to vector<16xi32>
      %add3A_1352 = arith.addi %add3A_1351, %iota3A : vector<16xi32>
      %add3A_1353 = arith.constant 96 : i32
      %add3A_1354 = arith.addi %mul3A_1287, %add3A_1353 : i32
      %get3A_1355 = arith.index_cast %add3A_1354 : i32 to index
      %get3A_1356 = tpu.vector_load %arg4[%get3A_1355] {strides = array<i32>} : memref<65536xf32, #tpu.memory_space<vmem>>, vector<16xf32>,
      %gt3A_1357 = arith.cmpf ogt, %get3A_1356, %select_n3A_1348 : vector<16xf32>
      %select_n3A_1358 = arith.select %gt3A_1357, %get3A_1356, %select_n3A_1348 : vector<16xi1>, vector<16xf32>
      %select_n3A_1359 = arith.select %gt3A_1357, %add3A_1352, %select_n3A_1349 : vector<16xi1>, vector<16xi32>
      %add3A_1360 = arith.constant 112 : i32
      %add3A_1361 = vector.broadcast %add3A_1360 : i32 to vector<16xi32>
      %add3A_1362 = arith.addi %add3A_1361, %iota3A : vector<16xi32>
      %add3A_1363 = arith.constant 112 : i32
      %add3A_1364 = arith.addi %mul3A_1287, %add3A_1363 : i32
      %get3A_1365 = arith.index_cast %add3A_1364 : i32 to index
      %get3A_1366 = tpu.vector_load %arg4[%get3A_1365] {strides = array<i32>} : memref<65536xf32, #tpu.memory_space<vmem>>, vector<16xf32>,
      %gt3A_1367 = arith.cmpf ogt, %get3A_1366, %select_n3A_1358 : vector<16xf32>
      %select_n3A_1368 = arith.select %gt3A_1367, %get3A_1366, %select_n3A_1358 : vector<16xi1>, vector<16xf32>
      %select_n3A_1369 = arith.select %gt3A_1367, %add3A_1362, %select_n3A_1359 : vector<16xi1>, vector<16xi32>
      %add3A_1370 = arith.constant 128 : i32
      %add3A_1371 = vector.broadcast %add3A_1370 : i32 to vector<16xi32>
      %add3A_1372 = arith.addi %add3A_1371, %iota3A : vector<16xi32>
      %add3A_1373 = arith.constant 128 : i32
      %add3A_1374 = arith.addi %mul3A_1287, %add3A_1373 : i32
      %get3A_1375 = arith.index_cast %add3A_1374 : i32 to index
      %get3A_1376 = tpu.vector_load %arg4[%get3A_1375] {strides = array<i32>} : memref<65536xf32, #tpu.memory_space<vmem>>, vector<16xf32>,
      %gt3A_1377 = arith.cmpf ogt, %get3A_1376, %select_n3A_1368 : vector<16xf32>
      %select_n3A_1378 = arith.select %gt3A_1377, %get3A_1376, %select_n3A_1368 : vector<16xi1>, vector<16xf32>
      %select_n3A_1379 = arith.select %gt3A_1377, %add3A_1372, %select_n3A_1369 : vector<16xi1>, vector<16xi32>
      %add3A_1380 = arith.constant 144 : i32
      %add3A_1381 = vector.broadcast %add3A_1380 : i32 to vector<16xi32>
      %add3A_1382 = arith.addi %add3A_1381, %iota3A : vector<16xi32>
      %add3A_1383 = arith.constant 144 : i32
      %add3A_1384 = arith.addi %mul3A_1287, %add3A_1383 : i32
      %get3A_1385 = arith.index_cast %add3A_1384 : i32 to index
      %get3A_1386 = tpu.vector_load %arg4[%get3A_1385] {strides = array<i32>} : memref<65536xf32, #tpu.memory_space<vmem>>, vector<16xf32>,
      %gt3A_1387 = arith.cmpf ogt, %get3A_1386, %select_n3A_1378 : vector<16xf32>
      %select_n3A_1388 = arith.select %gt3A_1387, %get3A_1386, %select_n3A_1378 : vector<16xi1>, vector<16xf32>
      %select_n3A_1389 = arith.select %gt3A_1387, %add3A_1382, %select_n3A_1379 : vector<16xi1>, vector<16xi32>
      %add3A_1390 = arith.constant 160 : i32
      %add3A_1391 = vector.broadcast %add3A_1390 : i32 to vector<16xi32>
      %add3A_1392 = arith.addi %add3A_1391, %iota3A : vector<16xi32>
      %add3A_1393 = arith.constant 160 : i32
      %add3A_1394 = arith.addi %mul3A_1287, %add3A_1393 : i32
      %get3A_1395 = arith.index_cast %add3A_1394 : i32 to index
      %get3A_1396 = tpu.vector_load %arg4[%get3A_1395] {strides = array<i32>} : memref<65536xf32, #tpu.memory_space<vmem>>, vector<16xf32>,
      %gt3A_1397 = arith.cmpf ogt, %get3A_1396, %select_n3A_1388 : vector<16xf32>
      %select_n3A_1398 = arith.select %gt3A_1397, %get3A_1396, %select_n3A_1388 : vector<16xi1>, vector<16xf32>
      %select_n3A_1399 = arith.select %gt3A_1397, %add3A_1392, %select_n3A_1389 : vector<16xi1>, vector<16xi32>
      %add3A_1400 = arith.constant 176 : i32
      %add3A_1401 = vector.broadcast %add3A_1400 : i32 to vector<16xi32>
      %add3A_1402 = arith.addi %add3A_1401, %iota3A : vector<16xi32>
      %add3A_1403 = arith.constant 176 : i32
      %add3A_1404 = arith.addi %mul3A_1287, %add3A_1403 : i32
      %get3A_1405 = arith.index_cast %add3A_1404 : i32 to index
      %get3A_1406 = tpu.vector_load %arg4[%get3A_1405] {strides = array<i32>} : memref<65536xf32, #tpu.memory_space<vmem>>, vector<16xf32>,
      %gt3A_1407 = arith.cmpf ogt, %get3A_1406, %select_n3A_1398 : vector<16xf32>
      %select_n3A_1408 = arith.select %gt3A_1407, %get3A_1406, %select_n3A_1398 : vector<16xi1>, vector<16xf32>
      %select_n3A_1409 = arith.select %gt3A_1407, %add3A_1402, %select_n3A_1399 : vector<16xi1>, vector<16xi32>
      %add3A_1410 = arith.constant 192 : i32
      %add3A_1411 = vector.broadcast %add3A_1410 : i32 to vector<16xi32>
      %add3A_1412 = arith.addi %add3A_1411, %iota3A : vector<16xi32>
      %add3A_1413 = arith.constant 192 : i32
      %add3A_1414 = arith.addi %mul3A_1287, %add3A_1413 : i32
      %get3A_1415 = arith.index_cast %add3A_1414 : i32 to index
      %get3A_1416 = tpu.vector_load %arg4[%get3A_1415] {strides = array<i32>} : memref<65536xf32, #tpu.memory_space<vmem>>, vector<16xf32>,
      %gt3A_1417 = arith.cmpf ogt, %get3A_1416, %select_n3A_1408 : vector<16xf32>
      %select_n3A_1418 = arith.select %gt3A_1417, %get3A_1416, %select_n3A_1408 : vector<16xi1>, vector<16xf32>
      %select_n3A_1419 = arith.select %gt3A_1417, %add3A_1412, %select_n3A_1409 : vector<16xi1>, vector<16xi32>
      %add3A_1420 = arith.constant 208 : i32
      %add3A_1421 = vector.broadcast %add3A_1420 : i32 to vector<16xi32>
      %add3A_1422 = arith.addi %add3A_1421, %iota3A : vector<16xi32>
      %add3A_1423 = arith.constant 208 : i32
      %add3A_1424 = arith.addi %mul3A_1287, %add3A_1423 : i32
      %get3A_1425 = arith.index_cast %add3A_1424 : i32 to index
      %get3A_1426 = tpu.vector_load %arg4[%get3A_1425] {strides = array<i32>} : memref<65536xf32, #tpu.memory_space<vmem>>, vector<16xf32>,
      %gt3A_1427 = arith.cmpf ogt, %get3A_1426, %select_n3A_1418 : vector<16xf32>
      %select_n3A_1428 = arith.select %gt3A_1427, %get3A_1426, %select_n3A_1418 : vector<16xi1>, vector<16xf32>
      %select_n3A_1429 = arith.select %gt3A_1427, %add3A_1422, %select_n3A_1419 : vector<16xi1>, vector<16xi32>
      %add3A_1430 = arith.constant 224 : i32
      %add3A_1431 = vector.broadcast %add3A_1430 : i32 to vector<16xi32>
      %add3A_1432 = arith.addi %add3A_1431, %iota3A : vector<16xi32>
      %add3A_1433 = arith.constant 224 : i32
      %add3A_1434 = arith.addi %mul3A_1287, %add3A_1433 : i32
      %get3A_1435 = arith.index_cast %add3A_1434 : i32 to index
      %get3A_1436 = tpu.vector_load %arg4[%get3A_1435] {strides = array<i32>} : memref<65536xf32, #tpu.memory_space<vmem>>, vector<16xf32>,
      %gt3A_1437 = arith.cmpf ogt, %get3A_1436, %select_n3A_1428 : vector<16xf32>
      %select_n3A_1438 = arith.select %gt3A_1437, %get3A_1436, %select_n3A_1428 : vector<16xi1>, vector<16xf32>
      %select_n3A_1439 = arith.select %gt3A_1437, %add3A_1432, %select_n3A_1429 : vector<16xi1>, vector<16xi32>
      %add3A_1440 = arith.constant 240 : i32
      %add3A_1441 = vector.broadcast %add3A_1440 : i32 to vector<16xi32>
      %add3A_1442 = arith.addi %add3A_1441, %iota3A : vector<16xi32>
      %add3A_1443 = arith.constant 240 : i32
      %add3A_1444 = arith.addi %mul3A_1287, %add3A_1443 : i32
      %get3A_1445 = arith.index_cast %add3A_1444 : i32 to index
      %get3A_1446 = tpu.vector_load %arg4[%get3A_1445] {strides = array<i32>} : memref<65536xf32, #tpu.memory_space<vmem>>, vector<16xf32>,
      %gt3A_1447 = arith.cmpf ogt, %get3A_1446, %select_n3A_1438 : vector<16xf32>
      %select_n3A_1448 = arith.select %gt3A_1447, %get3A_1446, %select_n3A_1438 : vector<16xi1>, vector<16xf32>
      %select_n3A_1449 = arith.select %gt3A_1447, %add3A_1442, %select_n3A_1439 : vector<16xi1>, vector<16xi32>
      %add3A_1450 = arith.constant 2 : i32
      %add3A_1451 = arith.addi %mul3A_1118, %add3A_1450 : i32
      %mul3A_1452 = arith.constant 256 : i32
      %mul3A_1453 = arith.muli %add3A_1451, %mul3A_1452 : i32
      %broadcast_in_dim3A_1454 = arith.constant 0 : i32
      %broadcast_in_dim3A_1455 = vector.broadcast %broadcast_in_dim3A_1454 : i32 to vector<16xi32>
      %add3A_1456 = arith.constant 0 : i32
      %add3A_1457 = vector.broadcast %add3A_1456 : i32 to vector<16xi32>
      %add3A_1458 = arith.addi %add3A_1457, %iota3A : vector<16xi32>
      %add3A_1459 = arith.constant 0 : i32
      %add3A_1460 = arith.addi %mul3A_1453, %add3A_1459 : i32
      %get3A_1461 = arith.index_cast %add3A_1460 : i32 to index
      %get3A_1462 = tpu.vector_load %arg4[%get3A_1461] {strides = array<i32>} : memref<65536xf32, #tpu.memory_space<vmem>>, vector<16xf32>,
      %gt3A_1463 = arith.cmpf ogt, %get3A_1462, %broadcast_in_dim3A_4 : vector<16xf32>
      %select_n3A_1464 = arith.select %gt3A_1463, %get3A_1462, %broadcast_in_dim3A_4 : vector<16xi1>, vector<16xf32>
      %select_n3A_1465 = arith.select %gt3A_1463, %add3A_1458, %broadcast_in_dim3A_1455 : vector<16xi1>, vector<16xi32>
      %add3A_1466 = arith.constant 16 : i32
      %add3A_1467 = vector.broadcast %add3A_1466 : i32 to vector<16xi32>
      %add3A_1468 = arith.addi %add3A_1467, %iota3A : vector<16xi32>
      %add3A_1469 = arith.constant 16 : i32
      %add3A_1470 = arith.addi %mul3A_1453, %add3A_1469 : i32
      %get3A_1471 = arith.index_cast %add3A_1470 : i32 to index
      %get3A_1472 = tpu.vector_load %arg4[%get3A_1471] {strides = array<i32>} : memref<65536xf32, #tpu.memory_space<vmem>>, vector<16xf32>,
      %gt3A_1473 = arith.cmpf ogt, %get3A_1472, %select_n3A_1464 : vector<16xf32>
      %select_n3A_1474 = arith.select %gt3A_1473, %get3A_1472, %select_n3A_1464 : vector<16xi1>, vector<16xf32>
      %select_n3A_1475 = arith.select %gt3A_1473, %add3A_1468, %select_n3A_1465 : vector<16xi1>, vector<16xi32>
      %add3A_1476 = arith.constant 32 : i32
      %add3A_1477 = vector.broadcast %add3A_1476 : i32 to vector<16xi32>
      %add3A_1478 = arith.addi %add3A_1477, %iota3A : vector<16xi32>
      %add3A_1479 = arith.constant 32 : i32
      %add3A_1480 = arith.addi %mul3A_1453, %add3A_1479 : i32
      %get3A_1481 = arith.index_cast %add3A_1480 : i32 to index
      %get3A_1482 = tpu.vector_load %arg4[%get3A_1481] {strides = array<i32>} : memref<65536xf32, #tpu.memory_space<vmem>>, vector<16xf32>,
      %gt3A_1483 = arith.cmpf ogt, %get3A_1482, %select_n3A_1474 : vector<16xf32>
      %select_n3A_1484 = arith.select %gt3A_1483, %get3A_1482, %select_n3A_1474 : vector<16xi1>, vector<16xf32>
      %select_n3A_1485 = arith.select %gt3A_1483, %add3A_1478, %select_n3A_1475 : vector<16xi1>, vector<16xi32>
      %add3A_1486 = arith.constant 48 : i32
      %add3A_1487 = vector.broadcast %add3A_1486 : i32 to vector<16xi32>
      %add3A_1488 = arith.addi %add3A_1487, %iota3A : vector<16xi32>
      %add3A_1489 = arith.constant 48 : i32
      %add3A_1490 = arith.addi %mul3A_1453, %add3A_1489 : i32
      %get3A_1491 = arith.index_cast %add3A_1490 : i32 to index
      %get3A_1492 = tpu.vector_load %arg4[%get3A_1491] {strides = array<i32>} : memref<65536xf32, #tpu.memory_space<vmem>>, vector<16xf32>,
      %gt3A_1493 = arith.cmpf ogt, %get3A_1492, %select_n3A_1484 : vector<16xf32>
      %select_n3A_1494 = arith.select %gt3A_1493, %get3A_1492, %select_n3A_1484 : vector<16xi1>, vector<16xf32>
      %select_n3A_1495 = arith.select %gt3A_1493, %add3A_1488, %select_n3A_1485 : vector<16xi1>, vector<16xi32>
      %add3A_1496 = arith.constant 64 : i32
      %add3A_1497 = vector.broadcast %add3A_1496 : i32 to vector<16xi32>
      %add3A_1498 = arith.addi %add3A_1497, %iota3A : vector<16xi32>
      %add3A_1499 = arith.constant 64 : i32
      %add3A_1500 = arith.addi %mul3A_1453, %add3A_1499 : i32
      %get3A_1501 = arith.index_cast %add3A_1500 : i32 to index
      %get3A_1502 = tpu.vector_load %arg4[%get3A_1501] {strides = array<i32>} : memref<65536xf32, #tpu.memory_space<vmem>>, vector<16xf32>,
      %gt3A_1503 = arith.cmpf ogt, %get3A_1502, %select_n3A_1494 : vector<16xf32>
      %select_n3A_1504 = arith.select %gt3A_1503, %get3A_1502, %select_n3A_1494 : vector<16xi1>, vector<16xf32>
      %select_n3A_1505 = arith.select %gt3A_1503, %add3A_1498, %select_n3A_1495 : vector<16xi1>, vector<16xi32>
      %add3A_1506 = arith.constant 80 : i32
      %add3A_1507 = vector.broadcast %add3A_1506 : i32 to vector<16xi32>
      %add3A_1508 = arith.addi %add3A_1507, %iota3A : vector<16xi32>
      %add3A_1509 = arith.constant 80 : i32
      %add3A_1510 = arith.addi %mul3A_1453, %add3A_1509 : i32
      %get3A_1511 = arith.index_cast %add3A_1510 : i32 to index
      %get3A_1512 = tpu.vector_load %arg4[%get3A_1511] {strides = array<i32>} : memref<65536xf32, #tpu.memory_space<vmem>>, vector<16xf32>,
      %gt3A_1513 = arith.cmpf ogt, %get3A_1512, %select_n3A_1504 : vector<16xf32>
      %select_n3A_1514 = arith.select %gt3A_1513, %get3A_1512, %select_n3A_1504 : vector<16xi1>, vector<16xf32>
      %select_n3A_1515 = arith.select %gt3A_1513, %add3A_1508, %select_n3A_1505 : vector<16xi1>, vector<16xi32>
      %add3A_1516 = arith.constant 96 : i32
      %add3A_1517 = vector.broadcast %add3A_1516 : i32 to vector<16xi32>
      %add3A_1518 = arith.addi %add3A_1517, %iota3A : vector<16xi32>
      %add3A_1519 = arith.constant 96 : i32
      %add3A_1520 = arith.addi %mul3A_1453, %add3A_1519 : i32
      %get3A_1521 = arith.index_cast %add3A_1520 : i32 to index
      %get3A_1522 = tpu.vector_load %arg4[%get3A_1521] {strides = array<i32>} : memref<65536xf32, #tpu.memory_space<vmem>>, vector<16xf32>,
      %gt3A_1523 = arith.cmpf ogt, %get3A_1522, %select_n3A_1514 : vector<16xf32>
      %select_n3A_1524 = arith.select %gt3A_1523, %get3A_1522, %select_n3A_1514 : vector<16xi1>, vector<16xf32>
      %select_n3A_1525 = arith.select %gt3A_1523, %add3A_1518, %select_n3A_1515 : vector<16xi1>, vector<16xi32>
      %add3A_1526 = arith.constant 112 : i32
      %add3A_1527 = vector.broadcast %add3A_1526 : i32 to vector<16xi32>
      %add3A_1528 = arith.addi %add3A_1527, %iota3A : vector<16xi32>
      %add3A_1529 = arith.constant 112 : i32
      %add3A_1530 = arith.addi %mul3A_1453, %add3A_1529 : i32
      %get3A_1531 = arith.index_cast %add3A_1530 : i32 to index
      %get3A_1532 = tpu.vector_load %arg4[%get3A_1531] {strides = array<i32>} : memref<65536xf32, #tpu.memory_space<vmem>>, vector<16xf32>,
      %gt3A_1533 = arith.cmpf ogt, %get3A_1532, %select_n3A_1524 : vector<16xf32>
      %select_n3A_1534 = arith.select %gt3A_1533, %get3A_1532, %select_n3A_1524 : vector<16xi1>, vector<16xf32>
      %select_n3A_1535 = arith.select %gt3A_1533, %add3A_1528, %select_n3A_1525 : vector<16xi1>, vector<16xi32>
      %add3A_1536 = arith.constant 128 : i32
      %add3A_1537 = vector.broadcast %add3A_1536 : i32 to vector<16xi32>
      %add3A_1538 = arith.addi %add3A_1537, %iota3A : vector<16xi32>
      %add3A_1539 = arith.constant 128 : i32
      %add3A_1540 = arith.addi %mul3A_1453, %add3A_1539 : i32
      %get3A_1541 = arith.index_cast %add3A_1540 : i32 to index
      %get3A_1542 = tpu.vector_load %arg4[%get3A_1541] {strides = array<i32>} : memref<65536xf32, #tpu.memory_space<vmem>>, vector<16xf32>,
      %gt3A_1543 = arith.cmpf ogt, %get3A_1542, %select_n3A_1534 : vector<16xf32>
      %select_n3A_1544 = arith.select %gt3A_1543, %get3A_1542, %select_n3A_1534 : vector<16xi1>, vector<16xf32>
      %select_n3A_1545 = arith.select %gt3A_1543, %add3A_1538, %select_n3A_1535 : vector<16xi1>, vector<16xi32>
      %add3A_1546 = arith.constant 144 : i32
      %add3A_1547 = vector.broadcast %add3A_1546 : i32 to vector<16xi32>
      %add3A_1548 = arith.addi %add3A_1547, %iota3A : vector<16xi32>
      %add3A_1549 = arith.constant 144 : i32
      %add3A_1550 = arith.addi %mul3A_1453, %add3A_1549 : i32
      %get3A_1551 = arith.index_cast %add3A_1550 : i32 to index
      %get3A_1552 = tpu.vector_load %arg4[%get3A_1551] {strides = array<i32>} : memref<65536xf32, #tpu.memory_space<vmem>>, vector<16xf32>,
      %gt3A_1553 = arith.cmpf ogt, %get3A_1552, %select_n3A_1544 : vector<16xf32>
      %select_n3A_1554 = arith.select %gt3A_1553, %get3A_1552, %select_n3A_1544 : vector<16xi1>, vector<16xf32>
      %select_n3A_1555 = arith.select %gt3A_1553, %add3A_1548, %select_n3A_1545 : vector<16xi1>, vector<16xi32>
      %add3A_1556 = arith.constant 160 : i32
      %add3A_1557 = vector.broadcast %add3A_1556 : i32 to vector<16xi32>
      %add3A_1558 = arith.addi %add3A_1557, %iota3A : vector<16xi32>
      %add3A_1559 = arith.constant 160 : i32
      %add3A_1560 = arith.addi %mul3A_1453, %add3A_1559 : i32
      %get3A_1561 = arith.index_cast %add3A_1560 : i32 to index
      %get3A_1562 = tpu.vector_load %arg4[%get3A_1561] {strides = array<i32>} : memref<65536xf32, #tpu.memory_space<vmem>>, vector<16xf32>,
      %gt3A_1563 = arith.cmpf ogt, %get3A_1562, %select_n3A_1554 : vector<16xf32>
      %select_n3A_1564 = arith.select %gt3A_1563, %get3A_1562, %select_n3A_1554 : vector<16xi1>, vector<16xf32>
      %select_n3A_1565 = arith.select %gt3A_1563, %add3A_1558, %select_n3A_1555 : vector<16xi1>, vector<16xi32>
      %add3A_1566 = arith.constant 176 : i32
      %add3A_1567 = vector.broadcast %add3A_1566 : i32 to vector<16xi32>
      %add3A_1568 = arith.addi %add3A_1567, %iota3A : vector<16xi32>
      %add3A_1569 = arith.constant 176 : i32
      %add3A_1570 = arith.addi %mul3A_1453, %add3A_1569 : i32
      %get3A_1571 = arith.index_cast %add3A_1570 : i32 to index
      %get3A_1572 = tpu.vector_load %arg4[%get3A_1571] {strides = array<i32>} : memref<65536xf32, #tpu.memory_space<vmem>>, vector<16xf32>,
      %gt3A_1573 = arith.cmpf ogt, %get3A_1572, %select_n3A_1564 : vector<16xf32>
      %select_n3A_1574 = arith.select %gt3A_1573, %get3A_1572, %select_n3A_1564 : vector<16xi1>, vector<16xf32>
      %select_n3A_1575 = arith.select %gt3A_1573, %add3A_1568, %select_n3A_1565 : vector<16xi1>, vector<16xi32>
      %add3A_1576 = arith.constant 192 : i32
      %add3A_1577 = vector.broadcast %add3A_1576 : i32 to vector<16xi32>
      %add3A_1578 = arith.addi %add3A_1577, %iota3A : vector<16xi32>
      %add3A_1579 = arith.constant 192 : i32
      %add3A_1580 = arith.addi %mul3A_1453, %add3A_1579 : i32
      %get3A_1581 = arith.index_cast %add3A_1580 : i32 to index
      %get3A_1582 = tpu.vector_load %arg4[%get3A_1581] {strides = array<i32>} : memref<65536xf32, #tpu.memory_space<vmem>>, vector<16xf32>,
      %gt3A_1583 = arith.cmpf ogt, %get3A_1582, %select_n3A_1574 : vector<16xf32>
      %select_n3A_1584 = arith.select %gt3A_1583, %get3A_1582, %select_n3A_1574 : vector<16xi1>, vector<16xf32>
      %select_n3A_1585 = arith.select %gt3A_1583, %add3A_1578, %select_n3A_1575 : vector<16xi1>, vector<16xi32>
      %add3A_1586 = arith.constant 208 : i32
      %add3A_1587 = vector.broadcast %add3A_1586 : i32 to vector<16xi32>
      %add3A_1588 = arith.addi %add3A_1587, %iota3A : vector<16xi32>
      %add3A_1589 = arith.constant 208 : i32
      %add3A_1590 = arith.addi %mul3A_1453, %add3A_1589 : i32
      %get3A_1591 = arith.index_cast %add3A_1590 : i32 to index
      %get3A_1592 = tpu.vector_load %arg4[%get3A_1591] {strides = array<i32>} : memref<65536xf32, #tpu.memory_space<vmem>>, vector<16xf32>,
      %gt3A_1593 = arith.cmpf ogt, %get3A_1592, %select_n3A_1584 : vector<16xf32>
      %select_n3A_1594 = arith.select %gt3A_1593, %get3A_1592, %select_n3A_1584 : vector<16xi1>, vector<16xf32>
      %select_n3A_1595 = arith.select %gt3A_1593, %add3A_1588, %select_n3A_1585 : vector<16xi1>, vector<16xi32>
      %add3A_1596 = arith.constant 224 : i32
      %add3A_1597 = vector.broadcast %add3A_1596 : i32 to vector<16xi32>
      %add3A_1598 = arith.addi %add3A_1597, %iota3A : vector<16xi32>
      %add3A_1599 = arith.constant 224 : i32
      %add3A_1600 = arith.addi %mul3A_1453, %add3A_1599 : i32
      %get3A_1601 = arith.index_cast %add3A_1600 : i32 to index
      %get3A_1602 = tpu.vector_load %arg4[%get3A_1601] {strides = array<i32>} : memref<65536xf32, #tpu.memory_space<vmem>>, vector<16xf32>,
      %gt3A_1603 = arith.cmpf ogt, %get3A_1602, %select_n3A_1594 : vector<16xf32>
      %select_n3A_1604 = arith.select %gt3A_1603, %get3A_1602, %select_n3A_1594 : vector<16xi1>, vector<16xf32>
      %select_n3A_1605 = arith.select %gt3A_1603, %add3A_1598, %select_n3A_1595 : vector<16xi1>, vector<16xi32>
      %add3A_1606 = arith.constant 240 : i32
      %add3A_1607 = vector.broadcast %add3A_1606 : i32 to vector<16xi32>
      %add3A_1608 = arith.addi %add3A_1607, %iota3A : vector<16xi32>
      %add3A_1609 = arith.constant 240 : i32
      %add3A_1610 = arith.addi %mul3A_1453, %add3A_1609 : i32
      %get3A_1611 = arith.index_cast %add3A_1610 : i32 to index
      %get3A_1612 = tpu.vector_load %arg4[%get3A_1611] {strides = array<i32>} : memref<65536xf32, #tpu.memory_space<vmem>>, vector<16xf32>,
      %gt3A_1613 = arith.cmpf ogt, %get3A_1612, %select_n3A_1604 : vector<16xf32>
      %select_n3A_1614 = arith.select %gt3A_1613, %get3A_1612, %select_n3A_1604 : vector<16xi1>, vector<16xf32>
      %select_n3A_1615 = arith.select %gt3A_1613, %add3A_1608, %select_n3A_1605 : vector<16xi1>, vector<16xi32>
      %add3A_1616 = arith.constant 3 : i32
      %add3A_1617 = arith.addi %mul3A_1118, %add3A_1616 : i32
      %mul3A_1618 = arith.constant 256 : i32
      %mul3A_1619 = arith.muli %add3A_1617, %mul3A_1618 : i32
      %broadcast_in_dim3A_1620 = arith.constant 0 : i32
      %broadcast_in_dim3A_1621 = vector.broadcast %broadcast_in_dim3A_1620 : i32 to vector<16xi32>
      %add3A_1622 = arith.constant 0 : i32
      %add3A_1623 = vector.broadcast %add3A_1622 : i32 to vector<16xi32>
      %add3A_1624 = arith.addi %add3A_1623, %iota3A : vector<16xi32>
      %add3A_1625 = arith.constant 0 : i32
      %add3A_1626 = arith.addi %mul3A_1619, %add3A_1625 : i32
      %get3A_1627 = arith.index_cast %add3A_1626 : i32 to index
      %get3A_1628 = tpu.vector_load %arg4[%get3A_1627] {strides = array<i32>} : memref<65536xf32, #tpu.memory_space<vmem>>, vector<16xf32>,
      %gt3A_1629 = arith.cmpf ogt, %get3A_1628, %broadcast_in_dim3A_4 : vector<16xf32>
      %select_n3A_1630 = arith.select %gt3A_1629, %get3A_1628, %broadcast_in_dim3A_4 : vector<16xi1>, vector<16xf32>
      %select_n3A_1631 = arith.select %gt3A_1629, %add3A_1624, %broadcast_in_dim3A_1621 : vector<16xi1>, vector<16xi32>
      %add3A_1632 = arith.constant 16 : i32
      %add3A_1633 = vector.broadcast %add3A_1632 : i32 to vector<16xi32>
      %add3A_1634 = arith.addi %add3A_1633, %iota3A : vector<16xi32>
      %add3A_1635 = arith.constant 16 : i32
      %add3A_1636 = arith.addi %mul3A_1619, %add3A_1635 : i32
      %get3A_1637 = arith.index_cast %add3A_1636 : i32 to index
      %get3A_1638 = tpu.vector_load %arg4[%get3A_1637] {strides = array<i32>} : memref<65536xf32, #tpu.memory_space<vmem>>, vector<16xf32>,
      %gt3A_1639 = arith.cmpf ogt, %get3A_1638, %select_n3A_1630 : vector<16xf32>
      %select_n3A_1640 = arith.select %gt3A_1639, %get3A_1638, %select_n3A_1630 : vector<16xi1>, vector<16xf32>
      %select_n3A_1641 = arith.select %gt3A_1639, %add3A_1634, %select_n3A_1631 : vector<16xi1>, vector<16xi32>
      %add3A_1642 = arith.constant 32 : i32
      %add3A_1643 = vector.broadcast %add3A_1642 : i32 to vector<16xi32>
      %add3A_1644 = arith.addi %add3A_1643, %iota3A : vector<16xi32>
      %add3A_1645 = arith.constant 32 : i32
      %add3A_1646 = arith.addi %mul3A_1619, %add3A_1645 : i32
      %get3A_1647 = arith.index_cast %add3A_1646 : i32 to index
      %get3A_1648 = tpu.vector_load %arg4[%get3A_1647] {strides = array<i32>} : memref<65536xf32, #tpu.memory_space<vmem>>, vector<16xf32>,
      %gt3A_1649 = arith.cmpf ogt, %get3A_1648, %select_n3A_1640 : vector<16xf32>
      %select_n3A_1650 = arith.select %gt3A_1649, %get3A_1648, %select_n3A_1640 : vector<16xi1>, vector<16xf32>
      %select_n3A_1651 = arith.select %gt3A_1649, %add3A_1644, %select_n3A_1641 : vector<16xi1>, vector<16xi32>
      %add3A_1652 = arith.constant 48 : i32
      %add3A_1653 = vector.broadcast %add3A_1652 : i32 to vector<16xi32>
      %add3A_1654 = arith.addi %add3A_1653, %iota3A : vector<16xi32>
      %add3A_1655 = arith.constant 48 : i32
      %add3A_1656 = arith.addi %mul3A_1619, %add3A_1655 : i32
      %get3A_1657 = arith.index_cast %add3A_1656 : i32 to index
      %get3A_1658 = tpu.vector_load %arg4[%get3A_1657] {strides = array<i32>} : memref<65536xf32, #tpu.memory_space<vmem>>, vector<16xf32>,
      %gt3A_1659 = arith.cmpf ogt, %get3A_1658, %select_n3A_1650 : vector<16xf32>
      %select_n3A_1660 = arith.select %gt3A_1659, %get3A_1658, %select_n3A_1650 : vector<16xi1>, vector<16xf32>
      %select_n3A_1661 = arith.select %gt3A_1659, %add3A_1654, %select_n3A_1651 : vector<16xi1>, vector<16xi32>
      %add3A_1662 = arith.constant 64 : i32
      %add3A_1663 = vector.broadcast %add3A_1662 : i32 to vector<16xi32>
      %add3A_1664 = arith.addi %add3A_1663, %iota3A : vector<16xi32>
      %add3A_1665 = arith.constant 64 : i32
      %add3A_1666 = arith.addi %mul3A_1619, %add3A_1665 : i32
      %get3A_1667 = arith.index_cast %add3A_1666 : i32 to index
      %get3A_1668 = tpu.vector_load %arg4[%get3A_1667] {strides = array<i32>} : memref<65536xf32, #tpu.memory_space<vmem>>, vector<16xf32>,
      %gt3A_1669 = arith.cmpf ogt, %get3A_1668, %select_n3A_1660 : vector<16xf32>
      %select_n3A_1670 = arith.select %gt3A_1669, %get3A_1668, %select_n3A_1660 : vector<16xi1>, vector<16xf32>
      %select_n3A_1671 = arith.select %gt3A_1669, %add3A_1664, %select_n3A_1661 : vector<16xi1>, vector<16xi32>
      %add3A_1672 = arith.constant 80 : i32
      %add3A_1673 = vector.broadcast %add3A_1672 : i32 to vector<16xi32>
      %add3A_1674 = arith.addi %add3A_1673, %iota3A : vector<16xi32>
      %add3A_1675 = arith.constant 80 : i32
      %add3A_1676 = arith.addi %mul3A_1619, %add3A_1675 : i32
      %get3A_1677 = arith.index_cast %add3A_1676 : i32 to index
      %get3A_1678 = tpu.vector_load %arg4[%get3A_1677] {strides = array<i32>} : memref<65536xf32, #tpu.memory_space<vmem>>, vector<16xf32>,
      %gt3A_1679 = arith.cmpf ogt, %get3A_1678, %select_n3A_1670 : vector<16xf32>
      %select_n3A_1680 = arith.select %gt3A_1679, %get3A_1678, %select_n3A_1670 : vector<16xi1>, vector<16xf32>
      %select_n3A_1681 = arith.select %gt3A_1679, %add3A_1674, %select_n3A_1671 : vector<16xi1>, vector<16xi32>
      %add3A_1682 = arith.constant 96 : i32
      %add3A_1683 = vector.broadcast %add3A_1682 : i32 to vector<16xi32>
      %add3A_1684 = arith.addi %add3A_1683, %iota3A : vector<16xi32>
      %add3A_1685 = arith.constant 96 : i32
      %add3A_1686 = arith.addi %mul3A_1619, %add3A_1685 : i32
      %get3A_1687 = arith.index_cast %add3A_1686 : i32 to index
      %get3A_1688 = tpu.vector_load %arg4[%get3A_1687] {strides = array<i32>} : memref<65536xf32, #tpu.memory_space<vmem>>, vector<16xf32>,
      %gt3A_1689 = arith.cmpf ogt, %get3A_1688, %select_n3A_1680 : vector<16xf32>
      %select_n3A_1690 = arith.select %gt3A_1689, %get3A_1688, %select_n3A_1680 : vector<16xi1>, vector<16xf32>
      %select_n3A_1691 = arith.select %gt3A_1689, %add3A_1684, %select_n3A_1681 : vector<16xi1>, vector<16xi32>
      %add3A_1692 = arith.constant 112 : i32
      %add3A_1693 = vector.broadcast %add3A_1692 : i32 to vector<16xi32>
      %add3A_1694 = arith.addi %add3A_1693, %iota3A : vector<16xi32>
      %add3A_1695 = arith.constant 112 : i32
      %add3A_1696 = arith.addi %mul3A_1619, %add3A_1695 : i32
      %get3A_1697 = arith.index_cast %add3A_1696 : i32 to index
      %get3A_1698 = tpu.vector_load %arg4[%get3A_1697] {strides = array<i32>} : memref<65536xf32, #tpu.memory_space<vmem>>, vector<16xf32>,
      %gt3A_1699 = arith.cmpf ogt, %get3A_1698, %select_n3A_1690 : vector<16xf32>
      %select_n3A_1700 = arith.select %gt3A_1699, %get3A_1698, %select_n3A_1690 : vector<16xi1>, vector<16xf32>
      %select_n3A_1701 = arith.select %gt3A_1699, %add3A_1694, %select_n3A_1691 : vector<16xi1>, vector<16xi32>
      %add3A_1702 = arith.constant 128 : i32
      %add3A_1703 = vector.broadcast %add3A_1702 : i32 to vector<16xi32>
      %add3A_1704 = arith.addi %add3A_1703, %iota3A : vector<16xi32>
      %add3A_1705 = arith.constant 128 : i32
      %add3A_1706 = arith.addi %mul3A_1619, %add3A_1705 : i32
      %get3A_1707 = arith.index_cast %add3A_1706 : i32 to index
      %get3A_1708 = tpu.vector_load %arg4[%get3A_1707] {strides = array<i32>} : memref<65536xf32, #tpu.memory_space<vmem>>, vector<16xf32>,
      %gt3A_1709 = arith.cmpf ogt, %get3A_1708, %select_n3A_1700 : vector<16xf32>
      %select_n3A_1710 = arith.select %gt3A_1709, %get3A_1708, %select_n3A_1700 : vector<16xi1>, vector<16xf32>
      %select_n3A_1711 = arith.select %gt3A_1709, %add3A_1704, %select_n3A_1701 : vector<16xi1>, vector<16xi32>
      %add3A_1712 = arith.constant 144 : i32
      %add3A_1713 = vector.broadcast %add3A_1712 : i32 to vector<16xi32>
      %add3A_1714 = arith.addi %add3A_1713, %iota3A : vector<16xi32>
      %add3A_1715 = arith.constant 144 : i32
      %add3A_1716 = arith.addi %mul3A_1619, %add3A_1715 : i32
      %get3A_1717 = arith.index_cast %add3A_1716 : i32 to index
      %get3A_1718 = tpu.vector_load %arg4[%get3A_1717] {strides = array<i32>} : memref<65536xf32, #tpu.memory_space<vmem>>, vector<16xf32>,
      %gt3A_1719 = arith.cmpf ogt, %get3A_1718, %select_n3A_1710 : vector<16xf32>
      %select_n3A_1720 = arith.select %gt3A_1719, %get3A_1718, %select_n3A_1710 : vector<16xi1>, vector<16xf32>
      %select_n3A_1721 = arith.select %gt3A_1719, %add3A_1714, %select_n3A_1711 : vector<16xi1>, vector<16xi32>
      %add3A_1722 = arith.constant 160 : i32
      %add3A_1723 = vector.broadcast %add3A_1722 : i32 to vector<16xi32>
      %add3A_1724 = arith.addi %add3A_1723, %iota3A : vector<16xi32>
      %add3A_1725 = arith.constant 160 : i32
      %add3A_1726 = arith.addi %mul3A_1619, %add3A_1725 : i32
      %get3A_1727 = arith.index_cast %add3A_1726 : i32 to index
      %get3A_1728 = tpu.vector_load %arg4[%get3A_1727] {strides = array<i32>} : memref<65536xf32, #tpu.memory_space<vmem>>, vector<16xf32>,
      %gt3A_1729 = arith.cmpf ogt, %get3A_1728, %select_n3A_1720 : vector<16xf32>
      %select_n3A_1730 = arith.select %gt3A_1729, %get3A_1728, %select_n3A_1720 : vector<16xi1>, vector<16xf32>
      %select_n3A_1731 = arith.select %gt3A_1729, %add3A_1724, %select_n3A_1721 : vector<16xi1>, vector<16xi32>
      %add3A_1732 = arith.constant 176 : i32
      %add3A_1733 = vector.broadcast %add3A_1732 : i32 to vector<16xi32>
      %add3A_1734 = arith.addi %add3A_1733, %iota3A : vector<16xi32>
      %add3A_1735 = arith.constant 176 : i32
      %add3A_1736 = arith.addi %mul3A_1619, %add3A_1735 : i32
      %get3A_1737 = arith.index_cast %add3A_1736 : i32 to index
      %get3A_1738 = tpu.vector_load %arg4[%get3A_1737] {strides = array<i32>} : memref<65536xf32, #tpu.memory_space<vmem>>, vector<16xf32>,
      %gt3A_1739 = arith.cmpf ogt, %get3A_1738, %select_n3A_1730 : vector<16xf32>
      %select_n3A_1740 = arith.select %gt3A_1739, %get3A_1738, %select_n3A_1730 : vector<16xi1>, vector<16xf32>
      %select_n3A_1741 = arith.select %gt3A_1739, %add3A_1734, %select_n3A_1731 : vector<16xi1>, vector<16xi32>
      %add3A_1742 = arith.constant 192 : i32
      %add3A_1743 = vector.broadcast %add3A_1742 : i32 to vector<16xi32>
      %add3A_1744 = arith.addi %add3A_1743, %iota3A : vector<16xi32>
      %add3A_1745 = arith.constant 192 : i32
      %add3A_1746 = arith.addi %mul3A_1619, %add3A_1745 : i32
      %get3A_1747 = arith.index_cast %add3A_1746 : i32 to index
      %get3A_1748 = tpu.vector_load %arg4[%get3A_1747] {strides = array<i32>} : memref<65536xf32, #tpu.memory_space<vmem>>, vector<16xf32>,
      %gt3A_1749 = arith.cmpf ogt, %get3A_1748, %select_n3A_1740 : vector<16xf32>
      %select_n3A_1750 = arith.select %gt3A_1749, %get3A_1748, %select_n3A_1740 : vector<16xi1>, vector<16xf32>
      %select_n3A_1751 = arith.select %gt3A_1749, %add3A_1744, %select_n3A_1741 : vector<16xi1>, vector<16xi32>
      %add3A_1752 = arith.constant 208 : i32
      %add3A_1753 = vector.broadcast %add3A_1752 : i32 to vector<16xi32>
      %add3A_1754 = arith.addi %add3A_1753, %iota3A : vector<16xi32>
      %add3A_1755 = arith.constant 208 : i32
      %add3A_1756 = arith.addi %mul3A_1619, %add3A_1755 : i32
      %get3A_1757 = arith.index_cast %add3A_1756 : i32 to index
      %get3A_1758 = tpu.vector_load %arg4[%get3A_1757] {strides = array<i32>} : memref<65536xf32, #tpu.memory_space<vmem>>, vector<16xf32>,
      %gt3A_1759 = arith.cmpf ogt, %get3A_1758, %select_n3A_1750 : vector<16xf32>
      %select_n3A_1760 = arith.select %gt3A_1759, %get3A_1758, %select_n3A_1750 : vector<16xi1>, vector<16xf32>
      %select_n3A_1761 = arith.select %gt3A_1759, %add3A_1754, %select_n3A_1751 : vector<16xi1>, vector<16xi32>
      %add3A_1762 = arith.constant 224 : i32
      %add3A_1763 = vector.broadcast %add3A_1762 : i32 to vector<16xi32>
      %add3A_1764 = arith.addi %add3A_1763, %iota3A : vector<16xi32>
      %add3A_1765 = arith.constant 224 : i32
      %add3A_1766 = arith.addi %mul3A_1619, %add3A_1765 : i32
      %get3A_1767 = arith.index_cast %add3A_1766 : i32 to index
      %get3A_1768 = tpu.vector_load %arg4[%get3A_1767] {strides = array<i32>} : memref<65536xf32, #tpu.memory_space<vmem>>, vector<16xf32>,
      %gt3A_1769 = arith.cmpf ogt, %get3A_1768, %select_n3A_1760 : vector<16xf32>
      %select_n3A_1770 = arith.select %gt3A_1769, %get3A_1768, %select_n3A_1760 : vector<16xi1>, vector<16xf32>
      %select_n3A_1771 = arith.select %gt3A_1769, %add3A_1764, %select_n3A_1761 : vector<16xi1>, vector<16xi32>
      %add3A_1772 = arith.constant 240 : i32
      %add3A_1773 = vector.broadcast %add3A_1772 : i32 to vector<16xi32>
      %add3A_1774 = arith.addi %add3A_1773, %iota3A : vector<16xi32>
      %add3A_1775 = arith.constant 240 : i32
      %add3A_1776 = arith.addi %mul3A_1619, %add3A_1775 : i32
      %get3A_1777 = arith.index_cast %add3A_1776 : i32 to index
      %get3A_1778 = tpu.vector_load %arg4[%get3A_1777] {strides = array<i32>} : memref<65536xf32, #tpu.memory_space<vmem>>, vector<16xf32>,
      %gt3A_1779 = arith.cmpf ogt, %get3A_1778, %select_n3A_1770 : vector<16xf32>
      %select_n3A_1780 = arith.select %gt3A_1779, %get3A_1778, %select_n3A_1770 : vector<16xi1>, vector<16xf32>
      %select_n3A_1781 = arith.select %gt3A_1779, %add3A_1774, %select_n3A_1771 : vector<16xi1>, vector<16xi32>
      %reduce_max3A_1782 = arith.constant true
      %reduce_max3A_1783 = vector.broadcast %reduce_max3A_1782 : i1 to vector<16xi1>
      %reduce_max3A_1784 = tpu.scan <max>, %select_n3A_1282 masked %reduce_max3A_1783 : vector<16xf32>, vector<16xi1> -> vector<16xf32>
      %reduce_max3A_1785 = vector.extract %reduce_max3A_1784[15] : f32 from vector<16xf32>
      %ge3A_1786 = vector.broadcast %reduce_max3A_1785 : f32 to vector<16xf32>
      %ge3A_1787 = arith.cmpf oge, %select_n3A_1282, %ge3A_1786 : vector<16xf32>
      %jit3A = arith.constant 256 : i32
      %broadcast_in_dim3A_1788 = vector.broadcast %jit3A : i32 to vector<16xi32>
      %select_n3A_1789 = arith.select %ge3A_1787, %select_n3A_1283, %broadcast_in_dim3A_1788 : vector<16xi1>, vector<16xi32>
      %reduce_min3A = arith.constant true
      %reduce_min3A_1790 = vector.broadcast %reduce_min3A : i1 to vector<16xi1>
      %reduce_min3A_1791 = arith.constant -2147483648 : i32
      %reduce_min3A_1792 = vector.broadcast %reduce_min3A_1791 : i32 to vector<16xi32>
      %reduce_min3A_1793 = arith.xori %select_n3A_1789, %reduce_min3A_1792 : vector<16xi32>
      %reduce_min3A_1794 = tpu.scan <min>, %reduce_min3A_1793 masked %reduce_min3A_1790 : vector<16xi32>, vector<16xi1> -> vector<16xi32>
      %reduce_min3A_1795 = arith.xori %reduce_min3A_1794, %reduce_min3A_1792 : vector<16xi32>
      %reduce_min3A_1796 = vector.extract %reduce_min3A_1795[15] : i32 from vector<16xi32>
      %reduce_max3A_1797 = arith.constant true
      %reduce_max3A_1798 = vector.broadcast %reduce_max3A_1797 : i1 to vector<16xi1>
      %reduce_max3A_1799 = tpu.scan <max>, %select_n3A_1448 masked %reduce_max3A_1798 : vector<16xf32>, vector<16xi1> -> vector<16xf32>
      %reduce_max3A_1800 = vector.extract %reduce_max3A_1799[15] : f32 from vector<16xf32>
      %ge3A_1801 = vector.broadcast %reduce_max3A_1800 : f32 to vector<16xf32>
      %ge3A_1802 = arith.cmpf oge, %select_n3A_1448, %ge3A_1801 : vector<16xf32>
      %jit3A_1803 = arith.constant 256 : i32
      %broadcast_in_dim3A_1804 = vector.broadcast %jit3A_1803 : i32 to vector<16xi32>
      %select_n3A_1805 = arith.select %ge3A_1802, %select_n3A_1449, %broadcast_in_dim3A_1804 : vector<16xi1>, vector<16xi32>
      %reduce_min3A_1806 = arith.constant true
      %reduce_min3A_1807 = vector.broadcast %reduce_min3A_1806 : i1 to vector<16xi1>
      %reduce_min3A_1808 = arith.constant -2147483648 : i32
      %reduce_min3A_1809 = vector.broadcast %reduce_min3A_1808 : i32 to vector<16xi32>
      %reduce_min3A_1810 = arith.xori %select_n3A_1805, %reduce_min3A_1809 : vector<16xi32>
      %reduce_min3A_1811 = tpu.scan <min>, %reduce_min3A_1810 masked %reduce_min3A_1807 : vector<16xi32>, vector<16xi1> -> vector<16xi32>
      %reduce_min3A_1812 = arith.xori %reduce_min3A_1811, %reduce_min3A_1809 : vector<16xi32>
      %reduce_min3A_1813 = vector.extract %reduce_min3A_1812[15] : i32 from vector<16xi32>
      %reduce_max3A_1814 = arith.constant true
      %reduce_max3A_1815 = vector.broadcast %reduce_max3A_1814 : i1 to vector<16xi1>
      %reduce_max3A_1816 = tpu.scan <max>, %select_n3A_1614 masked %reduce_max3A_1815 : vector<16xf32>, vector<16xi1> -> vector<16xf32>
      %reduce_max3A_1817 = vector.extract %reduce_max3A_1816[15] : f32 from vector<16xf32>
      %ge3A_1818 = vector.broadcast %reduce_max3A_1817 : f32 to vector<16xf32>
      %ge3A_1819 = arith.cmpf oge, %select_n3A_1614, %ge3A_1818 : vector<16xf32>
      %jit3A_1820 = arith.constant 256 : i32
      %broadcast_in_dim3A_1821 = vector.broadcast %jit3A_1820 : i32 to vector<16xi32>
      %select_n3A_1822 = arith.select %ge3A_1819, %select_n3A_1615, %broadcast_in_dim3A_1821 : vector<16xi1>, vector<16xi32>
      %reduce_min3A_1823 = arith.constant true
      %reduce_min3A_1824 = vector.broadcast %reduce_min3A_1823 : i1 to vector<16xi1>
      %reduce_min3A_1825 = arith.constant -2147483648 : i32
      %reduce_min3A_1826 = vector.broadcast %reduce_min3A_1825 : i32 to vector<16xi32>
      %reduce_min3A_1827 = arith.xori %select_n3A_1822, %reduce_min3A_1826 : vector<16xi32>
      %reduce_min3A_1828 = tpu.scan <min>, %reduce_min3A_1827 masked %reduce_min3A_1824 : vector<16xi32>, vector<16xi1> -> vector<16xi32>
      %reduce_min3A_1829 = arith.xori %reduce_min3A_1828, %reduce_min3A_1826 : vector<16xi32>
      %reduce_min3A_1830 = vector.extract %reduce_min3A_1829[15] : i32 from vector<16xi32>
      %reduce_max3A_1831 = arith.constant true
      %reduce_max3A_1832 = vector.broadcast %reduce_max3A_1831 : i1 to vector<16xi1>
      %reduce_max3A_1833 = tpu.scan <max>, %select_n3A_1780 masked %reduce_max3A_1832 : vector<16xf32>, vector<16xi1> -> vector<16xf32>
      %reduce_max3A_1834 = vector.extract %reduce_max3A_1833[15] : f32 from vector<16xf32>
      %ge3A_1835 = vector.broadcast %reduce_max3A_1834 : f32 to vector<16xf32>
      %ge3A_1836 = arith.cmpf oge, %select_n3A_1780, %ge3A_1835 : vector<16xf32>
      %jit3A_1837 = arith.constant 256 : i32
      %broadcast_in_dim3A_1838 = vector.broadcast %jit3A_1837 : i32 to vector<16xi32>
      %select_n3A_1839 = arith.select %ge3A_1836, %select_n3A_1781, %broadcast_in_dim3A_1838 : vector<16xi1>, vector<16xi32>
      %reduce_min3A_1840 = arith.constant true
      %reduce_min3A_1841 = vector.broadcast %reduce_min3A_1840 : i1 to vector<16xi1>
      %reduce_min3A_1842 = arith.constant -2147483648 : i32
      %reduce_min3A_1843 = vector.broadcast %reduce_min3A_1842 : i32 to vector<16xi32>
      %reduce_min3A_1844 = arith.xori %select_n3A_1839, %reduce_min3A_1843 : vector<16xi32>
      %reduce_min3A_1845 = tpu.scan <min>, %reduce_min3A_1844 masked %reduce_min3A_1841 : vector<16xi32>, vector<16xi1> -> vector<16xi32>
      %reduce_min3A_1846 = arith.xori %reduce_min3A_1845, %reduce_min3A_1843 : vector<16xi32>
      %reduce_min3A_1847 = vector.extract %reduce_min3A_1846[15] : i32 from vector<16xi32>
      %add3A_1848 = arith.constant 0 : i32
      %add3A_1849 = arith.addi %mul3A_1118, %add3A_1848 : i32
      %broadcast_in_dim3A_1850 = vector.broadcast %add3A_1849 : i32 to vector<16xi32>
      %broadcast_in_dim3A_1851 = vector.broadcast %reduce_max3A_1785 : f32 to vector<16xf32>
      tpu.vector_store_idx %arg5[%broadcast_in_dim3A_1850], %broadcast_in_dim3A_1851 masked %eq3A_1 : memref<256xf32, #tpu.memory_space<vmem>>[vector<16xi32>], vector<16xf32>, vector<16xi1>
      %add3A_1852 = arith.constant 0 : i32
      %add3A_1853 = arith.addi %mul3A_1118, %add3A_1852 : i32
      %broadcast_in_dim3A_1854 = vector.broadcast %add3A_1853 : i32 to vector<16xi32>
      %broadcast_in_dim3A_1855 = vector.broadcast %reduce_min3A_1796 : i32 to vector<16xi32>
      tpu.vector_store_idx %arg6[%broadcast_in_dim3A_1854], %broadcast_in_dim3A_1855 masked %eq3A_1 : memref<256xi32, #tpu.memory_space<vmem>>[vector<16xi32>], vector<16xi32>, vector<16xi1>
      %add3A_1856 = arith.constant 1 : i32
      %add3A_1857 = arith.addi %mul3A_1118, %add3A_1856 : i32
      %broadcast_in_dim3A_1858 = vector.broadcast %add3A_1857 : i32 to vector<16xi32>
      %broadcast_in_dim3A_1859 = vector.broadcast %reduce_max3A_1800 : f32 to vector<16xf32>
      tpu.vector_store_idx %arg5[%broadcast_in_dim3A_1858], %broadcast_in_dim3A_1859 masked %eq3A_1 : memref<256xf32, #tpu.memory_space<vmem>>[vector<16xi32>], vector<16xf32>, vector<16xi1>
      %add3A_1860 = arith.constant 1 : i32
      %add3A_1861 = arith.addi %mul3A_1118, %add3A_1860 : i32
      %broadcast_in_dim3A_1862 = vector.broadcast %add3A_1861 : i32 to vector<16xi32>
      %broadcast_in_dim3A_1863 = vector.broadcast %reduce_min3A_1813 : i32 to vector<16xi32>
      tpu.vector_store_idx %arg6[%broadcast_in_dim3A_1862], %broadcast_in_dim3A_1863 masked %eq3A_1 : memref<256xi32, #tpu.memory_space<vmem>>[vector<16xi32>], vector<16xi32>, vector<16xi1>
      %add3A_1864 = arith.constant 2 : i32
      %add3A_1865 = arith.addi %mul3A_1118, %add3A_1864 : i32
      %broadcast_in_dim3A_1866 = vector.broadcast %add3A_1865 : i32 to vector<16xi32>
      %broadcast_in_dim3A_1867 = vector.broadcast %reduce_max3A_1817 : f32 to vector<16xf32>
      tpu.vector_store_idx %arg5[%broadcast_in_dim3A_1866], %broadcast_in_dim3A_1867 masked %eq3A_1 : memref<256xf32, #tpu.memory_space<vmem>>[vector<16xi32>], vector<16xf32>, vector<16xi1>
      %add3A_1868 = arith.constant 2 : i32
      %add3A_1869 = arith.addi %mul3A_1118, %add3A_1868 : i32
      %broadcast_in_dim3A_1870 = vector.broadcast %add3A_1869 : i32 to vector<16xi32>
      %broadcast_in_dim3A_1871 = vector.broadcast %reduce_min3A_1830 : i32 to vector<16xi32>
      tpu.vector_store_idx %arg6[%broadcast_in_dim3A_1870], %broadcast_in_dim3A_1871 masked %eq3A_1 : memref<256xi32, #tpu.memory_space<vmem>>[vector<16xi32>], vector<16xi32>, vector<16xi1>
      %add3A_1872 = arith.constant 3 : i32
      %add3A_1873 = arith.addi %mul3A_1118, %add3A_1872 : i32
      %broadcast_in_dim3A_1874 = vector.broadcast %add3A_1873 : i32 to vector<16xi32>
      %broadcast_in_dim3A_1875 = vector.broadcast %reduce_max3A_1834 : f32 to vector<16xf32>
      tpu.vector_store_idx %arg5[%broadcast_in_dim3A_1874], %broadcast_in_dim3A_1875 masked %eq3A_1 : memref<256xf32, #tpu.memory_space<vmem>>[vector<16xi32>], vector<16xf32>, vector<16xi1>
      %add3A_1876 = arith.constant 3 : i32
      %add3A_1877 = arith.addi %mul3A_1118, %add3A_1876 : i32
      %broadcast_in_dim3A_1878 = vector.broadcast %add3A_1877 : i32 to vector<16xi32>
      %broadcast_in_dim3A_1879 = vector.broadcast %reduce_min3A_1847 : i32 to vector<16xi32>
      tpu.vector_store_idx %arg6[%broadcast_in_dim3A_1878], %broadcast_in_dim3A_1879 masked %eq3A_1 : memref<256xi32, #tpu.memory_space<vmem>>[vector<16xi32>], vector<16xi32>, vector<16xi1>
    }
    %scan3A_59 = arith.constant 64 : i32
    %broadcast_in_dim3A_60 = arith.constant 0 : i32
    "tpu.trace_stop"() : () -> ()
    %broadcast_in_dim3A_61 = vector.broadcast %broadcast_in_dim3A_60 : i32 to vector<16xi32>
    %get3A = arith.constant 0 : index
    %get3A_62 = tpu.vector_load %arg5[%get3A] {strides = array<i32>} : memref<256xf32, #tpu.memory_space<vmem>>, vector<16xf32>,
    %reduce_max3A = arith.constant true
    %reduce_max3A_63 = vector.broadcast %reduce_max3A : i1 to vector<16xi1>
    %reduce_max3A_64 = tpu.scan <max>, %get3A_62 masked %reduce_max3A_63 : vector<16xf32>, vector<16xi1> -> vector<16xf32>
    %reduce_max3A_65 = vector.extract %reduce_max3A_64[15] : f32 from vector<16xf32>
    %broadcast_in_dim3A_66 = arith.constant 0 : i32
    %broadcast_in_dim3A_67 = vector.broadcast %broadcast_in_dim3A_66 : i32 to vector<16xi32>
    %ge3A = vector.broadcast %reduce_max3A_65 : f32 to vector<16xf32>
    %ge3A_68 = arith.cmpf oge, %get3A_62, %ge3A : vector<16xf32>
    %all_reduce_ffs3A = tpu.all_reduce %ge3A_68 {dim = 0 : i64, kind = #tpu.reduction_kind<find_first_set>} : vector<16xi1> -> vector<16xi32>
    %add3A_69 = arith.addi %broadcast_in_dim3A_67, %all_reduce_ffs3A : vector<16xi32>
    %eq3A_70 = arith.constant 0 : i32
    %eq3A_71 = vector.broadcast %eq3A_70 : i32 to vector<16xi32>
    %eq3A_72 = arith.cmpi eq, %iota3A, %eq3A_71 : vector<16xi32>
    %broadcast_in_dim3A_73 = vector.broadcast %reduce_max3A_65 : f32 to vector<16xf32>
    %select_n3A = arith.select %eq3A_72, %broadcast_in_dim3A_73, %broadcast_in_dim3A_4 : vector<16xi1>, vector<16xf32>
    %add3A_74 = arith.constant 0 : i32
    %add3A_75 = vector.broadcast %add3A_74 : i32 to vector<16xi32>
    %add3A_76 = arith.addi %add3A_75, %add3A_69 : vector<16xi32>
    %select_n3A_77 = arith.select %eq3A_72, %add3A_76, %broadcast_in_dim3A_61 : vector<16xi1>, vector<16xi32>
    %get3A_78 = arith.constant 16 : index
    %get3A_79 = tpu.vector_load %arg5[%get3A_78] {strides = array<i32>} : memref<256xf32, #tpu.memory_space<vmem>>, vector<16xf32>,
    %reduce_max3A_80 = arith.constant true
    %reduce_max3A_81 = vector.broadcast %reduce_max3A_80 : i1 to vector<16xi1>
    %reduce_max3A_82 = tpu.scan <max>, %get3A_79 masked %reduce_max3A_81 : vector<16xf32>, vector<16xi1> -> vector<16xf32>
    %reduce_max3A_83 = vector.extract %reduce_max3A_82[15] : f32 from vector<16xf32>
    %broadcast_in_dim3A_84 = arith.constant 0 : i32
    %broadcast_in_dim3A_85 = vector.broadcast %broadcast_in_dim3A_84 : i32 to vector<16xi32>
    %ge3A_86 = vector.broadcast %reduce_max3A_83 : f32 to vector<16xf32>
    %ge3A_87 = arith.cmpf oge, %get3A_79, %ge3A_86 : vector<16xf32>
    %all_reduce_ffs3A_88 = tpu.all_reduce %ge3A_87 {dim = 0 : i64, kind = #tpu.reduction_kind<find_first_set>} : vector<16xi1> -> vector<16xi32>
    %add3A_89 = arith.addi %broadcast_in_dim3A_85, %all_reduce_ffs3A_88 : vector<16xi32>
    %eq3A_90 = arith.constant 1 : i32
    %eq3A_91 = vector.broadcast %eq3A_90 : i32 to vector<16xi32>
    %eq3A_92 = arith.cmpi eq, %iota3A, %eq3A_91 : vector<16xi32>
    %broadcast_in_dim3A_93 = vector.broadcast %reduce_max3A_83 : f32 to vector<16xf32>
    %select_n3A_94 = arith.select %eq3A_92, %broadcast_in_dim3A_93, %select_n3A : vector<16xi1>, vector<16xf32>
    %add3A_95 = arith.constant 16 : i32
    %add3A_96 = vector.broadcast %add3A_95 : i32 to vector<16xi32>
    %add3A_97 = arith.addi %add3A_96, %add3A_89 : vector<16xi32>
    %select_n3A_98 = arith.select %eq3A_92, %add3A_97, %select_n3A_77 : vector<16xi1>, vector<16xi32>
    %get3A_99 = arith.constant 32 : index
    %get3A_100 = tpu.vector_load %arg5[%get3A_99] {strides = array<i32>} : memref<256xf32, #tpu.memory_space<vmem>>, vector<16xf32>,
    %reduce_max3A_101 = arith.constant true
    %reduce_max3A_102 = vector.broadcast %reduce_max3A_101 : i1 to vector<16xi1>
    %reduce_max3A_103 = tpu.scan <max>, %get3A_100 masked %reduce_max3A_102 : vector<16xf32>, vector<16xi1> -> vector<16xf32>
    %reduce_max3A_104 = vector.extract %reduce_max3A_103[15] : f32 from vector<16xf32>
    %broadcast_in_dim3A_105 = arith.constant 0 : i32
    %broadcast_in_dim3A_106 = vector.broadcast %broadcast_in_dim3A_105 : i32 to vector<16xi32>
    %ge3A_107 = vector.broadcast %reduce_max3A_104 : f32 to vector<16xf32>
    %ge3A_108 = arith.cmpf oge, %get3A_100, %ge3A_107 : vector<16xf32>
    %all_reduce_ffs3A_109 = tpu.all_reduce %ge3A_108 {dim = 0 : i64, kind = #tpu.reduction_kind<find_first_set>} : vector<16xi1> -> vector<16xi32>
    %add3A_110 = arith.addi %broadcast_in_dim3A_106, %all_reduce_ffs3A_109 : vector<16xi32>
    %eq3A_111 = arith.constant 2 : i32
    %eq3A_112 = vector.broadcast %eq3A_111 : i32 to vector<16xi32>
    %eq3A_113 = arith.cmpi eq, %iota3A, %eq3A_112 : vector<16xi32>
    %broadcast_in_dim3A_114 = vector.broadcast %reduce_max3A_104 : f32 to vector<16xf32>
    %select_n3A_115 = arith.select %eq3A_113, %broadcast_in_dim3A_114, %select_n3A_94 : vector<16xi1>, vector<16xf32>
    %add3A_116 = arith.constant 32 : i32
    %add3A_117 = vector.broadcast %add3A_116 : i32 to vector<16xi32>
    %add3A_118 = arith.addi %add3A_117, %add3A_110 : vector<16xi32>
    %select_n3A_119 = arith.select %eq3A_113, %add3A_118, %select_n3A_98 : vector<16xi1>, vector<16xi32>
    %get3A_120 = arith.constant 48 : index
    %get3A_121 = tpu.vector_load %arg5[%get3A_120] {strides = array<i32>} : memref<256xf32, #tpu.memory_space<vmem>>, vector<16xf32>,
    %reduce_max3A_122 = arith.constant true
    %reduce_max3A_123 = vector.broadcast %reduce_max3A_122 : i1 to vector<16xi1>
    %reduce_max3A_124 = tpu.scan <max>, %get3A_121 masked %reduce_max3A_123 : vector<16xf32>, vector<16xi1> -> vector<16xf32>
    %reduce_max3A_125 = vector.extract %reduce_max3A_124[15] : f32 from vector<16xf32>
    %broadcast_in_dim3A_126 = arith.constant 0 : i32
    %broadcast_in_dim3A_127 = vector.broadcast %broadcast_in_dim3A_126 : i32 to vector<16xi32>
    %ge3A_128 = vector.broadcast %reduce_max3A_125 : f32 to vector<16xf32>
    %ge3A_129 = arith.cmpf oge, %get3A_121, %ge3A_128 : vector<16xf32>
    %all_reduce_ffs3A_130 = tpu.all_reduce %ge3A_129 {dim = 0 : i64, kind = #tpu.reduction_kind<find_first_set>} : vector<16xi1> -> vector<16xi32>
    %add3A_131 = arith.addi %broadcast_in_dim3A_127, %all_reduce_ffs3A_130 : vector<16xi32>
    %eq3A_132 = arith.constant 3 : i32
    %eq3A_133 = vector.broadcast %eq3A_132 : i32 to vector<16xi32>
    %eq3A_134 = arith.cmpi eq, %iota3A, %eq3A_133 : vector<16xi32>
    %broadcast_in_dim3A_135 = vector.broadcast %reduce_max3A_125 : f32 to vector<16xf32>
    %select_n3A_136 = arith.select %eq3A_134, %broadcast_in_dim3A_135, %select_n3A_115 : vector<16xi1>, vector<16xf32>
    %add3A_137 = arith.constant 48 : i32
    %add3A_138 = vector.broadcast %add3A_137 : i32 to vector<16xi32>
    %add3A_139 = arith.addi %add3A_138, %add3A_131 : vector<16xi32>
    %select_n3A_140 = arith.select %eq3A_134, %add3A_139, %select_n3A_119 : vector<16xi1>, vector<16xi32>
    %get3A_141 = arith.constant 64 : index
    %get3A_142 = tpu.vector_load %arg5[%get3A_141] {strides = array<i32>} : memref<256xf32, #tpu.memory_space<vmem>>, vector<16xf32>,
    %reduce_max3A_143 = arith.constant true
    %reduce_max3A_144 = vector.broadcast %reduce_max3A_143 : i1 to vector<16xi1>
    %reduce_max3A_145 = tpu.scan <max>, %get3A_142 masked %reduce_max3A_144 : vector<16xf32>, vector<16xi1> -> vector<16xf32>
    %reduce_max3A_146 = vector.extract %reduce_max3A_145[15] : f32 from vector<16xf32>
    %broadcast_in_dim3A_147 = arith.constant 0 : i32
    %broadcast_in_dim3A_148 = vector.broadcast %broadcast_in_dim3A_147 : i32 to vector<16xi32>
    %ge3A_149 = vector.broadcast %reduce_max3A_146 : f32 to vector<16xf32>
    %ge3A_150 = arith.cmpf oge, %get3A_142, %ge3A_149 : vector<16xf32>
    %all_reduce_ffs3A_151 = tpu.all_reduce %ge3A_150 {dim = 0 : i64, kind = #tpu.reduction_kind<find_first_set>} : vector<16xi1> -> vector<16xi32>
    %add3A_152 = arith.addi %broadcast_in_dim3A_148, %all_reduce_ffs3A_151 : vector<16xi32>
    %eq3A_153 = arith.constant 4 : i32
    %eq3A_154 = vector.broadcast %eq3A_153 : i32 to vector<16xi32>
    %eq3A_155 = arith.cmpi eq, %iota3A, %eq3A_154 : vector<16xi32>
    %broadcast_in_dim3A_156 = vector.broadcast %reduce_max3A_146 : f32 to vector<16xf32>
    %select_n3A_157 = arith.select %eq3A_155, %broadcast_in_dim3A_156, %select_n3A_136 : vector<16xi1>, vector<16xf32>
    %add3A_158 = arith.constant 64 : i32
    %add3A_159 = vector.broadcast %add3A_158 : i32 to vector<16xi32>
    %add3A_160 = arith.addi %add3A_159, %add3A_152 : vector<16xi32>
    %select_n3A_161 = arith.select %eq3A_155, %add3A_160, %select_n3A_140 : vector<16xi1>, vector<16xi32>
    %get3A_162 = arith.constant 80 : index
    %get3A_163 = tpu.vector_load %arg5[%get3A_162] {strides = array<i32>} : memref<256xf32, #tpu.memory_space<vmem>>, vector<16xf32>,
    %reduce_max3A_164 = arith.constant true
    %reduce_max3A_165 = vector.broadcast %reduce_max3A_164 : i1 to vector<16xi1>
    %reduce_max3A_166 = tpu.scan <max>, %get3A_163 masked %reduce_max3A_165 : vector<16xf32>, vector<16xi1> -> vector<16xf32>
    %reduce_max3A_167 = vector.extract %reduce_max3A_166[15] : f32 from vector<16xf32>
    %broadcast_in_dim3A_168 = arith.constant 0 : i32
    %broadcast_in_dim3A_169 = vector.broadcast %broadcast_in_dim3A_168 : i32 to vector<16xi32>
    %ge3A_170 = vector.broadcast %reduce_max3A_167 : f32 to vector<16xf32>
    %ge3A_171 = arith.cmpf oge, %get3A_163, %ge3A_170 : vector<16xf32>
    %all_reduce_ffs3A_172 = tpu.all_reduce %ge3A_171 {dim = 0 : i64, kind = #tpu.reduction_kind<find_first_set>} : vector<16xi1> -> vector<16xi32>
    %add3A_173 = arith.addi %broadcast_in_dim3A_169, %all_reduce_ffs3A_172 : vector<16xi32>
    %eq3A_174 = arith.constant 5 : i32
    %eq3A_175 = vector.broadcast %eq3A_174 : i32 to vector<16xi32>
    %eq3A_176 = arith.cmpi eq, %iota3A, %eq3A_175 : vector<16xi32>
    %broadcast_in_dim3A_177 = vector.broadcast %reduce_max3A_167 : f32 to vector<16xf32>
    %select_n3A_178 = arith.select %eq3A_176, %broadcast_in_dim3A_177, %select_n3A_157 : vector<16xi1>, vector<16xf32>
    %add3A_179 = arith.constant 80 : i32
    %add3A_180 = vector.broadcast %add3A_179 : i32 to vector<16xi32>
    %add3A_181 = arith.addi %add3A_180, %add3A_173 : vector<16xi32>
    %select_n3A_182 = arith.select %eq3A_176, %add3A_181, %select_n3A_161 : vector<16xi1>, vector<16xi32>
    %get3A_183 = arith.constant 96 : index
    %get3A_184 = tpu.vector_load %arg5[%get3A_183] {strides = array<i32>} : memref<256xf32, #tpu.memory_space<vmem>>, vector<16xf32>,
    %reduce_max3A_185 = arith.constant true
    %reduce_max3A_186 = vector.broadcast %reduce_max3A_185 : i1 to vector<16xi1>
    %reduce_max3A_187 = tpu.scan <max>, %get3A_184 masked %reduce_max3A_186 : vector<16xf32>, vector<16xi1> -> vector<16xf32>
    %reduce_max3A_188 = vector.extract %reduce_max3A_187[15] : f32 from vector<16xf32>
    %broadcast_in_dim3A_189 = arith.constant 0 : i32
    %broadcast_in_dim3A_190 = vector.broadcast %broadcast_in_dim3A_189 : i32 to vector<16xi32>
    %ge3A_191 = vector.broadcast %reduce_max3A_188 : f32 to vector<16xf32>
    %ge3A_192 = arith.cmpf oge, %get3A_184, %ge3A_191 : vector<16xf32>
    %all_reduce_ffs3A_193 = tpu.all_reduce %ge3A_192 {dim = 0 : i64, kind = #tpu.reduction_kind<find_first_set>} : vector<16xi1> -> vector<16xi32>
    %add3A_194 = arith.addi %broadcast_in_dim3A_190, %all_reduce_ffs3A_193 : vector<16xi32>
    %eq3A_195 = arith.constant 6 : i32
    %eq3A_196 = vector.broadcast %eq3A_195 : i32 to vector<16xi32>
    %eq3A_197 = arith.cmpi eq, %iota3A, %eq3A_196 : vector<16xi32>
    %broadcast_in_dim3A_198 = vector.broadcast %reduce_max3A_188 : f32 to vector<16xf32>
    %select_n3A_199 = arith.select %eq3A_197, %broadcast_in_dim3A_198, %select_n3A_178 : vector<16xi1>, vector<16xf32>
    %add3A_200 = arith.constant 96 : i32
    %add3A_201 = vector.broadcast %add3A_200 : i32 to vector<16xi32>
    %add3A_202 = arith.addi %add3A_201, %add3A_194 : vector<16xi32>
    %select_n3A_203 = arith.select %eq3A_197, %add3A_202, %select_n3A_182 : vector<16xi1>, vector<16xi32>
    %get3A_204 = arith.constant 112 : index
    %get3A_205 = tpu.vector_load %arg5[%get3A_204] {strides = array<i32>} : memref<256xf32, #tpu.memory_space<vmem>>, vector<16xf32>,
    %reduce_max3A_206 = arith.constant true
    %reduce_max3A_207 = vector.broadcast %reduce_max3A_206 : i1 to vector<16xi1>
    %reduce_max3A_208 = tpu.scan <max>, %get3A_205 masked %reduce_max3A_207 : vector<16xf32>, vector<16xi1> -> vector<16xf32>
    %reduce_max3A_209 = vector.extract %reduce_max3A_208[15] : f32 from vector<16xf32>
    %broadcast_in_dim3A_210 = arith.constant 0 : i32
    %broadcast_in_dim3A_211 = vector.broadcast %broadcast_in_dim3A_210 : i32 to vector<16xi32>
    %ge3A_212 = vector.broadcast %reduce_max3A_209 : f32 to vector<16xf32>
    %ge3A_213 = arith.cmpf oge, %get3A_205, %ge3A_212 : vector<16xf32>
    %all_reduce_ffs3A_214 = tpu.all_reduce %ge3A_213 {dim = 0 : i64, kind = #tpu.reduction_kind<find_first_set>} : vector<16xi1> -> vector<16xi32>
    %add3A_215 = arith.addi %broadcast_in_dim3A_211, %all_reduce_ffs3A_214 : vector<16xi32>
    %eq3A_216 = arith.constant 7 : i32
    %eq3A_217 = vector.broadcast %eq3A_216 : i32 to vector<16xi32>
    %eq3A_218 = arith.cmpi eq, %iota3A, %eq3A_217 : vector<16xi32>
    %broadcast_in_dim3A_219 = vector.broadcast %reduce_max3A_209 : f32 to vector<16xf32>
    %select_n3A_220 = arith.select %eq3A_218, %broadcast_in_dim3A_219, %select_n3A_199 : vector<16xi1>, vector<16xf32>
    %add3A_221 = arith.constant 112 : i32
    %add3A_222 = vector.broadcast %add3A_221 : i32 to vector<16xi32>
    %add3A_223 = arith.addi %add3A_222, %add3A_215 : vector<16xi32>
    %select_n3A_224 = arith.select %eq3A_218, %add3A_223, %select_n3A_203 : vector<16xi1>, vector<16xi32>
    %get3A_225 = arith.constant 128 : index
    %get3A_226 = tpu.vector_load %arg5[%get3A_225] {strides = array<i32>} : memref<256xf32, #tpu.memory_space<vmem>>, vector<16xf32>,
    %reduce_max3A_227 = arith.constant true
    %reduce_max3A_228 = vector.broadcast %reduce_max3A_227 : i1 to vector<16xi1>
    %reduce_max3A_229 = tpu.scan <max>, %get3A_226 masked %reduce_max3A_228 : vector<16xf32>, vector<16xi1> -> vector<16xf32>
    %reduce_max3A_230 = vector.extract %reduce_max3A_229[15] : f32 from vector<16xf32>
    %broadcast_in_dim3A_231 = arith.constant 0 : i32
    %broadcast_in_dim3A_232 = vector.broadcast %broadcast_in_dim3A_231 : i32 to vector<16xi32>
    %ge3A_233 = vector.broadcast %reduce_max3A_230 : f32 to vector<16xf32>
    %ge3A_234 = arith.cmpf oge, %get3A_226, %ge3A_233 : vector<16xf32>
    %all_reduce_ffs3A_235 = tpu.all_reduce %ge3A_234 {dim = 0 : i64, kind = #tpu.reduction_kind<find_first_set>} : vector<16xi1> -> vector<16xi32>
    %add3A_236 = arith.addi %broadcast_in_dim3A_232, %all_reduce_ffs3A_235 : vector<16xi32>
    %eq3A_237 = arith.constant 8 : i32
    %eq3A_238 = vector.broadcast %eq3A_237 : i32 to vector<16xi32>
    %eq3A_239 = arith.cmpi eq, %iota3A, %eq3A_238 : vector<16xi32>
    %broadcast_in_dim3A_240 = vector.broadcast %reduce_max3A_230 : f32 to vector<16xf32>
    %select_n3A_241 = arith.select %eq3A_239, %broadcast_in_dim3A_240, %select_n3A_220 : vector<16xi1>, vector<16xf32>
    %add3A_242 = arith.constant 128 : i32
    %add3A_243 = vector.broadcast %add3A_242 : i32 to vector<16xi32>
    %add3A_244 = arith.addi %add3A_243, %add3A_236 : vector<16xi32>
    %select_n3A_245 = arith.select %eq3A_239, %add3A_244, %select_n3A_224 : vector<16xi1>, vector<16xi32>
    %get3A_246 = arith.constant 144 : index
    %get3A_247 = tpu.vector_load %arg5[%get3A_246] {strides = array<i32>} : memref<256xf32, #tpu.memory_space<vmem>>, vector<16xf32>,
    %reduce_max3A_248 = arith.constant true
    %reduce_max3A_249 = vector.broadcast %reduce_max3A_248 : i1 to vector<16xi1>
    %reduce_max3A_250 = tpu.scan <max>, %get3A_247 masked %reduce_max3A_249 : vector<16xf32>, vector<16xi1> -> vector<16xf32>
    %reduce_max3A_251 = vector.extract %reduce_max3A_250[15] : f32 from vector<16xf32>
    %broadcast_in_dim3A_252 = arith.constant 0 : i32
    %broadcast_in_dim3A_253 = vector.broadcast %broadcast_in_dim3A_252 : i32 to vector<16xi32>
    %ge3A_254 = vector.broadcast %reduce_max3A_251 : f32 to vector<16xf32>
    %ge3A_255 = arith.cmpf oge, %get3A_247, %ge3A_254 : vector<16xf32>
    %all_reduce_ffs3A_256 = tpu.all_reduce %ge3A_255 {dim = 0 : i64, kind = #tpu.reduction_kind<find_first_set>} : vector<16xi1> -> vector<16xi32>
    %add3A_257 = arith.addi %broadcast_in_dim3A_253, %all_reduce_ffs3A_256 : vector<16xi32>
    %eq3A_258 = arith.constant 9 : i32
    %eq3A_259 = vector.broadcast %eq3A_258 : i32 to vector<16xi32>
    %eq3A_260 = arith.cmpi eq, %iota3A, %eq3A_259 : vector<16xi32>
    %broadcast_in_dim3A_261 = vector.broadcast %reduce_max3A_251 : f32 to vector<16xf32>
    %select_n3A_262 = arith.select %eq3A_260, %broadcast_in_dim3A_261, %select_n3A_241 : vector<16xi1>, vector<16xf32>
    %add3A_263 = arith.constant 144 : i32
    %add3A_264 = vector.broadcast %add3A_263 : i32 to vector<16xi32>
    %add3A_265 = arith.addi %add3A_264, %add3A_257 : vector<16xi32>
    %select_n3A_266 = arith.select %eq3A_260, %add3A_265, %select_n3A_245 : vector<16xi1>, vector<16xi32>
    %get3A_267 = arith.constant 160 : index
    %get3A_268 = tpu.vector_load %arg5[%get3A_267] {strides = array<i32>} : memref<256xf32, #tpu.memory_space<vmem>>, vector<16xf32>,
    %reduce_max3A_269 = arith.constant true
    %reduce_max3A_270 = vector.broadcast %reduce_max3A_269 : i1 to vector<16xi1>
    %reduce_max3A_271 = tpu.scan <max>, %get3A_268 masked %reduce_max3A_270 : vector<16xf32>, vector<16xi1> -> vector<16xf32>
    %reduce_max3A_272 = vector.extract %reduce_max3A_271[15] : f32 from vector<16xf32>
    %broadcast_in_dim3A_273 = arith.constant 0 : i32
    %broadcast_in_dim3A_274 = vector.broadcast %broadcast_in_dim3A_273 : i32 to vector<16xi32>
    %ge3A_275 = vector.broadcast %reduce_max3A_272 : f32 to vector<16xf32>
    %ge3A_276 = arith.cmpf oge, %get3A_268, %ge3A_275 : vector<16xf32>
    %all_reduce_ffs3A_277 = tpu.all_reduce %ge3A_276 {dim = 0 : i64, kind = #tpu.reduction_kind<find_first_set>} : vector<16xi1> -> vector<16xi32>
    %add3A_278 = arith.addi %broadcast_in_dim3A_274, %all_reduce_ffs3A_277 : vector<16xi32>
    %eq3A_279 = arith.constant 10 : i32
    %eq3A_280 = vector.broadcast %eq3A_279 : i32 to vector<16xi32>
    %eq3A_281 = arith.cmpi eq, %iota3A, %eq3A_280 : vector<16xi32>
    %broadcast_in_dim3A_282 = vector.broadcast %reduce_max3A_272 : f32 to vector<16xf32>
    %select_n3A_283 = arith.select %eq3A_281, %broadcast_in_dim3A_282, %select_n3A_262 : vector<16xi1>, vector<16xf32>
    %add3A_284 = arith.constant 160 : i32
    %add3A_285 = vector.broadcast %add3A_284 : i32 to vector<16xi32>
    %add3A_286 = arith.addi %add3A_285, %add3A_278 : vector<16xi32>
    %select_n3A_287 = arith.select %eq3A_281, %add3A_286, %select_n3A_266 : vector<16xi1>, vector<16xi32>
    %get3A_288 = arith.constant 176 : index
    %get3A_289 = tpu.vector_load %arg5[%get3A_288] {strides = array<i32>} : memref<256xf32, #tpu.memory_space<vmem>>, vector<16xf32>,
    %reduce_max3A_290 = arith.constant true
    %reduce_max3A_291 = vector.broadcast %reduce_max3A_290 : i1 to vector<16xi1>
    %reduce_max3A_292 = tpu.scan <max>, %get3A_289 masked %reduce_max3A_291 : vector<16xf32>, vector<16xi1> -> vector<16xf32>
    %reduce_max3A_293 = vector.extract %reduce_max3A_292[15] : f32 from vector<16xf32>
    %broadcast_in_dim3A_294 = arith.constant 0 : i32
    %broadcast_in_dim3A_295 = vector.broadcast %broadcast_in_dim3A_294 : i32 to vector<16xi32>
    %ge3A_296 = vector.broadcast %reduce_max3A_293 : f32 to vector<16xf32>
    %ge3A_297 = arith.cmpf oge, %get3A_289, %ge3A_296 : vector<16xf32>
    %all_reduce_ffs3A_298 = tpu.all_reduce %ge3A_297 {dim = 0 : i64, kind = #tpu.reduction_kind<find_first_set>} : vector<16xi1> -> vector<16xi32>
    %add3A_299 = arith.addi %broadcast_in_dim3A_295, %all_reduce_ffs3A_298 : vector<16xi32>
    %eq3A_300 = arith.constant 11 : i32
    %eq3A_301 = vector.broadcast %eq3A_300 : i32 to vector<16xi32>
    %eq3A_302 = arith.cmpi eq, %iota3A, %eq3A_301 : vector<16xi32>
    %broadcast_in_dim3A_303 = vector.broadcast %reduce_max3A_293 : f32 to vector<16xf32>
    %select_n3A_304 = arith.select %eq3A_302, %broadcast_in_dim3A_303, %select_n3A_283 : vector<16xi1>, vector<16xf32>
    %add3A_305 = arith.constant 176 : i32
    %add3A_306 = vector.broadcast %add3A_305 : i32 to vector<16xi32>
    %add3A_307 = arith.addi %add3A_306, %add3A_299 : vector<16xi32>
    %select_n3A_308 = arith.select %eq3A_302, %add3A_307, %select_n3A_287 : vector<16xi1>, vector<16xi32>
    %get3A_309 = arith.constant 192 : index
    %get3A_310 = tpu.vector_load %arg5[%get3A_309] {strides = array<i32>} : memref<256xf32, #tpu.memory_space<vmem>>, vector<16xf32>,
    %reduce_max3A_311 = arith.constant true
    %reduce_max3A_312 = vector.broadcast %reduce_max3A_311 : i1 to vector<16xi1>
    %reduce_max3A_313 = tpu.scan <max>, %get3A_310 masked %reduce_max3A_312 : vector<16xf32>, vector<16xi1> -> vector<16xf32>
    %reduce_max3A_314 = vector.extract %reduce_max3A_313[15] : f32 from vector<16xf32>
    %broadcast_in_dim3A_315 = arith.constant 0 : i32
    %broadcast_in_dim3A_316 = vector.broadcast %broadcast_in_dim3A_315 : i32 to vector<16xi32>
    %ge3A_317 = vector.broadcast %reduce_max3A_314 : f32 to vector<16xf32>
    %ge3A_318 = arith.cmpf oge, %get3A_310, %ge3A_317 : vector<16xf32>
    %all_reduce_ffs3A_319 = tpu.all_reduce %ge3A_318 {dim = 0 : i64, kind = #tpu.reduction_kind<find_first_set>} : vector<16xi1> -> vector<16xi32>
    %add3A_320 = arith.addi %broadcast_in_dim3A_316, %all_reduce_ffs3A_319 : vector<16xi32>
    %eq3A_321 = arith.constant 12 : i32
    %eq3A_322 = vector.broadcast %eq3A_321 : i32 to vector<16xi32>
    %eq3A_323 = arith.cmpi eq, %iota3A, %eq3A_322 : vector<16xi32>
    %broadcast_in_dim3A_324 = vector.broadcast %reduce_max3A_314 : f32 to vector<16xf32>
    %select_n3A_325 = arith.select %eq3A_323, %broadcast_in_dim3A_324, %select_n3A_304 : vector<16xi1>, vector<16xf32>
    %add3A_326 = arith.constant 192 : i32
    %add3A_327 = vector.broadcast %add3A_326 : i32 to vector<16xi32>
    %add3A_328 = arith.addi %add3A_327, %add3A_320 : vector<16xi32>
    %select_n3A_329 = arith.select %eq3A_323, %add3A_328, %select_n3A_308 : vector<16xi1>, vector<16xi32>
    %get3A_330 = arith.constant 208 : index
    %get3A_331 = tpu.vector_load %arg5[%get3A_330] {strides = array<i32>} : memref<256xf32, #tpu.memory_space<vmem>>, vector<16xf32>,
    %reduce_max3A_332 = arith.constant true
    %reduce_max3A_333 = vector.broadcast %reduce_max3A_332 : i1 to vector<16xi1>
    %reduce_max3A_334 = tpu.scan <max>, %get3A_331 masked %reduce_max3A_333 : vector<16xf32>, vector<16xi1> -> vector<16xf32>
    %reduce_max3A_335 = vector.extract %reduce_max3A_334[15] : f32 from vector<16xf32>
    %broadcast_in_dim3A_336 = arith.constant 0 : i32
    %broadcast_in_dim3A_337 = vector.broadcast %broadcast_in_dim3A_336 : i32 to vector<16xi32>
    %ge3A_338 = vector.broadcast %reduce_max3A_335 : f32 to vector<16xf32>
    %ge3A_339 = arith.cmpf oge, %get3A_331, %ge3A_338 : vector<16xf32>
    %all_reduce_ffs3A_340 = tpu.all_reduce %ge3A_339 {dim = 0 : i64, kind = #tpu.reduction_kind<find_first_set>} : vector<16xi1> -> vector<16xi32>
    %add3A_341 = arith.addi %broadcast_in_dim3A_337, %all_reduce_ffs3A_340 : vector<16xi32>
    %eq3A_342 = arith.constant 13 : i32
    %eq3A_343 = vector.broadcast %eq3A_342 : i32 to vector<16xi32>
    %eq3A_344 = arith.cmpi eq, %iota3A, %eq3A_343 : vector<16xi32>
    %broadcast_in_dim3A_345 = vector.broadcast %reduce_max3A_335 : f32 to vector<16xf32>
    %select_n3A_346 = arith.select %eq3A_344, %broadcast_in_dim3A_345, %select_n3A_325 : vector<16xi1>, vector<16xf32>
    %add3A_347 = arith.constant 208 : i32
    %add3A_348 = vector.broadcast %add3A_347 : i32 to vector<16xi32>
    %add3A_349 = arith.addi %add3A_348, %add3A_341 : vector<16xi32>
    %select_n3A_350 = arith.select %eq3A_344, %add3A_349, %select_n3A_329 : vector<16xi1>, vector<16xi32>
    %get3A_351 = arith.constant 224 : index
    %get3A_352 = tpu.vector_load %arg5[%get3A_351] {strides = array<i32>} : memref<256xf32, #tpu.memory_space<vmem>>, vector<16xf32>,
    %reduce_max3A_353 = arith.constant true
    %reduce_max3A_354 = vector.broadcast %reduce_max3A_353 : i1 to vector<16xi1>
    %reduce_max3A_355 = tpu.scan <max>, %get3A_352 masked %reduce_max3A_354 : vector<16xf32>, vector<16xi1> -> vector<16xf32>
    %reduce_max3A_356 = vector.extract %reduce_max3A_355[15] : f32 from vector<16xf32>
    %broadcast_in_dim3A_357 = arith.constant 0 : i32
    %broadcast_in_dim3A_358 = vector.broadcast %broadcast_in_dim3A_357 : i32 to vector<16xi32>
    %ge3A_359 = vector.broadcast %reduce_max3A_356 : f32 to vector<16xf32>
    %ge3A_360 = arith.cmpf oge, %get3A_352, %ge3A_359 : vector<16xf32>
    %all_reduce_ffs3A_361 = tpu.all_reduce %ge3A_360 {dim = 0 : i64, kind = #tpu.reduction_kind<find_first_set>} : vector<16xi1> -> vector<16xi32>
    %add3A_362 = arith.addi %broadcast_in_dim3A_358, %all_reduce_ffs3A_361 : vector<16xi32>
    %eq3A_363 = arith.constant 14 : i32
    %eq3A_364 = vector.broadcast %eq3A_363 : i32 to vector<16xi32>
    %eq3A_365 = arith.cmpi eq, %iota3A, %eq3A_364 : vector<16xi32>
    %broadcast_in_dim3A_366 = vector.broadcast %reduce_max3A_356 : f32 to vector<16xf32>
    %select_n3A_367 = arith.select %eq3A_365, %broadcast_in_dim3A_366, %select_n3A_346 : vector<16xi1>, vector<16xf32>
    %add3A_368 = arith.constant 224 : i32
    %add3A_369 = vector.broadcast %add3A_368 : i32 to vector<16xi32>
    %add3A_370 = arith.addi %add3A_369, %add3A_362 : vector<16xi32>
    %select_n3A_371 = arith.select %eq3A_365, %add3A_370, %select_n3A_350 : vector<16xi1>, vector<16xi32>
    %get3A_372 = arith.constant 240 : index
    %get3A_373 = tpu.vector_load %arg5[%get3A_372] {strides = array<i32>} : memref<256xf32, #tpu.memory_space<vmem>>, vector<16xf32>,
    %reduce_max3A_374 = arith.constant true
    %reduce_max3A_375 = vector.broadcast %reduce_max3A_374 : i1 to vector<16xi1>
    %reduce_max3A_376 = tpu.scan <max>, %get3A_373 masked %reduce_max3A_375 : vector<16xf32>, vector<16xi1> -> vector<16xf32>
    %reduce_max3A_377 = vector.extract %reduce_max3A_376[15] : f32 from vector<16xf32>
    %broadcast_in_dim3A_378 = arith.constant 0 : i32
    %broadcast_in_dim3A_379 = vector.broadcast %broadcast_in_dim3A_378 : i32 to vector<16xi32>
    %ge3A_380 = vector.broadcast %reduce_max3A_377 : f32 to vector<16xf32>
    %ge3A_381 = arith.cmpf oge, %get3A_373, %ge3A_380 : vector<16xf32>
    %all_reduce_ffs3A_382 = tpu.all_reduce %ge3A_381 {dim = 0 : i64, kind = #tpu.reduction_kind<find_first_set>} : vector<16xi1> -> vector<16xi32>
    %add3A_383 = arith.addi %broadcast_in_dim3A_379, %all_reduce_ffs3A_382 : vector<16xi32>
    %eq3A_384 = arith.constant 15 : i32
    %eq3A_385 = vector.broadcast %eq3A_384 : i32 to vector<16xi32>
    %eq3A_386 = arith.cmpi eq, %iota3A, %eq3A_385 : vector<16xi32>
    %broadcast_in_dim3A_387 = vector.broadcast %reduce_max3A_377 : f32 to vector<16xf32>
    %select_n3A_388 = arith.select %eq3A_386, %broadcast_in_dim3A_387, %select_n3A_367 : vector<16xi1>, vector<16xf32>
    %add3A_389 = arith.constant 240 : i32
    %add3A_390 = vector.broadcast %add3A_389 : i32 to vector<16xi32>
    %add3A_391 = arith.addi %add3A_390, %add3A_383 : vector<16xi32>
    %select_n3A_392 = arith.select %eq3A_386, %add3A_391, %select_n3A_371 : vector<16xi1>, vector<16xi32>
    %swap3A_393 = arith.constant 0 : index
    %swap3A_394 = tpu.vector_load %arg8[%swap3A_393] {strides = array<i32>} : memref<16xi32, #tpu.memory_space<vmem>>, vector<16xi32>,
    tpu.vector_store %arg8[%swap3A_393], %select_n3A_392 {strides = array<i32>} : memref<16xi32, #tpu.memory_space<vmem>>, vector<16xi32>,
    %while3A = arith.constant 0 : i32
    "tpu.trace_start"() <{level = 10 : i32, message = "sc_greedy"}> : () -> ()
    %while3A_395:2 = scf.while (%while3A_1116 = %while3A, %while3A_1117 = %select_n3A_388) : (i32, vector<16xf32>) -> (i32, vector<16xf32>) {
      %lt3A = arith.constant 256 : i32
      %lt3A_1118 = arith.cmpi slt, %while3A_1116, %lt3A : i32
      scf.condition(%lt3A_1118) %while3A_1116, %while3A_1117 : i32, vector<16xf32>
    } do {
    ^bb0(%while3A_1116: i32, %while3A_1117: vector<16xf32>):
      %reduce_max3A_1118 = arith.constant true
      %reduce_max3A_1119 = vector.broadcast %reduce_max3A_1118 : i1 to vector<16xi1>
      %reduce_max3A_1120 = tpu.scan <max>, %while3A_1117 masked %reduce_max3A_1119 : vector<16xf32>, vector<16xi1> -> vector<16xf32>
      %reduce_max3A_1121 = vector.extract %reduce_max3A_1120[15] : f32 from vector<16xf32>
      %broadcast_in_dim3A_1122 = arith.constant 0 : i32
      %broadcast_in_dim3A_1123 = vector.broadcast %broadcast_in_dim3A_1122 : i32 to vector<16xi32>
      %ge3A_1124 = vector.broadcast %reduce_max3A_1121 : f32 to vector<16xf32>
      %ge3A_1125 = arith.cmpf oge, %while3A_1117, %ge3A_1124 : vector<16xf32>
      %all_reduce_ffs3A_1126 = tpu.all_reduce %ge3A_1125 {dim = 0 : i64, kind = #tpu.reduction_kind<find_first_set>} : vector<16xi1> -> vector<16xi32>
      %add3A_1127 = arith.addi %broadcast_in_dim3A_1123, %all_reduce_ffs3A_1126 : vector<16xi32>
      %gather3A = tpu.vector_load_idx %arg8[%add3A_1127] : memref<16xi32, #tpu.memory_space<vmem>>[vector<16xi32>], vector<16xi32>,
      %gather3A_1128 = tpu.vector_load_idx %arg6[%gather3A] : memref<256xi32, #tpu.memory_space<vmem>>[vector<16xi32>], vector<16xi32>,
      %gather3A_1129 = tpu.vector_load_idx %arg7[%gather3A_1128] : memref<256xf32, #tpu.memory_space<vmem>>[vector<16xi32>], vector<16xf32>,
      %slice3A = vector.extract_strided_slice %gather3A {offsets = [0], sizes = [1], strides = [1]} : vector<16xi32> to vector<1xi32>
      %squeeze3A = vector.extract %slice3A[0] : i32 from vector<1xi32>
      %slice3A_1130 = vector.extract_strided_slice %gather3A_1129 {offsets = [0], sizes = [1], strides = [1]} : vector<16xf32> to vector<1xf32>
      %squeeze3A_1131 = vector.extract %slice3A_1130[0] : f32 from vector<1xf32>
      %eq3A_1132 = arith.constant 0.000000e+00 : f32
      %eq3A_1133 = arith.cmpf oeq, %squeeze3A_1131, %eq3A_1132 : f32
      %convert_element_type3A = arith.extui %eq3A_1133 : i1 to i32
      %cond3A = arith.constant 0 : i32
      %cond3A_1134 = arith.cmpi ne, %convert_element_type3A, %cond3A : i32
      scf.if %cond3A_1134 {
        tpu.vector_store_idx %arg7[%gather3A_1128], %broadcast_in_dim3A_4 masked %eq3A_1 : memref<256xf32, #tpu.memory_space<vmem>>[vector<16xi32>], vector<16xf32>, vector<16xi1>
        tpu.vector_store_idx %arg5[%gather3A], %broadcast_in_dim3A_4 masked %eq3A_1 : memref<256xf32, #tpu.memory_space<vmem>>[vector<16xi32>], vector<16xf32>, vector<16xi1>
      } else {
      }
      %not3A = arith.constant true
      %not3A_1135 = arith.xori %eq3A_1133, %not3A : i1
      %convert_element_type3A_1136 = arith.extui %not3A_1135 : i1 to i32
      %cond3A_1137 = arith.constant 0 : i32
      %cond3A_1138 = arith.cmpi ne, %convert_element_type3A_1136, %cond3A_1137 : i32
      scf.if %cond3A_1138 {
        %mul3A_1166 = arith.constant 256 : i32
        %mul3A_1167 = arith.muli %squeeze3A, %mul3A_1166 : i32
        %broadcast_in_dim3A_1168 = arith.constant 0 : i32
        %broadcast_in_dim3A_1169 = vector.broadcast %broadcast_in_dim3A_1168 : i32 to vector<16xi32>
        %add3A_1170 = arith.constant 0 : i32
        %add3A_1171 = vector.broadcast %add3A_1170 : i32 to vector<16xi32>
        %add3A_1172 = arith.addi %add3A_1171, %iota3A : vector<16xi32>
        %add3A_1173 = arith.constant 0 : i32
        %add3A_1174 = arith.addi %mul3A_1167, %add3A_1173 : i32
        %get3A_1175 = arith.index_cast %add3A_1174 : i32 to index
        %get3A_1176 = tpu.vector_load %arg4[%get3A_1175] {strides = array<i32>} : memref<65536xf32, #tpu.memory_space<vmem>>, vector<16xf32>,
        %get3A_1177 = arith.constant 0 : index
        %get3A_1178 = tpu.vector_load %arg7[%get3A_1177] {strides = array<i32>} : memref<256xf32, #tpu.memory_space<vmem>>, vector<16xf32>,
        %add3A_1179 = arith.addf %get3A_1176, %get3A_1178 : vector<16xf32>
        %gt3A = arith.cmpf ogt, %add3A_1179, %broadcast_in_dim3A_4 : vector<16xf32>
        %select_n3A_1180 = arith.select %gt3A, %add3A_1179, %broadcast_in_dim3A_4 : vector<16xi1>, vector<16xf32>
        %select_n3A_1181 = arith.select %gt3A, %add3A_1172, %broadcast_in_dim3A_1169 : vector<16xi1>, vector<16xi32>
        %add3A_1182 = arith.constant 16 : i32
        %add3A_1183 = vector.broadcast %add3A_1182 : i32 to vector<16xi32>
        %add3A_1184 = arith.addi %add3A_1183, %iota3A : vector<16xi32>
        %add3A_1185 = arith.constant 16 : i32
        %add3A_1186 = arith.addi %mul3A_1167, %add3A_1185 : i32
        %get3A_1187 = arith.index_cast %add3A_1186 : i32 to index
        %get3A_1188 = tpu.vector_load %arg4[%get3A_1187] {strides = array<i32>} : memref<65536xf32, #tpu.memory_space<vmem>>, vector<16xf32>,
        %get3A_1189 = arith.constant 16 : index
        %get3A_1190 = tpu.vector_load %arg7[%get3A_1189] {strides = array<i32>} : memref<256xf32, #tpu.memory_space<vmem>>, vector<16xf32>,
        %add3A_1191 = arith.addf %get3A_1188, %get3A_1190 : vector<16xf32>
        %gt3A_1192 = arith.cmpf ogt, %add3A_1191, %select_n3A_1180 : vector<16xf32>
        %select_n3A_1193 = arith.select %gt3A_1192, %add3A_1191, %select_n3A_1180 : vector<16xi1>, vector<16xf32>
        %select_n3A_1194 = arith.select %gt3A_1192, %add3A_1184, %select_n3A_1181 : vector<16xi1>, vector<16xi32>
        %add3A_1195 = arith.constant 32 : i32
        %add3A_1196 = vector.broadcast %add3A_1195 : i32 to vector<16xi32>
        %add3A_1197 = arith.addi %add3A_1196, %iota3A : vector<16xi32>
        %add3A_1198 = arith.constant 32 : i32
        %add3A_1199 = arith.addi %mul3A_1167, %add3A_1198 : i32
        %get3A_1200 = arith.index_cast %add3A_1199 : i32 to index
        %get3A_1201 = tpu.vector_load %arg4[%get3A_1200] {strides = array<i32>} : memref<65536xf32, #tpu.memory_space<vmem>>, vector<16xf32>,
        %get3A_1202 = arith.constant 32 : index
        %get3A_1203 = tpu.vector_load %arg7[%get3A_1202] {strides = array<i32>} : memref<256xf32, #tpu.memory_space<vmem>>, vector<16xf32>,
        %add3A_1204 = arith.addf %get3A_1201, %get3A_1203 : vector<16xf32>
        %gt3A_1205 = arith.cmpf ogt, %add3A_1204, %select_n3A_1193 : vector<16xf32>
        %select_n3A_1206 = arith.select %gt3A_1205, %add3A_1204, %select_n3A_1193 : vector<16xi1>, vector<16xf32>
        %select_n3A_1207 = arith.select %gt3A_1205, %add3A_1197, %select_n3A_1194 : vector<16xi1>, vector<16xi32>
        %add3A_1208 = arith.constant 48 : i32
        %add3A_1209 = vector.broadcast %add3A_1208 : i32 to vector<16xi32>
        %add3A_1210 = arith.addi %add3A_1209, %iota3A : vector<16xi32>
        %add3A_1211 = arith.constant 48 : i32
        %add3A_1212 = arith.addi %mul3A_1167, %add3A_1211 : i32
        %get3A_1213 = arith.index_cast %add3A_1212 : i32 to index
        %get3A_1214 = tpu.vector_load %arg4[%get3A_1213] {strides = array<i32>} : memref<65536xf32, #tpu.memory_space<vmem>>, vector<16xf32>,
        %get3A_1215 = arith.constant 48 : index
        %get3A_1216 = tpu.vector_load %arg7[%get3A_1215] {strides = array<i32>} : memref<256xf32, #tpu.memory_space<vmem>>, vector<16xf32>,
        %add3A_1217 = arith.addf %get3A_1214, %get3A_1216 : vector<16xf32>
        %gt3A_1218 = arith.cmpf ogt, %add3A_1217, %select_n3A_1206 : vector<16xf32>
        %select_n3A_1219 = arith.select %gt3A_1218, %add3A_1217, %select_n3A_1206 : vector<16xi1>, vector<16xf32>
        %select_n3A_1220 = arith.select %gt3A_1218, %add3A_1210, %select_n3A_1207 : vector<16xi1>, vector<16xi32>
        %add3A_1221 = arith.constant 64 : i32
        %add3A_1222 = vector.broadcast %add3A_1221 : i32 to vector<16xi32>
        %add3A_1223 = arith.addi %add3A_1222, %iota3A : vector<16xi32>
        %add3A_1224 = arith.constant 64 : i32
        %add3A_1225 = arith.addi %mul3A_1167, %add3A_1224 : i32
        %get3A_1226 = arith.index_cast %add3A_1225 : i32 to index
        %get3A_1227 = tpu.vector_load %arg4[%get3A_1226] {strides = array<i32>} : memref<65536xf32, #tpu.memory_space<vmem>>, vector<16xf32>,
        %get3A_1228 = arith.constant 64 : index
        %get3A_1229 = tpu.vector_load %arg7[%get3A_1228] {strides = array<i32>} : memref<256xf32, #tpu.memory_space<vmem>>, vector<16xf32>,
        %add3A_1230 = arith.addf %get3A_1227, %get3A_1229 : vector<16xf32>
        %gt3A_1231 = arith.cmpf ogt, %add3A_1230, %select_n3A_1219 : vector<16xf32>
        %select_n3A_1232 = arith.select %gt3A_1231, %add3A_1230, %select_n3A_1219 : vector<16xi1>, vector<16xf32>
        %select_n3A_1233 = arith.select %gt3A_1231, %add3A_1223, %select_n3A_1220 : vector<16xi1>, vector<16xi32>
        %add3A_1234 = arith.constant 80 : i32
        %add3A_1235 = vector.broadcast %add3A_1234 : i32 to vector<16xi32>
        %add3A_1236 = arith.addi %add3A_1235, %iota3A : vector<16xi32>
        %add3A_1237 = arith.constant 80 : i32
        %add3A_1238 = arith.addi %mul3A_1167, %add3A_1237 : i32
        %get3A_1239 = arith.index_cast %add3A_1238 : i32 to index
        %get3A_1240 = tpu.vector_load %arg4[%get3A_1239] {strides = array<i32>} : memref<65536xf32, #tpu.memory_space<vmem>>, vector<16xf32>,
        %get3A_1241 = arith.constant 80 : index
        %get3A_1242 = tpu.vector_load %arg7[%get3A_1241] {strides = array<i32>} : memref<256xf32, #tpu.memory_space<vmem>>, vector<16xf32>,
        %add3A_1243 = arith.addf %get3A_1240, %get3A_1242 : vector<16xf32>
        %gt3A_1244 = arith.cmpf ogt, %add3A_1243, %select_n3A_1232 : vector<16xf32>
        %select_n3A_1245 = arith.select %gt3A_1244, %add3A_1243, %select_n3A_1232 : vector<16xi1>, vector<16xf32>
        %select_n3A_1246 = arith.select %gt3A_1244, %add3A_1236, %select_n3A_1233 : vector<16xi1>, vector<16xi32>
        %add3A_1247 = arith.constant 96 : i32
        %add3A_1248 = vector.broadcast %add3A_1247 : i32 to vector<16xi32>
        %add3A_1249 = arith.addi %add3A_1248, %iota3A : vector<16xi32>
        %add3A_1250 = arith.constant 96 : i32
        %add3A_1251 = arith.addi %mul3A_1167, %add3A_1250 : i32
        %get3A_1252 = arith.index_cast %add3A_1251 : i32 to index
        %get3A_1253 = tpu.vector_load %arg4[%get3A_1252] {strides = array<i32>} : memref<65536xf32, #tpu.memory_space<vmem>>, vector<16xf32>,
        %get3A_1254 = arith.constant 96 : index
        %get3A_1255 = tpu.vector_load %arg7[%get3A_1254] {strides = array<i32>} : memref<256xf32, #tpu.memory_space<vmem>>, vector<16xf32>,
        %add3A_1256 = arith.addf %get3A_1253, %get3A_1255 : vector<16xf32>
        %gt3A_1257 = arith.cmpf ogt, %add3A_1256, %select_n3A_1245 : vector<16xf32>
        %select_n3A_1258 = arith.select %gt3A_1257, %add3A_1256, %select_n3A_1245 : vector<16xi1>, vector<16xf32>
        %select_n3A_1259 = arith.select %gt3A_1257, %add3A_1249, %select_n3A_1246 : vector<16xi1>, vector<16xi32>
        %add3A_1260 = arith.constant 112 : i32
        %add3A_1261 = vector.broadcast %add3A_1260 : i32 to vector<16xi32>
        %add3A_1262 = arith.addi %add3A_1261, %iota3A : vector<16xi32>
        %add3A_1263 = arith.constant 112 : i32
        %add3A_1264 = arith.addi %mul3A_1167, %add3A_1263 : i32
        %get3A_1265 = arith.index_cast %add3A_1264 : i32 to index
        %get3A_1266 = tpu.vector_load %arg4[%get3A_1265] {strides = array<i32>} : memref<65536xf32, #tpu.memory_space<vmem>>, vector<16xf32>,
        %get3A_1267 = arith.constant 112 : index
        %get3A_1268 = tpu.vector_load %arg7[%get3A_1267] {strides = array<i32>} : memref<256xf32, #tpu.memory_space<vmem>>, vector<16xf32>,
        %add3A_1269 = arith.addf %get3A_1266, %get3A_1268 : vector<16xf32>
        %gt3A_1270 = arith.cmpf ogt, %add3A_1269, %select_n3A_1258 : vector<16xf32>
        %select_n3A_1271 = arith.select %gt3A_1270, %add3A_1269, %select_n3A_1258 : vector<16xi1>, vector<16xf32>
        %select_n3A_1272 = arith.select %gt3A_1270, %add3A_1262, %select_n3A_1259 : vector<16xi1>, vector<16xi32>
        %add3A_1273 = arith.constant 128 : i32
        %add3A_1274 = vector.broadcast %add3A_1273 : i32 to vector<16xi32>
        %add3A_1275 = arith.addi %add3A_1274, %iota3A : vector<16xi32>
        %add3A_1276 = arith.constant 128 : i32
        %add3A_1277 = arith.addi %mul3A_1167, %add3A_1276 : i32
        %get3A_1278 = arith.index_cast %add3A_1277 : i32 to index
        %get3A_1279 = tpu.vector_load %arg4[%get3A_1278] {strides = array<i32>} : memref<65536xf32, #tpu.memory_space<vmem>>, vector<16xf32>,
        %get3A_1280 = arith.constant 128 : index
        %get3A_1281 = tpu.vector_load %arg7[%get3A_1280] {strides = array<i32>} : memref<256xf32, #tpu.memory_space<vmem>>, vector<16xf32>,
        %add3A_1282 = arith.addf %get3A_1279, %get3A_1281 : vector<16xf32>
        %gt3A_1283 = arith.cmpf ogt, %add3A_1282, %select_n3A_1271 : vector<16xf32>
        %select_n3A_1284 = arith.select %gt3A_1283, %add3A_1282, %select_n3A_1271 : vector<16xi1>, vector<16xf32>
        %select_n3A_1285 = arith.select %gt3A_1283, %add3A_1275, %select_n3A_1272 : vector<16xi1>, vector<16xi32>
        %add3A_1286 = arith.constant 144 : i32
        %add3A_1287 = vector.broadcast %add3A_1286 : i32 to vector<16xi32>
        %add3A_1288 = arith.addi %add3A_1287, %iota3A : vector<16xi32>
        %add3A_1289 = arith.constant 144 : i32
        %add3A_1290 = arith.addi %mul3A_1167, %add3A_1289 : i32
        %get3A_1291 = arith.index_cast %add3A_1290 : i32 to index
        %get3A_1292 = tpu.vector_load %arg4[%get3A_1291] {strides = array<i32>} : memref<65536xf32, #tpu.memory_space<vmem>>, vector<16xf32>,
        %get3A_1293 = arith.constant 144 : index
        %get3A_1294 = tpu.vector_load %arg7[%get3A_1293] {strides = array<i32>} : memref<256xf32, #tpu.memory_space<vmem>>, vector<16xf32>,
        %add3A_1295 = arith.addf %get3A_1292, %get3A_1294 : vector<16xf32>
        %gt3A_1296 = arith.cmpf ogt, %add3A_1295, %select_n3A_1284 : vector<16xf32>
        %select_n3A_1297 = arith.select %gt3A_1296, %add3A_1295, %select_n3A_1284 : vector<16xi1>, vector<16xf32>
        %select_n3A_1298 = arith.select %gt3A_1296, %add3A_1288, %select_n3A_1285 : vector<16xi1>, vector<16xi32>
        %add3A_1299 = arith.constant 160 : i32
        %add3A_1300 = vector.broadcast %add3A_1299 : i32 to vector<16xi32>
        %add3A_1301 = arith.addi %add3A_1300, %iota3A : vector<16xi32>
        %add3A_1302 = arith.constant 160 : i32
        %add3A_1303 = arith.addi %mul3A_1167, %add3A_1302 : i32
        %get3A_1304 = arith.index_cast %add3A_1303 : i32 to index
        %get3A_1305 = tpu.vector_load %arg4[%get3A_1304] {strides = array<i32>} : memref<65536xf32, #tpu.memory_space<vmem>>, vector<16xf32>,
        %get3A_1306 = arith.constant 160 : index
        %get3A_1307 = tpu.vector_load %arg7[%get3A_1306] {strides = array<i32>} : memref<256xf32, #tpu.memory_space<vmem>>, vector<16xf32>,
        %add3A_1308 = arith.addf %get3A_1305, %get3A_1307 : vector<16xf32>
        %gt3A_1309 = arith.cmpf ogt, %add3A_1308, %select_n3A_1297 : vector<16xf32>
        %select_n3A_1310 = arith.select %gt3A_1309, %add3A_1308, %select_n3A_1297 : vector<16xi1>, vector<16xf32>
        %select_n3A_1311 = arith.select %gt3A_1309, %add3A_1301, %select_n3A_1298 : vector<16xi1>, vector<16xi32>
        %add3A_1312 = arith.constant 176 : i32
        %add3A_1313 = vector.broadcast %add3A_1312 : i32 to vector<16xi32>
        %add3A_1314 = arith.addi %add3A_1313, %iota3A : vector<16xi32>
        %add3A_1315 = arith.constant 176 : i32
        %add3A_1316 = arith.addi %mul3A_1167, %add3A_1315 : i32
        %get3A_1317 = arith.index_cast %add3A_1316 : i32 to index
        %get3A_1318 = tpu.vector_load %arg4[%get3A_1317] {strides = array<i32>} : memref<65536xf32, #tpu.memory_space<vmem>>, vector<16xf32>,
        %get3A_1319 = arith.constant 176 : index
        %get3A_1320 = tpu.vector_load %arg7[%get3A_1319] {strides = array<i32>} : memref<256xf32, #tpu.memory_space<vmem>>, vector<16xf32>,
        %add3A_1321 = arith.addf %get3A_1318, %get3A_1320 : vector<16xf32>
        %gt3A_1322 = arith.cmpf ogt, %add3A_1321, %select_n3A_1310 : vector<16xf32>
        %select_n3A_1323 = arith.select %gt3A_1322, %add3A_1321, %select_n3A_1310 : vector<16xi1>, vector<16xf32>
        %select_n3A_1324 = arith.select %gt3A_1322, %add3A_1314, %select_n3A_1311 : vector<16xi1>, vector<16xi32>
        %add3A_1325 = arith.constant 192 : i32
        %add3A_1326 = vector.broadcast %add3A_1325 : i32 to vector<16xi32>
        %add3A_1327 = arith.addi %add3A_1326, %iota3A : vector<16xi32>
        %add3A_1328 = arith.constant 192 : i32
        %add3A_1329 = arith.addi %mul3A_1167, %add3A_1328 : i32
        %get3A_1330 = arith.index_cast %add3A_1329 : i32 to index
        %get3A_1331 = tpu.vector_load %arg4[%get3A_1330] {strides = array<i32>} : memref<65536xf32, #tpu.memory_space<vmem>>, vector<16xf32>,
        %get3A_1332 = arith.constant 192 : index
        %get3A_1333 = tpu.vector_load %arg7[%get3A_1332] {strides = array<i32>} : memref<256xf32, #tpu.memory_space<vmem>>, vector<16xf32>,
        %add3A_1334 = arith.addf %get3A_1331, %get3A_1333 : vector<16xf32>
        %gt3A_1335 = arith.cmpf ogt, %add3A_1334, %select_n3A_1323 : vector<16xf32>
        %select_n3A_1336 = arith.select %gt3A_1335, %add3A_1334, %select_n3A_1323 : vector<16xi1>, vector<16xf32>
        %select_n3A_1337 = arith.select %gt3A_1335, %add3A_1327, %select_n3A_1324 : vector<16xi1>, vector<16xi32>
        %add3A_1338 = arith.constant 208 : i32
        %add3A_1339 = vector.broadcast %add3A_1338 : i32 to vector<16xi32>
        %add3A_1340 = arith.addi %add3A_1339, %iota3A : vector<16xi32>
        %add3A_1341 = arith.constant 208 : i32
        %add3A_1342 = arith.addi %mul3A_1167, %add3A_1341 : i32
        %get3A_1343 = arith.index_cast %add3A_1342 : i32 to index
        %get3A_1344 = tpu.vector_load %arg4[%get3A_1343] {strides = array<i32>} : memref<65536xf32, #tpu.memory_space<vmem>>, vector<16xf32>,
        %get3A_1345 = arith.constant 208 : index
        %get3A_1346 = tpu.vector_load %arg7[%get3A_1345] {strides = array<i32>} : memref<256xf32, #tpu.memory_space<vmem>>, vector<16xf32>,
        %add3A_1347 = arith.addf %get3A_1344, %get3A_1346 : vector<16xf32>
        %gt3A_1348 = arith.cmpf ogt, %add3A_1347, %select_n3A_1336 : vector<16xf32>
        %select_n3A_1349 = arith.select %gt3A_1348, %add3A_1347, %select_n3A_1336 : vector<16xi1>, vector<16xf32>
        %select_n3A_1350 = arith.select %gt3A_1348, %add3A_1340, %select_n3A_1337 : vector<16xi1>, vector<16xi32>
        %add3A_1351 = arith.constant 224 : i32
        %add3A_1352 = vector.broadcast %add3A_1351 : i32 to vector<16xi32>
        %add3A_1353 = arith.addi %add3A_1352, %iota3A : vector<16xi32>
        %add3A_1354 = arith.constant 224 : i32
        %add3A_1355 = arith.addi %mul3A_1167, %add3A_1354 : i32
        %get3A_1356 = arith.index_cast %add3A_1355 : i32 to index
        %get3A_1357 = tpu.vector_load %arg4[%get3A_1356] {strides = array<i32>} : memref<65536xf32, #tpu.memory_space<vmem>>, vector<16xf32>,
        %get3A_1358 = arith.constant 224 : index
        %get3A_1359 = tpu.vector_load %arg7[%get3A_1358] {strides = array<i32>} : memref<256xf32, #tpu.memory_space<vmem>>, vector<16xf32>,
        %add3A_1360 = arith.addf %get3A_1357, %get3A_1359 : vector<16xf32>
        %gt3A_1361 = arith.cmpf ogt, %add3A_1360, %select_n3A_1349 : vector<16xf32>
        %select_n3A_1362 = arith.select %gt3A_1361, %add3A_1360, %select_n3A_1349 : vector<16xi1>, vector<16xf32>
        %select_n3A_1363 = arith.select %gt3A_1361, %add3A_1353, %select_n3A_1350 : vector<16xi1>, vector<16xi32>
        %add3A_1364 = arith.constant 240 : i32
        %add3A_1365 = vector.broadcast %add3A_1364 : i32 to vector<16xi32>
        %add3A_1366 = arith.addi %add3A_1365, %iota3A : vector<16xi32>
        %add3A_1367 = arith.constant 240 : i32
        %add3A_1368 = arith.addi %mul3A_1167, %add3A_1367 : i32
        %get3A_1369 = arith.index_cast %add3A_1368 : i32 to index
        %get3A_1370 = tpu.vector_load %arg4[%get3A_1369] {strides = array<i32>} : memref<65536xf32, #tpu.memory_space<vmem>>, vector<16xf32>,
        %get3A_1371 = arith.constant 240 : index
        %get3A_1372 = tpu.vector_load %arg7[%get3A_1371] {strides = array<i32>} : memref<256xf32, #tpu.memory_space<vmem>>, vector<16xf32>,
        %add3A_1373 = arith.addf %get3A_1370, %get3A_1372 : vector<16xf32>
        %gt3A_1374 = arith.cmpf ogt, %add3A_1373, %select_n3A_1362 : vector<16xf32>
        %select_n3A_1375 = arith.select %gt3A_1374, %add3A_1373, %select_n3A_1362 : vector<16xi1>, vector<16xf32>
        %select_n3A_1376 = arith.select %gt3A_1374, %add3A_1366, %select_n3A_1363 : vector<16xi1>, vector<16xi32>
        %reduce_max3A_1377 = arith.constant true
        %reduce_max3A_1378 = vector.broadcast %reduce_max3A_1377 : i1 to vector<16xi1>
        %reduce_max3A_1379 = tpu.scan <max>, %select_n3A_1375 masked %reduce_max3A_1378 : vector<16xf32>, vector<16xi1> -> vector<16xf32>
        %reduce_max3A_1380 = vector.extract %reduce_max3A_1379[15] : f32 from vector<16xf32>
        %ge3A_1381 = vector.broadcast %reduce_max3A_1380 : f32 to vector<16xf32>
        %ge3A_1382 = arith.cmpf oge, %select_n3A_1375, %ge3A_1381 : vector<16xf32>
        %jit3A_1383 = arith.constant 256 : i32
        %broadcast_in_dim3A_1384 = vector.broadcast %jit3A_1383 : i32 to vector<16xi32>
        %select_n3A_1385 = arith.select %ge3A_1382, %select_n3A_1376, %broadcast_in_dim3A_1384 : vector<16xi1>, vector<16xi32>
        %reduce_min3A = arith.constant true
        %reduce_min3A_1386 = vector.broadcast %reduce_min3A : i1 to vector<16xi1>
        %reduce_min3A_1387 = arith.constant -2147483648 : i32
        %reduce_min3A_1388 = vector.broadcast %reduce_min3A_1387 : i32 to vector<16xi32>
        %reduce_min3A_1389 = arith.xori %select_n3A_1385, %reduce_min3A_1388 : vector<16xi32>
        %reduce_min3A_1390 = tpu.scan <min>, %reduce_min3A_1389 masked %reduce_min3A_1386 : vector<16xi32>, vector<16xi1> -> vector<16xi32>
        %reduce_min3A_1391 = arith.xori %reduce_min3A_1390, %reduce_min3A_1388 : vector<16xi32>
        %reduce_min3A_1392 = vector.extract %reduce_min3A_1391[15] : i32 from vector<16xi32>
        %broadcast_in_dim3A_1393 = vector.broadcast %reduce_max3A_1380 : f32 to vector<16xf32>
        tpu.vector_store_idx %arg5[%gather3A], %broadcast_in_dim3A_1393 masked %eq3A_1 : memref<256xf32, #tpu.memory_space<vmem>>[vector<16xi32>], vector<16xf32>, vector<16xi1>
        %broadcast_in_dim3A_1394 = vector.broadcast %reduce_min3A_1392 : i32 to vector<16xi32>
        tpu.vector_store_idx %arg6[%gather3A], %broadcast_in_dim3A_1394 masked %eq3A_1 : memref<256xi32, #tpu.memory_space<vmem>>[vector<16xi32>], vector<16xi32>, vector<16xi1>
      } else {
      }
      %shift_right_logical3A = arith.constant 4 : i32
      %shift_right_logical3A_1139 = arith.shrui %squeeze3A, %shift_right_logical3A : i32
      %mul3A_1140 = arith.constant 16 : i32
      %mul3A_1141 = arith.muli %shift_right_logical3A_1139, %mul3A_1140 : i32
      %get3A_1142 = arith.index_cast %mul3A_1141 : i32 to index
      %get3A_1143 = tpu.vector_load %arg5[%get3A_1142] {strides = array<i32>} : memref<256xf32, #tpu.memory_space<vmem>>, vector<16xf32>,
      %reduce_max3A_1144 = arith.constant true
      %reduce_max3A_1145 = vector.broadcast %reduce_max3A_1144 : i1 to vector<16xi1>
      %reduce_max3A_1146 = tpu.scan <max>, %get3A_1143 masked %reduce_max3A_1145 : vector<16xf32>, vector<16xi1> -> vector<16xf32>
      %reduce_max3A_1147 = vector.extract %reduce_max3A_1146[15] : f32 from vector<16xf32>
      %broadcast_in_dim3A_1148 = arith.constant 0 : i32
      %broadcast_in_dim3A_1149 = vector.broadcast %broadcast_in_dim3A_1148 : i32 to vector<16xi32>
      %ge3A_1150 = vector.broadcast %reduce_max3A_1147 : f32 to vector<16xf32>
      %ge3A_1151 = arith.cmpf oge, %get3A_1143, %ge3A_1150 : vector<16xf32>
      %all_reduce_ffs3A_1152 = tpu.all_reduce %ge3A_1151 {dim = 0 : i64, kind = #tpu.reduction_kind<find_first_set>} : vector<16xi1> -> vector<16xi32>
      %add3A_1153 = arith.addi %broadcast_in_dim3A_1149, %all_reduce_ffs3A_1152 : vector<16xi32>
      %eq3A_1154 = vector.broadcast %shift_right_logical3A_1139 : i32 to vector<16xi32>
      %eq3A_1155 = arith.cmpi eq, %iota3A, %eq3A_1154 : vector<16xi32>
      %broadcast_in_dim3A_1156 = vector.broadcast %reduce_max3A_1147 : f32 to vector<16xf32>
      %select_n3A_1157 = arith.select %eq3A_1155, %broadcast_in_dim3A_1156, %while3A_1117 : vector<16xi1>, vector<16xf32>
      %broadcast_in_dim3A_1158 = vector.broadcast %shift_right_logical3A_1139 : i32 to vector<16xi32>
      %mul3A_1159 = arith.constant 16 : i32
      %mul3A_1160 = arith.muli %shift_right_logical3A_1139, %mul3A_1159 : i32
      %add3A_1161 = vector.broadcast %mul3A_1160 : i32 to vector<16xi32>
      %add3A_1162 = arith.addi %add3A_1161, %add3A_1153 : vector<16xi32>
      tpu.vector_store_idx %arg8[%broadcast_in_dim3A_1158], %add3A_1162 masked %eq3A_1 : memref<16xi32, #tpu.memory_space<vmem>>[vector<16xi32>], vector<16xi32>, vector<16xi1>
      %jit3A = arith.constant 1 : i32
      %jit3A_1163 = arith.constant 0 : i32
      %select_n3A_1164 = arith.select %eq3A_1133, %jit3A, %jit3A_1163 : i32
      %add3A_1165 = arith.addi %while3A_1116, %select_n3A_1164 : i32
      scf.yield %add3A_1165, %select_n3A_1157 : i32, vector<16xf32>
    }
    "tpu.trace_stop"() : () -> ()
    "tpu.trace_start"() <{level = 10 : i32, message = "sc_emit"}> : () -> ()
    %scan3A_396 = arith.constant 0 : i32
    %scan3A_397 = arith.constant 0 : i32
    %scan3A_398 = arith.constant 256 : i32
    %scan3A_399 = arith.addi %scan3A_397, %scan3A_398 : i32
    %scan3A_400 = arith.constant 1 : i32
    scf.for %scan3A_1116 = %scan3A_397 to %scan3A_399 step %scan3A_400  : i32 {
      %mul3A_1117 = arith.constant 256 : i32
      %mul3A_1118 = arith.muli %scan3A_1116, %mul3A_1117 : i32
      %add3A_1119 = arith.constant 0 : i32
      %add3A_1120 = arith.addi %mul3A_1118, %add3A_1119 : i32
      %swap3A_1121 = arith.index_cast %add3A_1120 : i32 to index
      %swap3A_1122 = tpu.vector_load %arg4[%swap3A_1121] {strides = array<i32>} : memref<65536xf32, #tpu.memory_space<vmem>>, vector<16xf32>,
      tpu.vector_store %arg4[%swap3A_1121], %broadcast_in_dim3A_2 {strides = array<i32>} : memref<65536xf32, #tpu.memory_space<vmem>>, vector<16xf32>,
      %add3A_1123 = arith.constant 16 : i32
      %add3A_1124 = arith.addi %mul3A_1118, %add3A_1123 : i32
      %swap3A_1125 = arith.index_cast %add3A_1124 : i32 to index
      %swap3A_1126 = tpu.vector_load %arg4[%swap3A_1125] {strides = array<i32>} : memref<65536xf32, #tpu.memory_space<vmem>>, vector<16xf32>,
      tpu.vector_store %arg4[%swap3A_1125], %broadcast_in_dim3A_2 {strides = array<i32>} : memref<65536xf32, #tpu.memory_space<vmem>>, vector<16xf32>,
      %add3A_1127 = arith.constant 32 : i32
      %add3A_1128 = arith.addi %mul3A_1118, %add3A_1127 : i32
      %swap3A_1129 = arith.index_cast %add3A_1128 : i32 to index
      %swap3A_1130 = tpu.vector_load %arg4[%swap3A_1129] {strides = array<i32>} : memref<65536xf32, #tpu.memory_space<vmem>>, vector<16xf32>,
      tpu.vector_store %arg4[%swap3A_1129], %broadcast_in_dim3A_2 {strides = array<i32>} : memref<65536xf32, #tpu.memory_space<vmem>>, vector<16xf32>,
      %add3A_1131 = arith.constant 48 : i32
      %add3A_1132 = arith.addi %mul3A_1118, %add3A_1131 : i32
      %swap3A_1133 = arith.index_cast %add3A_1132 : i32 to index
      %swap3A_1134 = tpu.vector_load %arg4[%swap3A_1133] {strides = array<i32>} : memref<65536xf32, #tpu.memory_space<vmem>>, vector<16xf32>,
      tpu.vector_store %arg4[%swap3A_1133], %broadcast_in_dim3A_2 {strides = array<i32>} : memref<65536xf32, #tpu.memory_space<vmem>>, vector<16xf32>,
      %add3A_1135 = arith.constant 64 : i32
      %add3A_1136 = arith.addi %mul3A_1118, %add3A_1135 : i32
      %swap3A_1137 = arith.index_cast %add3A_1136 : i32 to index
      %swap3A_1138 = tpu.vector_load %arg4[%swap3A_1137] {strides = array<i32>} : memref<65536xf32, #tpu.memory_space<vmem>>, vector<16xf32>,
      tpu.vector_store %arg4[%swap3A_1137], %broadcast_in_dim3A_2 {strides = array<i32>} : memref<65536xf32, #tpu.memory_space<vmem>>, vector<16xf32>,
      %add3A_1139 = arith.constant 80 : i32
      %add3A_1140 = arith.addi %mul3A_1118, %add3A_1139 : i32
      %swap3A_1141 = arith.index_cast %add3A_1140 : i32 to index
      %swap3A_1142 = tpu.vector_load %arg4[%swap3A_1141] {strides = array<i32>} : memref<65536xf32, #tpu.memory_space<vmem>>, vector<16xf32>,
      tpu.vector_store %arg4[%swap3A_1141], %broadcast_in_dim3A_2 {strides = array<i32>} : memref<65536xf32, #tpu.memory_space<vmem>>, vector<16xf32>,
      %add3A_1143 = arith.constant 96 : i32
      %add3A_1144 = arith.addi %mul3A_1118, %add3A_1143 : i32
      %swap3A_1145 = arith.index_cast %add3A_1144 : i32 to index
      %swap3A_1146 = tpu.vector_load %arg4[%swap3A_1145] {strides = array<i32>} : memref<65536xf32, #tpu.memory_space<vmem>>, vector<16xf32>,
      tpu.vector_store %arg4[%swap3A_1145], %broadcast_in_dim3A_2 {strides = array<i32>} : memref<65536xf32, #tpu.memory_space<vmem>>, vector<16xf32>,
      %add3A_1147 = arith.constant 112 : i32
      %add3A_1148 = arith.addi %mul3A_1118, %add3A_1147 : i32
      %swap3A_1149 = arith.index_cast %add3A_1148 : i32 to index
      %swap3A_1150 = tpu.vector_load %arg4[%swap3A_1149] {strides = array<i32>} : memref<65536xf32, #tpu.memory_space<vmem>>, vector<16xf32>,
      tpu.vector_store %arg4[%swap3A_1149], %broadcast_in_dim3A_2 {strides = array<i32>} : memref<65536xf32, #tpu.memory_space<vmem>>, vector<16xf32>,
      %add3A_1151 = arith.constant 128 : i32
      %add3A_1152 = arith.addi %mul3A_1118, %add3A_1151 : i32
      %swap3A_1153 = arith.index_cast %add3A_1152 : i32 to index
      %swap3A_1154 = tpu.vector_load %arg4[%swap3A_1153] {strides = array<i32>} : memref<65536xf32, #tpu.memory_space<vmem>>, vector<16xf32>,
      tpu.vector_store %arg4[%swap3A_1153], %broadcast_in_dim3A_2 {strides = array<i32>} : memref<65536xf32, #tpu.memory_space<vmem>>, vector<16xf32>,
      %add3A_1155 = arith.constant 144 : i32
      %add3A_1156 = arith.addi %mul3A_1118, %add3A_1155 : i32
      %swap3A_1157 = arith.index_cast %add3A_1156 : i32 to index
      %swap3A_1158 = tpu.vector_load %arg4[%swap3A_1157] {strides = array<i32>} : memref<65536xf32, #tpu.memory_space<vmem>>, vector<16xf32>,
      tpu.vector_store %arg4[%swap3A_1157], %broadcast_in_dim3A_2 {strides = array<i32>} : memref<65536xf32, #tpu.memory_space<vmem>>, vector<16xf32>,
      %add3A_1159 = arith.constant 160 : i32
      %add3A_1160 = arith.addi %mul3A_1118, %add3A_1159 : i32
      %swap3A_1161 = arith.index_cast %add3A_1160 : i32 to index
      %swap3A_1162 = tpu.vector_load %arg4[%swap3A_1161] {strides = array<i32>} : memref<65536xf32, #tpu.memory_space<vmem>>, vector<16xf32>,
      tpu.vector_store %arg4[%swap3A_1161], %broadcast_in_dim3A_2 {strides = array<i32>} : memref<65536xf32, #tpu.memory_space<vmem>>, vector<16xf32>,
      %add3A_1163 = arith.constant 176 : i32
      %add3A_1164 = arith.addi %mul3A_1118, %add3A_1163 : i32
      %swap3A_1165 = arith.index_cast %add3A_1164 : i32 to index
      %swap3A_1166 = tpu.vector_load %arg4[%swap3A_1165] {strides = array<i32>} : memref<65536xf32, #tpu.memory_space<vmem>>, vector<16xf32>,
      tpu.vector_store %arg4[%swap3A_1165], %broadcast_in_dim3A_2 {strides = array<i32>} : memref<65536xf32, #tpu.memory_space<vmem>>, vector<16xf32>,
      %add3A_1167 = arith.constant 192 : i32
      %add3A_1168 = arith.addi %mul3A_1118, %add3A_1167 : i32
      %swap3A_1169 = arith.index_cast %add3A_1168 : i32 to index
      %swap3A_1170 = tpu.vector_load %arg4[%swap3A_1169] {strides = array<i32>} : memref<65536xf32, #tpu.memory_space<vmem>>, vector<16xf32>,
      tpu.vector_store %arg4[%swap3A_1169], %broadcast_in_dim3A_2 {strides = array<i32>} : memref<65536xf32, #tpu.memory_space<vmem>>, vector<16xf32>,
      %add3A_1171 = arith.constant 208 : i32
      %add3A_1172 = arith.addi %mul3A_1118, %add3A_1171 : i32
      %swap3A_1173 = arith.index_cast %add3A_1172 : i32 to index
      %swap3A_1174 = tpu.vector_load %arg4[%swap3A_1173] {strides = array<i32>} : memref<65536xf32, #tpu.memory_space<vmem>>, vector<16xf32>,
      tpu.vector_store %arg4[%swap3A_1173], %broadcast_in_dim3A_2 {strides = array<i32>} : memref<65536xf32, #tpu.memory_space<vmem>>, vector<16xf32>,
      %add3A_1175 = arith.constant 224 : i32
      %add3A_1176 = arith.addi %mul3A_1118, %add3A_1175 : i32
      %swap3A_1177 = arith.index_cast %add3A_1176 : i32 to index
      %swap3A_1178 = tpu.vector_load %arg4[%swap3A_1177] {strides = array<i32>} : memref<65536xf32, #tpu.memory_space<vmem>>, vector<16xf32>,
      tpu.vector_store %arg4[%swap3A_1177], %broadcast_in_dim3A_2 {strides = array<i32>} : memref<65536xf32, #tpu.memory_space<vmem>>, vector<16xf32>,
      %add3A_1179 = arith.constant 240 : i32
      %add3A_1180 = arith.addi %mul3A_1118, %add3A_1179 : i32
      %swap3A_1181 = arith.index_cast %add3A_1180 : i32 to index
      %swap3A_1182 = tpu.vector_load %arg4[%swap3A_1181] {strides = array<i32>} : memref<65536xf32, #tpu.memory_space<vmem>>, vector<16xf32>,
      tpu.vector_store %arg4[%swap3A_1181], %broadcast_in_dim3A_2 {strides = array<i32>} : memref<65536xf32, #tpu.memory_space<vmem>>, vector<16xf32>,
    }
    %scan3A_401 = arith.constant 256 : i32
    %add3A_402 = arith.constant 0 : i32
    %add3A_403 = vector.broadcast %add3A_402 : i32 to vector<16xi32>
    %add3A_404 = arith.addi %add3A_403, %iota3A : vector<16xi32>
    %get3A_405 = arith.constant 0 : index
    %get3A_406 = tpu.vector_load %arg6[%get3A_405] {strides = array<i32>} : memref<256xi32, #tpu.memory_space<vmem>>, vector<16xi32>,
    %mul3A_407 = arith.constant 256 : i32
    %mul3A_408 = vector.broadcast %mul3A_407 : i32 to vector<16xi32>
    %mul3A_409 = arith.muli %add3A_404, %mul3A_408 : vector<16xi32>
    %add3A_410 = arith.addi %mul3A_409, %get3A_406 : vector<16xi32>
    tpu.vector_store_idx %arg4[%add3A_410], %broadcast_in_dim3A_6 : memref<65536xf32, #tpu.memory_space<vmem>>[vector<16xi32>], vector<16xf32>,
    %add3A_411 = arith.constant 16 : i32
    %add3A_412 = vector.broadcast %add3A_411 : i32 to vector<16xi32>
    %add3A_413 = arith.addi %add3A_412, %iota3A : vector<16xi32>
    %get3A_414 = arith.constant 16 : index
    %get3A_415 = tpu.vector_load %arg6[%get3A_414] {strides = array<i32>} : memref<256xi32, #tpu.memory_space<vmem>>, vector<16xi32>,
    %mul3A_416 = arith.constant 256 : i32
    %mul3A_417 = vector.broadcast %mul3A_416 : i32 to vector<16xi32>
    %mul3A_418 = arith.muli %add3A_413, %mul3A_417 : vector<16xi32>
    %add3A_419 = arith.addi %mul3A_418, %get3A_415 : vector<16xi32>
    tpu.vector_store_idx %arg4[%add3A_419], %broadcast_in_dim3A_6 : memref<65536xf32, #tpu.memory_space<vmem>>[vector<16xi32>], vector<16xf32>,
    %add3A_420 = arith.constant 32 : i32
    %add3A_421 = vector.broadcast %add3A_420 : i32 to vector<16xi32>
    %add3A_422 = arith.addi %add3A_421, %iota3A : vector<16xi32>
    %get3A_423 = arith.constant 32 : index
    %get3A_424 = tpu.vector_load %arg6[%get3A_423] {strides = array<i32>} : memref<256xi32, #tpu.memory_space<vmem>>, vector<16xi32>,
    %mul3A_425 = arith.constant 256 : i32
    %mul3A_426 = vector.broadcast %mul3A_425 : i32 to vector<16xi32>
    %mul3A_427 = arith.muli %add3A_422, %mul3A_426 : vector<16xi32>
    %add3A_428 = arith.addi %mul3A_427, %get3A_424 : vector<16xi32>
    tpu.vector_store_idx %arg4[%add3A_428], %broadcast_in_dim3A_6 : memref<65536xf32, #tpu.memory_space<vmem>>[vector<16xi32>], vector<16xf32>,
    %add3A_429 = arith.constant 48 : i32
    %add3A_430 = vector.broadcast %add3A_429 : i32 to vector<16xi32>
    %add3A_431 = arith.addi %add3A_430, %iota3A : vector<16xi32>
    %get3A_432 = arith.constant 48 : index
    %get3A_433 = tpu.vector_load %arg6[%get3A_432] {strides = array<i32>} : memref<256xi32, #tpu.memory_space<vmem>>, vector<16xi32>,
    %mul3A_434 = arith.constant 256 : i32
    %mul3A_435 = vector.broadcast %mul3A_434 : i32 to vector<16xi32>
    %mul3A_436 = arith.muli %add3A_431, %mul3A_435 : vector<16xi32>
    %add3A_437 = arith.addi %mul3A_436, %get3A_433 : vector<16xi32>
    tpu.vector_store_idx %arg4[%add3A_437], %broadcast_in_dim3A_6 : memref<65536xf32, #tpu.memory_space<vmem>>[vector<16xi32>], vector<16xf32>,
    %add3A_438 = arith.constant 64 : i32
    %add3A_439 = vector.broadcast %add3A_438 : i32 to vector<16xi32>
    %add3A_440 = arith.addi %add3A_439, %iota3A : vector<16xi32>
    %get3A_441 = arith.constant 64 : index
    %get3A_442 = tpu.vector_load %arg6[%get3A_441] {strides = array<i32>} : memref<256xi32, #tpu.memory_space<vmem>>, vector<16xi32>,
    %mul3A_443 = arith.constant 256 : i32
    %mul3A_444 = vector.broadcast %mul3A_443 : i32 to vector<16xi32>
    %mul3A_445 = arith.muli %add3A_440, %mul3A_444 : vector<16xi32>
    %add3A_446 = arith.addi %mul3A_445, %get3A_442 : vector<16xi32>
    tpu.vector_store_idx %arg4[%add3A_446], %broadcast_in_dim3A_6 : memref<65536xf32, #tpu.memory_space<vmem>>[vector<16xi32>], vector<16xf32>,
    %add3A_447 = arith.constant 80 : i32
    %add3A_448 = vector.broadcast %add3A_447 : i32 to vector<16xi32>
    %add3A_449 = arith.addi %add3A_448, %iota3A : vector<16xi32>
    %get3A_450 = arith.constant 80 : index
    %get3A_451 = tpu.vector_load %arg6[%get3A_450] {strides = array<i32>} : memref<256xi32, #tpu.memory_space<vmem>>, vector<16xi32>,
    %mul3A_452 = arith.constant 256 : i32
    %mul3A_453 = vector.broadcast %mul3A_452 : i32 to vector<16xi32>
    %mul3A_454 = arith.muli %add3A_449, %mul3A_453 : vector<16xi32>
    %add3A_455 = arith.addi %mul3A_454, %get3A_451 : vector<16xi32>
    tpu.vector_store_idx %arg4[%add3A_455], %broadcast_in_dim3A_6 : memref<65536xf32, #tpu.memory_space<vmem>>[vector<16xi32>], vector<16xf32>,
    %add3A_456 = arith.constant 96 : i32
    %add3A_457 = vector.broadcast %add3A_456 : i32 to vector<16xi32>
    %add3A_458 = arith.addi %add3A_457, %iota3A : vector<16xi32>
    %get3A_459 = arith.constant 96 : index
    %get3A_460 = tpu.vector_load %arg6[%get3A_459] {strides = array<i32>} : memref<256xi32, #tpu.memory_space<vmem>>, vector<16xi32>,
    %mul3A_461 = arith.constant 256 : i32
    %mul3A_462 = vector.broadcast %mul3A_461 : i32 to vector<16xi32>
    %mul3A_463 = arith.muli %add3A_458, %mul3A_462 : vector<16xi32>
    %add3A_464 = arith.addi %mul3A_463, %get3A_460 : vector<16xi32>
    tpu.vector_store_idx %arg4[%add3A_464], %broadcast_in_dim3A_6 : memref<65536xf32, #tpu.memory_space<vmem>>[vector<16xi32>], vector<16xf32>,
    %add3A_465 = arith.constant 112 : i32
    %add3A_466 = vector.broadcast %add3A_465 : i32 to vector<16xi32>
    %add3A_467 = arith.addi %add3A_466, %iota3A : vector<16xi32>
    %get3A_468 = arith.constant 112 : index
    %get3A_469 = tpu.vector_load %arg6[%get3A_468] {strides = array<i32>} : memref<256xi32, #tpu.memory_space<vmem>>, vector<16xi32>,
    %mul3A_470 = arith.constant 256 : i32
    %mul3A_471 = vector.broadcast %mul3A_470 : i32 to vector<16xi32>
    %mul3A_472 = arith.muli %add3A_467, %mul3A_471 : vector<16xi32>
    %add3A_473 = arith.addi %mul3A_472, %get3A_469 : vector<16xi32>
    tpu.vector_store_idx %arg4[%add3A_473], %broadcast_in_dim3A_6 : memref<65536xf32, #tpu.memory_space<vmem>>[vector<16xi32>], vector<16xf32>,
    %add3A_474 = arith.constant 128 : i32
    %add3A_475 = vector.broadcast %add3A_474 : i32 to vector<16xi32>
    %add3A_476 = arith.addi %add3A_475, %iota3A : vector<16xi32>
    %get3A_477 = arith.constant 128 : index
    %get3A_478 = tpu.vector_load %arg6[%get3A_477] {strides = array<i32>} : memref<256xi32, #tpu.memory_space<vmem>>, vector<16xi32>,
    %mul3A_479 = arith.constant 256 : i32
    %mul3A_480 = vector.broadcast %mul3A_479 : i32 to vector<16xi32>
    %mul3A_481 = arith.muli %add3A_476, %mul3A_480 : vector<16xi32>
    %add3A_482 = arith.addi %mul3A_481, %get3A_478 : vector<16xi32>
    tpu.vector_store_idx %arg4[%add3A_482], %broadcast_in_dim3A_6 : memref<65536xf32, #tpu.memory_space<vmem>>[vector<16xi32>], vector<16xf32>,
    %add3A_483 = arith.constant 144 : i32
    %add3A_484 = vector.broadcast %add3A_483 : i32 to vector<16xi32>
    %add3A_485 = arith.addi %add3A_484, %iota3A : vector<16xi32>
    %get3A_486 = arith.constant 144 : index
    %get3A_487 = tpu.vector_load %arg6[%get3A_486] {strides = array<i32>} : memref<256xi32, #tpu.memory_space<vmem>>, vector<16xi32>,
    %mul3A_488 = arith.constant 256 : i32
    %mul3A_489 = vector.broadcast %mul3A_488 : i32 to vector<16xi32>
    %mul3A_490 = arith.muli %add3A_485, %mul3A_489 : vector<16xi32>
    %add3A_491 = arith.addi %mul3A_490, %get3A_487 : vector<16xi32>
    tpu.vector_store_idx %arg4[%add3A_491], %broadcast_in_dim3A_6 : memref<65536xf32, #tpu.memory_space<vmem>>[vector<16xi32>], vector<16xf32>,
    %add3A_492 = arith.constant 160 : i32
    %add3A_493 = vector.broadcast %add3A_492 : i32 to vector<16xi32>
    %add3A_494 = arith.addi %add3A_493, %iota3A : vector<16xi32>
    %get3A_495 = arith.constant 160 : index
    %get3A_496 = tpu.vector_load %arg6[%get3A_495] {strides = array<i32>} : memref<256xi32, #tpu.memory_space<vmem>>, vector<16xi32>,
    %mul3A_497 = arith.constant 256 : i32
    %mul3A_498 = vector.broadcast %mul3A_497 : i32 to vector<16xi32>
    %mul3A_499 = arith.muli %add3A_494, %mul3A_498 : vector<16xi32>
    %add3A_500 = arith.addi %mul3A_499, %get3A_496 : vector<16xi32>
    tpu.vector_store_idx %arg4[%add3A_500], %broadcast_in_dim3A_6 : memref<65536xf32, #tpu.memory_space<vmem>>[vector<16xi32>], vector<16xf32>,
    %add3A_501 = arith.constant 176 : i32
    %add3A_502 = vector.broadcast %add3A_501 : i32 to vector<16xi32>
    %add3A_503 = arith.addi %add3A_502, %iota3A : vector<16xi32>
    %get3A_504 = arith.constant 176 : index
    %get3A_505 = tpu.vector_load %arg6[%get3A_504] {strides = array<i32>} : memref<256xi32, #tpu.memory_space<vmem>>, vector<16xi32>,
    %mul3A_506 = arith.constant 256 : i32
    %mul3A_507 = vector.broadcast %mul3A_506 : i32 to vector<16xi32>
    %mul3A_508 = arith.muli %add3A_503, %mul3A_507 : vector<16xi32>
    %add3A_509 = arith.addi %mul3A_508, %get3A_505 : vector<16xi32>
    tpu.vector_store_idx %arg4[%add3A_509], %broadcast_in_dim3A_6 : memref<65536xf32, #tpu.memory_space<vmem>>[vector<16xi32>], vector<16xf32>,
    %add3A_510 = arith.constant 192 : i32
    %add3A_511 = vector.broadcast %add3A_510 : i32 to vector<16xi32>
    %add3A_512 = arith.addi %add3A_511, %iota3A : vector<16xi32>
    %get3A_513 = arith.constant 192 : index
    %get3A_514 = tpu.vector_load %arg6[%get3A_513] {strides = array<i32>} : memref<256xi32, #tpu.memory_space<vmem>>, vector<16xi32>,
    %mul3A_515 = arith.constant 256 : i32
    %mul3A_516 = vector.broadcast %mul3A_515 : i32 to vector<16xi32>
    %mul3A_517 = arith.muli %add3A_512, %mul3A_516 : vector<16xi32>
    %add3A_518 = arith.addi %mul3A_517, %get3A_514 : vector<16xi32>
    tpu.vector_store_idx %arg4[%add3A_518], %broadcast_in_dim3A_6 : memref<65536xf32, #tpu.memory_space<vmem>>[vector<16xi32>], vector<16xf32>,
    %add3A_519 = arith.constant 208 : i32
    %add3A_520 = vector.broadcast %add3A_519 : i32 to vector<16xi32>
    %add3A_521 = arith.addi %add3A_520, %iota3A : vector<16xi32>
    %get3A_522 = arith.constant 208 : index
    %get3A_523 = tpu.vector_load %arg6[%get3A_522] {strides = array<i32>} : memref<256xi32, #tpu.memory_space<vmem>>, vector<16xi32>,
    %mul3A_524 = arith.constant 256 : i32
    %mul3A_525 = vector.broadcast %mul3A_524 : i32 to vector<16xi32>
    %mul3A_526 = arith.muli %add3A_521, %mul3A_525 : vector<16xi32>
    %add3A_527 = arith.addi %mul3A_526, %get3A_523 : vector<16xi32>
    tpu.vector_store_idx %arg4[%add3A_527], %broadcast_in_dim3A_6 : memref<65536xf32, #tpu.memory_space<vmem>>[vector<16xi32>], vector<16xf32>,
    %add3A_528 = arith.constant 224 : i32
    %add3A_529 = vector.broadcast %add3A_528 : i32 to vector<16xi32>
    %add3A_530 = arith.addi %add3A_529, %iota3A : vector<16xi32>
    %get3A_531 = arith.constant 224 : index
    %get3A_532 = tpu.vector_load %arg6[%get3A_531] {strides = array<i32>} : memref<256xi32, #tpu.memory_space<vmem>>, vector<16xi32>,
    %mul3A_533 = arith.constant 256 : i32
    %mul3A_534 = vector.broadcast %mul3A_533 : i32 to vector<16xi32>
    %mul3A_535 = arith.muli %add3A_530, %mul3A_534 : vector<16xi32>
    %add3A_536 = arith.addi %mul3A_535, %get3A_532 : vector<16xi32>
    tpu.vector_store_idx %arg4[%add3A_536], %broadcast_in_dim3A_6 : memref<65536xf32, #tpu.memory_space<vmem>>[vector<16xi32>], vector<16xf32>,
    %add3A_537 = arith.constant 240 : i32
    %add3A_538 = vector.broadcast %add3A_537 : i32 to vector<16xi32>
    %add3A_539 = arith.addi %add3A_538, %iota3A : vector<16xi32>
    %get3A_540 = arith.constant 240 : index
    %get3A_541 = tpu.vector_load %arg6[%get3A_540] {strides = array<i32>} : memref<256xi32, #tpu.memory_space<vmem>>, vector<16xi32>,
    %mul3A_542 = arith.constant 256 : i32
    %mul3A_543 = vector.broadcast %mul3A_542 : i32 to vector<16xi32>
    %mul3A_544 = arith.muli %add3A_539, %mul3A_543 : vector<16xi32>
    %add3A_545 = arith.addi %mul3A_544, %get3A_541 : vector<16xi32>
    tpu.vector_store_idx %arg4[%add3A_545], %broadcast_in_dim3A_6 : memref<65536xf32, #tpu.memory_space<vmem>>[vector<16xi32>], vector<16xf32>,
    %scan3A_546 = arith.constant 0 : i32
    %scan3A_547 = arith.constant 0 : i32
    %scan3A_548 = arith.constant 256 : i32
    %scan3A_549 = arith.addi %scan3A_547, %scan3A_548 : i32
    %scan3A_550 = arith.constant 1 : i32
    scf.for %scan3A_1116 = %scan3A_547 to %scan3A_549 step %scan3A_550  : i32 {
      %mul3A_1117 = arith.constant 256 : i32
      %mul3A_1118 = arith.muli %scan3A_1116, %mul3A_1117 : i32
      %dma_start3A = tpu.memref_slice %arg4[%mul3A_1118] : memref<65536xf32, #tpu.memory_space<vmem>> -> memref<256xf32, #tpu.memory_space<vmem>>
      %dma_start3A_1119 = arith.constant 0 : i32
      %dma_start3A_1120 = tpu.memref_slice %arg3[%add3A_11, %scan3A_1116, %dma_start3A_1119] : memref<64x256x256xf32, #tpu.memory_space<hbm>> -> memref<1x1x256xf32, #tpu.memory_space<hbm>>
      %dma_start3A_1121 = tpu.memref_squeeze %dma_start3A_1120 : memref<1x1x256xf32, #tpu.memory_space<hbm>> -> memref<256xf32, #tpu.memory_space<hbm>>
      %dma_start3A_1122 = arith.constant 0 : i32
      %dma_start3A_1123 = tpu.memref_slice %arg3[%add3A_11, %scan3A_1116, %dma_start3A_1122] : memref<64x256x256xf32, #tpu.memory_space<hbm>> -> memref<1x1x256xf32, #tpu.memory_space<hbm>>
      %dma_start3A_1124 = tpu.memref_squeeze %dma_start3A_1123 : memref<1x1x256xf32, #tpu.memory_space<hbm>> -> memref<256xf32, #tpu.memory_space<hbm>>
      %dma_start3A_1125 = tpu.memref_slice %arg4[%mul3A_1118] : memref<65536xf32, #tpu.memory_space<vmem>> -> memref<256xf32, #tpu.memory_space<vmem>>
      tpu.enqueue_dma source(%dma_start3A_1125 : memref<256xf32, #tpu.memory_space<vmem>>) target(%dma_start3A_1124 : memref<256xf32, #tpu.memory_space<hbm>>) target_semaphore(%arg9 : memref<!tpu.dma_semaphore, #tpu.memory_space<semaphore_mem>>)
    }
    %scan3A_551 = arith.constant 256 : i32
    %scan3A_552 = arith.constant 0 : i32
    %scan3A_553 = arith.constant 0 : i32
    %scan3A_554 = arith.constant 256 : i32
    %scan3A_555 = arith.addi %scan3A_553, %scan3A_554 : i32
    %scan3A_556 = arith.constant 1 : i32
    scf.for %scan3A_1116 = %scan3A_553 to %scan3A_555 step %scan3A_556  : i32 {
      %mul3A_1117 = arith.constant 256 : i32
      %mul3A_1118 = arith.muli %scan3A_1116, %mul3A_1117 : i32
      %dma_wait3A = tpu.memref_slice %arg4[%mul3A_1118] : memref<65536xf32, #tpu.memory_space<vmem>> -> memref<256xf32, #tpu.memory_space<vmem>>
      %dma_wait3A_1119 = arith.constant 0 : i32
      %dma_wait3A_1120 = tpu.memref_slice %arg3[%add3A_11, %scan3A_1116, %dma_wait3A_1119] : memref<64x256x256xf32, #tpu.memory_space<hbm>> -> memref<1x1x256xf32, #tpu.memory_space<hbm>>
      %dma_wait3A_1121 = tpu.memref_squeeze %dma_wait3A_1120 : memref<1x1x256xf32, #tpu.memory_space<hbm>> -> memref<256xf32, #tpu.memory_space<hbm>>
      %dma_wait3A_1122 = arith.constant 0 : i32
      %dma_wait3A_1123 = tpu.memref_slice %arg3[%add3A_11, %scan3A_1116, %dma_wait3A_1122] : memref<64x256x256xf32, #tpu.memory_space<hbm>> -> memref<1x1x256xf32, #tpu.memory_space<hbm>>
      %dma_wait3A_1124 = tpu.memref_squeeze %dma_wait3A_1123 : memref<1x1x256xf32, #tpu.memory_space<hbm>> -> memref<256xf32, #tpu.memory_space<hbm>>
      %dma_wait3A_1125 = tpu.memref_slice %arg4[%mul3A_1118] : memref<65536xf32, #tpu.memory_space<vmem>> -> memref<256xf32, #tpu.memory_space<vmem>>
      tpu.wait_dma2 semaphore(%arg9 : memref<!tpu.dma_semaphore, #tpu.memory_space<semaphore_mem>>) src(%dma_wait3A_1125 : memref<256xf32, #tpu.memory_space<vmem>>) dst(%dma_wait3A_1124 : memref<256xf32, #tpu.memory_space<hbm>>)
    }
    %scan3A_557 = arith.constant 256 : i32
    "tpu.trace_stop"() : () -> ()
    %mul3A_558 = arith.constant 2 : i32
    %mul3A_559 = arith.muli %add3A, %mul3A_558 : i32
    %add3A_560 = arith.constant 1 : i32
    %add3A_561 = arith.addi %mul3A_559, %add3A_560 : i32
    "tpu.trace_start"() <{level = 10 : i32, message = "sc_load"}> : () -> ()
    %scan3A_562 = arith.constant 0 : i32
    %scan3A_563 = arith.constant 0 : i32
    %scan3A_564 = arith.constant 256 : i32
    %scan3A_565 = arith.addi %scan3A_563, %scan3A_564 : i32
    %scan3A_566 = arith.constant 1 : i32
    scf.for %scan3A_1116 = %scan3A_563 to %scan3A_565 step %scan3A_566  : i32 {
      %mul3A_1117 = arith.constant 256 : i32
      %mul3A_1118 = arith.muli %scan3A_1116, %mul3A_1117 : i32
      %dma_start3A = tpu.memref_slice %arg4[%mul3A_1118] : memref<65536xf32, #tpu.memory_space<vmem>> -> memref<256xf32, #tpu.memory_space<vmem>>
      %dma_start3A_1119 = arith.constant 0 : i32
      %dma_start3A_1120 = tpu.memref_slice %arg2[%add3A_561, %scan3A_1116, %dma_start3A_1119] : memref<64x256x256xf32, #tpu.memory_space<hbm>> -> memref<1x1x256xf32, #tpu.memory_space<hbm>>
      %dma_start3A_1121 = tpu.memref_squeeze %dma_start3A_1120 : memref<1x1x256xf32, #tpu.memory_space<hbm>> -> memref<256xf32, #tpu.memory_space<hbm>>
      %dma_start3A_1122 = tpu.memref_slice %arg4[%mul3A_1118] : memref<65536xf32, #tpu.memory_space<vmem>> -> memref<256xf32, #tpu.memory_space<vmem>>
      %dma_start3A_1123 = arith.constant 0 : i32
      %dma_start3A_1124 = tpu.memref_slice %arg2[%add3A_561, %scan3A_1116, %dma_start3A_1123] : memref<64x256x256xf32, #tpu.memory_space<hbm>> -> memref<1x1x256xf32, #tpu.memory_space<hbm>>
      %dma_start3A_1125 = tpu.memref_squeeze %dma_start3A_1124 : memref<1x1x256xf32, #tpu.memory_space<hbm>> -> memref<256xf32, #tpu.memory_space<hbm>>
      tpu.enqueue_dma source(%dma_start3A_1125 : memref<256xf32, #tpu.memory_space<hbm>>) target(%dma_start3A_1122 : memref<256xf32, #tpu.memory_space<vmem>>) target_semaphore(%arg9 : memref<!tpu.dma_semaphore, #tpu.memory_space<semaphore_mem>>)
    }
    %scan3A_567 = arith.constant 256 : i32
    %swap3A_568 = arith.constant 0 : index
    %swap3A_569 = tpu.vector_load %arg7[%swap3A_568] {strides = array<i32>} : memref<256xf32, #tpu.memory_space<vmem>>, vector<16xf32>,
    tpu.vector_store %arg7[%swap3A_568], %broadcast_in_dim3A_2 {strides = array<i32>} : memref<256xf32, #tpu.memory_space<vmem>>, vector<16xf32>,
    %swap3A_570 = arith.constant 16 : index
    %swap3A_571 = tpu.vector_load %arg7[%swap3A_570] {strides = array<i32>} : memref<256xf32, #tpu.memory_space<vmem>>, vector<16xf32>,
    tpu.vector_store %arg7[%swap3A_570], %broadcast_in_dim3A_2 {strides = array<i32>} : memref<256xf32, #tpu.memory_space<vmem>>, vector<16xf32>,
    %swap3A_572 = arith.constant 32 : index
    %swap3A_573 = tpu.vector_load %arg7[%swap3A_572] {strides = array<i32>} : memref<256xf32, #tpu.memory_space<vmem>>, vector<16xf32>,
    tpu.vector_store %arg7[%swap3A_572], %broadcast_in_dim3A_2 {strides = array<i32>} : memref<256xf32, #tpu.memory_space<vmem>>, vector<16xf32>,
    %swap3A_574 = arith.constant 48 : index
    %swap3A_575 = tpu.vector_load %arg7[%swap3A_574] {strides = array<i32>} : memref<256xf32, #tpu.memory_space<vmem>>, vector<16xf32>,
    tpu.vector_store %arg7[%swap3A_574], %broadcast_in_dim3A_2 {strides = array<i32>} : memref<256xf32, #tpu.memory_space<vmem>>, vector<16xf32>,
    %swap3A_576 = arith.constant 64 : index
    %swap3A_577 = tpu.vector_load %arg7[%swap3A_576] {strides = array<i32>} : memref<256xf32, #tpu.memory_space<vmem>>, vector<16xf32>,
    tpu.vector_store %arg7[%swap3A_576], %broadcast_in_dim3A_2 {strides = array<i32>} : memref<256xf32, #tpu.memory_space<vmem>>, vector<16xf32>,
    %swap3A_578 = arith.constant 80 : index
    %swap3A_579 = tpu.vector_load %arg7[%swap3A_578] {strides = array<i32>} : memref<256xf32, #tpu.memory_space<vmem>>, vector<16xf32>,
    tpu.vector_store %arg7[%swap3A_578], %broadcast_in_dim3A_2 {strides = array<i32>} : memref<256xf32, #tpu.memory_space<vmem>>, vector<16xf32>,
    %swap3A_580 = arith.constant 96 : index
    %swap3A_581 = tpu.vector_load %arg7[%swap3A_580] {strides = array<i32>} : memref<256xf32, #tpu.memory_space<vmem>>, vector<16xf32>,
    tpu.vector_store %arg7[%swap3A_580], %broadcast_in_dim3A_2 {strides = array<i32>} : memref<256xf32, #tpu.memory_space<vmem>>, vector<16xf32>,
    %swap3A_582 = arith.constant 112 : index
    %swap3A_583 = tpu.vector_load %arg7[%swap3A_582] {strides = array<i32>} : memref<256xf32, #tpu.memory_space<vmem>>, vector<16xf32>,
    tpu.vector_store %arg7[%swap3A_582], %broadcast_in_dim3A_2 {strides = array<i32>} : memref<256xf32, #tpu.memory_space<vmem>>, vector<16xf32>,
    %swap3A_584 = arith.constant 128 : index
    %swap3A_585 = tpu.vector_load %arg7[%swap3A_584] {strides = array<i32>} : memref<256xf32, #tpu.memory_space<vmem>>, vector<16xf32>,
    tpu.vector_store %arg7[%swap3A_584], %broadcast_in_dim3A_2 {strides = array<i32>} : memref<256xf32, #tpu.memory_space<vmem>>, vector<16xf32>,
    %swap3A_586 = arith.constant 144 : index
    %swap3A_587 = tpu.vector_load %arg7[%swap3A_586] {strides = array<i32>} : memref<256xf32, #tpu.memory_space<vmem>>, vector<16xf32>,
    tpu.vector_store %arg7[%swap3A_586], %broadcast_in_dim3A_2 {strides = array<i32>} : memref<256xf32, #tpu.memory_space<vmem>>, vector<16xf32>,
    %swap3A_588 = arith.constant 160 : index
    %swap3A_589 = tpu.vector_load %arg7[%swap3A_588] {strides = array<i32>} : memref<256xf32, #tpu.memory_space<vmem>>, vector<16xf32>,
    tpu.vector_store %arg7[%swap3A_588], %broadcast_in_dim3A_2 {strides = array<i32>} : memref<256xf32, #tpu.memory_space<vmem>>, vector<16xf32>,
    %swap3A_590 = arith.constant 176 : index
    %swap3A_591 = tpu.vector_load %arg7[%swap3A_590] {strides = array<i32>} : memref<256xf32, #tpu.memory_space<vmem>>, vector<16xf32>,
    tpu.vector_store %arg7[%swap3A_590], %broadcast_in_dim3A_2 {strides = array<i32>} : memref<256xf32, #tpu.memory_space<vmem>>, vector<16xf32>,
    %swap3A_592 = arith.constant 192 : index
    %swap3A_593 = tpu.vector_load %arg7[%swap3A_592] {strides = array<i32>} : memref<256xf32, #tpu.memory_space<vmem>>, vector<16xf32>,
    tpu.vector_store %arg7[%swap3A_592], %broadcast_in_dim3A_2 {strides = array<i32>} : memref<256xf32, #tpu.memory_space<vmem>>, vector<16xf32>,
    %swap3A_594 = arith.constant 208 : index
    %swap3A_595 = tpu.vector_load %arg7[%swap3A_594] {strides = array<i32>} : memref<256xf32, #tpu.memory_space<vmem>>, vector<16xf32>,
    tpu.vector_store %arg7[%swap3A_594], %broadcast_in_dim3A_2 {strides = array<i32>} : memref<256xf32, #tpu.memory_space<vmem>>, vector<16xf32>,
    %swap3A_596 = arith.constant 224 : index
    %swap3A_597 = tpu.vector_load %arg7[%swap3A_596] {strides = array<i32>} : memref<256xf32, #tpu.memory_space<vmem>>, vector<16xf32>,
    tpu.vector_store %arg7[%swap3A_596], %broadcast_in_dim3A_2 {strides = array<i32>} : memref<256xf32, #tpu.memory_space<vmem>>, vector<16xf32>,
    %swap3A_598 = arith.constant 240 : index
    %swap3A_599 = tpu.vector_load %arg7[%swap3A_598] {strides = array<i32>} : memref<256xf32, #tpu.memory_space<vmem>>, vector<16xf32>,
    tpu.vector_store %arg7[%swap3A_598], %broadcast_in_dim3A_2 {strides = array<i32>} : memref<256xf32, #tpu.memory_space<vmem>>, vector<16xf32>,
    %scan3A_600 = arith.constant 0 : i32
    %scan3A_601 = arith.constant 0 : i32
    %scan3A_602 = arith.constant 256 : i32
    %scan3A_603 = arith.addi %scan3A_601, %scan3A_602 : i32
    %scan3A_604 = arith.constant 1 : i32
    scf.for %scan3A_1116 = %scan3A_601 to %scan3A_603 step %scan3A_604  : i32 {
      %mul3A_1117 = arith.constant 256 : i32
      %mul3A_1118 = arith.muli %scan3A_1116, %mul3A_1117 : i32
      %dma_wait3A = tpu.memref_slice %arg4[%mul3A_1118] : memref<65536xf32, #tpu.memory_space<vmem>> -> memref<256xf32, #tpu.memory_space<vmem>>
      %dma_wait3A_1119 = arith.constant 0 : i32
      %dma_wait3A_1120 = tpu.memref_slice %arg2[%add3A_561, %scan3A_1116, %dma_wait3A_1119] : memref<64x256x256xf32, #tpu.memory_space<hbm>> -> memref<1x1x256xf32, #tpu.memory_space<hbm>>
      %dma_wait3A_1121 = tpu.memref_squeeze %dma_wait3A_1120 : memref<1x1x256xf32, #tpu.memory_space<hbm>> -> memref<256xf32, #tpu.memory_space<hbm>>
      %dma_wait3A_1122 = tpu.memref_slice %arg4[%mul3A_1118] : memref<65536xf32, #tpu.memory_space<vmem>> -> memref<256xf32, #tpu.memory_space<vmem>>
      %dma_wait3A_1123 = arith.constant 0 : i32
      %dma_wait3A_1124 = tpu.memref_slice %arg2[%add3A_561, %scan3A_1116, %dma_wait3A_1123] : memref<64x256x256xf32, #tpu.memory_space<hbm>> -> memref<1x1x256xf32, #tpu.memory_space<hbm>>
      %dma_wait3A_1125 = tpu.memref_squeeze %dma_wait3A_1124 : memref<1x1x256xf32, #tpu.memory_space<hbm>> -> memref<256xf32, #tpu.memory_space<hbm>>
      tpu.wait_dma2 semaphore(%arg9 : memref<!tpu.dma_semaphore, #tpu.memory_space<semaphore_mem>>) src(%dma_wait3A_1125 : memref<256xf32, #tpu.memory_space<hbm>>) dst(%dma_wait3A_1122 : memref<256xf32, #tpu.memory_space<vmem>>)
    }
    %scan3A_605 = arith.constant 256 : i32
    "tpu.trace_stop"() : () -> ()
    "tpu.trace_start"() <{level = 10 : i32, message = "sc_init"}> : () -> ()
    %scan3A_606 = arith.constant 0 : i32
    %scan3A_607 = arith.constant 0 : i32
    %scan3A_608 = arith.constant 64 : i32
    %scan3A_609 = arith.addi %scan3A_607, %scan3A_608 : i32
    %scan3A_610 = arith.constant 1 : i32
    scf.for %scan3A_1116 = %scan3A_607 to %scan3A_609 step %scan3A_610  : i32 {
      %mul3A_1117 = arith.constant 4 : i32
      %mul3A_1118 = arith.muli %scan3A_1116, %mul3A_1117 : i32
      %add3A_1119 = arith.constant 0 : i32
      %add3A_1120 = arith.addi %mul3A_1118, %add3A_1119 : i32
      %mul3A_1121 = arith.constant 256 : i32
      %mul3A_1122 = arith.muli %add3A_1120, %mul3A_1121 : i32
      %broadcast_in_dim3A_1123 = arith.constant 0 : i32
      %broadcast_in_dim3A_1124 = vector.broadcast %broadcast_in_dim3A_1123 : i32 to vector<16xi32>
      %add3A_1125 = arith.constant 0 : i32
      %add3A_1126 = vector.broadcast %add3A_1125 : i32 to vector<16xi32>
      %add3A_1127 = arith.addi %add3A_1126, %iota3A : vector<16xi32>
      %add3A_1128 = arith.constant 0 : i32
      %add3A_1129 = arith.addi %mul3A_1122, %add3A_1128 : i32
      %get3A_1130 = arith.index_cast %add3A_1129 : i32 to index
      %get3A_1131 = tpu.vector_load %arg4[%get3A_1130] {strides = array<i32>} : memref<65536xf32, #tpu.memory_space<vmem>>, vector<16xf32>,
      %gt3A = arith.cmpf ogt, %get3A_1131, %broadcast_in_dim3A_4 : vector<16xf32>
      %select_n3A_1132 = arith.select %gt3A, %get3A_1131, %broadcast_in_dim3A_4 : vector<16xi1>, vector<16xf32>
      %select_n3A_1133 = arith.select %gt3A, %add3A_1127, %broadcast_in_dim3A_1124 : vector<16xi1>, vector<16xi32>
      %add3A_1134 = arith.constant 16 : i32
      %add3A_1135 = vector.broadcast %add3A_1134 : i32 to vector<16xi32>
      %add3A_1136 = arith.addi %add3A_1135, %iota3A : vector<16xi32>
      %add3A_1137 = arith.constant 16 : i32
      %add3A_1138 = arith.addi %mul3A_1122, %add3A_1137 : i32
      %get3A_1139 = arith.index_cast %add3A_1138 : i32 to index
      %get3A_1140 = tpu.vector_load %arg4[%get3A_1139] {strides = array<i32>} : memref<65536xf32, #tpu.memory_space<vmem>>, vector<16xf32>,
      %gt3A_1141 = arith.cmpf ogt, %get3A_1140, %select_n3A_1132 : vector<16xf32>
      %select_n3A_1142 = arith.select %gt3A_1141, %get3A_1140, %select_n3A_1132 : vector<16xi1>, vector<16xf32>
      %select_n3A_1143 = arith.select %gt3A_1141, %add3A_1136, %select_n3A_1133 : vector<16xi1>, vector<16xi32>
      %add3A_1144 = arith.constant 32 : i32
      %add3A_1145 = vector.broadcast %add3A_1144 : i32 to vector<16xi32>
      %add3A_1146 = arith.addi %add3A_1145, %iota3A : vector<16xi32>
      %add3A_1147 = arith.constant 32 : i32
      %add3A_1148 = arith.addi %mul3A_1122, %add3A_1147 : i32
      %get3A_1149 = arith.index_cast %add3A_1148 : i32 to index
      %get3A_1150 = tpu.vector_load %arg4[%get3A_1149] {strides = array<i32>} : memref<65536xf32, #tpu.memory_space<vmem>>, vector<16xf32>,
      %gt3A_1151 = arith.cmpf ogt, %get3A_1150, %select_n3A_1142 : vector<16xf32>
      %select_n3A_1152 = arith.select %gt3A_1151, %get3A_1150, %select_n3A_1142 : vector<16xi1>, vector<16xf32>
      %select_n3A_1153 = arith.select %gt3A_1151, %add3A_1146, %select_n3A_1143 : vector<16xi1>, vector<16xi32>
      %add3A_1154 = arith.constant 48 : i32
      %add3A_1155 = vector.broadcast %add3A_1154 : i32 to vector<16xi32>
      %add3A_1156 = arith.addi %add3A_1155, %iota3A : vector<16xi32>
      %add3A_1157 = arith.constant 48 : i32
      %add3A_1158 = arith.addi %mul3A_1122, %add3A_1157 : i32
      %get3A_1159 = arith.index_cast %add3A_1158 : i32 to index
      %get3A_1160 = tpu.vector_load %arg4[%get3A_1159] {strides = array<i32>} : memref<65536xf32, #tpu.memory_space<vmem>>, vector<16xf32>,
      %gt3A_1161 = arith.cmpf ogt, %get3A_1160, %select_n3A_1152 : vector<16xf32>
      %select_n3A_1162 = arith.select %gt3A_1161, %get3A_1160, %select_n3A_1152 : vector<16xi1>, vector<16xf32>
      %select_n3A_1163 = arith.select %gt3A_1161, %add3A_1156, %select_n3A_1153 : vector<16xi1>, vector<16xi32>
      %add3A_1164 = arith.constant 64 : i32
      %add3A_1165 = vector.broadcast %add3A_1164 : i32 to vector<16xi32>
      %add3A_1166 = arith.addi %add3A_1165, %iota3A : vector<16xi32>
      %add3A_1167 = arith.constant 64 : i32
      %add3A_1168 = arith.addi %mul3A_1122, %add3A_1167 : i32
      %get3A_1169 = arith.index_cast %add3A_1168 : i32 to index
      %get3A_1170 = tpu.vector_load %arg4[%get3A_1169] {strides = array<i32>} : memref<65536xf32, #tpu.memory_space<vmem>>, vector<16xf32>,
      %gt3A_1171 = arith.cmpf ogt, %get3A_1170, %select_n3A_1162 : vector<16xf32>
      %select_n3A_1172 = arith.select %gt3A_1171, %get3A_1170, %select_n3A_1162 : vector<16xi1>, vector<16xf32>
      %select_n3A_1173 = arith.select %gt3A_1171, %add3A_1166, %select_n3A_1163 : vector<16xi1>, vector<16xi32>
      %add3A_1174 = arith.constant 80 : i32
      %add3A_1175 = vector.broadcast %add3A_1174 : i32 to vector<16xi32>
      %add3A_1176 = arith.addi %add3A_1175, %iota3A : vector<16xi32>
      %add3A_1177 = arith.constant 80 : i32
      %add3A_1178 = arith.addi %mul3A_1122, %add3A_1177 : i32
      %get3A_1179 = arith.index_cast %add3A_1178 : i32 to index
      %get3A_1180 = tpu.vector_load %arg4[%get3A_1179] {strides = array<i32>} : memref<65536xf32, #tpu.memory_space<vmem>>, vector<16xf32>,
      %gt3A_1181 = arith.cmpf ogt, %get3A_1180, %select_n3A_1172 : vector<16xf32>
      %select_n3A_1182 = arith.select %gt3A_1181, %get3A_1180, %select_n3A_1172 : vector<16xi1>, vector<16xf32>
      %select_n3A_1183 = arith.select %gt3A_1181, %add3A_1176, %select_n3A_1173 : vector<16xi1>, vector<16xi32>
      %add3A_1184 = arith.constant 96 : i32
      %add3A_1185 = vector.broadcast %add3A_1184 : i32 to vector<16xi32>
      %add3A_1186 = arith.addi %add3A_1185, %iota3A : vector<16xi32>
      %add3A_1187 = arith.constant 96 : i32
      %add3A_1188 = arith.addi %mul3A_1122, %add3A_1187 : i32
      %get3A_1189 = arith.index_cast %add3A_1188 : i32 to index
      %get3A_1190 = tpu.vector_load %arg4[%get3A_1189] {strides = array<i32>} : memref<65536xf32, #tpu.memory_space<vmem>>, vector<16xf32>,
      %gt3A_1191 = arith.cmpf ogt, %get3A_1190, %select_n3A_1182 : vector<16xf32>
      %select_n3A_1192 = arith.select %gt3A_1191, %get3A_1190, %select_n3A_1182 : vector<16xi1>, vector<16xf32>
      %select_n3A_1193 = arith.select %gt3A_1191, %add3A_1186, %select_n3A_1183 : vector<16xi1>, vector<16xi32>
      %add3A_1194 = arith.constant 112 : i32
      %add3A_1195 = vector.broadcast %add3A_1194 : i32 to vector<16xi32>
      %add3A_1196 = arith.addi %add3A_1195, %iota3A : vector<16xi32>
      %add3A_1197 = arith.constant 112 : i32
      %add3A_1198 = arith.addi %mul3A_1122, %add3A_1197 : i32
      %get3A_1199 = arith.index_cast %add3A_1198 : i32 to index
      %get3A_1200 = tpu.vector_load %arg4[%get3A_1199] {strides = array<i32>} : memref<65536xf32, #tpu.memory_space<vmem>>, vector<16xf32>,
      %gt3A_1201 = arith.cmpf ogt, %get3A_1200, %select_n3A_1192 : vector<16xf32>
      %select_n3A_1202 = arith.select %gt3A_1201, %get3A_1200, %select_n3A_1192 : vector<16xi1>, vector<16xf32>
      %select_n3A_1203 = arith.select %gt3A_1201, %add3A_1196, %select_n3A_1193 : vector<16xi1>, vector<16xi32>
      %add3A_1204 = arith.constant 128 : i32
      %add3A_1205 = vector.broadcast %add3A_1204 : i32 to vector<16xi32>
      %add3A_1206 = arith.addi %add3A_1205, %iota3A : vector<16xi32>
      %add3A_1207 = arith.constant 128 : i32
      %add3A_1208 = arith.addi %mul3A_1122, %add3A_1207 : i32
      %get3A_1209 = arith.index_cast %add3A_1208 : i32 to index
      %get3A_1210 = tpu.vector_load %arg4[%get3A_1209] {strides = array<i32>} : memref<65536xf32, #tpu.memory_space<vmem>>, vector<16xf32>,
      %gt3A_1211 = arith.cmpf ogt, %get3A_1210, %select_n3A_1202 : vector<16xf32>
      %select_n3A_1212 = arith.select %gt3A_1211, %get3A_1210, %select_n3A_1202 : vector<16xi1>, vector<16xf32>
      %select_n3A_1213 = arith.select %gt3A_1211, %add3A_1206, %select_n3A_1203 : vector<16xi1>, vector<16xi32>
      %add3A_1214 = arith.constant 144 : i32
      %add3A_1215 = vector.broadcast %add3A_1214 : i32 to vector<16xi32>
      %add3A_1216 = arith.addi %add3A_1215, %iota3A : vector<16xi32>
      %add3A_1217 = arith.constant 144 : i32
      %add3A_1218 = arith.addi %mul3A_1122, %add3A_1217 : i32
      %get3A_1219 = arith.index_cast %add3A_1218 : i32 to index
      %get3A_1220 = tpu.vector_load %arg4[%get3A_1219] {strides = array<i32>} : memref<65536xf32, #tpu.memory_space<vmem>>, vector<16xf32>,
      %gt3A_1221 = arith.cmpf ogt, %get3A_1220, %select_n3A_1212 : vector<16xf32>
      %select_n3A_1222 = arith.select %gt3A_1221, %get3A_1220, %select_n3A_1212 : vector<16xi1>, vector<16xf32>
      %select_n3A_1223 = arith.select %gt3A_1221, %add3A_1216, %select_n3A_1213 : vector<16xi1>, vector<16xi32>
      %add3A_1224 = arith.constant 160 : i32
      %add3A_1225 = vector.broadcast %add3A_1224 : i32 to vector<16xi32>
      %add3A_1226 = arith.addi %add3A_1225, %iota3A : vector<16xi32>
      %add3A_1227 = arith.constant 160 : i32
      %add3A_1228 = arith.addi %mul3A_1122, %add3A_1227 : i32
      %get3A_1229 = arith.index_cast %add3A_1228 : i32 to index
      %get3A_1230 = tpu.vector_load %arg4[%get3A_1229] {strides = array<i32>} : memref<65536xf32, #tpu.memory_space<vmem>>, vector<16xf32>,
      %gt3A_1231 = arith.cmpf ogt, %get3A_1230, %select_n3A_1222 : vector<16xf32>
      %select_n3A_1232 = arith.select %gt3A_1231, %get3A_1230, %select_n3A_1222 : vector<16xi1>, vector<16xf32>
      %select_n3A_1233 = arith.select %gt3A_1231, %add3A_1226, %select_n3A_1223 : vector<16xi1>, vector<16xi32>
      %add3A_1234 = arith.constant 176 : i32
      %add3A_1235 = vector.broadcast %add3A_1234 : i32 to vector<16xi32>
      %add3A_1236 = arith.addi %add3A_1235, %iota3A : vector<16xi32>
      %add3A_1237 = arith.constant 176 : i32
      %add3A_1238 = arith.addi %mul3A_1122, %add3A_1237 : i32
      %get3A_1239 = arith.index_cast %add3A_1238 : i32 to index
      %get3A_1240 = tpu.vector_load %arg4[%get3A_1239] {strides = array<i32>} : memref<65536xf32, #tpu.memory_space<vmem>>, vector<16xf32>,
      %gt3A_1241 = arith.cmpf ogt, %get3A_1240, %select_n3A_1232 : vector<16xf32>
      %select_n3A_1242 = arith.select %gt3A_1241, %get3A_1240, %select_n3A_1232 : vector<16xi1>, vector<16xf32>
      %select_n3A_1243 = arith.select %gt3A_1241, %add3A_1236, %select_n3A_1233 : vector<16xi1>, vector<16xi32>
      %add3A_1244 = arith.constant 192 : i32
      %add3A_1245 = vector.broadcast %add3A_1244 : i32 to vector<16xi32>
      %add3A_1246 = arith.addi %add3A_1245, %iota3A : vector<16xi32>
      %add3A_1247 = arith.constant 192 : i32
      %add3A_1248 = arith.addi %mul3A_1122, %add3A_1247 : i32
      %get3A_1249 = arith.index_cast %add3A_1248 : i32 to index
      %get3A_1250 = tpu.vector_load %arg4[%get3A_1249] {strides = array<i32>} : memref<65536xf32, #tpu.memory_space<vmem>>, vector<16xf32>,
      %gt3A_1251 = arith.cmpf ogt, %get3A_1250, %select_n3A_1242 : vector<16xf32>
      %select_n3A_1252 = arith.select %gt3A_1251, %get3A_1250, %select_n3A_1242 : vector<16xi1>, vector<16xf32>
      %select_n3A_1253 = arith.select %gt3A_1251, %add3A_1246, %select_n3A_1243 : vector<16xi1>, vector<16xi32>
      %add3A_1254 = arith.constant 208 : i32
      %add3A_1255 = vector.broadcast %add3A_1254 : i32 to vector<16xi32>
      %add3A_1256 = arith.addi %add3A_1255, %iota3A : vector<16xi32>
      %add3A_1257 = arith.constant 208 : i32
      %add3A_1258 = arith.addi %mul3A_1122, %add3A_1257 : i32
      %get3A_1259 = arith.index_cast %add3A_1258 : i32 to index
      %get3A_1260 = tpu.vector_load %arg4[%get3A_1259] {strides = array<i32>} : memref<65536xf32, #tpu.memory_space<vmem>>, vector<16xf32>,
      %gt3A_1261 = arith.cmpf ogt, %get3A_1260, %select_n3A_1252 : vector<16xf32>
      %select_n3A_1262 = arith.select %gt3A_1261, %get3A_1260, %select_n3A_1252 : vector<16xi1>, vector<16xf32>
      %select_n3A_1263 = arith.select %gt3A_1261, %add3A_1256, %select_n3A_1253 : vector<16xi1>, vector<16xi32>
      %add3A_1264 = arith.constant 224 : i32
      %add3A_1265 = vector.broadcast %add3A_1264 : i32 to vector<16xi32>
      %add3A_1266 = arith.addi %add3A_1265, %iota3A : vector<16xi32>
      %add3A_1267 = arith.constant 224 : i32
      %add3A_1268 = arith.addi %mul3A_1122, %add3A_1267 : i32
      %get3A_1269 = arith.index_cast %add3A_1268 : i32 to index
      %get3A_1270 = tpu.vector_load %arg4[%get3A_1269] {strides = array<i32>} : memref<65536xf32, #tpu.memory_space<vmem>>, vector<16xf32>,
      %gt3A_1271 = arith.cmpf ogt, %get3A_1270, %select_n3A_1262 : vector<16xf32>
      %select_n3A_1272 = arith.select %gt3A_1271, %get3A_1270, %select_n3A_1262 : vector<16xi1>, vector<16xf32>
      %select_n3A_1273 = arith.select %gt3A_1271, %add3A_1266, %select_n3A_1263 : vector<16xi1>, vector<16xi32>
      %add3A_1274 = arith.constant 240 : i32
      %add3A_1275 = vector.broadcast %add3A_1274 : i32 to vector<16xi32>
      %add3A_1276 = arith.addi %add3A_1275, %iota3A : vector<16xi32>
      %add3A_1277 = arith.constant 240 : i32
      %add3A_1278 = arith.addi %mul3A_1122, %add3A_1277 : i32
      %get3A_1279 = arith.index_cast %add3A_1278 : i32 to index
      %get3A_1280 = tpu.vector_load %arg4[%get3A_1279] {strides = array<i32>} : memref<65536xf32, #tpu.memory_space<vmem>>, vector<16xf32>,
      %gt3A_1281 = arith.cmpf ogt, %get3A_1280, %select_n3A_1272 : vector<16xf32>
      %select_n3A_1282 = arith.select %gt3A_1281, %get3A_1280, %select_n3A_1272 : vector<16xi1>, vector<16xf32>
      %select_n3A_1283 = arith.select %gt3A_1281, %add3A_1276, %select_n3A_1273 : vector<16xi1>, vector<16xi32>
      %add3A_1284 = arith.constant 1 : i32
      %add3A_1285 = arith.addi %mul3A_1118, %add3A_1284 : i32
      %mul3A_1286 = arith.constant 256 : i32
      %mul3A_1287 = arith.muli %add3A_1285, %mul3A_1286 : i32
      %broadcast_in_dim3A_1288 = arith.constant 0 : i32
      %broadcast_in_dim3A_1289 = vector.broadcast %broadcast_in_dim3A_1288 : i32 to vector<16xi32>
      %add3A_1290 = arith.constant 0 : i32
      %add3A_1291 = vector.broadcast %add3A_1290 : i32 to vector<16xi32>
      %add3A_1292 = arith.addi %add3A_1291, %iota3A : vector<16xi32>
      %add3A_1293 = arith.constant 0 : i32
      %add3A_1294 = arith.addi %mul3A_1287, %add3A_1293 : i32
      %get3A_1295 = arith.index_cast %add3A_1294 : i32 to index
      %get3A_1296 = tpu.vector_load %arg4[%get3A_1295] {strides = array<i32>} : memref<65536xf32, #tpu.memory_space<vmem>>, vector<16xf32>,
      %gt3A_1297 = arith.cmpf ogt, %get3A_1296, %broadcast_in_dim3A_4 : vector<16xf32>
      %select_n3A_1298 = arith.select %gt3A_1297, %get3A_1296, %broadcast_in_dim3A_4 : vector<16xi1>, vector<16xf32>
      %select_n3A_1299 = arith.select %gt3A_1297, %add3A_1292, %broadcast_in_dim3A_1289 : vector<16xi1>, vector<16xi32>
      %add3A_1300 = arith.constant 16 : i32
      %add3A_1301 = vector.broadcast %add3A_1300 : i32 to vector<16xi32>
      %add3A_1302 = arith.addi %add3A_1301, %iota3A : vector<16xi32>
      %add3A_1303 = arith.constant 16 : i32
      %add3A_1304 = arith.addi %mul3A_1287, %add3A_1303 : i32
      %get3A_1305 = arith.index_cast %add3A_1304 : i32 to index
      %get3A_1306 = tpu.vector_load %arg4[%get3A_1305] {strides = array<i32>} : memref<65536xf32, #tpu.memory_space<vmem>>, vector<16xf32>,
      %gt3A_1307 = arith.cmpf ogt, %get3A_1306, %select_n3A_1298 : vector<16xf32>
      %select_n3A_1308 = arith.select %gt3A_1307, %get3A_1306, %select_n3A_1298 : vector<16xi1>, vector<16xf32>
      %select_n3A_1309 = arith.select %gt3A_1307, %add3A_1302, %select_n3A_1299 : vector<16xi1>, vector<16xi32>
      %add3A_1310 = arith.constant 32 : i32
      %add3A_1311 = vector.broadcast %add3A_1310 : i32 to vector<16xi32>
      %add3A_1312 = arith.addi %add3A_1311, %iota3A : vector<16xi32>
      %add3A_1313 = arith.constant 32 : i32
      %add3A_1314 = arith.addi %mul3A_1287, %add3A_1313 : i32
      %get3A_1315 = arith.index_cast %add3A_1314 : i32 to index
      %get3A_1316 = tpu.vector_load %arg4[%get3A_1315] {strides = array<i32>} : memref<65536xf32, #tpu.memory_space<vmem>>, vector<16xf32>,
      %gt3A_1317 = arith.cmpf ogt, %get3A_1316, %select_n3A_1308 : vector<16xf32>
      %select_n3A_1318 = arith.select %gt3A_1317, %get3A_1316, %select_n3A_1308 : vector<16xi1>, vector<16xf32>
      %select_n3A_1319 = arith.select %gt3A_1317, %add3A_1312, %select_n3A_1309 : vector<16xi1>, vector<16xi32>
      %add3A_1320 = arith.constant 48 : i32
      %add3A_1321 = vector.broadcast %add3A_1320 : i32 to vector<16xi32>
      %add3A_1322 = arith.addi %add3A_1321, %iota3A : vector<16xi32>
      %add3A_1323 = arith.constant 48 : i32
      %add3A_1324 = arith.addi %mul3A_1287, %add3A_1323 : i32
      %get3A_1325 = arith.index_cast %add3A_1324 : i32 to index
      %get3A_1326 = tpu.vector_load %arg4[%get3A_1325] {strides = array<i32>} : memref<65536xf32, #tpu.memory_space<vmem>>, vector<16xf32>,
      %gt3A_1327 = arith.cmpf ogt, %get3A_1326, %select_n3A_1318 : vector<16xf32>
      %select_n3A_1328 = arith.select %gt3A_1327, %get3A_1326, %select_n3A_1318 : vector<16xi1>, vector<16xf32>
      %select_n3A_1329 = arith.select %gt3A_1327, %add3A_1322, %select_n3A_1319 : vector<16xi1>, vector<16xi32>
      %add3A_1330 = arith.constant 64 : i32
      %add3A_1331 = vector.broadcast %add3A_1330 : i32 to vector<16xi32>
      %add3A_1332 = arith.addi %add3A_1331, %iota3A : vector<16xi32>
      %add3A_1333 = arith.constant 64 : i32
      %add3A_1334 = arith.addi %mul3A_1287, %add3A_1333 : i32
      %get3A_1335 = arith.index_cast %add3A_1334 : i32 to index
      %get3A_1336 = tpu.vector_load %arg4[%get3A_1335] {strides = array<i32>} : memref<65536xf32, #tpu.memory_space<vmem>>, vector<16xf32>,
      %gt3A_1337 = arith.cmpf ogt, %get3A_1336, %select_n3A_1328 : vector<16xf32>
      %select_n3A_1338 = arith.select %gt3A_1337, %get3A_1336, %select_n3A_1328 : vector<16xi1>, vector<16xf32>
      %select_n3A_1339 = arith.select %gt3A_1337, %add3A_1332, %select_n3A_1329 : vector<16xi1>, vector<16xi32>
      %add3A_1340 = arith.constant 80 : i32
      %add3A_1341 = vector.broadcast %add3A_1340 : i32 to vector<16xi32>
      %add3A_1342 = arith.addi %add3A_1341, %iota3A : vector<16xi32>
      %add3A_1343 = arith.constant 80 : i32
      %add3A_1344 = arith.addi %mul3A_1287, %add3A_1343 : i32
      %get3A_1345 = arith.index_cast %add3A_1344 : i32 to index
      %get3A_1346 = tpu.vector_load %arg4[%get3A_1345] {strides = array<i32>} : memref<65536xf32, #tpu.memory_space<vmem>>, vector<16xf32>,
      %gt3A_1347 = arith.cmpf ogt, %get3A_1346, %select_n3A_1338 : vector<16xf32>
      %select_n3A_1348 = arith.select %gt3A_1347, %get3A_1346, %select_n3A_1338 : vector<16xi1>, vector<16xf32>
      %select_n3A_1349 = arith.select %gt3A_1347, %add3A_1342, %select_n3A_1339 : vector<16xi1>, vector<16xi32>
      %add3A_1350 = arith.constant 96 : i32
      %add3A_1351 = vector.broadcast %add3A_1350 : i32 to vector<16xi32>
      %add3A_1352 = arith.addi %add3A_1351, %iota3A : vector<16xi32>
      %add3A_1353 = arith.constant 96 : i32
      %add3A_1354 = arith.addi %mul3A_1287, %add3A_1353 : i32
      %get3A_1355 = arith.index_cast %add3A_1354 : i32 to index
      %get3A_1356 = tpu.vector_load %arg4[%get3A_1355] {strides = array<i32>} : memref<65536xf32, #tpu.memory_space<vmem>>, vector<16xf32>,
      %gt3A_1357 = arith.cmpf ogt, %get3A_1356, %select_n3A_1348 : vector<16xf32>
      %select_n3A_1358 = arith.select %gt3A_1357, %get3A_1356, %select_n3A_1348 : vector<16xi1>, vector<16xf32>
      %select_n3A_1359 = arith.select %gt3A_1357, %add3A_1352, %select_n3A_1349 : vector<16xi1>, vector<16xi32>
      %add3A_1360 = arith.constant 112 : i32
      %add3A_1361 = vector.broadcast %add3A_1360 : i32 to vector<16xi32>
      %add3A_1362 = arith.addi %add3A_1361, %iota3A : vector<16xi32>
      %add3A_1363 = arith.constant 112 : i32
      %add3A_1364 = arith.addi %mul3A_1287, %add3A_1363 : i32
      %get3A_1365 = arith.index_cast %add3A_1364 : i32 to index
      %get3A_1366 = tpu.vector_load %arg4[%get3A_1365] {strides = array<i32>} : memref<65536xf32, #tpu.memory_space<vmem>>, vector<16xf32>,
      %gt3A_1367 = arith.cmpf ogt, %get3A_1366, %select_n3A_1358 : vector<16xf32>
      %select_n3A_1368 = arith.select %gt3A_1367, %get3A_1366, %select_n3A_1358 : vector<16xi1>, vector<16xf32>
      %select_n3A_1369 = arith.select %gt3A_1367, %add3A_1362, %select_n3A_1359 : vector<16xi1>, vector<16xi32>
      %add3A_1370 = arith.constant 128 : i32
      %add3A_1371 = vector.broadcast %add3A_1370 : i32 to vector<16xi32>
      %add3A_1372 = arith.addi %add3A_1371, %iota3A : vector<16xi32>
      %add3A_1373 = arith.constant 128 : i32
      %add3A_1374 = arith.addi %mul3A_1287, %add3A_1373 : i32
      %get3A_1375 = arith.index_cast %add3A_1374 : i32 to index
      %get3A_1376 = tpu.vector_load %arg4[%get3A_1375] {strides = array<i32>} : memref<65536xf32, #tpu.memory_space<vmem>>, vector<16xf32>,
      %gt3A_1377 = arith.cmpf ogt, %get3A_1376, %select_n3A_1368 : vector<16xf32>
      %select_n3A_1378 = arith.select %gt3A_1377, %get3A_1376, %select_n3A_1368 : vector<16xi1>, vector<16xf32>
      %select_n3A_1379 = arith.select %gt3A_1377, %add3A_1372, %select_n3A_1369 : vector<16xi1>, vector<16xi32>
      %add3A_1380 = arith.constant 144 : i32
      %add3A_1381 = vector.broadcast %add3A_1380 : i32 to vector<16xi32>
      %add3A_1382 = arith.addi %add3A_1381, %iota3A : vector<16xi32>
      %add3A_1383 = arith.constant 144 : i32
      %add3A_1384 = arith.addi %mul3A_1287, %add3A_1383 : i32
      %get3A_1385 = arith.index_cast %add3A_1384 : i32 to index
      %get3A_1386 = tpu.vector_load %arg4[%get3A_1385] {strides = array<i32>} : memref<65536xf32, #tpu.memory_space<vmem>>, vector<16xf32>,
      %gt3A_1387 = arith.cmpf ogt, %get3A_1386, %select_n3A_1378 : vector<16xf32>
      %select_n3A_1388 = arith.select %gt3A_1387, %get3A_1386, %select_n3A_1378 : vector<16xi1>, vector<16xf32>
      %select_n3A_1389 = arith.select %gt3A_1387, %add3A_1382, %select_n3A_1379 : vector<16xi1>, vector<16xi32>
      %add3A_1390 = arith.constant 160 : i32
      %add3A_1391 = vector.broadcast %add3A_1390 : i32 to vector<16xi32>
      %add3A_1392 = arith.addi %add3A_1391, %iota3A : vector<16xi32>
      %add3A_1393 = arith.constant 160 : i32
      %add3A_1394 = arith.addi %mul3A_1287, %add3A_1393 : i32
      %get3A_1395 = arith.index_cast %add3A_1394 : i32 to index
      %get3A_1396 = tpu.vector_load %arg4[%get3A_1395] {strides = array<i32>} : memref<65536xf32, #tpu.memory_space<vmem>>, vector<16xf32>,
      %gt3A_1397 = arith.cmpf ogt, %get3A_1396, %select_n3A_1388 : vector<16xf32>
      %select_n3A_1398 = arith.select %gt3A_1397, %get3A_1396, %select_n3A_1388 : vector<16xi1>, vector<16xf32>
      %select_n3A_1399 = arith.select %gt3A_1397, %add3A_1392, %select_n3A_1389 : vector<16xi1>, vector<16xi32>
      %add3A_1400 = arith.constant 176 : i32
      %add3A_1401 = vector.broadcast %add3A_1400 : i32 to vector<16xi32>
      %add3A_1402 = arith.addi %add3A_1401, %iota3A : vector<16xi32>
      %add3A_1403 = arith.constant 176 : i32
      %add3A_1404 = arith.addi %mul3A_1287, %add3A_1403 : i32
      %get3A_1405 = arith.index_cast %add3A_1404 : i32 to index
      %get3A_1406 = tpu.vector_load %arg4[%get3A_1405] {strides = array<i32>} : memref<65536xf32, #tpu.memory_space<vmem>>, vector<16xf32>,
      %gt3A_1407 = arith.cmpf ogt, %get3A_1406, %select_n3A_1398 : vector<16xf32>
      %select_n3A_1408 = arith.select %gt3A_1407, %get3A_1406, %select_n3A_1398 : vector<16xi1>, vector<16xf32>
      %select_n3A_1409 = arith.select %gt3A_1407, %add3A_1402, %select_n3A_1399 : vector<16xi1>, vector<16xi32>
      %add3A_1410 = arith.constant 192 : i32
      %add3A_1411 = vector.broadcast %add3A_1410 : i32 to vector<16xi32>
      %add3A_1412 = arith.addi %add3A_1411, %iota3A : vector<16xi32>
      %add3A_1413 = arith.constant 192 : i32
      %add3A_1414 = arith.addi %mul3A_1287, %add3A_1413 : i32
      %get3A_1415 = arith.index_cast %add3A_1414 : i32 to index
      %get3A_1416 = tpu.vector_load %arg4[%get3A_1415] {strides = array<i32>} : memref<65536xf32, #tpu.memory_space<vmem>>, vector<16xf32>,
      %gt3A_1417 = arith.cmpf ogt, %get3A_1416, %select_n3A_1408 : vector<16xf32>
      %select_n3A_1418 = arith.select %gt3A_1417, %get3A_1416, %select_n3A_1408 : vector<16xi1>, vector<16xf32>
      %select_n3A_1419 = arith.select %gt3A_1417, %add3A_1412, %select_n3A_1409 : vector<16xi1>, vector<16xi32>
      %add3A_1420 = arith.constant 208 : i32
      %add3A_1421 = vector.broadcast %add3A_1420 : i32 to vector<16xi32>
      %add3A_1422 = arith.addi %add3A_1421, %iota3A : vector<16xi32>
      %add3A_1423 = arith.constant 208 : i32
      %add3A_1424 = arith.addi %mul3A_1287, %add3A_1423 : i32
      %get3A_1425 = arith.index_cast %add3A_1424 : i32 to index
      %get3A_1426 = tpu.vector_load %arg4[%get3A_1425] {strides = array<i32>} : memref<65536xf32, #tpu.memory_space<vmem>>, vector<16xf32>,
      %gt3A_1427 = arith.cmpf ogt, %get3A_1426, %select_n3A_1418 : vector<16xf32>
      %select_n3A_1428 = arith.select %gt3A_1427, %get3A_1426, %select_n3A_1418 : vector<16xi1>, vector<16xf32>
      %select_n3A_1429 = arith.select %gt3A_1427, %add3A_1422, %select_n3A_1419 : vector<16xi1>, vector<16xi32>
      %add3A_1430 = arith.constant 224 : i32
      %add3A_1431 = vector.broadcast %add3A_1430 : i32 to vector<16xi32>
      %add3A_1432 = arith.addi %add3A_1431, %iota3A : vector<16xi32>
      %add3A_1433 = arith.constant 224 : i32
      %add3A_1434 = arith.addi %mul3A_1287, %add3A_1433 : i32
      %get3A_1435 = arith.index_cast %add3A_1434 : i32 to index
      %get3A_1436 = tpu.vector_load %arg4[%get3A_1435] {strides = array<i32>} : memref<65536xf32, #tpu.memory_space<vmem>>, vector<16xf32>,
      %gt3A_1437 = arith.cmpf ogt, %get3A_1436, %select_n3A_1428 : vector<16xf32>
      %select_n3A_1438 = arith.select %gt3A_1437, %get3A_1436, %select_n3A_1428 : vector<16xi1>, vector<16xf32>
      %select_n3A_1439 = arith.select %gt3A_1437, %add3A_1432, %select_n3A_1429 : vector<16xi1>, vector<16xi32>
      %add3A_1440 = arith.constant 240 : i32
      %add3A_1441 = vector.broadcast %add3A_1440 : i32 to vector<16xi32>
      %add3A_1442 = arith.addi %add3A_1441, %iota3A : vector<16xi32>
      %add3A_1443 = arith.constant 240 : i32
      %add3A_1444 = arith.addi %mul3A_1287, %add3A_1443 : i32
      %get3A_1445 = arith.index_cast %add3A_1444 : i32 to index
      %get3A_1446 = tpu.vector_load %arg4[%get3A_1445] {strides = array<i32>} : memref<65536xf32, #tpu.memory_space<vmem>>, vector<16xf32>,
      %gt3A_1447 = arith.cmpf ogt, %get3A_1446, %select_n3A_1438 : vector<16xf32>
      %select_n3A_1448 = arith.select %gt3A_1447, %get3A_1446, %select_n3A_1438 : vector<16xi1>, vector<16xf32>
      %select_n3A_1449 = arith.select %gt3A_1447, %add3A_1442, %select_n3A_1439 : vector<16xi1>, vector<16xi32>
      %add3A_1450 = arith.constant 2 : i32
      %add3A_1451 = arith.addi %mul3A_1118, %add3A_1450 : i32
      %mul3A_1452 = arith.constant 256 : i32
      %mul3A_1453 = arith.muli %add3A_1451, %mul3A_1452 : i32
      %broadcast_in_dim3A_1454 = arith.constant 0 : i32
      %broadcast_in_dim3A_1455 = vector.broadcast %broadcast_in_dim3A_1454 : i32 to vector<16xi32>
      %add3A_1456 = arith.constant 0 : i32
      %add3A_1457 = vector.broadcast %add3A_1456 : i32 to vector<16xi32>
      %add3A_1458 = arith.addi %add3A_1457, %iota3A : vector<16xi32>
      %add3A_1459 = arith.constant 0 : i32
      %add3A_1460 = arith.addi %mul3A_1453, %add3A_1459 : i32
      %get3A_1461 = arith.index_cast %add3A_1460 : i32 to index
      %get3A_1462 = tpu.vector_load %arg4[%get3A_1461] {strides = array<i32>} : memref<65536xf32, #tpu.memory_space<vmem>>, vector<16xf32>,
      %gt3A_1463 = arith.cmpf ogt, %get3A_1462, %broadcast_in_dim3A_4 : vector<16xf32>
      %select_n3A_1464 = arith.select %gt3A_1463, %get3A_1462, %broadcast_in_dim3A_4 : vector<16xi1>, vector<16xf32>
      %select_n3A_1465 = arith.select %gt3A_1463, %add3A_1458, %broadcast_in_dim3A_1455 : vector<16xi1>, vector<16xi32>
      %add3A_1466 = arith.constant 16 : i32
      %add3A_1467 = vector.broadcast %add3A_1466 : i32 to vector<16xi32>
      %add3A_1468 = arith.addi %add3A_1467, %iota3A : vector<16xi32>
      %add3A_1469 = arith.constant 16 : i32
      %add3A_1470 = arith.addi %mul3A_1453, %add3A_1469 : i32
      %get3A_1471 = arith.index_cast %add3A_1470 : i32 to index
      %get3A_1472 = tpu.vector_load %arg4[%get3A_1471] {strides = array<i32>} : memref<65536xf32, #tpu.memory_space<vmem>>, vector<16xf32>,
      %gt3A_1473 = arith.cmpf ogt, %get3A_1472, %select_n3A_1464 : vector<16xf32>
      %select_n3A_1474 = arith.select %gt3A_1473, %get3A_1472, %select_n3A_1464 : vector<16xi1>, vector<16xf32>
      %select_n3A_1475 = arith.select %gt3A_1473, %add3A_1468, %select_n3A_1465 : vector<16xi1>, vector<16xi32>
      %add3A_1476 = arith.constant 32 : i32
      %add3A_1477 = vector.broadcast %add3A_1476 : i32 to vector<16xi32>
      %add3A_1478 = arith.addi %add3A_1477, %iota3A : vector<16xi32>
      %add3A_1479 = arith.constant 32 : i32
      %add3A_1480 = arith.addi %mul3A_1453, %add3A_1479 : i32
      %get3A_1481 = arith.index_cast %add3A_1480 : i32 to index
      %get3A_1482 = tpu.vector_load %arg4[%get3A_1481] {strides = array<i32>} : memref<65536xf32, #tpu.memory_space<vmem>>, vector<16xf32>,
      %gt3A_1483 = arith.cmpf ogt, %get3A_1482, %select_n3A_1474 : vector<16xf32>
      %select_n3A_1484 = arith.select %gt3A_1483, %get3A_1482, %select_n3A_1474 : vector<16xi1>, vector<16xf32>
      %select_n3A_1485 = arith.select %gt3A_1483, %add3A_1478, %select_n3A_1475 : vector<16xi1>, vector<16xi32>
      %add3A_1486 = arith.constant 48 : i32
      %add3A_1487 = vector.broadcast %add3A_1486 : i32 to vector<16xi32>
      %add3A_1488 = arith.addi %add3A_1487, %iota3A : vector<16xi32>
      %add3A_1489 = arith.constant 48 : i32
      %add3A_1490 = arith.addi %mul3A_1453, %add3A_1489 : i32
      %get3A_1491 = arith.index_cast %add3A_1490 : i32 to index
      %get3A_1492 = tpu.vector_load %arg4[%get3A_1491] {strides = array<i32>} : memref<65536xf32, #tpu.memory_space<vmem>>, vector<16xf32>,
      %gt3A_1493 = arith.cmpf ogt, %get3A_1492, %select_n3A_1484 : vector<16xf32>
      %select_n3A_1494 = arith.select %gt3A_1493, %get3A_1492, %select_n3A_1484 : vector<16xi1>, vector<16xf32>
      %select_n3A_1495 = arith.select %gt3A_1493, %add3A_1488, %select_n3A_1485 : vector<16xi1>, vector<16xi32>
      %add3A_1496 = arith.constant 64 : i32
      %add3A_1497 = vector.broadcast %add3A_1496 : i32 to vector<16xi32>
      %add3A_1498 = arith.addi %add3A_1497, %iota3A : vector<16xi32>
      %add3A_1499 = arith.constant 64 : i32
      %add3A_1500 = arith.addi %mul3A_1453, %add3A_1499 : i32
      %get3A_1501 = arith.index_cast %add3A_1500 : i32 to index
      %get3A_1502 = tpu.vector_load %arg4[%get3A_1501] {strides = array<i32>} : memref<65536xf32, #tpu.memory_space<vmem>>, vector<16xf32>,
      %gt3A_1503 = arith.cmpf ogt, %get3A_1502, %select_n3A_1494 : vector<16xf32>
      %select_n3A_1504 = arith.select %gt3A_1503, %get3A_1502, %select_n3A_1494 : vector<16xi1>, vector<16xf32>
      %select_n3A_1505 = arith.select %gt3A_1503, %add3A_1498, %select_n3A_1495 : vector<16xi1>, vector<16xi32>
      %add3A_1506 = arith.constant 80 : i32
      %add3A_1507 = vector.broadcast %add3A_1506 : i32 to vector<16xi32>
      %add3A_1508 = arith.addi %add3A_1507, %iota3A : vector<16xi32>
      %add3A_1509 = arith.constant 80 : i32
      %add3A_1510 = arith.addi %mul3A_1453, %add3A_1509 : i32
      %get3A_1511 = arith.index_cast %add3A_1510 : i32 to index
      %get3A_1512 = tpu.vector_load %arg4[%get3A_1511] {strides = array<i32>} : memref<65536xf32, #tpu.memory_space<vmem>>, vector<16xf32>,
      %gt3A_1513 = arith.cmpf ogt, %get3A_1512, %select_n3A_1504 : vector<16xf32>
      %select_n3A_1514 = arith.select %gt3A_1513, %get3A_1512, %select_n3A_1504 : vector<16xi1>, vector<16xf32>
      %select_n3A_1515 = arith.select %gt3A_1513, %add3A_1508, %select_n3A_1505 : vector<16xi1>, vector<16xi32>
      %add3A_1516 = arith.constant 96 : i32
      %add3A_1517 = vector.broadcast %add3A_1516 : i32 to vector<16xi32>
      %add3A_1518 = arith.addi %add3A_1517, %iota3A : vector<16xi32>
      %add3A_1519 = arith.constant 96 : i32
      %add3A_1520 = arith.addi %mul3A_1453, %add3A_1519 : i32
      %get3A_1521 = arith.index_cast %add3A_1520 : i32 to index
      %get3A_1522 = tpu.vector_load %arg4[%get3A_1521] {strides = array<i32>} : memref<65536xf32, #tpu.memory_space<vmem>>, vector<16xf32>,
      %gt3A_1523 = arith.cmpf ogt, %get3A_1522, %select_n3A_1514 : vector<16xf32>
      %select_n3A_1524 = arith.select %gt3A_1523, %get3A_1522, %select_n3A_1514 : vector<16xi1>, vector<16xf32>
      %select_n3A_1525 = arith.select %gt3A_1523, %add3A_1518, %select_n3A_1515 : vector<16xi1>, vector<16xi32>
      %add3A_1526 = arith.constant 112 : i32
      %add3A_1527 = vector.broadcast %add3A_1526 : i32 to vector<16xi32>
      %add3A_1528 = arith.addi %add3A_1527, %iota3A : vector<16xi32>
      %add3A_1529 = arith.constant 112 : i32
      %add3A_1530 = arith.addi %mul3A_1453, %add3A_1529 : i32
      %get3A_1531 = arith.index_cast %add3A_1530 : i32 to index
      %get3A_1532 = tpu.vector_load %arg4[%get3A_1531] {strides = array<i32>} : memref<65536xf32, #tpu.memory_space<vmem>>, vector<16xf32>,
      %gt3A_1533 = arith.cmpf ogt, %get3A_1532, %select_n3A_1524 : vector<16xf32>
      %select_n3A_1534 = arith.select %gt3A_1533, %get3A_1532, %select_n3A_1524 : vector<16xi1>, vector<16xf32>
      %select_n3A_1535 = arith.select %gt3A_1533, %add3A_1528, %select_n3A_1525 : vector<16xi1>, vector<16xi32>
      %add3A_1536 = arith.constant 128 : i32
      %add3A_1537 = vector.broadcast %add3A_1536 : i32 to vector<16xi32>
      %add3A_1538 = arith.addi %add3A_1537, %iota3A : vector<16xi32>
      %add3A_1539 = arith.constant 128 : i32
      %add3A_1540 = arith.addi %mul3A_1453, %add3A_1539 : i32
      %get3A_1541 = arith.index_cast %add3A_1540 : i32 to index
      %get3A_1542 = tpu.vector_load %arg4[%get3A_1541] {strides = array<i32>} : memref<65536xf32, #tpu.memory_space<vmem>>, vector<16xf32>,
      %gt3A_1543 = arith.cmpf ogt, %get3A_1542, %select_n3A_1534 : vector<16xf32>
      %select_n3A_1544 = arith.select %gt3A_1543, %get3A_1542, %select_n3A_1534 : vector<16xi1>, vector<16xf32>
      %select_n3A_1545 = arith.select %gt3A_1543, %add3A_1538, %select_n3A_1535 : vector<16xi1>, vector<16xi32>
      %add3A_1546 = arith.constant 144 : i32
      %add3A_1547 = vector.broadcast %add3A_1546 : i32 to vector<16xi32>
      %add3A_1548 = arith.addi %add3A_1547, %iota3A : vector<16xi32>
      %add3A_1549 = arith.constant 144 : i32
      %add3A_1550 = arith.addi %mul3A_1453, %add3A_1549 : i32
      %get3A_1551 = arith.index_cast %add3A_1550 : i32 to index
      %get3A_1552 = tpu.vector_load %arg4[%get3A_1551] {strides = array<i32>} : memref<65536xf32, #tpu.memory_space<vmem>>, vector<16xf32>,
      %gt3A_1553 = arith.cmpf ogt, %get3A_1552, %select_n3A_1544 : vector<16xf32>
      %select_n3A_1554 = arith.select %gt3A_1553, %get3A_1552, %select_n3A_1544 : vector<16xi1>, vector<16xf32>
      %select_n3A_1555 = arith.select %gt3A_1553, %add3A_1548, %select_n3A_1545 : vector<16xi1>, vector<16xi32>
      %add3A_1556 = arith.constant 160 : i32
      %add3A_1557 = vector.broadcast %add3A_1556 : i32 to vector<16xi32>
      %add3A_1558 = arith.addi %add3A_1557, %iota3A : vector<16xi32>
      %add3A_1559 = arith.constant 160 : i32
      %add3A_1560 = arith.addi %mul3A_1453, %add3A_1559 : i32
      %get3A_1561 = arith.index_cast %add3A_1560 : i32 to index
      %get3A_1562 = tpu.vector_load %arg4[%get3A_1561] {strides = array<i32>} : memref<65536xf32, #tpu.memory_space<vmem>>, vector<16xf32>,
      %gt3A_1563 = arith.cmpf ogt, %get3A_1562, %select_n3A_1554 : vector<16xf32>
      %select_n3A_1564 = arith.select %gt3A_1563, %get3A_1562, %select_n3A_1554 : vector<16xi1>, vector<16xf32>
      %select_n3A_1565 = arith.select %gt3A_1563, %add3A_1558, %select_n3A_1555 : vector<16xi1>, vector<16xi32>
      %add3A_1566 = arith.constant 176 : i32
      %add3A_1567 = vector.broadcast %add3A_1566 : i32 to vector<16xi32>
      %add3A_1568 = arith.addi %add3A_1567, %iota3A : vector<16xi32>
      %add3A_1569 = arith.constant 176 : i32
      %add3A_1570 = arith.addi %mul3A_1453, %add3A_1569 : i32
      %get3A_1571 = arith.index_cast %add3A_1570 : i32 to index
      %get3A_1572 = tpu.vector_load %arg4[%get3A_1571] {strides = array<i32>} : memref<65536xf32, #tpu.memory_space<vmem>>, vector<16xf32>,
      %gt3A_1573 = arith.cmpf ogt, %get3A_1572, %select_n3A_1564 : vector<16xf32>
      %select_n3A_1574 = arith.select %gt3A_1573, %get3A_1572, %select_n3A_1564 : vector<16xi1>, vector<16xf32>
      %select_n3A_1575 = arith.select %gt3A_1573, %add3A_1568, %select_n3A_1565 : vector<16xi1>, vector<16xi32>
      %add3A_1576 = arith.constant 192 : i32
      %add3A_1577 = vector.broadcast %add3A_1576 : i32 to vector<16xi32>
      %add3A_1578 = arith.addi %add3A_1577, %iota3A : vector<16xi32>
      %add3A_1579 = arith.constant 192 : i32
      %add3A_1580 = arith.addi %mul3A_1453, %add3A_1579 : i32
      %get3A_1581 = arith.index_cast %add3A_1580 : i32 to index
      %get3A_1582 = tpu.vector_load %arg4[%get3A_1581] {strides = array<i32>} : memref<65536xf32, #tpu.memory_space<vmem>>, vector<16xf32>,
      %gt3A_1583 = arith.cmpf ogt, %get3A_1582, %select_n3A_1574 : vector<16xf32>
      %select_n3A_1584 = arith.select %gt3A_1583, %get3A_1582, %select_n3A_1574 : vector<16xi1>, vector<16xf32>
      %select_n3A_1585 = arith.select %gt3A_1583, %add3A_1578, %select_n3A_1575 : vector<16xi1>, vector<16xi32>
      %add3A_1586 = arith.constant 208 : i32
      %add3A_1587 = vector.broadcast %add3A_1586 : i32 to vector<16xi32>
      %add3A_1588 = arith.addi %add3A_1587, %iota3A : vector<16xi32>
      %add3A_1589 = arith.constant 208 : i32
      %add3A_1590 = arith.addi %mul3A_1453, %add3A_1589 : i32
      %get3A_1591 = arith.index_cast %add3A_1590 : i32 to index
      %get3A_1592 = tpu.vector_load %arg4[%get3A_1591] {strides = array<i32>} : memref<65536xf32, #tpu.memory_space<vmem>>, vector<16xf32>,
      %gt3A_1593 = arith.cmpf ogt, %get3A_1592, %select_n3A_1584 : vector<16xf32>
      %select_n3A_1594 = arith.select %gt3A_1593, %get3A_1592, %select_n3A_1584 : vector<16xi1>, vector<16xf32>
      %select_n3A_1595 = arith.select %gt3A_1593, %add3A_1588, %select_n3A_1585 : vector<16xi1>, vector<16xi32>
      %add3A_1596 = arith.constant 224 : i32
      %add3A_1597 = vector.broadcast %add3A_1596 : i32 to vector<16xi32>
      %add3A_1598 = arith.addi %add3A_1597, %iota3A : vector<16xi32>
      %add3A_1599 = arith.constant 224 : i32
      %add3A_1600 = arith.addi %mul3A_1453, %add3A_1599 : i32
      %get3A_1601 = arith.index_cast %add3A_1600 : i32 to index
      %get3A_1602 = tpu.vector_load %arg4[%get3A_1601] {strides = array<i32>} : memref<65536xf32, #tpu.memory_space<vmem>>, vector<16xf32>,
      %gt3A_1603 = arith.cmpf ogt, %get3A_1602, %select_n3A_1594 : vector<16xf32>
      %select_n3A_1604 = arith.select %gt3A_1603, %get3A_1602, %select_n3A_1594 : vector<16xi1>, vector<16xf32>
      %select_n3A_1605 = arith.select %gt3A_1603, %add3A_1598, %select_n3A_1595 : vector<16xi1>, vector<16xi32>
      %add3A_1606 = arith.constant 240 : i32
      %add3A_1607 = vector.broadcast %add3A_1606 : i32 to vector<16xi32>
      %add3A_1608 = arith.addi %add3A_1607, %iota3A : vector<16xi32>
      %add3A_1609 = arith.constant 240 : i32
      %add3A_1610 = arith.addi %mul3A_1453, %add3A_1609 : i32
      %get3A_1611 = arith.index_cast %add3A_1610 : i32 to index
      %get3A_1612 = tpu.vector_load %arg4[%get3A_1611] {strides = array<i32>} : memref<65536xf32, #tpu.memory_space<vmem>>, vector<16xf32>,
      %gt3A_1613 = arith.cmpf ogt, %get3A_1612, %select_n3A_1604 : vector<16xf32>
      %select_n3A_1614 = arith.select %gt3A_1613, %get3A_1612, %select_n3A_1604 : vector<16xi1>, vector<16xf32>
      %select_n3A_1615 = arith.select %gt3A_1613, %add3A_1608, %select_n3A_1605 : vector<16xi1>, vector<16xi32>
      %add3A_1616 = arith.constant 3 : i32
      %add3A_1617 = arith.addi %mul3A_1118, %add3A_1616 : i32
      %mul3A_1618 = arith.constant 256 : i32
      %mul3A_1619 = arith.muli %add3A_1617, %mul3A_1618 : i32
      %broadcast_in_dim3A_1620 = arith.constant 0 : i32
      %broadcast_in_dim3A_1621 = vector.broadcast %broadcast_in_dim3A_1620 : i32 to vector<16xi32>
      %add3A_1622 = arith.constant 0 : i32
      %add3A_1623 = vector.broadcast %add3A_1622 : i32 to vector<16xi32>
      %add3A_1624 = arith.addi %add3A_1623, %iota3A : vector<16xi32>
      %add3A_1625 = arith.constant 0 : i32
      %add3A_1626 = arith.addi %mul3A_1619, %add3A_1625 : i32
      %get3A_1627 = arith.index_cast %add3A_1626 : i32 to index
      %get3A_1628 = tpu.vector_load %arg4[%get3A_1627] {strides = array<i32>} : memref<65536xf32, #tpu.memory_space<vmem>>, vector<16xf32>,
      %gt3A_1629 = arith.cmpf ogt, %get3A_1628, %broadcast_in_dim3A_4 : vector<16xf32>
      %select_n3A_1630 = arith.select %gt3A_1629, %get3A_1628, %broadcast_in_dim3A_4 : vector<16xi1>, vector<16xf32>
      %select_n3A_1631 = arith.select %gt3A_1629, %add3A_1624, %broadcast_in_dim3A_1621 : vector<16xi1>, vector<16xi32>
      %add3A_1632 = arith.constant 16 : i32
      %add3A_1633 = vector.broadcast %add3A_1632 : i32 to vector<16xi32>
      %add3A_1634 = arith.addi %add3A_1633, %iota3A : vector<16xi32>
      %add3A_1635 = arith.constant 16 : i32
      %add3A_1636 = arith.addi %mul3A_1619, %add3A_1635 : i32
      %get3A_1637 = arith.index_cast %add3A_1636 : i32 to index
      %get3A_1638 = tpu.vector_load %arg4[%get3A_1637] {strides = array<i32>} : memref<65536xf32, #tpu.memory_space<vmem>>, vector<16xf32>,
      %gt3A_1639 = arith.cmpf ogt, %get3A_1638, %select_n3A_1630 : vector<16xf32>
      %select_n3A_1640 = arith.select %gt3A_1639, %get3A_1638, %select_n3A_1630 : vector<16xi1>, vector<16xf32>
      %select_n3A_1641 = arith.select %gt3A_1639, %add3A_1634, %select_n3A_1631 : vector<16xi1>, vector<16xi32>
      %add3A_1642 = arith.constant 32 : i32
      %add3A_1643 = vector.broadcast %add3A_1642 : i32 to vector<16xi32>
      %add3A_1644 = arith.addi %add3A_1643, %iota3A : vector<16xi32>
      %add3A_1645 = arith.constant 32 : i32
      %add3A_1646 = arith.addi %mul3A_1619, %add3A_1645 : i32
      %get3A_1647 = arith.index_cast %add3A_1646 : i32 to index
      %get3A_1648 = tpu.vector_load %arg4[%get3A_1647] {strides = array<i32>} : memref<65536xf32, #tpu.memory_space<vmem>>, vector<16xf32>,
      %gt3A_1649 = arith.cmpf ogt, %get3A_1648, %select_n3A_1640 : vector<16xf32>
      %select_n3A_1650 = arith.select %gt3A_1649, %get3A_1648, %select_n3A_1640 : vector<16xi1>, vector<16xf32>
      %select_n3A_1651 = arith.select %gt3A_1649, %add3A_1644, %select_n3A_1641 : vector<16xi1>, vector<16xi32>
      %add3A_1652 = arith.constant 48 : i32
      %add3A_1653 = vector.broadcast %add3A_1652 : i32 to vector<16xi32>
      %add3A_1654 = arith.addi %add3A_1653, %iota3A : vector<16xi32>
      %add3A_1655 = arith.constant 48 : i32
      %add3A_1656 = arith.addi %mul3A_1619, %add3A_1655 : i32
      %get3A_1657 = arith.index_cast %add3A_1656 : i32 to index
      %get3A_1658 = tpu.vector_load %arg4[%get3A_1657] {strides = array<i32>} : memref<65536xf32, #tpu.memory_space<vmem>>, vector<16xf32>,
      %gt3A_1659 = arith.cmpf ogt, %get3A_1658, %select_n3A_1650 : vector<16xf32>
      %select_n3A_1660 = arith.select %gt3A_1659, %get3A_1658, %select_n3A_1650 : vector<16xi1>, vector<16xf32>
      %select_n3A_1661 = arith.select %gt3A_1659, %add3A_1654, %select_n3A_1651 : vector<16xi1>, vector<16xi32>
      %add3A_1662 = arith.constant 64 : i32
      %add3A_1663 = vector.broadcast %add3A_1662 : i32 to vector<16xi32>
      %add3A_1664 = arith.addi %add3A_1663, %iota3A : vector<16xi32>
      %add3A_1665 = arith.constant 64 : i32
      %add3A_1666 = arith.addi %mul3A_1619, %add3A_1665 : i32
      %get3A_1667 = arith.index_cast %add3A_1666 : i32 to index
      %get3A_1668 = tpu.vector_load %arg4[%get3A_1667] {strides = array<i32>} : memref<65536xf32, #tpu.memory_space<vmem>>, vector<16xf32>,
      %gt3A_1669 = arith.cmpf ogt, %get3A_1668, %select_n3A_1660 : vector<16xf32>
      %select_n3A_1670 = arith.select %gt3A_1669, %get3A_1668, %select_n3A_1660 : vector<16xi1>, vector<16xf32>
      %select_n3A_1671 = arith.select %gt3A_1669, %add3A_1664, %select_n3A_1661 : vector<16xi1>, vector<16xi32>
      %add3A_1672 = arith.constant 80 : i32
      %add3A_1673 = vector.broadcast %add3A_1672 : i32 to vector<16xi32>
      %add3A_1674 = arith.addi %add3A_1673, %iota3A : vector<16xi32>
      %add3A_1675 = arith.constant 80 : i32
      %add3A_1676 = arith.addi %mul3A_1619, %add3A_1675 : i32
      %get3A_1677 = arith.index_cast %add3A_1676 : i32 to index
      %get3A_1678 = tpu.vector_load %arg4[%get3A_1677] {strides = array<i32>} : memref<65536xf32, #tpu.memory_space<vmem>>, vector<16xf32>,
      %gt3A_1679 = arith.cmpf ogt, %get3A_1678, %select_n3A_1670 : vector<16xf32>
      %select_n3A_1680 = arith.select %gt3A_1679, %get3A_1678, %select_n3A_1670 : vector<16xi1>, vector<16xf32>
      %select_n3A_1681 = arith.select %gt3A_1679, %add3A_1674, %select_n3A_1671 : vector<16xi1>, vector<16xi32>
      %add3A_1682 = arith.constant 96 : i32
      %add3A_1683 = vector.broadcast %add3A_1682 : i32 to vector<16xi32>
      %add3A_1684 = arith.addi %add3A_1683, %iota3A : vector<16xi32>
      %add3A_1685 = arith.constant 96 : i32
      %add3A_1686 = arith.addi %mul3A_1619, %add3A_1685 : i32
      %get3A_1687 = arith.index_cast %add3A_1686 : i32 to index
      %get3A_1688 = tpu.vector_load %arg4[%get3A_1687] {strides = array<i32>} : memref<65536xf32, #tpu.memory_space<vmem>>, vector<16xf32>,
      %gt3A_1689 = arith.cmpf ogt, %get3A_1688, %select_n3A_1680 : vector<16xf32>
      %select_n3A_1690 = arith.select %gt3A_1689, %get3A_1688, %select_n3A_1680 : vector<16xi1>, vector<16xf32>
      %select_n3A_1691 = arith.select %gt3A_1689, %add3A_1684, %select_n3A_1681 : vector<16xi1>, vector<16xi32>
      %add3A_1692 = arith.constant 112 : i32
      %add3A_1693 = vector.broadcast %add3A_1692 : i32 to vector<16xi32>
      %add3A_1694 = arith.addi %add3A_1693, %iota3A : vector<16xi32>
      %add3A_1695 = arith.constant 112 : i32
      %add3A_1696 = arith.addi %mul3A_1619, %add3A_1695 : i32
      %get3A_1697 = arith.index_cast %add3A_1696 : i32 to index
      %get3A_1698 = tpu.vector_load %arg4[%get3A_1697] {strides = array<i32>} : memref<65536xf32, #tpu.memory_space<vmem>>, vector<16xf32>,
      %gt3A_1699 = arith.cmpf ogt, %get3A_1698, %select_n3A_1690 : vector<16xf32>
      %select_n3A_1700 = arith.select %gt3A_1699, %get3A_1698, %select_n3A_1690 : vector<16xi1>, vector<16xf32>
      %select_n3A_1701 = arith.select %gt3A_1699, %add3A_1694, %select_n3A_1691 : vector<16xi1>, vector<16xi32>
      %add3A_1702 = arith.constant 128 : i32
      %add3A_1703 = vector.broadcast %add3A_1702 : i32 to vector<16xi32>
      %add3A_1704 = arith.addi %add3A_1703, %iota3A : vector<16xi32>
      %add3A_1705 = arith.constant 128 : i32
      %add3A_1706 = arith.addi %mul3A_1619, %add3A_1705 : i32
      %get3A_1707 = arith.index_cast %add3A_1706 : i32 to index
      %get3A_1708 = tpu.vector_load %arg4[%get3A_1707] {strides = array<i32>} : memref<65536xf32, #tpu.memory_space<vmem>>, vector<16xf32>,
      %gt3A_1709 = arith.cmpf ogt, %get3A_1708, %select_n3A_1700 : vector<16xf32>
      %select_n3A_1710 = arith.select %gt3A_1709, %get3A_1708, %select_n3A_1700 : vector<16xi1>, vector<16xf32>
      %select_n3A_1711 = arith.select %gt3A_1709, %add3A_1704, %select_n3A_1701 : vector<16xi1>, vector<16xi32>
      %add3A_1712 = arith.constant 144 : i32
      %add3A_1713 = vector.broadcast %add3A_1712 : i32 to vector<16xi32>
      %add3A_1714 = arith.addi %add3A_1713, %iota3A : vector<16xi32>
      %add3A_1715 = arith.constant 144 : i32
      %add3A_1716 = arith.addi %mul3A_1619, %add3A_1715 : i32
      %get3A_1717 = arith.index_cast %add3A_1716 : i32 to index
      %get3A_1718 = tpu.vector_load %arg4[%get3A_1717] {strides = array<i32>} : memref<65536xf32, #tpu.memory_space<vmem>>, vector<16xf32>,
      %gt3A_1719 = arith.cmpf ogt, %get3A_1718, %select_n3A_1710 : vector<16xf32>
      %select_n3A_1720 = arith.select %gt3A_1719, %get3A_1718, %select_n3A_1710 : vector<16xi1>, vector<16xf32>
      %select_n3A_1721 = arith.select %gt3A_1719, %add3A_1714, %select_n3A_1711 : vector<16xi1>, vector<16xi32>
      %add3A_1722 = arith.constant 160 : i32
      %add3A_1723 = vector.broadcast %add3A_1722 : i32 to vector<16xi32>
      %add3A_1724 = arith.addi %add3A_1723, %iota3A : vector<16xi32>
      %add3A_1725 = arith.constant 160 : i32
      %add3A_1726 = arith.addi %mul3A_1619, %add3A_1725 : i32
      %get3A_1727 = arith.index_cast %add3A_1726 : i32 to index
      %get3A_1728 = tpu.vector_load %arg4[%get3A_1727] {strides = array<i32>} : memref<65536xf32, #tpu.memory_space<vmem>>, vector<16xf32>,
      %gt3A_1729 = arith.cmpf ogt, %get3A_1728, %select_n3A_1720 : vector<16xf32>
      %select_n3A_1730 = arith.select %gt3A_1729, %get3A_1728, %select_n3A_1720 : vector<16xi1>, vector<16xf32>
      %select_n3A_1731 = arith.select %gt3A_1729, %add3A_1724, %select_n3A_1721 : vector<16xi1>, vector<16xi32>
      %add3A_1732 = arith.constant 176 : i32
      %add3A_1733 = vector.broadcast %add3A_1732 : i32 to vector<16xi32>
      %add3A_1734 = arith.addi %add3A_1733, %iota3A : vector<16xi32>
      %add3A_1735 = arith.constant 176 : i32
      %add3A_1736 = arith.addi %mul3A_1619, %add3A_1735 : i32
      %get3A_1737 = arith.index_cast %add3A_1736 : i32 to index
      %get3A_1738 = tpu.vector_load %arg4[%get3A_1737] {strides = array<i32>} : memref<65536xf32, #tpu.memory_space<vmem>>, vector<16xf32>,
      %gt3A_1739 = arith.cmpf ogt, %get3A_1738, %select_n3A_1730 : vector<16xf32>
      %select_n3A_1740 = arith.select %gt3A_1739, %get3A_1738, %select_n3A_1730 : vector<16xi1>, vector<16xf32>
      %select_n3A_1741 = arith.select %gt3A_1739, %add3A_1734, %select_n3A_1731 : vector<16xi1>, vector<16xi32>
      %add3A_1742 = arith.constant 192 : i32
      %add3A_1743 = vector.broadcast %add3A_1742 : i32 to vector<16xi32>
      %add3A_1744 = arith.addi %add3A_1743, %iota3A : vector<16xi32>
      %add3A_1745 = arith.constant 192 : i32
      %add3A_1746 = arith.addi %mul3A_1619, %add3A_1745 : i32
      %get3A_1747 = arith.index_cast %add3A_1746 : i32 to index
      %get3A_1748 = tpu.vector_load %arg4[%get3A_1747] {strides = array<i32>} : memref<65536xf32, #tpu.memory_space<vmem>>, vector<16xf32>,
      %gt3A_1749 = arith.cmpf ogt, %get3A_1748, %select_n3A_1740 : vector<16xf32>
      %select_n3A_1750 = arith.select %gt3A_1749, %get3A_1748, %select_n3A_1740 : vector<16xi1>, vector<16xf32>
      %select_n3A_1751 = arith.select %gt3A_1749, %add3A_1744, %select_n3A_1741 : vector<16xi1>, vector<16xi32>
      %add3A_1752 = arith.constant 208 : i32
      %add3A_1753 = vector.broadcast %add3A_1752 : i32 to vector<16xi32>
      %add3A_1754 = arith.addi %add3A_1753, %iota3A : vector<16xi32>
      %add3A_1755 = arith.constant 208 : i32
      %add3A_1756 = arith.addi %mul3A_1619, %add3A_1755 : i32
      %get3A_1757 = arith.index_cast %add3A_1756 : i32 to index
      %get3A_1758 = tpu.vector_load %arg4[%get3A_1757] {strides = array<i32>} : memref<65536xf32, #tpu.memory_space<vmem>>, vector<16xf32>,
      %gt3A_1759 = arith.cmpf ogt, %get3A_1758, %select_n3A_1750 : vector<16xf32>
      %select_n3A_1760 = arith.select %gt3A_1759, %get3A_1758, %select_n3A_1750 : vector<16xi1>, vector<16xf32>
      %select_n3A_1761 = arith.select %gt3A_1759, %add3A_1754, %select_n3A_1751 : vector<16xi1>, vector<16xi32>
      %add3A_1762 = arith.constant 224 : i32
      %add3A_1763 = vector.broadcast %add3A_1762 : i32 to vector<16xi32>
      %add3A_1764 = arith.addi %add3A_1763, %iota3A : vector<16xi32>
      %add3A_1765 = arith.constant 224 : i32
      %add3A_1766 = arith.addi %mul3A_1619, %add3A_1765 : i32
      %get3A_1767 = arith.index_cast %add3A_1766 : i32 to index
      %get3A_1768 = tpu.vector_load %arg4[%get3A_1767] {strides = array<i32>} : memref<65536xf32, #tpu.memory_space<vmem>>, vector<16xf32>,
      %gt3A_1769 = arith.cmpf ogt, %get3A_1768, %select_n3A_1760 : vector<16xf32>
      %select_n3A_1770 = arith.select %gt3A_1769, %get3A_1768, %select_n3A_1760 : vector<16xi1>, vector<16xf32>
      %select_n3A_1771 = arith.select %gt3A_1769, %add3A_1764, %select_n3A_1761 : vector<16xi1>, vector<16xi32>
      %add3A_1772 = arith.constant 240 : i32
      %add3A_1773 = vector.broadcast %add3A_1772 : i32 to vector<16xi32>
      %add3A_1774 = arith.addi %add3A_1773, %iota3A : vector<16xi32>
      %add3A_1775 = arith.constant 240 : i32
      %add3A_1776 = arith.addi %mul3A_1619, %add3A_1775 : i32
      %get3A_1777 = arith.index_cast %add3A_1776 : i32 to index
      %get3A_1778 = tpu.vector_load %arg4[%get3A_1777] {strides = array<i32>} : memref<65536xf32, #tpu.memory_space<vmem>>, vector<16xf32>,
      %gt3A_1779 = arith.cmpf ogt, %get3A_1778, %select_n3A_1770 : vector<16xf32>
      %select_n3A_1780 = arith.select %gt3A_1779, %get3A_1778, %select_n3A_1770 : vector<16xi1>, vector<16xf32>
      %select_n3A_1781 = arith.select %gt3A_1779, %add3A_1774, %select_n3A_1771 : vector<16xi1>, vector<16xi32>
      %reduce_max3A_1782 = arith.constant true
      %reduce_max3A_1783 = vector.broadcast %reduce_max3A_1782 : i1 to vector<16xi1>
      %reduce_max3A_1784 = tpu.scan <max>, %select_n3A_1282 masked %reduce_max3A_1783 : vector<16xf32>, vector<16xi1> -> vector<16xf32>
      %reduce_max3A_1785 = vector.extract %reduce_max3A_1784[15] : f32 from vector<16xf32>
      %ge3A_1786 = vector.broadcast %reduce_max3A_1785 : f32 to vector<16xf32>
      %ge3A_1787 = arith.cmpf oge, %select_n3A_1282, %ge3A_1786 : vector<16xf32>
      %jit3A = arith.constant 256 : i32
      %broadcast_in_dim3A_1788 = vector.broadcast %jit3A : i32 to vector<16xi32>
      %select_n3A_1789 = arith.select %ge3A_1787, %select_n3A_1283, %broadcast_in_dim3A_1788 : vector<16xi1>, vector<16xi32>
      %reduce_min3A = arith.constant true
      %reduce_min3A_1790 = vector.broadcast %reduce_min3A : i1 to vector<16xi1>
      %reduce_min3A_1791 = arith.constant -2147483648 : i32
      %reduce_min3A_1792 = vector.broadcast %reduce_min3A_1791 : i32 to vector<16xi32>
      %reduce_min3A_1793 = arith.xori %select_n3A_1789, %reduce_min3A_1792 : vector<16xi32>
      %reduce_min3A_1794 = tpu.scan <min>, %reduce_min3A_1793 masked %reduce_min3A_1790 : vector<16xi32>, vector<16xi1> -> vector<16xi32>
      %reduce_min3A_1795 = arith.xori %reduce_min3A_1794, %reduce_min3A_1792 : vector<16xi32>
      %reduce_min3A_1796 = vector.extract %reduce_min3A_1795[15] : i32 from vector<16xi32>
      %reduce_max3A_1797 = arith.constant true
      %reduce_max3A_1798 = vector.broadcast %reduce_max3A_1797 : i1 to vector<16xi1>
      %reduce_max3A_1799 = tpu.scan <max>, %select_n3A_1448 masked %reduce_max3A_1798 : vector<16xf32>, vector<16xi1> -> vector<16xf32>
      %reduce_max3A_1800 = vector.extract %reduce_max3A_1799[15] : f32 from vector<16xf32>
      %ge3A_1801 = vector.broadcast %reduce_max3A_1800 : f32 to vector<16xf32>
      %ge3A_1802 = arith.cmpf oge, %select_n3A_1448, %ge3A_1801 : vector<16xf32>
      %jit3A_1803 = arith.constant 256 : i32
      %broadcast_in_dim3A_1804 = vector.broadcast %jit3A_1803 : i32 to vector<16xi32>
      %select_n3A_1805 = arith.select %ge3A_1802, %select_n3A_1449, %broadcast_in_dim3A_1804 : vector<16xi1>, vector<16xi32>
      %reduce_min3A_1806 = arith.constant true
      %reduce_min3A_1807 = vector.broadcast %reduce_min3A_1806 : i1 to vector<16xi1>
      %reduce_min3A_1808 = arith.constant -2147483648 : i32
      %reduce_min3A_1809 = vector.broadcast %reduce_min3A_1808 : i32 to vector<16xi32>
      %reduce_min3A_1810 = arith.xori %select_n3A_1805, %reduce_min3A_1809 : vector<16xi32>
      %reduce_min3A_1811 = tpu.scan <min>, %reduce_min3A_1810 masked %reduce_min3A_1807 : vector<16xi32>, vector<16xi1> -> vector<16xi32>
      %reduce_min3A_1812 = arith.xori %reduce_min3A_1811, %reduce_min3A_1809 : vector<16xi32>
      %reduce_min3A_1813 = vector.extract %reduce_min3A_1812[15] : i32 from vector<16xi32>
      %reduce_max3A_1814 = arith.constant true
      %reduce_max3A_1815 = vector.broadcast %reduce_max3A_1814 : i1 to vector<16xi1>
      %reduce_max3A_1816 = tpu.scan <max>, %select_n3A_1614 masked %reduce_max3A_1815 : vector<16xf32>, vector<16xi1> -> vector<16xf32>
      %reduce_max3A_1817 = vector.extract %reduce_max3A_1816[15] : f32 from vector<16xf32>
      %ge3A_1818 = vector.broadcast %reduce_max3A_1817 : f32 to vector<16xf32>
      %ge3A_1819 = arith.cmpf oge, %select_n3A_1614, %ge3A_1818 : vector<16xf32>
      %jit3A_1820 = arith.constant 256 : i32
      %broadcast_in_dim3A_1821 = vector.broadcast %jit3A_1820 : i32 to vector<16xi32>
      %select_n3A_1822 = arith.select %ge3A_1819, %select_n3A_1615, %broadcast_in_dim3A_1821 : vector<16xi1>, vector<16xi32>
      %reduce_min3A_1823 = arith.constant true
      %reduce_min3A_1824 = vector.broadcast %reduce_min3A_1823 : i1 to vector<16xi1>
      %reduce_min3A_1825 = arith.constant -2147483648 : i32
      %reduce_min3A_1826 = vector.broadcast %reduce_min3A_1825 : i32 to vector<16xi32>
      %reduce_min3A_1827 = arith.xori %select_n3A_1822, %reduce_min3A_1826 : vector<16xi32>
      %reduce_min3A_1828 = tpu.scan <min>, %reduce_min3A_1827 masked %reduce_min3A_1824 : vector<16xi32>, vector<16xi1> -> vector<16xi32>
      %reduce_min3A_1829 = arith.xori %reduce_min3A_1828, %reduce_min3A_1826 : vector<16xi32>
      %reduce_min3A_1830 = vector.extract %reduce_min3A_1829[15] : i32 from vector<16xi32>
      %reduce_max3A_1831 = arith.constant true
      %reduce_max3A_1832 = vector.broadcast %reduce_max3A_1831 : i1 to vector<16xi1>
      %reduce_max3A_1833 = tpu.scan <max>, %select_n3A_1780 masked %reduce_max3A_1832 : vector<16xf32>, vector<16xi1> -> vector<16xf32>
      %reduce_max3A_1834 = vector.extract %reduce_max3A_1833[15] : f32 from vector<16xf32>
      %ge3A_1835 = vector.broadcast %reduce_max3A_1834 : f32 to vector<16xf32>
      %ge3A_1836 = arith.cmpf oge, %select_n3A_1780, %ge3A_1835 : vector<16xf32>
      %jit3A_1837 = arith.constant 256 : i32
      %broadcast_in_dim3A_1838 = vector.broadcast %jit3A_1837 : i32 to vector<16xi32>
      %select_n3A_1839 = arith.select %ge3A_1836, %select_n3A_1781, %broadcast_in_dim3A_1838 : vector<16xi1>, vector<16xi32>
      %reduce_min3A_1840 = arith.constant true
      %reduce_min3A_1841 = vector.broadcast %reduce_min3A_1840 : i1 to vector<16xi1>
      %reduce_min3A_1842 = arith.constant -2147483648 : i32
      %reduce_min3A_1843 = vector.broadcast %reduce_min3A_1842 : i32 to vector<16xi32>
      %reduce_min3A_1844 = arith.xori %select_n3A_1839, %reduce_min3A_1843 : vector<16xi32>
      %reduce_min3A_1845 = tpu.scan <min>, %reduce_min3A_1844 masked %reduce_min3A_1841 : vector<16xi32>, vector<16xi1> -> vector<16xi32>
      %reduce_min3A_1846 = arith.xori %reduce_min3A_1845, %reduce_min3A_1843 : vector<16xi32>
      %reduce_min3A_1847 = vector.extract %reduce_min3A_1846[15] : i32 from vector<16xi32>
      %add3A_1848 = arith.constant 0 : i32
      %add3A_1849 = arith.addi %mul3A_1118, %add3A_1848 : i32
      %broadcast_in_dim3A_1850 = vector.broadcast %add3A_1849 : i32 to vector<16xi32>
      %broadcast_in_dim3A_1851 = vector.broadcast %reduce_max3A_1785 : f32 to vector<16xf32>
      tpu.vector_store_idx %arg5[%broadcast_in_dim3A_1850], %broadcast_in_dim3A_1851 masked %eq3A_1 : memref<256xf32, #tpu.memory_space<vmem>>[vector<16xi32>], vector<16xf32>, vector<16xi1>
      %add3A_1852 = arith.constant 0 : i32
      %add3A_1853 = arith.addi %mul3A_1118, %add3A_1852 : i32
      %broadcast_in_dim3A_1854 = vector.broadcast %add3A_1853 : i32 to vector<16xi32>
      %broadcast_in_dim3A_1855 = vector.broadcast %reduce_min3A_1796 : i32 to vector<16xi32>
      tpu.vector_store_idx %arg6[%broadcast_in_dim3A_1854], %broadcast_in_dim3A_1855 masked %eq3A_1 : memref<256xi32, #tpu.memory_space<vmem>>[vector<16xi32>], vector<16xi32>, vector<16xi1>
      %add3A_1856 = arith.constant 1 : i32
      %add3A_1857 = arith.addi %mul3A_1118, %add3A_1856 : i32
      %broadcast_in_dim3A_1858 = vector.broadcast %add3A_1857 : i32 to vector<16xi32>
      %broadcast_in_dim3A_1859 = vector.broadcast %reduce_max3A_1800 : f32 to vector<16xf32>
      tpu.vector_store_idx %arg5[%broadcast_in_dim3A_1858], %broadcast_in_dim3A_1859 masked %eq3A_1 : memref<256xf32, #tpu.memory_space<vmem>>[vector<16xi32>], vector<16xf32>, vector<16xi1>
      %add3A_1860 = arith.constant 1 : i32
      %add3A_1861 = arith.addi %mul3A_1118, %add3A_1860 : i32
      %broadcast_in_dim3A_1862 = vector.broadcast %add3A_1861 : i32 to vector<16xi32>
      %broadcast_in_dim3A_1863 = vector.broadcast %reduce_min3A_1813 : i32 to vector<16xi32>
      tpu.vector_store_idx %arg6[%broadcast_in_dim3A_1862], %broadcast_in_dim3A_1863 masked %eq3A_1 : memref<256xi32, #tpu.memory_space<vmem>>[vector<16xi32>], vector<16xi32>, vector<16xi1>
      %add3A_1864 = arith.constant 2 : i32
      %add3A_1865 = arith.addi %mul3A_1118, %add3A_1864 : i32
      %broadcast_in_dim3A_1866 = vector.broadcast %add3A_1865 : i32 to vector<16xi32>
      %broadcast_in_dim3A_1867 = vector.broadcast %reduce_max3A_1817 : f32 to vector<16xf32>
      tpu.vector_store_idx %arg5[%broadcast_in_dim3A_1866], %broadcast_in_dim3A_1867 masked %eq3A_1 : memref<256xf32, #tpu.memory_space<vmem>>[vector<16xi32>], vector<16xf32>, vector<16xi1>
      %add3A_1868 = arith.constant 2 : i32
      %add3A_1869 = arith.addi %mul3A_1118, %add3A_1868 : i32
      %broadcast_in_dim3A_1870 = vector.broadcast %add3A_1869 : i32 to vector<16xi32>
      %broadcast_in_dim3A_1871 = vector.broadcast %reduce_min3A_1830 : i32 to vector<16xi32>
      tpu.vector_store_idx %arg6[%broadcast_in_dim3A_1870], %broadcast_in_dim3A_1871 masked %eq3A_1 : memref<256xi32, #tpu.memory_space<vmem>>[vector<16xi32>], vector<16xi32>, vector<16xi1>
      %add3A_1872 = arith.constant 3 : i32
      %add3A_1873 = arith.addi %mul3A_1118, %add3A_1872 : i32
      %broadcast_in_dim3A_1874 = vector.broadcast %add3A_1873 : i32 to vector<16xi32>
      %broadcast_in_dim3A_1875 = vector.broadcast %reduce_max3A_1834 : f32 to vector<16xf32>
      tpu.vector_store_idx %arg5[%broadcast_in_dim3A_1874], %broadcast_in_dim3A_1875 masked %eq3A_1 : memref<256xf32, #tpu.memory_space<vmem>>[vector<16xi32>], vector<16xf32>, vector<16xi1>
      %add3A_1876 = arith.constant 3 : i32
      %add3A_1877 = arith.addi %mul3A_1118, %add3A_1876 : i32
      %broadcast_in_dim3A_1878 = vector.broadcast %add3A_1877 : i32 to vector<16xi32>
      %broadcast_in_dim3A_1879 = vector.broadcast %reduce_min3A_1847 : i32 to vector<16xi32>
      tpu.vector_store_idx %arg6[%broadcast_in_dim3A_1878], %broadcast_in_dim3A_1879 masked %eq3A_1 : memref<256xi32, #tpu.memory_space<vmem>>[vector<16xi32>], vector<16xi32>, vector<16xi1>
    }
    %scan3A_611 = arith.constant 64 : i32
    %broadcast_in_dim3A_612 = arith.constant 0 : i32
    "tpu.trace_stop"() : () -> ()
    %broadcast_in_dim3A_613 = vector.broadcast %broadcast_in_dim3A_612 : i32 to vector<16xi32>
    %get3A_614 = arith.constant 0 : index
    %get3A_615 = tpu.vector_load %arg5[%get3A_614] {strides = array<i32>} : memref<256xf32, #tpu.memory_space<vmem>>, vector<16xf32>,
    %reduce_max3A_616 = arith.constant true
    %reduce_max3A_617 = vector.broadcast %reduce_max3A_616 : i1 to vector<16xi1>
    %reduce_max3A_618 = tpu.scan <max>, %get3A_615 masked %reduce_max3A_617 : vector<16xf32>, vector<16xi1> -> vector<16xf32>
    %reduce_max3A_619 = vector.extract %reduce_max3A_618[15] : f32 from vector<16xf32>
    %broadcast_in_dim3A_620 = arith.constant 0 : i32
    %broadcast_in_dim3A_621 = vector.broadcast %broadcast_in_dim3A_620 : i32 to vector<16xi32>
    %ge3A_622 = vector.broadcast %reduce_max3A_619 : f32 to vector<16xf32>
    %ge3A_623 = arith.cmpf oge, %get3A_615, %ge3A_622 : vector<16xf32>
    %all_reduce_ffs3A_624 = tpu.all_reduce %ge3A_623 {dim = 0 : i64, kind = #tpu.reduction_kind<find_first_set>} : vector<16xi1> -> vector<16xi32>
    %add3A_625 = arith.addi %broadcast_in_dim3A_621, %all_reduce_ffs3A_624 : vector<16xi32>
    %eq3A_626 = arith.constant 0 : i32
    %eq3A_627 = vector.broadcast %eq3A_626 : i32 to vector<16xi32>
    %eq3A_628 = arith.cmpi eq, %iota3A, %eq3A_627 : vector<16xi32>
    %broadcast_in_dim3A_629 = vector.broadcast %reduce_max3A_619 : f32 to vector<16xf32>
    %select_n3A_630 = arith.select %eq3A_628, %broadcast_in_dim3A_629, %broadcast_in_dim3A_4 : vector<16xi1>, vector<16xf32>
    %add3A_631 = arith.constant 0 : i32
    %add3A_632 = vector.broadcast %add3A_631 : i32 to vector<16xi32>
    %add3A_633 = arith.addi %add3A_632, %add3A_625 : vector<16xi32>
    %select_n3A_634 = arith.select %eq3A_628, %add3A_633, %broadcast_in_dim3A_613 : vector<16xi1>, vector<16xi32>
    %get3A_635 = arith.constant 16 : index
    %get3A_636 = tpu.vector_load %arg5[%get3A_635] {strides = array<i32>} : memref<256xf32, #tpu.memory_space<vmem>>, vector<16xf32>,
    %reduce_max3A_637 = arith.constant true
    %reduce_max3A_638 = vector.broadcast %reduce_max3A_637 : i1 to vector<16xi1>
    %reduce_max3A_639 = tpu.scan <max>, %get3A_636 masked %reduce_max3A_638 : vector<16xf32>, vector<16xi1> -> vector<16xf32>
    %reduce_max3A_640 = vector.extract %reduce_max3A_639[15] : f32 from vector<16xf32>
    %broadcast_in_dim3A_641 = arith.constant 0 : i32
    %broadcast_in_dim3A_642 = vector.broadcast %broadcast_in_dim3A_641 : i32 to vector<16xi32>
    %ge3A_643 = vector.broadcast %reduce_max3A_640 : f32 to vector<16xf32>
    %ge3A_644 = arith.cmpf oge, %get3A_636, %ge3A_643 : vector<16xf32>
    %all_reduce_ffs3A_645 = tpu.all_reduce %ge3A_644 {dim = 0 : i64, kind = #tpu.reduction_kind<find_first_set>} : vector<16xi1> -> vector<16xi32>
    %add3A_646 = arith.addi %broadcast_in_dim3A_642, %all_reduce_ffs3A_645 : vector<16xi32>
    %eq3A_647 = arith.constant 1 : i32
    %eq3A_648 = vector.broadcast %eq3A_647 : i32 to vector<16xi32>
    %eq3A_649 = arith.cmpi eq, %iota3A, %eq3A_648 : vector<16xi32>
    %broadcast_in_dim3A_650 = vector.broadcast %reduce_max3A_640 : f32 to vector<16xf32>
    %select_n3A_651 = arith.select %eq3A_649, %broadcast_in_dim3A_650, %select_n3A_630 : vector<16xi1>, vector<16xf32>
    %add3A_652 = arith.constant 16 : i32
    %add3A_653 = vector.broadcast %add3A_652 : i32 to vector<16xi32>
    %add3A_654 = arith.addi %add3A_653, %add3A_646 : vector<16xi32>
    %select_n3A_655 = arith.select %eq3A_649, %add3A_654, %select_n3A_634 : vector<16xi1>, vector<16xi32>
    %get3A_656 = arith.constant 32 : index
    %get3A_657 = tpu.vector_load %arg5[%get3A_656] {strides = array<i32>} : memref<256xf32, #tpu.memory_space<vmem>>, vector<16xf32>,
    %reduce_max3A_658 = arith.constant true
    %reduce_max3A_659 = vector.broadcast %reduce_max3A_658 : i1 to vector<16xi1>
    %reduce_max3A_660 = tpu.scan <max>, %get3A_657 masked %reduce_max3A_659 : vector<16xf32>, vector<16xi1> -> vector<16xf32>
    %reduce_max3A_661 = vector.extract %reduce_max3A_660[15] : f32 from vector<16xf32>
    %broadcast_in_dim3A_662 = arith.constant 0 : i32
    %broadcast_in_dim3A_663 = vector.broadcast %broadcast_in_dim3A_662 : i32 to vector<16xi32>
    %ge3A_664 = vector.broadcast %reduce_max3A_661 : f32 to vector<16xf32>
    %ge3A_665 = arith.cmpf oge, %get3A_657, %ge3A_664 : vector<16xf32>
    %all_reduce_ffs3A_666 = tpu.all_reduce %ge3A_665 {dim = 0 : i64, kind = #tpu.reduction_kind<find_first_set>} : vector<16xi1> -> vector<16xi32>
    %add3A_667 = arith.addi %broadcast_in_dim3A_663, %all_reduce_ffs3A_666 : vector<16xi32>
    %eq3A_668 = arith.constant 2 : i32
    %eq3A_669 = vector.broadcast %eq3A_668 : i32 to vector<16xi32>
    %eq3A_670 = arith.cmpi eq, %iota3A, %eq3A_669 : vector<16xi32>
    %broadcast_in_dim3A_671 = vector.broadcast %reduce_max3A_661 : f32 to vector<16xf32>
    %select_n3A_672 = arith.select %eq3A_670, %broadcast_in_dim3A_671, %select_n3A_651 : vector<16xi1>, vector<16xf32>
    %add3A_673 = arith.constant 32 : i32
    %add3A_674 = vector.broadcast %add3A_673 : i32 to vector<16xi32>
    %add3A_675 = arith.addi %add3A_674, %add3A_667 : vector<16xi32>
    %select_n3A_676 = arith.select %eq3A_670, %add3A_675, %select_n3A_655 : vector<16xi1>, vector<16xi32>
    %get3A_677 = arith.constant 48 : index
    %get3A_678 = tpu.vector_load %arg5[%get3A_677] {strides = array<i32>} : memref<256xf32, #tpu.memory_space<vmem>>, vector<16xf32>,
    %reduce_max3A_679 = arith.constant true
    %reduce_max3A_680 = vector.broadcast %reduce_max3A_679 : i1 to vector<16xi1>
    %reduce_max3A_681 = tpu.scan <max>, %get3A_678 masked %reduce_max3A_680 : vector<16xf32>, vector<16xi1> -> vector<16xf32>
    %reduce_max3A_682 = vector.extract %reduce_max3A_681[15] : f32 from vector<16xf32>
    %broadcast_in_dim3A_683 = arith.constant 0 : i32
    %broadcast_in_dim3A_684 = vector.broadcast %broadcast_in_dim3A_683 : i32 to vector<16xi32>
    %ge3A_685 = vector.broadcast %reduce_max3A_682 : f32 to vector<16xf32>
    %ge3A_686 = arith.cmpf oge, %get3A_678, %ge3A_685 : vector<16xf32>
    %all_reduce_ffs3A_687 = tpu.all_reduce %ge3A_686 {dim = 0 : i64, kind = #tpu.reduction_kind<find_first_set>} : vector<16xi1> -> vector<16xi32>
    %add3A_688 = arith.addi %broadcast_in_dim3A_684, %all_reduce_ffs3A_687 : vector<16xi32>
    %eq3A_689 = arith.constant 3 : i32
    %eq3A_690 = vector.broadcast %eq3A_689 : i32 to vector<16xi32>
    %eq3A_691 = arith.cmpi eq, %iota3A, %eq3A_690 : vector<16xi32>
    %broadcast_in_dim3A_692 = vector.broadcast %reduce_max3A_682 : f32 to vector<16xf32>
    %select_n3A_693 = arith.select %eq3A_691, %broadcast_in_dim3A_692, %select_n3A_672 : vector<16xi1>, vector<16xf32>
    %add3A_694 = arith.constant 48 : i32
    %add3A_695 = vector.broadcast %add3A_694 : i32 to vector<16xi32>
    %add3A_696 = arith.addi %add3A_695, %add3A_688 : vector<16xi32>
    %select_n3A_697 = arith.select %eq3A_691, %add3A_696, %select_n3A_676 : vector<16xi1>, vector<16xi32>
    %get3A_698 = arith.constant 64 : index
    %get3A_699 = tpu.vector_load %arg5[%get3A_698] {strides = array<i32>} : memref<256xf32, #tpu.memory_space<vmem>>, vector<16xf32>,
    %reduce_max3A_700 = arith.constant true
    %reduce_max3A_701 = vector.broadcast %reduce_max3A_700 : i1 to vector<16xi1>
    %reduce_max3A_702 = tpu.scan <max>, %get3A_699 masked %reduce_max3A_701 : vector<16xf32>, vector<16xi1> -> vector<16xf32>
    %reduce_max3A_703 = vector.extract %reduce_max3A_702[15] : f32 from vector<16xf32>
    %broadcast_in_dim3A_704 = arith.constant 0 : i32
    %broadcast_in_dim3A_705 = vector.broadcast %broadcast_in_dim3A_704 : i32 to vector<16xi32>
    %ge3A_706 = vector.broadcast %reduce_max3A_703 : f32 to vector<16xf32>
    %ge3A_707 = arith.cmpf oge, %get3A_699, %ge3A_706 : vector<16xf32>
    %all_reduce_ffs3A_708 = tpu.all_reduce %ge3A_707 {dim = 0 : i64, kind = #tpu.reduction_kind<find_first_set>} : vector<16xi1> -> vector<16xi32>
    %add3A_709 = arith.addi %broadcast_in_dim3A_705, %all_reduce_ffs3A_708 : vector<16xi32>
    %eq3A_710 = arith.constant 4 : i32
    %eq3A_711 = vector.broadcast %eq3A_710 : i32 to vector<16xi32>
    %eq3A_712 = arith.cmpi eq, %iota3A, %eq3A_711 : vector<16xi32>
    %broadcast_in_dim3A_713 = vector.broadcast %reduce_max3A_703 : f32 to vector<16xf32>
    %select_n3A_714 = arith.select %eq3A_712, %broadcast_in_dim3A_713, %select_n3A_693 : vector<16xi1>, vector<16xf32>
    %add3A_715 = arith.constant 64 : i32
    %add3A_716 = vector.broadcast %add3A_715 : i32 to vector<16xi32>
    %add3A_717 = arith.addi %add3A_716, %add3A_709 : vector<16xi32>
    %select_n3A_718 = arith.select %eq3A_712, %add3A_717, %select_n3A_697 : vector<16xi1>, vector<16xi32>
    %get3A_719 = arith.constant 80 : index
    %get3A_720 = tpu.vector_load %arg5[%get3A_719] {strides = array<i32>} : memref<256xf32, #tpu.memory_space<vmem>>, vector<16xf32>,
    %reduce_max3A_721 = arith.constant true
    %reduce_max3A_722 = vector.broadcast %reduce_max3A_721 : i1 to vector<16xi1>
    %reduce_max3A_723 = tpu.scan <max>, %get3A_720 masked %reduce_max3A_722 : vector<16xf32>, vector<16xi1> -> vector<16xf32>
    %reduce_max3A_724 = vector.extract %reduce_max3A_723[15] : f32 from vector<16xf32>
    %broadcast_in_dim3A_725 = arith.constant 0 : i32
    %broadcast_in_dim3A_726 = vector.broadcast %broadcast_in_dim3A_725 : i32 to vector<16xi32>
    %ge3A_727 = vector.broadcast %reduce_max3A_724 : f32 to vector<16xf32>
    %ge3A_728 = arith.cmpf oge, %get3A_720, %ge3A_727 : vector<16xf32>
    %all_reduce_ffs3A_729 = tpu.all_reduce %ge3A_728 {dim = 0 : i64, kind = #tpu.reduction_kind<find_first_set>} : vector<16xi1> -> vector<16xi32>
    %add3A_730 = arith.addi %broadcast_in_dim3A_726, %all_reduce_ffs3A_729 : vector<16xi32>
    %eq3A_731 = arith.constant 5 : i32
    %eq3A_732 = vector.broadcast %eq3A_731 : i32 to vector<16xi32>
    %eq3A_733 = arith.cmpi eq, %iota3A, %eq3A_732 : vector<16xi32>
    %broadcast_in_dim3A_734 = vector.broadcast %reduce_max3A_724 : f32 to vector<16xf32>
    %select_n3A_735 = arith.select %eq3A_733, %broadcast_in_dim3A_734, %select_n3A_714 : vector<16xi1>, vector<16xf32>
    %add3A_736 = arith.constant 80 : i32
    %add3A_737 = vector.broadcast %add3A_736 : i32 to vector<16xi32>
    %add3A_738 = arith.addi %add3A_737, %add3A_730 : vector<16xi32>
    %select_n3A_739 = arith.select %eq3A_733, %add3A_738, %select_n3A_718 : vector<16xi1>, vector<16xi32>
    %get3A_740 = arith.constant 96 : index
    %get3A_741 = tpu.vector_load %arg5[%get3A_740] {strides = array<i32>} : memref<256xf32, #tpu.memory_space<vmem>>, vector<16xf32>,
    %reduce_max3A_742 = arith.constant true
    %reduce_max3A_743 = vector.broadcast %reduce_max3A_742 : i1 to vector<16xi1>
    %reduce_max3A_744 = tpu.scan <max>, %get3A_741 masked %reduce_max3A_743 : vector<16xf32>, vector<16xi1> -> vector<16xf32>
    %reduce_max3A_745 = vector.extract %reduce_max3A_744[15] : f32 from vector<16xf32>
    %broadcast_in_dim3A_746 = arith.constant 0 : i32
    %broadcast_in_dim3A_747 = vector.broadcast %broadcast_in_dim3A_746 : i32 to vector<16xi32>
    %ge3A_748 = vector.broadcast %reduce_max3A_745 : f32 to vector<16xf32>
    %ge3A_749 = arith.cmpf oge, %get3A_741, %ge3A_748 : vector<16xf32>
    %all_reduce_ffs3A_750 = tpu.all_reduce %ge3A_749 {dim = 0 : i64, kind = #tpu.reduction_kind<find_first_set>} : vector<16xi1> -> vector<16xi32>
    %add3A_751 = arith.addi %broadcast_in_dim3A_747, %all_reduce_ffs3A_750 : vector<16xi32>
    %eq3A_752 = arith.constant 6 : i32
    %eq3A_753 = vector.broadcast %eq3A_752 : i32 to vector<16xi32>
    %eq3A_754 = arith.cmpi eq, %iota3A, %eq3A_753 : vector<16xi32>
    %broadcast_in_dim3A_755 = vector.broadcast %reduce_max3A_745 : f32 to vector<16xf32>
    %select_n3A_756 = arith.select %eq3A_754, %broadcast_in_dim3A_755, %select_n3A_735 : vector<16xi1>, vector<16xf32>
    %add3A_757 = arith.constant 96 : i32
    %add3A_758 = vector.broadcast %add3A_757 : i32 to vector<16xi32>
    %add3A_759 = arith.addi %add3A_758, %add3A_751 : vector<16xi32>
    %select_n3A_760 = arith.select %eq3A_754, %add3A_759, %select_n3A_739 : vector<16xi1>, vector<16xi32>
    %get3A_761 = arith.constant 112 : index
    %get3A_762 = tpu.vector_load %arg5[%get3A_761] {strides = array<i32>} : memref<256xf32, #tpu.memory_space<vmem>>, vector<16xf32>,
    %reduce_max3A_763 = arith.constant true
    %reduce_max3A_764 = vector.broadcast %reduce_max3A_763 : i1 to vector<16xi1>
    %reduce_max3A_765 = tpu.scan <max>, %get3A_762 masked %reduce_max3A_764 : vector<16xf32>, vector<16xi1> -> vector<16xf32>
    %reduce_max3A_766 = vector.extract %reduce_max3A_765[15] : f32 from vector<16xf32>
    %broadcast_in_dim3A_767 = arith.constant 0 : i32
    %broadcast_in_dim3A_768 = vector.broadcast %broadcast_in_dim3A_767 : i32 to vector<16xi32>
    %ge3A_769 = vector.broadcast %reduce_max3A_766 : f32 to vector<16xf32>
    %ge3A_770 = arith.cmpf oge, %get3A_762, %ge3A_769 : vector<16xf32>
    %all_reduce_ffs3A_771 = tpu.all_reduce %ge3A_770 {dim = 0 : i64, kind = #tpu.reduction_kind<find_first_set>} : vector<16xi1> -> vector<16xi32>
    %add3A_772 = arith.addi %broadcast_in_dim3A_768, %all_reduce_ffs3A_771 : vector<16xi32>
    %eq3A_773 = arith.constant 7 : i32
    %eq3A_774 = vector.broadcast %eq3A_773 : i32 to vector<16xi32>
    %eq3A_775 = arith.cmpi eq, %iota3A, %eq3A_774 : vector<16xi32>
    %broadcast_in_dim3A_776 = vector.broadcast %reduce_max3A_766 : f32 to vector<16xf32>
    %select_n3A_777 = arith.select %eq3A_775, %broadcast_in_dim3A_776, %select_n3A_756 : vector<16xi1>, vector<16xf32>
    %add3A_778 = arith.constant 112 : i32
    %add3A_779 = vector.broadcast %add3A_778 : i32 to vector<16xi32>
    %add3A_780 = arith.addi %add3A_779, %add3A_772 : vector<16xi32>
    %select_n3A_781 = arith.select %eq3A_775, %add3A_780, %select_n3A_760 : vector<16xi1>, vector<16xi32>
    %get3A_782 = arith.constant 128 : index
    %get3A_783 = tpu.vector_load %arg5[%get3A_782] {strides = array<i32>} : memref<256xf32, #tpu.memory_space<vmem>>, vector<16xf32>,
    %reduce_max3A_784 = arith.constant true
    %reduce_max3A_785 = vector.broadcast %reduce_max3A_784 : i1 to vector<16xi1>
    %reduce_max3A_786 = tpu.scan <max>, %get3A_783 masked %reduce_max3A_785 : vector<16xf32>, vector<16xi1> -> vector<16xf32>
    %reduce_max3A_787 = vector.extract %reduce_max3A_786[15] : f32 from vector<16xf32>
    %broadcast_in_dim3A_788 = arith.constant 0 : i32
    %broadcast_in_dim3A_789 = vector.broadcast %broadcast_in_dim3A_788 : i32 to vector<16xi32>
    %ge3A_790 = vector.broadcast %reduce_max3A_787 : f32 to vector<16xf32>
    %ge3A_791 = arith.cmpf oge, %get3A_783, %ge3A_790 : vector<16xf32>
    %all_reduce_ffs3A_792 = tpu.all_reduce %ge3A_791 {dim = 0 : i64, kind = #tpu.reduction_kind<find_first_set>} : vector<16xi1> -> vector<16xi32>
    %add3A_793 = arith.addi %broadcast_in_dim3A_789, %all_reduce_ffs3A_792 : vector<16xi32>
    %eq3A_794 = arith.constant 8 : i32
    %eq3A_795 = vector.broadcast %eq3A_794 : i32 to vector<16xi32>
    %eq3A_796 = arith.cmpi eq, %iota3A, %eq3A_795 : vector<16xi32>
    %broadcast_in_dim3A_797 = vector.broadcast %reduce_max3A_787 : f32 to vector<16xf32>
    %select_n3A_798 = arith.select %eq3A_796, %broadcast_in_dim3A_797, %select_n3A_777 : vector<16xi1>, vector<16xf32>
    %add3A_799 = arith.constant 128 : i32
    %add3A_800 = vector.broadcast %add3A_799 : i32 to vector<16xi32>
    %add3A_801 = arith.addi %add3A_800, %add3A_793 : vector<16xi32>
    %select_n3A_802 = arith.select %eq3A_796, %add3A_801, %select_n3A_781 : vector<16xi1>, vector<16xi32>
    %get3A_803 = arith.constant 144 : index
    %get3A_804 = tpu.vector_load %arg5[%get3A_803] {strides = array<i32>} : memref<256xf32, #tpu.memory_space<vmem>>, vector<16xf32>,
    %reduce_max3A_805 = arith.constant true
    %reduce_max3A_806 = vector.broadcast %reduce_max3A_805 : i1 to vector<16xi1>
    %reduce_max3A_807 = tpu.scan <max>, %get3A_804 masked %reduce_max3A_806 : vector<16xf32>, vector<16xi1> -> vector<16xf32>
    %reduce_max3A_808 = vector.extract %reduce_max3A_807[15] : f32 from vector<16xf32>
    %broadcast_in_dim3A_809 = arith.constant 0 : i32
    %broadcast_in_dim3A_810 = vector.broadcast %broadcast_in_dim3A_809 : i32 to vector<16xi32>
    %ge3A_811 = vector.broadcast %reduce_max3A_808 : f32 to vector<16xf32>
    %ge3A_812 = arith.cmpf oge, %get3A_804, %ge3A_811 : vector<16xf32>
    %all_reduce_ffs3A_813 = tpu.all_reduce %ge3A_812 {dim = 0 : i64, kind = #tpu.reduction_kind<find_first_set>} : vector<16xi1> -> vector<16xi32>
    %add3A_814 = arith.addi %broadcast_in_dim3A_810, %all_reduce_ffs3A_813 : vector<16xi32>
    %eq3A_815 = arith.constant 9 : i32
    %eq3A_816 = vector.broadcast %eq3A_815 : i32 to vector<16xi32>
    %eq3A_817 = arith.cmpi eq, %iota3A, %eq3A_816 : vector<16xi32>
    %broadcast_in_dim3A_818 = vector.broadcast %reduce_max3A_808 : f32 to vector<16xf32>
    %select_n3A_819 = arith.select %eq3A_817, %broadcast_in_dim3A_818, %select_n3A_798 : vector<16xi1>, vector<16xf32>
    %add3A_820 = arith.constant 144 : i32
    %add3A_821 = vector.broadcast %add3A_820 : i32 to vector<16xi32>
    %add3A_822 = arith.addi %add3A_821, %add3A_814 : vector<16xi32>
    %select_n3A_823 = arith.select %eq3A_817, %add3A_822, %select_n3A_802 : vector<16xi1>, vector<16xi32>
    %get3A_824 = arith.constant 160 : index
    %get3A_825 = tpu.vector_load %arg5[%get3A_824] {strides = array<i32>} : memref<256xf32, #tpu.memory_space<vmem>>, vector<16xf32>,
    %reduce_max3A_826 = arith.constant true
    %reduce_max3A_827 = vector.broadcast %reduce_max3A_826 : i1 to vector<16xi1>
    %reduce_max3A_828 = tpu.scan <max>, %get3A_825 masked %reduce_max3A_827 : vector<16xf32>, vector<16xi1> -> vector<16xf32>
    %reduce_max3A_829 = vector.extract %reduce_max3A_828[15] : f32 from vector<16xf32>
    %broadcast_in_dim3A_830 = arith.constant 0 : i32
    %broadcast_in_dim3A_831 = vector.broadcast %broadcast_in_dim3A_830 : i32 to vector<16xi32>
    %ge3A_832 = vector.broadcast %reduce_max3A_829 : f32 to vector<16xf32>
    %ge3A_833 = arith.cmpf oge, %get3A_825, %ge3A_832 : vector<16xf32>
    %all_reduce_ffs3A_834 = tpu.all_reduce %ge3A_833 {dim = 0 : i64, kind = #tpu.reduction_kind<find_first_set>} : vector<16xi1> -> vector<16xi32>
    %add3A_835 = arith.addi %broadcast_in_dim3A_831, %all_reduce_ffs3A_834 : vector<16xi32>
    %eq3A_836 = arith.constant 10 : i32
    %eq3A_837 = vector.broadcast %eq3A_836 : i32 to vector<16xi32>
    %eq3A_838 = arith.cmpi eq, %iota3A, %eq3A_837 : vector<16xi32>
    %broadcast_in_dim3A_839 = vector.broadcast %reduce_max3A_829 : f32 to vector<16xf32>
    %select_n3A_840 = arith.select %eq3A_838, %broadcast_in_dim3A_839, %select_n3A_819 : vector<16xi1>, vector<16xf32>
    %add3A_841 = arith.constant 160 : i32
    %add3A_842 = vector.broadcast %add3A_841 : i32 to vector<16xi32>
    %add3A_843 = arith.addi %add3A_842, %add3A_835 : vector<16xi32>
    %select_n3A_844 = arith.select %eq3A_838, %add3A_843, %select_n3A_823 : vector<16xi1>, vector<16xi32>
    %get3A_845 = arith.constant 176 : index
    %get3A_846 = tpu.vector_load %arg5[%get3A_845] {strides = array<i32>} : memref<256xf32, #tpu.memory_space<vmem>>, vector<16xf32>,
    %reduce_max3A_847 = arith.constant true
    %reduce_max3A_848 = vector.broadcast %reduce_max3A_847 : i1 to vector<16xi1>
    %reduce_max3A_849 = tpu.scan <max>, %get3A_846 masked %reduce_max3A_848 : vector<16xf32>, vector<16xi1> -> vector<16xf32>
    %reduce_max3A_850 = vector.extract %reduce_max3A_849[15] : f32 from vector<16xf32>
    %broadcast_in_dim3A_851 = arith.constant 0 : i32
    %broadcast_in_dim3A_852 = vector.broadcast %broadcast_in_dim3A_851 : i32 to vector<16xi32>
    %ge3A_853 = vector.broadcast %reduce_max3A_850 : f32 to vector<16xf32>
    %ge3A_854 = arith.cmpf oge, %get3A_846, %ge3A_853 : vector<16xf32>
    %all_reduce_ffs3A_855 = tpu.all_reduce %ge3A_854 {dim = 0 : i64, kind = #tpu.reduction_kind<find_first_set>} : vector<16xi1> -> vector<16xi32>
    %add3A_856 = arith.addi %broadcast_in_dim3A_852, %all_reduce_ffs3A_855 : vector<16xi32>
    %eq3A_857 = arith.constant 11 : i32
    %eq3A_858 = vector.broadcast %eq3A_857 : i32 to vector<16xi32>
    %eq3A_859 = arith.cmpi eq, %iota3A, %eq3A_858 : vector<16xi32>
    %broadcast_in_dim3A_860 = vector.broadcast %reduce_max3A_850 : f32 to vector<16xf32>
    %select_n3A_861 = arith.select %eq3A_859, %broadcast_in_dim3A_860, %select_n3A_840 : vector<16xi1>, vector<16xf32>
    %add3A_862 = arith.constant 176 : i32
    %add3A_863 = vector.broadcast %add3A_862 : i32 to vector<16xi32>
    %add3A_864 = arith.addi %add3A_863, %add3A_856 : vector<16xi32>
    %select_n3A_865 = arith.select %eq3A_859, %add3A_864, %select_n3A_844 : vector<16xi1>, vector<16xi32>
    %get3A_866 = arith.constant 192 : index
    %get3A_867 = tpu.vector_load %arg5[%get3A_866] {strides = array<i32>} : memref<256xf32, #tpu.memory_space<vmem>>, vector<16xf32>,
    %reduce_max3A_868 = arith.constant true
    %reduce_max3A_869 = vector.broadcast %reduce_max3A_868 : i1 to vector<16xi1>
    %reduce_max3A_870 = tpu.scan <max>, %get3A_867 masked %reduce_max3A_869 : vector<16xf32>, vector<16xi1> -> vector<16xf32>
    %reduce_max3A_871 = vector.extract %reduce_max3A_870[15] : f32 from vector<16xf32>
    %broadcast_in_dim3A_872 = arith.constant 0 : i32
    %broadcast_in_dim3A_873 = vector.broadcast %broadcast_in_dim3A_872 : i32 to vector<16xi32>
    %ge3A_874 = vector.broadcast %reduce_max3A_871 : f32 to vector<16xf32>
    %ge3A_875 = arith.cmpf oge, %get3A_867, %ge3A_874 : vector<16xf32>
    %all_reduce_ffs3A_876 = tpu.all_reduce %ge3A_875 {dim = 0 : i64, kind = #tpu.reduction_kind<find_first_set>} : vector<16xi1> -> vector<16xi32>
    %add3A_877 = arith.addi %broadcast_in_dim3A_873, %all_reduce_ffs3A_876 : vector<16xi32>
    %eq3A_878 = arith.constant 12 : i32
    %eq3A_879 = vector.broadcast %eq3A_878 : i32 to vector<16xi32>
    %eq3A_880 = arith.cmpi eq, %iota3A, %eq3A_879 : vector<16xi32>
    %broadcast_in_dim3A_881 = vector.broadcast %reduce_max3A_871 : f32 to vector<16xf32>
    %select_n3A_882 = arith.select %eq3A_880, %broadcast_in_dim3A_881, %select_n3A_861 : vector<16xi1>, vector<16xf32>
    %add3A_883 = arith.constant 192 : i32
    %add3A_884 = vector.broadcast %add3A_883 : i32 to vector<16xi32>
    %add3A_885 = arith.addi %add3A_884, %add3A_877 : vector<16xi32>
    %select_n3A_886 = arith.select %eq3A_880, %add3A_885, %select_n3A_865 : vector<16xi1>, vector<16xi32>
    %get3A_887 = arith.constant 208 : index
    %get3A_888 = tpu.vector_load %arg5[%get3A_887] {strides = array<i32>} : memref<256xf32, #tpu.memory_space<vmem>>, vector<16xf32>,
    %reduce_max3A_889 = arith.constant true
    %reduce_max3A_890 = vector.broadcast %reduce_max3A_889 : i1 to vector<16xi1>
    %reduce_max3A_891 = tpu.scan <max>, %get3A_888 masked %reduce_max3A_890 : vector<16xf32>, vector<16xi1> -> vector<16xf32>
    %reduce_max3A_892 = vector.extract %reduce_max3A_891[15] : f32 from vector<16xf32>
    %broadcast_in_dim3A_893 = arith.constant 0 : i32
    %broadcast_in_dim3A_894 = vector.broadcast %broadcast_in_dim3A_893 : i32 to vector<16xi32>
    %ge3A_895 = vector.broadcast %reduce_max3A_892 : f32 to vector<16xf32>
    %ge3A_896 = arith.cmpf oge, %get3A_888, %ge3A_895 : vector<16xf32>
    %all_reduce_ffs3A_897 = tpu.all_reduce %ge3A_896 {dim = 0 : i64, kind = #tpu.reduction_kind<find_first_set>} : vector<16xi1> -> vector<16xi32>
    %add3A_898 = arith.addi %broadcast_in_dim3A_894, %all_reduce_ffs3A_897 : vector<16xi32>
    %eq3A_899 = arith.constant 13 : i32
    %eq3A_900 = vector.broadcast %eq3A_899 : i32 to vector<16xi32>
    %eq3A_901 = arith.cmpi eq, %iota3A, %eq3A_900 : vector<16xi32>
    %broadcast_in_dim3A_902 = vector.broadcast %reduce_max3A_892 : f32 to vector<16xf32>
    %select_n3A_903 = arith.select %eq3A_901, %broadcast_in_dim3A_902, %select_n3A_882 : vector<16xi1>, vector<16xf32>
    %add3A_904 = arith.constant 208 : i32
    %add3A_905 = vector.broadcast %add3A_904 : i32 to vector<16xi32>
    %add3A_906 = arith.addi %add3A_905, %add3A_898 : vector<16xi32>
    %select_n3A_907 = arith.select %eq3A_901, %add3A_906, %select_n3A_886 : vector<16xi1>, vector<16xi32>
    %get3A_908 = arith.constant 224 : index
    %get3A_909 = tpu.vector_load %arg5[%get3A_908] {strides = array<i32>} : memref<256xf32, #tpu.memory_space<vmem>>, vector<16xf32>,
    %reduce_max3A_910 = arith.constant true
    %reduce_max3A_911 = vector.broadcast %reduce_max3A_910 : i1 to vector<16xi1>
    %reduce_max3A_912 = tpu.scan <max>, %get3A_909 masked %reduce_max3A_911 : vector<16xf32>, vector<16xi1> -> vector<16xf32>
    %reduce_max3A_913 = vector.extract %reduce_max3A_912[15] : f32 from vector<16xf32>
    %broadcast_in_dim3A_914 = arith.constant 0 : i32
    %broadcast_in_dim3A_915 = vector.broadcast %broadcast_in_dim3A_914 : i32 to vector<16xi32>
    %ge3A_916 = vector.broadcast %reduce_max3A_913 : f32 to vector<16xf32>
    %ge3A_917 = arith.cmpf oge, %get3A_909, %ge3A_916 : vector<16xf32>
    %all_reduce_ffs3A_918 = tpu.all_reduce %ge3A_917 {dim = 0 : i64, kind = #tpu.reduction_kind<find_first_set>} : vector<16xi1> -> vector<16xi32>
    %add3A_919 = arith.addi %broadcast_in_dim3A_915, %all_reduce_ffs3A_918 : vector<16xi32>
    %eq3A_920 = arith.constant 14 : i32
    %eq3A_921 = vector.broadcast %eq3A_920 : i32 to vector<16xi32>
    %eq3A_922 = arith.cmpi eq, %iota3A, %eq3A_921 : vector<16xi32>
    %broadcast_in_dim3A_923 = vector.broadcast %reduce_max3A_913 : f32 to vector<16xf32>
    %select_n3A_924 = arith.select %eq3A_922, %broadcast_in_dim3A_923, %select_n3A_903 : vector<16xi1>, vector<16xf32>
    %add3A_925 = arith.constant 224 : i32
    %add3A_926 = vector.broadcast %add3A_925 : i32 to vector<16xi32>
    %add3A_927 = arith.addi %add3A_926, %add3A_919 : vector<16xi32>
    %select_n3A_928 = arith.select %eq3A_922, %add3A_927, %select_n3A_907 : vector<16xi1>, vector<16xi32>
    %get3A_929 = arith.constant 240 : index
    %get3A_930 = tpu.vector_load %arg5[%get3A_929] {strides = array<i32>} : memref<256xf32, #tpu.memory_space<vmem>>, vector<16xf32>,
    %reduce_max3A_931 = arith.constant true
    %reduce_max3A_932 = vector.broadcast %reduce_max3A_931 : i1 to vector<16xi1>
    %reduce_max3A_933 = tpu.scan <max>, %get3A_930 masked %reduce_max3A_932 : vector<16xf32>, vector<16xi1> -> vector<16xf32>
    %reduce_max3A_934 = vector.extract %reduce_max3A_933[15] : f32 from vector<16xf32>
    %broadcast_in_dim3A_935 = arith.constant 0 : i32
    %broadcast_in_dim3A_936 = vector.broadcast %broadcast_in_dim3A_935 : i32 to vector<16xi32>
    %ge3A_937 = vector.broadcast %reduce_max3A_934 : f32 to vector<16xf32>
    %ge3A_938 = arith.cmpf oge, %get3A_930, %ge3A_937 : vector<16xf32>
    %all_reduce_ffs3A_939 = tpu.all_reduce %ge3A_938 {dim = 0 : i64, kind = #tpu.reduction_kind<find_first_set>} : vector<16xi1> -> vector<16xi32>
    %add3A_940 = arith.addi %broadcast_in_dim3A_936, %all_reduce_ffs3A_939 : vector<16xi32>
    %eq3A_941 = arith.constant 15 : i32
    %eq3A_942 = vector.broadcast %eq3A_941 : i32 to vector<16xi32>
    %eq3A_943 = arith.cmpi eq, %iota3A, %eq3A_942 : vector<16xi32>
    %broadcast_in_dim3A_944 = vector.broadcast %reduce_max3A_934 : f32 to vector<16xf32>
    %select_n3A_945 = arith.select %eq3A_943, %broadcast_in_dim3A_944, %select_n3A_924 : vector<16xi1>, vector<16xf32>
    %add3A_946 = arith.constant 240 : i32
    %add3A_947 = vector.broadcast %add3A_946 : i32 to vector<16xi32>
    %add3A_948 = arith.addi %add3A_947, %add3A_940 : vector<16xi32>
    %select_n3A_949 = arith.select %eq3A_943, %add3A_948, %select_n3A_928 : vector<16xi1>, vector<16xi32>
    %swap3A_950 = arith.constant 0 : index
    %swap3A_951 = tpu.vector_load %arg8[%swap3A_950] {strides = array<i32>} : memref<16xi32, #tpu.memory_space<vmem>>, vector<16xi32>,
    tpu.vector_store %arg8[%swap3A_950], %select_n3A_949 {strides = array<i32>} : memref<16xi32, #tpu.memory_space<vmem>>, vector<16xi32>,
    %while3A_952 = arith.constant 0 : i32
    "tpu.trace_start"() <{level = 10 : i32, message = "sc_greedy"}> : () -> ()
    %while3A_953:2 = scf.while (%while3A_1116 = %while3A_952, %while3A_1117 = %select_n3A_945) : (i32, vector<16xf32>) -> (i32, vector<16xf32>) {
      %lt3A = arith.constant 256 : i32
      %lt3A_1118 = arith.cmpi slt, %while3A_1116, %lt3A : i32
      scf.condition(%lt3A_1118) %while3A_1116, %while3A_1117 : i32, vector<16xf32>
    } do {
    ^bb0(%while3A_1116: i32, %while3A_1117: vector<16xf32>):
      %reduce_max3A_1118 = arith.constant true
      %reduce_max3A_1119 = vector.broadcast %reduce_max3A_1118 : i1 to vector<16xi1>
      %reduce_max3A_1120 = tpu.scan <max>, %while3A_1117 masked %reduce_max3A_1119 : vector<16xf32>, vector<16xi1> -> vector<16xf32>
      %reduce_max3A_1121 = vector.extract %reduce_max3A_1120[15] : f32 from vector<16xf32>
      %broadcast_in_dim3A_1122 = arith.constant 0 : i32
      %broadcast_in_dim3A_1123 = vector.broadcast %broadcast_in_dim3A_1122 : i32 to vector<16xi32>
      %ge3A_1124 = vector.broadcast %reduce_max3A_1121 : f32 to vector<16xf32>
      %ge3A_1125 = arith.cmpf oge, %while3A_1117, %ge3A_1124 : vector<16xf32>
      %all_reduce_ffs3A_1126 = tpu.all_reduce %ge3A_1125 {dim = 0 : i64, kind = #tpu.reduction_kind<find_first_set>} : vector<16xi1> -> vector<16xi32>
      %add3A_1127 = arith.addi %broadcast_in_dim3A_1123, %all_reduce_ffs3A_1126 : vector<16xi32>
      %gather3A = tpu.vector_load_idx %arg8[%add3A_1127] : memref<16xi32, #tpu.memory_space<vmem>>[vector<16xi32>], vector<16xi32>,
      %gather3A_1128 = tpu.vector_load_idx %arg6[%gather3A] : memref<256xi32, #tpu.memory_space<vmem>>[vector<16xi32>], vector<16xi32>,
      %gather3A_1129 = tpu.vector_load_idx %arg7[%gather3A_1128] : memref<256xf32, #tpu.memory_space<vmem>>[vector<16xi32>], vector<16xf32>,
      %slice3A = vector.extract_strided_slice %gather3A {offsets = [0], sizes = [1], strides = [1]} : vector<16xi32> to vector<1xi32>
      %squeeze3A = vector.extract %slice3A[0] : i32 from vector<1xi32>
      %slice3A_1130 = vector.extract_strided_slice %gather3A_1129 {offsets = [0], sizes = [1], strides = [1]} : vector<16xf32> to vector<1xf32>
      %squeeze3A_1131 = vector.extract %slice3A_1130[0] : f32 from vector<1xf32>
      %eq3A_1132 = arith.constant 0.000000e+00 : f32
      %eq3A_1133 = arith.cmpf oeq, %squeeze3A_1131, %eq3A_1132 : f32
      %convert_element_type3A = arith.extui %eq3A_1133 : i1 to i32
      %cond3A = arith.constant 0 : i32
      %cond3A_1134 = arith.cmpi ne, %convert_element_type3A, %cond3A : i32
      scf.if %cond3A_1134 {
        tpu.vector_store_idx %arg7[%gather3A_1128], %broadcast_in_dim3A_4 masked %eq3A_1 : memref<256xf32, #tpu.memory_space<vmem>>[vector<16xi32>], vector<16xf32>, vector<16xi1>
        tpu.vector_store_idx %arg5[%gather3A], %broadcast_in_dim3A_4 masked %eq3A_1 : memref<256xf32, #tpu.memory_space<vmem>>[vector<16xi32>], vector<16xf32>, vector<16xi1>
      } else {
      }
      %not3A = arith.constant true
      %not3A_1135 = arith.xori %eq3A_1133, %not3A : i1
      %convert_element_type3A_1136 = arith.extui %not3A_1135 : i1 to i32
      %cond3A_1137 = arith.constant 0 : i32
      %cond3A_1138 = arith.cmpi ne, %convert_element_type3A_1136, %cond3A_1137 : i32
      scf.if %cond3A_1138 {
        %mul3A_1166 = arith.constant 256 : i32
        %mul3A_1167 = arith.muli %squeeze3A, %mul3A_1166 : i32
        %broadcast_in_dim3A_1168 = arith.constant 0 : i32
        %broadcast_in_dim3A_1169 = vector.broadcast %broadcast_in_dim3A_1168 : i32 to vector<16xi32>
        %add3A_1170 = arith.constant 0 : i32
        %add3A_1171 = vector.broadcast %add3A_1170 : i32 to vector<16xi32>
        %add3A_1172 = arith.addi %add3A_1171, %iota3A : vector<16xi32>
        %add3A_1173 = arith.constant 0 : i32
        %add3A_1174 = arith.addi %mul3A_1167, %add3A_1173 : i32
        %get3A_1175 = arith.index_cast %add3A_1174 : i32 to index
        %get3A_1176 = tpu.vector_load %arg4[%get3A_1175] {strides = array<i32>} : memref<65536xf32, #tpu.memory_space<vmem>>, vector<16xf32>,
        %get3A_1177 = arith.constant 0 : index
        %get3A_1178 = tpu.vector_load %arg7[%get3A_1177] {strides = array<i32>} : memref<256xf32, #tpu.memory_space<vmem>>, vector<16xf32>,
        %add3A_1179 = arith.addf %get3A_1176, %get3A_1178 : vector<16xf32>
        %gt3A = arith.cmpf ogt, %add3A_1179, %broadcast_in_dim3A_4 : vector<16xf32>
        %select_n3A_1180 = arith.select %gt3A, %add3A_1179, %broadcast_in_dim3A_4 : vector<16xi1>, vector<16xf32>
        %select_n3A_1181 = arith.select %gt3A, %add3A_1172, %broadcast_in_dim3A_1169 : vector<16xi1>, vector<16xi32>
        %add3A_1182 = arith.constant 16 : i32
        %add3A_1183 = vector.broadcast %add3A_1182 : i32 to vector<16xi32>
        %add3A_1184 = arith.addi %add3A_1183, %iota3A : vector<16xi32>
        %add3A_1185 = arith.constant 16 : i32
        %add3A_1186 = arith.addi %mul3A_1167, %add3A_1185 : i32
        %get3A_1187 = arith.index_cast %add3A_1186 : i32 to index
        %get3A_1188 = tpu.vector_load %arg4[%get3A_1187] {strides = array<i32>} : memref<65536xf32, #tpu.memory_space<vmem>>, vector<16xf32>,
        %get3A_1189 = arith.constant 16 : index
        %get3A_1190 = tpu.vector_load %arg7[%get3A_1189] {strides = array<i32>} : memref<256xf32, #tpu.memory_space<vmem>>, vector<16xf32>,
        %add3A_1191 = arith.addf %get3A_1188, %get3A_1190 : vector<16xf32>
        %gt3A_1192 = arith.cmpf ogt, %add3A_1191, %select_n3A_1180 : vector<16xf32>
        %select_n3A_1193 = arith.select %gt3A_1192, %add3A_1191, %select_n3A_1180 : vector<16xi1>, vector<16xf32>
        %select_n3A_1194 = arith.select %gt3A_1192, %add3A_1184, %select_n3A_1181 : vector<16xi1>, vector<16xi32>
        %add3A_1195 = arith.constant 32 : i32
        %add3A_1196 = vector.broadcast %add3A_1195 : i32 to vector<16xi32>
        %add3A_1197 = arith.addi %add3A_1196, %iota3A : vector<16xi32>
        %add3A_1198 = arith.constant 32 : i32
        %add3A_1199 = arith.addi %mul3A_1167, %add3A_1198 : i32
        %get3A_1200 = arith.index_cast %add3A_1199 : i32 to index
        %get3A_1201 = tpu.vector_load %arg4[%get3A_1200] {strides = array<i32>} : memref<65536xf32, #tpu.memory_space<vmem>>, vector<16xf32>,
        %get3A_1202 = arith.constant 32 : index
        %get3A_1203 = tpu.vector_load %arg7[%get3A_1202] {strides = array<i32>} : memref<256xf32, #tpu.memory_space<vmem>>, vector<16xf32>,
        %add3A_1204 = arith.addf %get3A_1201, %get3A_1203 : vector<16xf32>
        %gt3A_1205 = arith.cmpf ogt, %add3A_1204, %select_n3A_1193 : vector<16xf32>
        %select_n3A_1206 = arith.select %gt3A_1205, %add3A_1204, %select_n3A_1193 : vector<16xi1>, vector<16xf32>
        %select_n3A_1207 = arith.select %gt3A_1205, %add3A_1197, %select_n3A_1194 : vector<16xi1>, vector<16xi32>
        %add3A_1208 = arith.constant 48 : i32
        %add3A_1209 = vector.broadcast %add3A_1208 : i32 to vector<16xi32>
        %add3A_1210 = arith.addi %add3A_1209, %iota3A : vector<16xi32>
        %add3A_1211 = arith.constant 48 : i32
        %add3A_1212 = arith.addi %mul3A_1167, %add3A_1211 : i32
        %get3A_1213 = arith.index_cast %add3A_1212 : i32 to index
        %get3A_1214 = tpu.vector_load %arg4[%get3A_1213] {strides = array<i32>} : memref<65536xf32, #tpu.memory_space<vmem>>, vector<16xf32>,
        %get3A_1215 = arith.constant 48 : index
        %get3A_1216 = tpu.vector_load %arg7[%get3A_1215] {strides = array<i32>} : memref<256xf32, #tpu.memory_space<vmem>>, vector<16xf32>,
        %add3A_1217 = arith.addf %get3A_1214, %get3A_1216 : vector<16xf32>
        %gt3A_1218 = arith.cmpf ogt, %add3A_1217, %select_n3A_1206 : vector<16xf32>
        %select_n3A_1219 = arith.select %gt3A_1218, %add3A_1217, %select_n3A_1206 : vector<16xi1>, vector<16xf32>
        %select_n3A_1220 = arith.select %gt3A_1218, %add3A_1210, %select_n3A_1207 : vector<16xi1>, vector<16xi32>
        %add3A_1221 = arith.constant 64 : i32
        %add3A_1222 = vector.broadcast %add3A_1221 : i32 to vector<16xi32>
        %add3A_1223 = arith.addi %add3A_1222, %iota3A : vector<16xi32>
        %add3A_1224 = arith.constant 64 : i32
        %add3A_1225 = arith.addi %mul3A_1167, %add3A_1224 : i32
        %get3A_1226 = arith.index_cast %add3A_1225 : i32 to index
        %get3A_1227 = tpu.vector_load %arg4[%get3A_1226] {strides = array<i32>} : memref<65536xf32, #tpu.memory_space<vmem>>, vector<16xf32>,
        %get3A_1228 = arith.constant 64 : index
        %get3A_1229 = tpu.vector_load %arg7[%get3A_1228] {strides = array<i32>} : memref<256xf32, #tpu.memory_space<vmem>>, vector<16xf32>,
        %add3A_1230 = arith.addf %get3A_1227, %get3A_1229 : vector<16xf32>
        %gt3A_1231 = arith.cmpf ogt, %add3A_1230, %select_n3A_1219 : vector<16xf32>
        %select_n3A_1232 = arith.select %gt3A_1231, %add3A_1230, %select_n3A_1219 : vector<16xi1>, vector<16xf32>
        %select_n3A_1233 = arith.select %gt3A_1231, %add3A_1223, %select_n3A_1220 : vector<16xi1>, vector<16xi32>
        %add3A_1234 = arith.constant 80 : i32
        %add3A_1235 = vector.broadcast %add3A_1234 : i32 to vector<16xi32>
        %add3A_1236 = arith.addi %add3A_1235, %iota3A : vector<16xi32>
        %add3A_1237 = arith.constant 80 : i32
        %add3A_1238 = arith.addi %mul3A_1167, %add3A_1237 : i32
        %get3A_1239 = arith.index_cast %add3A_1238 : i32 to index
        %get3A_1240 = tpu.vector_load %arg4[%get3A_1239] {strides = array<i32>} : memref<65536xf32, #tpu.memory_space<vmem>>, vector<16xf32>,
        %get3A_1241 = arith.constant 80 : index
        %get3A_1242 = tpu.vector_load %arg7[%get3A_1241] {strides = array<i32>} : memref<256xf32, #tpu.memory_space<vmem>>, vector<16xf32>,
        %add3A_1243 = arith.addf %get3A_1240, %get3A_1242 : vector<16xf32>
        %gt3A_1244 = arith.cmpf ogt, %add3A_1243, %select_n3A_1232 : vector<16xf32>
        %select_n3A_1245 = arith.select %gt3A_1244, %add3A_1243, %select_n3A_1232 : vector<16xi1>, vector<16xf32>
        %select_n3A_1246 = arith.select %gt3A_1244, %add3A_1236, %select_n3A_1233 : vector<16xi1>, vector<16xi32>
        %add3A_1247 = arith.constant 96 : i32
        %add3A_1248 = vector.broadcast %add3A_1247 : i32 to vector<16xi32>
        %add3A_1249 = arith.addi %add3A_1248, %iota3A : vector<16xi32>
        %add3A_1250 = arith.constant 96 : i32
        %add3A_1251 = arith.addi %mul3A_1167, %add3A_1250 : i32
        %get3A_1252 = arith.index_cast %add3A_1251 : i32 to index
        %get3A_1253 = tpu.vector_load %arg4[%get3A_1252] {strides = array<i32>} : memref<65536xf32, #tpu.memory_space<vmem>>, vector<16xf32>,
        %get3A_1254 = arith.constant 96 : index
        %get3A_1255 = tpu.vector_load %arg7[%get3A_1254] {strides = array<i32>} : memref<256xf32, #tpu.memory_space<vmem>>, vector<16xf32>,
        %add3A_1256 = arith.addf %get3A_1253, %get3A_1255 : vector<16xf32>
        %gt3A_1257 = arith.cmpf ogt, %add3A_1256, %select_n3A_1245 : vector<16xf32>
        %select_n3A_1258 = arith.select %gt3A_1257, %add3A_1256, %select_n3A_1245 : vector<16xi1>, vector<16xf32>
        %select_n3A_1259 = arith.select %gt3A_1257, %add3A_1249, %select_n3A_1246 : vector<16xi1>, vector<16xi32>
        %add3A_1260 = arith.constant 112 : i32
        %add3A_1261 = vector.broadcast %add3A_1260 : i32 to vector<16xi32>
        %add3A_1262 = arith.addi %add3A_1261, %iota3A : vector<16xi32>
        %add3A_1263 = arith.constant 112 : i32
        %add3A_1264 = arith.addi %mul3A_1167, %add3A_1263 : i32
        %get3A_1265 = arith.index_cast %add3A_1264 : i32 to index
        %get3A_1266 = tpu.vector_load %arg4[%get3A_1265] {strides = array<i32>} : memref<65536xf32, #tpu.memory_space<vmem>>, vector<16xf32>,
        %get3A_1267 = arith.constant 112 : index
        %get3A_1268 = tpu.vector_load %arg7[%get3A_1267] {strides = array<i32>} : memref<256xf32, #tpu.memory_space<vmem>>, vector<16xf32>,
        %add3A_1269 = arith.addf %get3A_1266, %get3A_1268 : vector<16xf32>
        %gt3A_1270 = arith.cmpf ogt, %add3A_1269, %select_n3A_1258 : vector<16xf32>
        %select_n3A_1271 = arith.select %gt3A_1270, %add3A_1269, %select_n3A_1258 : vector<16xi1>, vector<16xf32>
        %select_n3A_1272 = arith.select %gt3A_1270, %add3A_1262, %select_n3A_1259 : vector<16xi1>, vector<16xi32>
        %add3A_1273 = arith.constant 128 : i32
        %add3A_1274 = vector.broadcast %add3A_1273 : i32 to vector<16xi32>
        %add3A_1275 = arith.addi %add3A_1274, %iota3A : vector<16xi32>
        %add3A_1276 = arith.constant 128 : i32
        %add3A_1277 = arith.addi %mul3A_1167, %add3A_1276 : i32
        %get3A_1278 = arith.index_cast %add3A_1277 : i32 to index
        %get3A_1279 = tpu.vector_load %arg4[%get3A_1278] {strides = array<i32>} : memref<65536xf32, #tpu.memory_space<vmem>>, vector<16xf32>,
        %get3A_1280 = arith.constant 128 : index
        %get3A_1281 = tpu.vector_load %arg7[%get3A_1280] {strides = array<i32>} : memref<256xf32, #tpu.memory_space<vmem>>, vector<16xf32>,
        %add3A_1282 = arith.addf %get3A_1279, %get3A_1281 : vector<16xf32>
        %gt3A_1283 = arith.cmpf ogt, %add3A_1282, %select_n3A_1271 : vector<16xf32>
        %select_n3A_1284 = arith.select %gt3A_1283, %add3A_1282, %select_n3A_1271 : vector<16xi1>, vector<16xf32>
        %select_n3A_1285 = arith.select %gt3A_1283, %add3A_1275, %select_n3A_1272 : vector<16xi1>, vector<16xi32>
        %add3A_1286 = arith.constant 144 : i32
        %add3A_1287 = vector.broadcast %add3A_1286 : i32 to vector<16xi32>
        %add3A_1288 = arith.addi %add3A_1287, %iota3A : vector<16xi32>
        %add3A_1289 = arith.constant 144 : i32
        %add3A_1290 = arith.addi %mul3A_1167, %add3A_1289 : i32
        %get3A_1291 = arith.index_cast %add3A_1290 : i32 to index
        %get3A_1292 = tpu.vector_load %arg4[%get3A_1291] {strides = array<i32>} : memref<65536xf32, #tpu.memory_space<vmem>>, vector<16xf32>,
        %get3A_1293 = arith.constant 144 : index
        %get3A_1294 = tpu.vector_load %arg7[%get3A_1293] {strides = array<i32>} : memref<256xf32, #tpu.memory_space<vmem>>, vector<16xf32>,
        %add3A_1295 = arith.addf %get3A_1292, %get3A_1294 : vector<16xf32>
        %gt3A_1296 = arith.cmpf ogt, %add3A_1295, %select_n3A_1284 : vector<16xf32>
        %select_n3A_1297 = arith.select %gt3A_1296, %add3A_1295, %select_n3A_1284 : vector<16xi1>, vector<16xf32>
        %select_n3A_1298 = arith.select %gt3A_1296, %add3A_1288, %select_n3A_1285 : vector<16xi1>, vector<16xi32>
        %add3A_1299 = arith.constant 160 : i32
        %add3A_1300 = vector.broadcast %add3A_1299 : i32 to vector<16xi32>
        %add3A_1301 = arith.addi %add3A_1300, %iota3A : vector<16xi32>
        %add3A_1302 = arith.constant 160 : i32
        %add3A_1303 = arith.addi %mul3A_1167, %add3A_1302 : i32
        %get3A_1304 = arith.index_cast %add3A_1303 : i32 to index
        %get3A_1305 = tpu.vector_load %arg4[%get3A_1304] {strides = array<i32>} : memref<65536xf32, #tpu.memory_space<vmem>>, vector<16xf32>,
        %get3A_1306 = arith.constant 160 : index
        %get3A_1307 = tpu.vector_load %arg7[%get3A_1306] {strides = array<i32>} : memref<256xf32, #tpu.memory_space<vmem>>, vector<16xf32>,
        %add3A_1308 = arith.addf %get3A_1305, %get3A_1307 : vector<16xf32>
        %gt3A_1309 = arith.cmpf ogt, %add3A_1308, %select_n3A_1297 : vector<16xf32>
        %select_n3A_1310 = arith.select %gt3A_1309, %add3A_1308, %select_n3A_1297 : vector<16xi1>, vector<16xf32>
        %select_n3A_1311 = arith.select %gt3A_1309, %add3A_1301, %select_n3A_1298 : vector<16xi1>, vector<16xi32>
        %add3A_1312 = arith.constant 176 : i32
        %add3A_1313 = vector.broadcast %add3A_1312 : i32 to vector<16xi32>
        %add3A_1314 = arith.addi %add3A_1313, %iota3A : vector<16xi32>
        %add3A_1315 = arith.constant 176 : i32
        %add3A_1316 = arith.addi %mul3A_1167, %add3A_1315 : i32
        %get3A_1317 = arith.index_cast %add3A_1316 : i32 to index
        %get3A_1318 = tpu.vector_load %arg4[%get3A_1317] {strides = array<i32>} : memref<65536xf32, #tpu.memory_space<vmem>>, vector<16xf32>,
        %get3A_1319 = arith.constant 176 : index
        %get3A_1320 = tpu.vector_load %arg7[%get3A_1319] {strides = array<i32>} : memref<256xf32, #tpu.memory_space<vmem>>, vector<16xf32>,
        %add3A_1321 = arith.addf %get3A_1318, %get3A_1320 : vector<16xf32>
        %gt3A_1322 = arith.cmpf ogt, %add3A_1321, %select_n3A_1310 : vector<16xf32>
        %select_n3A_1323 = arith.select %gt3A_1322, %add3A_1321, %select_n3A_1310 : vector<16xi1>, vector<16xf32>
        %select_n3A_1324 = arith.select %gt3A_1322, %add3A_1314, %select_n3A_1311 : vector<16xi1>, vector<16xi32>
        %add3A_1325 = arith.constant 192 : i32
        %add3A_1326 = vector.broadcast %add3A_1325 : i32 to vector<16xi32>
        %add3A_1327 = arith.addi %add3A_1326, %iota3A : vector<16xi32>
        %add3A_1328 = arith.constant 192 : i32
        %add3A_1329 = arith.addi %mul3A_1167, %add3A_1328 : i32
        %get3A_1330 = arith.index_cast %add3A_1329 : i32 to index
        %get3A_1331 = tpu.vector_load %arg4[%get3A_1330] {strides = array<i32>} : memref<65536xf32, #tpu.memory_space<vmem>>, vector<16xf32>,
        %get3A_1332 = arith.constant 192 : index
        %get3A_1333 = tpu.vector_load %arg7[%get3A_1332] {strides = array<i32>} : memref<256xf32, #tpu.memory_space<vmem>>, vector<16xf32>,
        %add3A_1334 = arith.addf %get3A_1331, %get3A_1333 : vector<16xf32>
        %gt3A_1335 = arith.cmpf ogt, %add3A_1334, %select_n3A_1323 : vector<16xf32>
        %select_n3A_1336 = arith.select %gt3A_1335, %add3A_1334, %select_n3A_1323 : vector<16xi1>, vector<16xf32>
        %select_n3A_1337 = arith.select %gt3A_1335, %add3A_1327, %select_n3A_1324 : vector<16xi1>, vector<16xi32>
        %add3A_1338 = arith.constant 208 : i32
        %add3A_1339 = vector.broadcast %add3A_1338 : i32 to vector<16xi32>
        %add3A_1340 = arith.addi %add3A_1339, %iota3A : vector<16xi32>
        %add3A_1341 = arith.constant 208 : i32
        %add3A_1342 = arith.addi %mul3A_1167, %add3A_1341 : i32
        %get3A_1343 = arith.index_cast %add3A_1342 : i32 to index
        %get3A_1344 = tpu.vector_load %arg4[%get3A_1343] {strides = array<i32>} : memref<65536xf32, #tpu.memory_space<vmem>>, vector<16xf32>,
        %get3A_1345 = arith.constant 208 : index
        %get3A_1346 = tpu.vector_load %arg7[%get3A_1345] {strides = array<i32>} : memref<256xf32, #tpu.memory_space<vmem>>, vector<16xf32>,
        %add3A_1347 = arith.addf %get3A_1344, %get3A_1346 : vector<16xf32>
        %gt3A_1348 = arith.cmpf ogt, %add3A_1347, %select_n3A_1336 : vector<16xf32>
        %select_n3A_1349 = arith.select %gt3A_1348, %add3A_1347, %select_n3A_1336 : vector<16xi1>, vector<16xf32>
        %select_n3A_1350 = arith.select %gt3A_1348, %add3A_1340, %select_n3A_1337 : vector<16xi1>, vector<16xi32>
        %add3A_1351 = arith.constant 224 : i32
        %add3A_1352 = vector.broadcast %add3A_1351 : i32 to vector<16xi32>
        %add3A_1353 = arith.addi %add3A_1352, %iota3A : vector<16xi32>
        %add3A_1354 = arith.constant 224 : i32
        %add3A_1355 = arith.addi %mul3A_1167, %add3A_1354 : i32
        %get3A_1356 = arith.index_cast %add3A_1355 : i32 to index
        %get3A_1357 = tpu.vector_load %arg4[%get3A_1356] {strides = array<i32>} : memref<65536xf32, #tpu.memory_space<vmem>>, vector<16xf32>,
        %get3A_1358 = arith.constant 224 : index
        %get3A_1359 = tpu.vector_load %arg7[%get3A_1358] {strides = array<i32>} : memref<256xf32, #tpu.memory_space<vmem>>, vector<16xf32>,
        %add3A_1360 = arith.addf %get3A_1357, %get3A_1359 : vector<16xf32>
        %gt3A_1361 = arith.cmpf ogt, %add3A_1360, %select_n3A_1349 : vector<16xf32>
        %select_n3A_1362 = arith.select %gt3A_1361, %add3A_1360, %select_n3A_1349 : vector<16xi1>, vector<16xf32>
        %select_n3A_1363 = arith.select %gt3A_1361, %add3A_1353, %select_n3A_1350 : vector<16xi1>, vector<16xi32>
        %add3A_1364 = arith.constant 240 : i32
        %add3A_1365 = vector.broadcast %add3A_1364 : i32 to vector<16xi32>
        %add3A_1366 = arith.addi %add3A_1365, %iota3A : vector<16xi32>
        %add3A_1367 = arith.constant 240 : i32
        %add3A_1368 = arith.addi %mul3A_1167, %add3A_1367 : i32
        %get3A_1369 = arith.index_cast %add3A_1368 : i32 to index
        %get3A_1370 = tpu.vector_load %arg4[%get3A_1369] {strides = array<i32>} : memref<65536xf32, #tpu.memory_space<vmem>>, vector<16xf32>,
        %get3A_1371 = arith.constant 240 : index
        %get3A_1372 = tpu.vector_load %arg7[%get3A_1371] {strides = array<i32>} : memref<256xf32, #tpu.memory_space<vmem>>, vector<16xf32>,
        %add3A_1373 = arith.addf %get3A_1370, %get3A_1372 : vector<16xf32>
        %gt3A_1374 = arith.cmpf ogt, %add3A_1373, %select_n3A_1362 : vector<16xf32>
        %select_n3A_1375 = arith.select %gt3A_1374, %add3A_1373, %select_n3A_1362 : vector<16xi1>, vector<16xf32>
        %select_n3A_1376 = arith.select %gt3A_1374, %add3A_1366, %select_n3A_1363 : vector<16xi1>, vector<16xi32>
        %reduce_max3A_1377 = arith.constant true
        %reduce_max3A_1378 = vector.broadcast %reduce_max3A_1377 : i1 to vector<16xi1>
        %reduce_max3A_1379 = tpu.scan <max>, %select_n3A_1375 masked %reduce_max3A_1378 : vector<16xf32>, vector<16xi1> -> vector<16xf32>
        %reduce_max3A_1380 = vector.extract %reduce_max3A_1379[15] : f32 from vector<16xf32>
        %ge3A_1381 = vector.broadcast %reduce_max3A_1380 : f32 to vector<16xf32>
        %ge3A_1382 = arith.cmpf oge, %select_n3A_1375, %ge3A_1381 : vector<16xf32>
        %jit3A_1383 = arith.constant 256 : i32
        %broadcast_in_dim3A_1384 = vector.broadcast %jit3A_1383 : i32 to vector<16xi32>
        %select_n3A_1385 = arith.select %ge3A_1382, %select_n3A_1376, %broadcast_in_dim3A_1384 : vector<16xi1>, vector<16xi32>
        %reduce_min3A = arith.constant true
        %reduce_min3A_1386 = vector.broadcast %reduce_min3A : i1 to vector<16xi1>
        %reduce_min3A_1387 = arith.constant -2147483648 : i32
        %reduce_min3A_1388 = vector.broadcast %reduce_min3A_1387 : i32 to vector<16xi32>
        %reduce_min3A_1389 = arith.xori %select_n3A_1385, %reduce_min3A_1388 : vector<16xi32>
        %reduce_min3A_1390 = tpu.scan <min>, %reduce_min3A_1389 masked %reduce_min3A_1386 : vector<16xi32>, vector<16xi1> -> vector<16xi32>
        %reduce_min3A_1391 = arith.xori %reduce_min3A_1390, %reduce_min3A_1388 : vector<16xi32>
        %reduce_min3A_1392 = vector.extract %reduce_min3A_1391[15] : i32 from vector<16xi32>
        %broadcast_in_dim3A_1393 = vector.broadcast %reduce_max3A_1380 : f32 to vector<16xf32>
        tpu.vector_store_idx %arg5[%gather3A], %broadcast_in_dim3A_1393 masked %eq3A_1 : memref<256xf32, #tpu.memory_space<vmem>>[vector<16xi32>], vector<16xf32>, vector<16xi1>
        %broadcast_in_dim3A_1394 = vector.broadcast %reduce_min3A_1392 : i32 to vector<16xi32>
        tpu.vector_store_idx %arg6[%gather3A], %broadcast_in_dim3A_1394 masked %eq3A_1 : memref<256xi32, #tpu.memory_space<vmem>>[vector<16xi32>], vector<16xi32>, vector<16xi1>
      } else {
      }
      %shift_right_logical3A = arith.constant 4 : i32
      %shift_right_logical3A_1139 = arith.shrui %squeeze3A, %shift_right_logical3A : i32
      %mul3A_1140 = arith.constant 16 : i32
      %mul3A_1141 = arith.muli %shift_right_logical3A_1139, %mul3A_1140 : i32
      %get3A_1142 = arith.index_cast %mul3A_1141 : i32 to index
      %get3A_1143 = tpu.vector_load %arg5[%get3A_1142] {strides = array<i32>} : memref<256xf32, #tpu.memory_space<vmem>>, vector<16xf32>,
      %reduce_max3A_1144 = arith.constant true
      %reduce_max3A_1145 = vector.broadcast %reduce_max3A_1144 : i1 to vector<16xi1>
      %reduce_max3A_1146 = tpu.scan <max>, %get3A_1143 masked %reduce_max3A_1145 : vector<16xf32>, vector<16xi1> -> vector<16xf32>
      %reduce_max3A_1147 = vector.extract %reduce_max3A_1146[15] : f32 from vector<16xf32>
      %broadcast_in_dim3A_1148 = arith.constant 0 : i32
      %broadcast_in_dim3A_1149 = vector.broadcast %broadcast_in_dim3A_1148 : i32 to vector<16xi32>
      %ge3A_1150 = vector.broadcast %reduce_max3A_1147 : f32 to vector<16xf32>
      %ge3A_1151 = arith.cmpf oge, %get3A_1143, %ge3A_1150 : vector<16xf32>
      %all_reduce_ffs3A_1152 = tpu.all_reduce %ge3A_1151 {dim = 0 : i64, kind = #tpu.reduction_kind<find_first_set>} : vector<16xi1> -> vector<16xi32>
      %add3A_1153 = arith.addi %broadcast_in_dim3A_1149, %all_reduce_ffs3A_1152 : vector<16xi32>
      %eq3A_1154 = vector.broadcast %shift_right_logical3A_1139 : i32 to vector<16xi32>
      %eq3A_1155 = arith.cmpi eq, %iota3A, %eq3A_1154 : vector<16xi32>
      %broadcast_in_dim3A_1156 = vector.broadcast %reduce_max3A_1147 : f32 to vector<16xf32>
      %select_n3A_1157 = arith.select %eq3A_1155, %broadcast_in_dim3A_1156, %while3A_1117 : vector<16xi1>, vector<16xf32>
      %broadcast_in_dim3A_1158 = vector.broadcast %shift_right_logical3A_1139 : i32 to vector<16xi32>
      %mul3A_1159 = arith.constant 16 : i32
      %mul3A_1160 = arith.muli %shift_right_logical3A_1139, %mul3A_1159 : i32
      %add3A_1161 = vector.broadcast %mul3A_1160 : i32 to vector<16xi32>
      %add3A_1162 = arith.addi %add3A_1161, %add3A_1153 : vector<16xi32>
      tpu.vector_store_idx %arg8[%broadcast_in_dim3A_1158], %add3A_1162 masked %eq3A_1 : memref<16xi32, #tpu.memory_space<vmem>>[vector<16xi32>], vector<16xi32>, vector<16xi1>
      %jit3A = arith.constant 1 : i32
      %jit3A_1163 = arith.constant 0 : i32
      %select_n3A_1164 = arith.select %eq3A_1133, %jit3A, %jit3A_1163 : i32
      %add3A_1165 = arith.addi %while3A_1116, %select_n3A_1164 : i32
      scf.yield %add3A_1165, %select_n3A_1157 : i32, vector<16xf32>
    }
    "tpu.trace_stop"() : () -> ()
    "tpu.trace_start"() <{level = 10 : i32, message = "sc_emit"}> : () -> ()
    %scan3A_954 = arith.constant 0 : i32
    %scan3A_955 = arith.constant 0 : i32
    %scan3A_956 = arith.constant 256 : i32
    %scan3A_957 = arith.addi %scan3A_955, %scan3A_956 : i32
    %scan3A_958 = arith.constant 1 : i32
    scf.for %scan3A_1116 = %scan3A_955 to %scan3A_957 step %scan3A_958  : i32 {
      %mul3A_1117 = arith.constant 256 : i32
      %mul3A_1118 = arith.muli %scan3A_1116, %mul3A_1117 : i32
      %add3A_1119 = arith.constant 0 : i32
      %add3A_1120 = arith.addi %mul3A_1118, %add3A_1119 : i32
      %swap3A_1121 = arith.index_cast %add3A_1120 : i32 to index
      %swap3A_1122 = tpu.vector_load %arg4[%swap3A_1121] {strides = array<i32>} : memref<65536xf32, #tpu.memory_space<vmem>>, vector<16xf32>,
      tpu.vector_store %arg4[%swap3A_1121], %broadcast_in_dim3A_2 {strides = array<i32>} : memref<65536xf32, #tpu.memory_space<vmem>>, vector<16xf32>,
      %add3A_1123 = arith.constant 16 : i32
      %add3A_1124 = arith.addi %mul3A_1118, %add3A_1123 : i32
      %swap3A_1125 = arith.index_cast %add3A_1124 : i32 to index
      %swap3A_1126 = tpu.vector_load %arg4[%swap3A_1125] {strides = array<i32>} : memref<65536xf32, #tpu.memory_space<vmem>>, vector<16xf32>,
      tpu.vector_store %arg4[%swap3A_1125], %broadcast_in_dim3A_2 {strides = array<i32>} : memref<65536xf32, #tpu.memory_space<vmem>>, vector<16xf32>,
      %add3A_1127 = arith.constant 32 : i32
      %add3A_1128 = arith.addi %mul3A_1118, %add3A_1127 : i32
      %swap3A_1129 = arith.index_cast %add3A_1128 : i32 to index
      %swap3A_1130 = tpu.vector_load %arg4[%swap3A_1129] {strides = array<i32>} : memref<65536xf32, #tpu.memory_space<vmem>>, vector<16xf32>,
      tpu.vector_store %arg4[%swap3A_1129], %broadcast_in_dim3A_2 {strides = array<i32>} : memref<65536xf32, #tpu.memory_space<vmem>>, vector<16xf32>,
      %add3A_1131 = arith.constant 48 : i32
      %add3A_1132 = arith.addi %mul3A_1118, %add3A_1131 : i32
      %swap3A_1133 = arith.index_cast %add3A_1132 : i32 to index
      %swap3A_1134 = tpu.vector_load %arg4[%swap3A_1133] {strides = array<i32>} : memref<65536xf32, #tpu.memory_space<vmem>>, vector<16xf32>,
      tpu.vector_store %arg4[%swap3A_1133], %broadcast_in_dim3A_2 {strides = array<i32>} : memref<65536xf32, #tpu.memory_space<vmem>>, vector<16xf32>,
      %add3A_1135 = arith.constant 64 : i32
      %add3A_1136 = arith.addi %mul3A_1118, %add3A_1135 : i32
      %swap3A_1137 = arith.index_cast %add3A_1136 : i32 to index
      %swap3A_1138 = tpu.vector_load %arg4[%swap3A_1137] {strides = array<i32>} : memref<65536xf32, #tpu.memory_space<vmem>>, vector<16xf32>,
      tpu.vector_store %arg4[%swap3A_1137], %broadcast_in_dim3A_2 {strides = array<i32>} : memref<65536xf32, #tpu.memory_space<vmem>>, vector<16xf32>,
      %add3A_1139 = arith.constant 80 : i32
      %add3A_1140 = arith.addi %mul3A_1118, %add3A_1139 : i32
      %swap3A_1141 = arith.index_cast %add3A_1140 : i32 to index
      %swap3A_1142 = tpu.vector_load %arg4[%swap3A_1141] {strides = array<i32>} : memref<65536xf32, #tpu.memory_space<vmem>>, vector<16xf32>,
      tpu.vector_store %arg4[%swap3A_1141], %broadcast_in_dim3A_2 {strides = array<i32>} : memref<65536xf32, #tpu.memory_space<vmem>>, vector<16xf32>,
      %add3A_1143 = arith.constant 96 : i32
      %add3A_1144 = arith.addi %mul3A_1118, %add3A_1143 : i32
      %swap3A_1145 = arith.index_cast %add3A_1144 : i32 to index
      %swap3A_1146 = tpu.vector_load %arg4[%swap3A_1145] {strides = array<i32>} : memref<65536xf32, #tpu.memory_space<vmem>>, vector<16xf32>,
      tpu.vector_store %arg4[%swap3A_1145], %broadcast_in_dim3A_2 {strides = array<i32>} : memref<65536xf32, #tpu.memory_space<vmem>>, vector<16xf32>,
      %add3A_1147 = arith.constant 112 : i32
      %add3A_1148 = arith.addi %mul3A_1118, %add3A_1147 : i32
      %swap3A_1149 = arith.index_cast %add3A_1148 : i32 to index
      %swap3A_1150 = tpu.vector_load %arg4[%swap3A_1149] {strides = array<i32>} : memref<65536xf32, #tpu.memory_space<vmem>>, vector<16xf32>,
      tpu.vector_store %arg4[%swap3A_1149], %broadcast_in_dim3A_2 {strides = array<i32>} : memref<65536xf32, #tpu.memory_space<vmem>>, vector<16xf32>,
      %add3A_1151 = arith.constant 128 : i32
      %add3A_1152 = arith.addi %mul3A_1118, %add3A_1151 : i32
      %swap3A_1153 = arith.index_cast %add3A_1152 : i32 to index
      %swap3A_1154 = tpu.vector_load %arg4[%swap3A_1153] {strides = array<i32>} : memref<65536xf32, #tpu.memory_space<vmem>>, vector<16xf32>,
      tpu.vector_store %arg4[%swap3A_1153], %broadcast_in_dim3A_2 {strides = array<i32>} : memref<65536xf32, #tpu.memory_space<vmem>>, vector<16xf32>,
      %add3A_1155 = arith.constant 144 : i32
      %add3A_1156 = arith.addi %mul3A_1118, %add3A_1155 : i32
      %swap3A_1157 = arith.index_cast %add3A_1156 : i32 to index
      %swap3A_1158 = tpu.vector_load %arg4[%swap3A_1157] {strides = array<i32>} : memref<65536xf32, #tpu.memory_space<vmem>>, vector<16xf32>,
      tpu.vector_store %arg4[%swap3A_1157], %broadcast_in_dim3A_2 {strides = array<i32>} : memref<65536xf32, #tpu.memory_space<vmem>>, vector<16xf32>,
      %add3A_1159 = arith.constant 160 : i32
      %add3A_1160 = arith.addi %mul3A_1118, %add3A_1159 : i32
      %swap3A_1161 = arith.index_cast %add3A_1160 : i32 to index
      %swap3A_1162 = tpu.vector_load %arg4[%swap3A_1161] {strides = array<i32>} : memref<65536xf32, #tpu.memory_space<vmem>>, vector<16xf32>,
      tpu.vector_store %arg4[%swap3A_1161], %broadcast_in_dim3A_2 {strides = array<i32>} : memref<65536xf32, #tpu.memory_space<vmem>>, vector<16xf32>,
      %add3A_1163 = arith.constant 176 : i32
      %add3A_1164 = arith.addi %mul3A_1118, %add3A_1163 : i32
      %swap3A_1165 = arith.index_cast %add3A_1164 : i32 to index
      %swap3A_1166 = tpu.vector_load %arg4[%swap3A_1165] {strides = array<i32>} : memref<65536xf32, #tpu.memory_space<vmem>>, vector<16xf32>,
      tpu.vector_store %arg4[%swap3A_1165], %broadcast_in_dim3A_2 {strides = array<i32>} : memref<65536xf32, #tpu.memory_space<vmem>>, vector<16xf32>,
      %add3A_1167 = arith.constant 192 : i32
      %add3A_1168 = arith.addi %mul3A_1118, %add3A_1167 : i32
      %swap3A_1169 = arith.index_cast %add3A_1168 : i32 to index
      %swap3A_1170 = tpu.vector_load %arg4[%swap3A_1169] {strides = array<i32>} : memref<65536xf32, #tpu.memory_space<vmem>>, vector<16xf32>,
      tpu.vector_store %arg4[%swap3A_1169], %broadcast_in_dim3A_2 {strides = array<i32>} : memref<65536xf32, #tpu.memory_space<vmem>>, vector<16xf32>,
      %add3A_1171 = arith.constant 208 : i32
      %add3A_1172 = arith.addi %mul3A_1118, %add3A_1171 : i32
      %swap3A_1173 = arith.index_cast %add3A_1172 : i32 to index
      %swap3A_1174 = tpu.vector_load %arg4[%swap3A_1173] {strides = array<i32>} : memref<65536xf32, #tpu.memory_space<vmem>>, vector<16xf32>,
      tpu.vector_store %arg4[%swap3A_1173], %broadcast_in_dim3A_2 {strides = array<i32>} : memref<65536xf32, #tpu.memory_space<vmem>>, vector<16xf32>,
      %add3A_1175 = arith.constant 224 : i32
      %add3A_1176 = arith.addi %mul3A_1118, %add3A_1175 : i32
      %swap3A_1177 = arith.index_cast %add3A_1176 : i32 to index
      %swap3A_1178 = tpu.vector_load %arg4[%swap3A_1177] {strides = array<i32>} : memref<65536xf32, #tpu.memory_space<vmem>>, vector<16xf32>,
      tpu.vector_store %arg4[%swap3A_1177], %broadcast_in_dim3A_2 {strides = array<i32>} : memref<65536xf32, #tpu.memory_space<vmem>>, vector<16xf32>,
      %add3A_1179 = arith.constant 240 : i32
      %add3A_1180 = arith.addi %mul3A_1118, %add3A_1179 : i32
      %swap3A_1181 = arith.index_cast %add3A_1180 : i32 to index
      %swap3A_1182 = tpu.vector_load %arg4[%swap3A_1181] {strides = array<i32>} : memref<65536xf32, #tpu.memory_space<vmem>>, vector<16xf32>,
      tpu.vector_store %arg4[%swap3A_1181], %broadcast_in_dim3A_2 {strides = array<i32>} : memref<65536xf32, #tpu.memory_space<vmem>>, vector<16xf32>,
    }
    %scan3A_959 = arith.constant 256 : i32
    %add3A_960 = arith.constant 0 : i32
    %add3A_961 = vector.broadcast %add3A_960 : i32 to vector<16xi32>
    %add3A_962 = arith.addi %add3A_961, %iota3A : vector<16xi32>
    %get3A_963 = arith.constant 0 : index
    %get3A_964 = tpu.vector_load %arg6[%get3A_963] {strides = array<i32>} : memref<256xi32, #tpu.memory_space<vmem>>, vector<16xi32>,
    %mul3A_965 = arith.constant 256 : i32
    %mul3A_966 = vector.broadcast %mul3A_965 : i32 to vector<16xi32>
    %mul3A_967 = arith.muli %add3A_962, %mul3A_966 : vector<16xi32>
    %add3A_968 = arith.addi %mul3A_967, %get3A_964 : vector<16xi32>
    tpu.vector_store_idx %arg4[%add3A_968], %broadcast_in_dim3A_6 : memref<65536xf32, #tpu.memory_space<vmem>>[vector<16xi32>], vector<16xf32>,
    %add3A_969 = arith.constant 16 : i32
    %add3A_970 = vector.broadcast %add3A_969 : i32 to vector<16xi32>
    %add3A_971 = arith.addi %add3A_970, %iota3A : vector<16xi32>
    %get3A_972 = arith.constant 16 : index
    %get3A_973 = tpu.vector_load %arg6[%get3A_972] {strides = array<i32>} : memref<256xi32, #tpu.memory_space<vmem>>, vector<16xi32>,
    %mul3A_974 = arith.constant 256 : i32
    %mul3A_975 = vector.broadcast %mul3A_974 : i32 to vector<16xi32>
    %mul3A_976 = arith.muli %add3A_971, %mul3A_975 : vector<16xi32>
    %add3A_977 = arith.addi %mul3A_976, %get3A_973 : vector<16xi32>
    tpu.vector_store_idx %arg4[%add3A_977], %broadcast_in_dim3A_6 : memref<65536xf32, #tpu.memory_space<vmem>>[vector<16xi32>], vector<16xf32>,
    %add3A_978 = arith.constant 32 : i32
    %add3A_979 = vector.broadcast %add3A_978 : i32 to vector<16xi32>
    %add3A_980 = arith.addi %add3A_979, %iota3A : vector<16xi32>
    %get3A_981 = arith.constant 32 : index
    %get3A_982 = tpu.vector_load %arg6[%get3A_981] {strides = array<i32>} : memref<256xi32, #tpu.memory_space<vmem>>, vector<16xi32>,
    %mul3A_983 = arith.constant 256 : i32
    %mul3A_984 = vector.broadcast %mul3A_983 : i32 to vector<16xi32>
    %mul3A_985 = arith.muli %add3A_980, %mul3A_984 : vector<16xi32>
    %add3A_986 = arith.addi %mul3A_985, %get3A_982 : vector<16xi32>
    tpu.vector_store_idx %arg4[%add3A_986], %broadcast_in_dim3A_6 : memref<65536xf32, #tpu.memory_space<vmem>>[vector<16xi32>], vector<16xf32>,
    %add3A_987 = arith.constant 48 : i32
    %add3A_988 = vector.broadcast %add3A_987 : i32 to vector<16xi32>
    %add3A_989 = arith.addi %add3A_988, %iota3A : vector<16xi32>
    %get3A_990 = arith.constant 48 : index
    %get3A_991 = tpu.vector_load %arg6[%get3A_990] {strides = array<i32>} : memref<256xi32, #tpu.memory_space<vmem>>, vector<16xi32>,
    %mul3A_992 = arith.constant 256 : i32
    %mul3A_993 = vector.broadcast %mul3A_992 : i32 to vector<16xi32>
    %mul3A_994 = arith.muli %add3A_989, %mul3A_993 : vector<16xi32>
    %add3A_995 = arith.addi %mul3A_994, %get3A_991 : vector<16xi32>
    tpu.vector_store_idx %arg4[%add3A_995], %broadcast_in_dim3A_6 : memref<65536xf32, #tpu.memory_space<vmem>>[vector<16xi32>], vector<16xf32>,
    %add3A_996 = arith.constant 64 : i32
    %add3A_997 = vector.broadcast %add3A_996 : i32 to vector<16xi32>
    %add3A_998 = arith.addi %add3A_997, %iota3A : vector<16xi32>
    %get3A_999 = arith.constant 64 : index
    %get3A_1000 = tpu.vector_load %arg6[%get3A_999] {strides = array<i32>} : memref<256xi32, #tpu.memory_space<vmem>>, vector<16xi32>,
    %mul3A_1001 = arith.constant 256 : i32
    %mul3A_1002 = vector.broadcast %mul3A_1001 : i32 to vector<16xi32>
    %mul3A_1003 = arith.muli %add3A_998, %mul3A_1002 : vector<16xi32>
    %add3A_1004 = arith.addi %mul3A_1003, %get3A_1000 : vector<16xi32>
    tpu.vector_store_idx %arg4[%add3A_1004], %broadcast_in_dim3A_6 : memref<65536xf32, #tpu.memory_space<vmem>>[vector<16xi32>], vector<16xf32>,
    %add3A_1005 = arith.constant 80 : i32
    %add3A_1006 = vector.broadcast %add3A_1005 : i32 to vector<16xi32>
    %add3A_1007 = arith.addi %add3A_1006, %iota3A : vector<16xi32>
    %get3A_1008 = arith.constant 80 : index
    %get3A_1009 = tpu.vector_load %arg6[%get3A_1008] {strides = array<i32>} : memref<256xi32, #tpu.memory_space<vmem>>, vector<16xi32>,
    %mul3A_1010 = arith.constant 256 : i32
    %mul3A_1011 = vector.broadcast %mul3A_1010 : i32 to vector<16xi32>
    %mul3A_1012 = arith.muli %add3A_1007, %mul3A_1011 : vector<16xi32>
    %add3A_1013 = arith.addi %mul3A_1012, %get3A_1009 : vector<16xi32>
    tpu.vector_store_idx %arg4[%add3A_1013], %broadcast_in_dim3A_6 : memref<65536xf32, #tpu.memory_space<vmem>>[vector<16xi32>], vector<16xf32>,
    %add3A_1014 = arith.constant 96 : i32
    %add3A_1015 = vector.broadcast %add3A_1014 : i32 to vector<16xi32>
    %add3A_1016 = arith.addi %add3A_1015, %iota3A : vector<16xi32>
    %get3A_1017 = arith.constant 96 : index
    %get3A_1018 = tpu.vector_load %arg6[%get3A_1017] {strides = array<i32>} : memref<256xi32, #tpu.memory_space<vmem>>, vector<16xi32>,
    %mul3A_1019 = arith.constant 256 : i32
    %mul3A_1020 = vector.broadcast %mul3A_1019 : i32 to vector<16xi32>
    %mul3A_1021 = arith.muli %add3A_1016, %mul3A_1020 : vector<16xi32>
    %add3A_1022 = arith.addi %mul3A_1021, %get3A_1018 : vector<16xi32>
    tpu.vector_store_idx %arg4[%add3A_1022], %broadcast_in_dim3A_6 : memref<65536xf32, #tpu.memory_space<vmem>>[vector<16xi32>], vector<16xf32>,
    %add3A_1023 = arith.constant 112 : i32
    %add3A_1024 = vector.broadcast %add3A_1023 : i32 to vector<16xi32>
    %add3A_1025 = arith.addi %add3A_1024, %iota3A : vector<16xi32>
    %get3A_1026 = arith.constant 112 : index
    %get3A_1027 = tpu.vector_load %arg6[%get3A_1026] {strides = array<i32>} : memref<256xi32, #tpu.memory_space<vmem>>, vector<16xi32>,
    %mul3A_1028 = arith.constant 256 : i32
    %mul3A_1029 = vector.broadcast %mul3A_1028 : i32 to vector<16xi32>
    %mul3A_1030 = arith.muli %add3A_1025, %mul3A_1029 : vector<16xi32>
    %add3A_1031 = arith.addi %mul3A_1030, %get3A_1027 : vector<16xi32>
    tpu.vector_store_idx %arg4[%add3A_1031], %broadcast_in_dim3A_6 : memref<65536xf32, #tpu.memory_space<vmem>>[vector<16xi32>], vector<16xf32>,
    %add3A_1032 = arith.constant 128 : i32
    %add3A_1033 = vector.broadcast %add3A_1032 : i32 to vector<16xi32>
    %add3A_1034 = arith.addi %add3A_1033, %iota3A : vector<16xi32>
    %get3A_1035 = arith.constant 128 : index
    %get3A_1036 = tpu.vector_load %arg6[%get3A_1035] {strides = array<i32>} : memref<256xi32, #tpu.memory_space<vmem>>, vector<16xi32>,
    %mul3A_1037 = arith.constant 256 : i32
    %mul3A_1038 = vector.broadcast %mul3A_1037 : i32 to vector<16xi32>
    %mul3A_1039 = arith.muli %add3A_1034, %mul3A_1038 : vector<16xi32>
    %add3A_1040 = arith.addi %mul3A_1039, %get3A_1036 : vector<16xi32>
    tpu.vector_store_idx %arg4[%add3A_1040], %broadcast_in_dim3A_6 : memref<65536xf32, #tpu.memory_space<vmem>>[vector<16xi32>], vector<16xf32>,
    %add3A_1041 = arith.constant 144 : i32
    %add3A_1042 = vector.broadcast %add3A_1041 : i32 to vector<16xi32>
    %add3A_1043 = arith.addi %add3A_1042, %iota3A : vector<16xi32>
    %get3A_1044 = arith.constant 144 : index
    %get3A_1045 = tpu.vector_load %arg6[%get3A_1044] {strides = array<i32>} : memref<256xi32, #tpu.memory_space<vmem>>, vector<16xi32>,
    %mul3A_1046 = arith.constant 256 : i32
    %mul3A_1047 = vector.broadcast %mul3A_1046 : i32 to vector<16xi32>
    %mul3A_1048 = arith.muli %add3A_1043, %mul3A_1047 : vector<16xi32>
    %add3A_1049 = arith.addi %mul3A_1048, %get3A_1045 : vector<16xi32>
    tpu.vector_store_idx %arg4[%add3A_1049], %broadcast_in_dim3A_6 : memref<65536xf32, #tpu.memory_space<vmem>>[vector<16xi32>], vector<16xf32>,
    %add3A_1050 = arith.constant 160 : i32
    %add3A_1051 = vector.broadcast %add3A_1050 : i32 to vector<16xi32>
    %add3A_1052 = arith.addi %add3A_1051, %iota3A : vector<16xi32>
    %get3A_1053 = arith.constant 160 : index
    %get3A_1054 = tpu.vector_load %arg6[%get3A_1053] {strides = array<i32>} : memref<256xi32, #tpu.memory_space<vmem>>, vector<16xi32>,
    %mul3A_1055 = arith.constant 256 : i32
    %mul3A_1056 = vector.broadcast %mul3A_1055 : i32 to vector<16xi32>
    %mul3A_1057 = arith.muli %add3A_1052, %mul3A_1056 : vector<16xi32>
    %add3A_1058 = arith.addi %mul3A_1057, %get3A_1054 : vector<16xi32>
    tpu.vector_store_idx %arg4[%add3A_1058], %broadcast_in_dim3A_6 : memref<65536xf32, #tpu.memory_space<vmem>>[vector<16xi32>], vector<16xf32>,
    %add3A_1059 = arith.constant 176 : i32
    %add3A_1060 = vector.broadcast %add3A_1059 : i32 to vector<16xi32>
    %add3A_1061 = arith.addi %add3A_1060, %iota3A : vector<16xi32>
    %get3A_1062 = arith.constant 176 : index
    %get3A_1063 = tpu.vector_load %arg6[%get3A_1062] {strides = array<i32>} : memref<256xi32, #tpu.memory_space<vmem>>, vector<16xi32>,
    %mul3A_1064 = arith.constant 256 : i32
    %mul3A_1065 = vector.broadcast %mul3A_1064 : i32 to vector<16xi32>
    %mul3A_1066 = arith.muli %add3A_1061, %mul3A_1065 : vector<16xi32>
    %add3A_1067 = arith.addi %mul3A_1066, %get3A_1063 : vector<16xi32>
    tpu.vector_store_idx %arg4[%add3A_1067], %broadcast_in_dim3A_6 : memref<65536xf32, #tpu.memory_space<vmem>>[vector<16xi32>], vector<16xf32>,
    %add3A_1068 = arith.constant 192 : i32
    %add3A_1069 = vector.broadcast %add3A_1068 : i32 to vector<16xi32>
    %add3A_1070 = arith.addi %add3A_1069, %iota3A : vector<16xi32>
    %get3A_1071 = arith.constant 192 : index
    %get3A_1072 = tpu.vector_load %arg6[%get3A_1071] {strides = array<i32>} : memref<256xi32, #tpu.memory_space<vmem>>, vector<16xi32>,
    %mul3A_1073 = arith.constant 256 : i32
    %mul3A_1074 = vector.broadcast %mul3A_1073 : i32 to vector<16xi32>
    %mul3A_1075 = arith.muli %add3A_1070, %mul3A_1074 : vector<16xi32>
    %add3A_1076 = arith.addi %mul3A_1075, %get3A_1072 : vector<16xi32>
    tpu.vector_store_idx %arg4[%add3A_1076], %broadcast_in_dim3A_6 : memref<65536xf32, #tpu.memory_space<vmem>>[vector<16xi32>], vector<16xf32>,
    %add3A_1077 = arith.constant 208 : i32
    %add3A_1078 = vector.broadcast %add3A_1077 : i32 to vector<16xi32>
    %add3A_1079 = arith.addi %add3A_1078, %iota3A : vector<16xi32>
    %get3A_1080 = arith.constant 208 : index
    %get3A_1081 = tpu.vector_load %arg6[%get3A_1080] {strides = array<i32>} : memref<256xi32, #tpu.memory_space<vmem>>, vector<16xi32>,
    %mul3A_1082 = arith.constant 256 : i32
    %mul3A_1083 = vector.broadcast %mul3A_1082 : i32 to vector<16xi32>
    %mul3A_1084 = arith.muli %add3A_1079, %mul3A_1083 : vector<16xi32>
    %add3A_1085 = arith.addi %mul3A_1084, %get3A_1081 : vector<16xi32>
    tpu.vector_store_idx %arg4[%add3A_1085], %broadcast_in_dim3A_6 : memref<65536xf32, #tpu.memory_space<vmem>>[vector<16xi32>], vector<16xf32>,
    %add3A_1086 = arith.constant 224 : i32
    %add3A_1087 = vector.broadcast %add3A_1086 : i32 to vector<16xi32>
    %add3A_1088 = arith.addi %add3A_1087, %iota3A : vector<16xi32>
    %get3A_1089 = arith.constant 224 : index
    %get3A_1090 = tpu.vector_load %arg6[%get3A_1089] {strides = array<i32>} : memref<256xi32, #tpu.memory_space<vmem>>, vector<16xi32>,
    %mul3A_1091 = arith.constant 256 : i32
    %mul3A_1092 = vector.broadcast %mul3A_1091 : i32 to vector<16xi32>
    %mul3A_1093 = arith.muli %add3A_1088, %mul3A_1092 : vector<16xi32>
    %add3A_1094 = arith.addi %mul3A_1093, %get3A_1090 : vector<16xi32>
    tpu.vector_store_idx %arg4[%add3A_1094], %broadcast_in_dim3A_6 : memref<65536xf32, #tpu.memory_space<vmem>>[vector<16xi32>], vector<16xf32>,
    %add3A_1095 = arith.constant 240 : i32
    %add3A_1096 = vector.broadcast %add3A_1095 : i32 to vector<16xi32>
    %add3A_1097 = arith.addi %add3A_1096, %iota3A : vector<16xi32>
    %get3A_1098 = arith.constant 240 : index
    %get3A_1099 = tpu.vector_load %arg6[%get3A_1098] {strides = array<i32>} : memref<256xi32, #tpu.memory_space<vmem>>, vector<16xi32>,
    %mul3A_1100 = arith.constant 256 : i32
    %mul3A_1101 = vector.broadcast %mul3A_1100 : i32 to vector<16xi32>
    %mul3A_1102 = arith.muli %add3A_1097, %mul3A_1101 : vector<16xi32>
    %add3A_1103 = arith.addi %mul3A_1102, %get3A_1099 : vector<16xi32>
    tpu.vector_store_idx %arg4[%add3A_1103], %broadcast_in_dim3A_6 : memref<65536xf32, #tpu.memory_space<vmem>>[vector<16xi32>], vector<16xf32>,
    %scan3A_1104 = arith.constant 0 : i32
    %scan3A_1105 = arith.constant 0 : i32
    %scan3A_1106 = arith.constant 256 : i32
    %scan3A_1107 = arith.addi %scan3A_1105, %scan3A_1106 : i32
    %scan3A_1108 = arith.constant 1 : i32
    scf.for %scan3A_1116 = %scan3A_1105 to %scan3A_1107 step %scan3A_1108  : i32 {
      %mul3A_1117 = arith.constant 256 : i32
      %mul3A_1118 = arith.muli %scan3A_1116, %mul3A_1117 : i32
      %dma_start3A = tpu.memref_slice %arg4[%mul3A_1118] : memref<65536xf32, #tpu.memory_space<vmem>> -> memref<256xf32, #tpu.memory_space<vmem>>
      %dma_start3A_1119 = arith.constant 0 : i32
      %dma_start3A_1120 = tpu.memref_slice %arg3[%add3A_561, %scan3A_1116, %dma_start3A_1119] : memref<64x256x256xf32, #tpu.memory_space<hbm>> -> memref<1x1x256xf32, #tpu.memory_space<hbm>>
      %dma_start3A_1121 = tpu.memref_squeeze %dma_start3A_1120 : memref<1x1x256xf32, #tpu.memory_space<hbm>> -> memref<256xf32, #tpu.memory_space<hbm>>
      %dma_start3A_1122 = arith.constant 0 : i32
      %dma_start3A_1123 = tpu.memref_slice %arg3[%add3A_561, %scan3A_1116, %dma_start3A_1122] : memref<64x256x256xf32, #tpu.memory_space<hbm>> -> memref<1x1x256xf32, #tpu.memory_space<hbm>>
      %dma_start3A_1124 = tpu.memref_squeeze %dma_start3A_1123 : memref<1x1x256xf32, #tpu.memory_space<hbm>> -> memref<256xf32, #tpu.memory_space<hbm>>
      %dma_start3A_1125 = tpu.memref_slice %arg4[%mul3A_1118] : memref<65536xf32, #tpu.memory_space<vmem>> -> memref<256xf32, #tpu.memory_space<vmem>>
      tpu.enqueue_dma source(%dma_start3A_1125 : memref<256xf32, #tpu.memory_space<vmem>>) target(%dma_start3A_1124 : memref<256xf32, #tpu.memory_space<hbm>>) target_semaphore(%arg9 : memref<!tpu.dma_semaphore, #tpu.memory_space<semaphore_mem>>)
    }
    %scan3A_1109 = arith.constant 256 : i32
    %scan3A_1110 = arith.constant 0 : i32
    %scan3A_1111 = arith.constant 0 : i32
    %scan3A_1112 = arith.constant 256 : i32
    %scan3A_1113 = arith.addi %scan3A_1111, %scan3A_1112 : i32
    %scan3A_1114 = arith.constant 1 : i32
    scf.for %scan3A_1116 = %scan3A_1111 to %scan3A_1113 step %scan3A_1114  : i32 {
      %mul3A_1117 = arith.constant 256 : i32
      %mul3A_1118 = arith.muli %scan3A_1116, %mul3A_1117 : i32
      %dma_wait3A = tpu.memref_slice %arg4[%mul3A_1118] : memref<65536xf32, #tpu.memory_space<vmem>> -> memref<256xf32, #tpu.memory_space<vmem>>
      %dma_wait3A_1119 = arith.constant 0 : i32
      %dma_wait3A_1120 = tpu.memref_slice %arg3[%add3A_561, %scan3A_1116, %dma_wait3A_1119] : memref<64x256x256xf32, #tpu.memory_space<hbm>> -> memref<1x1x256xf32, #tpu.memory_space<hbm>>
      %dma_wait3A_1121 = tpu.memref_squeeze %dma_wait3A_1120 : memref<1x1x256xf32, #tpu.memory_space<hbm>> -> memref<256xf32, #tpu.memory_space<hbm>>
      %dma_wait3A_1122 = arith.constant 0 : i32
      %dma_wait3A_1123 = tpu.memref_slice %arg3[%add3A_561, %scan3A_1116, %dma_wait3A_1122] : memref<64x256x256xf32, #tpu.memory_space<hbm>> -> memref<1x1x256xf32, #tpu.memory_space<hbm>>
      %dma_wait3A_1124 = tpu.memref_squeeze %dma_wait3A_1123 : memref<1x1x256xf32, #tpu.memory_space<hbm>> -> memref<256xf32, #tpu.memory_space<hbm>>
      %dma_wait3A_1125 = tpu.memref_slice %arg4[%mul3A_1118] : memref<65536xf32, #tpu.memory_space<vmem>> -> memref<256xf32, #tpu.memory_space<vmem>>
      tpu.wait_dma2 semaphore(%arg9 : memref<!tpu.dma_semaphore, #tpu.memory_space<semaphore_mem>>) src(%dma_wait3A_1125 : memref<256xf32, #tpu.memory_space<vmem>>) dst(%dma_wait3A_1124 : memref<256xf32, #tpu.memory_space<hbm>>)
    }
    %scan3A_1115 = arith.constant 256 : i32
    "tpu.trace_stop"() : () -> ()
    return
  }
}

</mosaic_0001>

<sc_bundles>
// kernel: _greedy_hard_perm_sc.3.cloned.1.call-start
scs
__scs_entry_jumppad:
0x0: {  	(pc) =	sbr.rel $0x88, $3  }
0x1: {  	(tag) =	ssettag $0x0;
	lr =	simm.s32 $0x1  }
0x2: {  	[smem:$0x3FA0] =	sst lr;
	_ =	strace $0xD0000000  }
0x3: {  	_ = 	snop  }
0x4: {  	_ = 	snop  }
0x5: {  	_ = 	snop  }
0x6: {  	_ = 	snop  }
0x7: {  	_ = 	snop  }
__scs_overlays_trampoline_lowered:
0x8: {  	[smem:$0x3FAF] =	sst s0  }
0x9: {  	[smem:$0x3FB0] =	sst s1  }
0xa: {  	[smem:$0x3FB1] =	sst s2  }
0xb: {  	[smem:$0x3FB2] =	sst s3  }
0xc: {  	[smem:$0x3FB3] =	sst s4  }
0xd: {  	[smem:$0x3FB4] =	sst s5  }
0xe: {  	[smem:$0x3FB5] =	sst s6  }
0xf: {  	[smem:$0x3FB6] =	sst s7  }
0x10: {  	[smem:$0x3FB7] =	sst s8  }
0x11: {  	[smem:$0x3FB8] =	sst s9;
	s0 =	simm.s32 @!p0 $0x0  }
0x12: {  	s1 =	sld [smem:$0x3F9E];
	s0 =	simm.s32 @p0 $0x1  }
0x13: {  	[smem:$0x3FB9] =	sst s0;
	s0 =	simm.s32 @!p1 $0x0  }
0x14: {  	s2 =	sld [smem:$0x3F9D];
	s0 =	simm.s32 @p1 $0x1  }
0x15: {  	[smem:$0x3FBA] =	sst s0;
	s0 =	simm.s32 @!p2 $0x0  }
0x16: {  	s3 =	sld [smem:$0x3FDB];
	s0 =	simm.s32 @p2 $0x1  }
0x17: {  	s4 =	simm.s32 $0x1BF5;
	[smem:$0x3FBC] =	sst s0  }
0x18: {  	s0 =	sld [smem:$0x3F9F];
	_ =	swait.ge [sflag:s4], $0x0  }
0x19: {  	s7 =	sld [smem:$0x3FA0]  }
0x1a: {  	s8 =	sadd.s32 $0xFFFFE003, lr  }
0x1b: {  	s9 =	sadd.s32 $0xFFFFFEF7, lr;
	s5 =	simm.s32 $0xFFFFFFFF;
	p2 =	slt.u32 s8, $0xFFFFF086  }
0x1c: {  	p1 =	slt.u32 s9, $0xF7A;
	s5 =	simm.s32 @!p2 $0x0  }
0x1d: {  	s5 =	simm.s32 @p1 $0x1;
	p0 =	seq.s32 s7, s2  }
0x1e: {  	s7 =	smul.u32 @!p0 $0xF7A, s2;
	p2 =	seq.s32 @!p0 s5, $0x0  }
0x1f: {  	s9 =	smul.u32 $0xF7A, s1;
	s8 =	simm.s32 @!p0 $0x1BF5;
	p2 =	por !p2, p0  }
0x20: {  	[sflag:s8] =	ssyncset.s32 @!p0 $0xFFFFF086;
	s6 =	sadd.s32 @!p0 s3, s7;
	s7 =	simm.s32 @!p0 $0x108  }
0x21: {  	s3 =	sadd.s32 s3, s9;
	s6 =	sadd.s32 @!p0 $0x88, s6;
	s7 =	simm.s32 @p2 $0x1082  }
0x22: {  	[simem:s7], [sflag:s8] =	dma.local @!p0 [hbm:s6], $0xF7A  }
0x23: {  	s9 =	sor.u32 $0xD0000000, s2;
	s6 =	simm.s32 $0x108;
	_ =	swait.ge @!p0 [sflag:s8], $0x0  }
0x24: {  	s3 =	sadd.s32 $0x88, s3;
	s6 =	simm.s32 @!p1 $0x1082;
	[sflag:s4] =	ssyncset.s32 $0xFFFFF086  }
0x25: {  	[simem:s6], [sflag:s4] =	dma.local [hbm:s3], $0xF7A  }
0x26: {  	[smem:$0x3FA0] =	sst s1;
	(tag) =	ssettag s2;
	_ =	strace s9  }
0x27: {  	s1 =	sld [smem:$0x3FB0]  }
0x28: {  	s2 =	sld [smem:$0x3FB1]  }
0x29: {  	s4 =	sld [smem:$0x3FB3]  }
0x2a: {  	p0 =	seq.s32 s5, $0x0;
	s5 =	sld [smem:$0x3FB4]  }
0x2b: {  	s6 =	sld [smem:$0x3FB5]  }
0x2c: {  	s7 =	sld [smem:$0x3FB6]  }
0x2d: {  	s3 =	simm.s32 $0x108;
	s8 =	sld [smem:$0x3FB7]  }
0x2e: {  	s3 =	simm.s32 @!p0 $0x1082;
	s9 =	sld [smem:$0x3FB8]  }
0x2f: {  	lr =	sadd.s32 s0, s3;
	s0 =	sld [smem:$0x3FAF]  }
0x30: {  	s3 =	sld [smem:$0x3FB2]  }
0x31: {  	[smem:$0x3FBB] =	sst s10  }
0x32: {  	s10 =	sld [smem:$0x3FB9];
	_ =	sdelay $0x3  }
0x33: {  	p0 =	seq.s32 s10, $0x1;
	s10 =	sld [smem:$0x3FBB];
	_ =	sdelay $0x3  }
0x34: {  	[smem:$0x3FBB] =	sst s10  }
0x35: {  	s10 =	sld [smem:$0x3FBA];
	_ =	sdelay $0x3  }
0x36: {  	p1 =	seq.s32 s10, $0x1;
	s10 =	sld [smem:$0x3FBB];
	_ =	sdelay $0x3  }
0x37: {  	[smem:$0x3FBB] =	sst s10  }
0x38: {  	s10 =	sld [smem:$0x3FBC]  }
0x39: {  	_ = 	snop;
	(pc) =	sbr.ind lr, $3  }
0x3a: {  	_ = 	snop  }
0x3b: {  	_ = 	snop  }
0x3c: {  	p2 =	seq.s32 s10, $0x1;
	s10 =	sld [smem:$0x3FBB]  }
0x3d: {  	_ =	shalt  }
0x3e: {  	_ =	shalt  }
0x3f: {  	_ =	shalt  }
0x40: {  	_ =	shalt  }
0x41: {  	_ =	shalt  }
0x42: {  	_ =	shalt  }
0x43: {  	_ =	shalt  }
0x44: {  	_ =	shalt  }
0x45: {  	_ =	shalt  }
0x46: {  	_ =	shalt  }
0x47: {  	_ =	shalt  }
0x48: {  	_ =	shalt  }
0x49: {  	_ =	shalt  }
0x4a: {  	_ =	shalt  }
0x4b: {  	_ =	shalt  }
0x4c: {  	_ =	shalt  }
0x4d: {  	_ =	shalt  }
0x4e: {  	_ =	shalt  }
0x4f: {  	_ =	shalt  }
0x50: {  	_ =	shalt  }
0x51: {  	_ =	shalt  }
0x52: {  	_ =	shalt  }
0x53: {  	_ =	shalt  }
0x54: {  	_ =	shalt  }
0x55: {  	_ =	shalt  }
0x56: {  	_ =	shalt  }
0x57: {  	_ =	shalt  }
0x58: {  	_ =	shalt  }
0x59: {  	_ =	shalt  }
0x5a: {  	_ =	shalt  }
0x5b: {  	_ =	shalt  }
0x5c: {  	_ =	shalt  }
0x5d: {  	_ =	shalt  }
0x5e: {  	_ =	shalt  }
0x5f: {  	_ =	shalt  }
0x60: {  	_ =	shalt  }
0x61: {  	_ =	shalt  }
0x62: {  	_ =	shalt  }
0x63: {  	_ =	shalt  }
0x64: {  	_ =	shalt  }
0x65: {  	_ =	shalt  }
0x66: {  	_ =	shalt  }
0x67: {  	_ =	shalt  }
0x68: {  	_ =	shalt  }
0x69: {  	_ =	shalt  }
0x6a: {  	_ =	shalt  }
0x6b: {  	_ =	shalt  }
0x6c: {  	_ =	shalt  }
0x6d: {  	_ =	shalt  }
0x6e: {  	_ =	shalt  }
0x6f: {  	_ =	shalt  }
0x70: {  	_ =	shalt  }
0x71: {  	_ =	shalt  }
0x72: {  	_ =	shalt  }
0x73: {  	_ =	shalt  }
0x74: {  	_ =	shalt  }
0x75: {  	_ =	shalt  }
0x76: {  	_ =	shalt  }
0x77: {  	_ =	shalt  }
0x78: {  	_ =	shalt  }
0x79: {  	_ =	shalt  }
0x7a: {  	_ =	shalt  }
0x7b: {  	_ =	shalt  }
0x7c: {  	_ =	shalt  }
0x7d: {  	_ =	shalt  }
0x7e: {  	_ =	shalt  }
0x7f: {  	_ =	shalt  }
0x80: {  	_ =	shalt  }
0x81: {  	_ =	shalt  }
0x82: {  	_ =	shalt  }
0x83: {  	_ =	shalt  }
0x84: {  	_ =	shalt  }
0x85: {  	_ =	shalt  }
0x86: {  	_ =	shalt  }
0x87: {  	_ =	shalt  }
.Lfunc_end0:
.L_simem_size_0:
called_computation_lowered:
.L_overlay_start_0:
0x88: {  	s2 =	sld [smem:$0x3FD9]  }
0x89: {  	s3 =	sld [smem:$0x3FFE];
	_ =	sdelay $0x1  }
0x8a: {  	s1 =	srdreg.scid  }
0x8b: {  	s0 =	sand.u32 $0x1, s1  }
0x8c: {  	s18 =	sshll.u32 s0, $0xA;
	s2 =	sadd.s32 s3, s2  }
0x8d: {  	s2 =	sadd.s32 s2, s18  }
0x8e: {  	[smem:$0x3FC7] =	sst s2  }
0x8f: {  	_ = 	snop  }
0x90: {  	s2 =	sld [smem:$0x3FC9]  }
0x91: {  	s19 =	sld [smem:$0x3FD0];
	(tm) =	ssettm $0x1  }
0x92: {  	s4 =	sld [smem:$0x3FFB];
	_ =	sdelay $0x3  }
0x93: {  	_ =	strace s4  }
0x94: {  	s4 =	sld [smem:$0x3FFC];
	_ =	sdelay $0x3  }
0x95: {  	_ =	strace s4  }
0x96: {  	s4 =	sld [smem:$0x3FFD];
	_ =	sdelay $0x3  }
0x97: {  	_ =	strace s4  }
0x98: {  	_ =	strace $0x8FFFFFFF  }
0x99: {  	s20 =	sld [smem:$0x3FDB];
	_ =	sdelay $0x1  }
0x9a: {  	s5 =	simm.s32 $_scs_section_size  }
0x9b: {  	s6 =	simm.s32 $_size__tile_overlayer_lowered;
	s7 =	simm.s32 $_tile_overlayer_lowered  }
0x9c: {  	s23 =	simm.s32 $0x1BFF;
	s22 =	sshll.u32 s7, $0x1;
	s4 =	sadd.s32 s5, s20  }
0x9d: {  	s8 =	simm.s32 $0x0;
	s21 =	sshll.u32 s6, $0x1;
	s6 =	sadd.s32 s22, s4  }
0x9e: {  	[timem:s8], [sflag:s23] =	dma.local [hbm:s6], s21  }
0x9f: {  	_ =	swait.ge [sflag:s23], s21  }
0xa0: {  	s5 =	ssub.s32 $0x0, s21;
	[sflag:s23] =	ssyncset.done $0x0  }
0xa1: {  	[sflag:s23] =	ssyncadd.s32 s5;
	_ =	sdelay $0x1  }
0xa2: {  	s24 =	simm.s32 $0x1B8B  }
0xa3: {  	_ =	swait.ge [sflag:s24], $0x1  }
0xa4: {  	[sflag:s24] =	ssyncset.done $0x0  }
0xa5: {  	s25 =	simm.s32 $0x1B8E;
	[sflag:s24] =	ssyncadd.s32 $0xFFFFFFFF  }
0xa6: {  	s26 =	simm.s32 $execute0_lowered;
	[smem:$0x3FD2] =	sst s25  }
0xa7: {  	s5 =	sshll.u32 s26, $0x1;
	_ =	strace $0x80000046;
	[dreg:$0x1] =	wrdreg $0xFFFFFFFF  }
0xa8: {  	s28 =	simm.s32 $_size_execute0_lowered;
	s4 =	sadd.s32 s4, s5;
	[dreg:$0x0] =	wrdreg $0x0  }
0xa9: {  	s5 =	sshll.u32 s28, $0x1;
	[dreg:$0x2] =	wrdreg s4  }
0xaa: {  	[dreg:$0x3] =	wrdreg s5  }
0xab: {  	[dreg:$0x4] =	wrdreg $0xC0  }
0xac: {  	_ =	task [dreg:s8], $0x5FFFF  }
0xad: {  	[dreg:$0x1] =	wrdreg $0xFFFFFFFF  }
0xae: {  	[dreg:$0x0] =	wrdreg $0x60  }
0xaf: {  	[dreg:$0x2] =	wrdreg s2  }
0xb0: {  	[dreg:$0x3] =	wrdreg s19  }
0xb1: {  	[dreg:$0x4] =	wrdreg $0x9  }
0xb2: {  	_ =	task.clear_ibuf [dreg:s8], $0x5FFFF;
	_ =	strace $0x90000046  }
0xb3: {  	s29 =	simm.s32 $0x9;
	_ =	strace $0x80000050  }
0xb4: {  	_ =	swait.ge [sflag:s29], $0x1  }
0xb5: {  	[sflag:s29] =	ssyncadd.s32 $0xFFFFFFFF  }
0xb6: {  	_ =	strace $0x90000050  }
0xb7: {  	_ =	sfence  }
0xb8: {  	s30 =	sld [smem:$0x0];
	_ =	sdelay $0x2  }
0xb9: {  	s31 =	sshll.u32 s1, $0xD;
	s1 =	sshrl.u32 s1, $0x2  }
0xba: {  	s3 =	sand.u32 $0x4000, s31;
	s1 =	sadd.s32 s1, s30  }
0xbb: {  	s0 =	sor.u32 s3, s0;
	s1 =	sshll.u32 s1, $0x11  }
0xbc: {  	s0 =	sor.u32 s1, s0  }
0xbd: {  	s0 =	sadd.s32 $0x8F2B, s0  }
0xbe: {  	[sflag:s0] =	ssyncadd.remote.s32 $0x1  }
0xbf: {  	_ =	sfence.sel $0xFFFF  }
0xc0: {  	[dreg:$0x0] =	wrdreg $0xFFFFFFFF;
	(pc) =	sbr.abs _section_cstart, $3  }
0xc1: {  	[dreg:$0x1] =	wrdreg $0xFFFFFFFF  }
0xc2: {  	_ =	task.clear_ibuf [dreg:s8], $0x2FFFF;
	_ =	strace $0x9FFFFFFF  }
0xc3: {  	(tm) =	ssettm $0x7FFFFFFF  }
tec
execute0_lowered:
.L_overlay_start_1:
0x0: {  	(tag) =	ssettag $0x1  }
0x1: {  	s6 =	rddreg [dreg:$0x0]  }
0x2: {  	s7 =	rddreg [dreg:$0x1]  }
0x3: {  	s3 =	srdreg.scid;
	s2 =	simm.s32 $0x0;
	s1 =	stileid.u32  }
0x4: {  	s11 =	simm.s32 $0x10000;
	s12 =	simm.s32 $0x10100;
	s13 =	simm.s32 $0x10300  }
0x5: {  	v0 =	vlaneseq.u32;
	s14 =	simm.s32 $0x10200;
	v18 =	vimm.f32 $-3.402823470e+38;
	[smem:$0x7FF] =	sst s2;
	s4 =	sshll.u32 s1, $0xF  }
0x6: {  	s0 =	rddreg [dreg:$0x2];
	s10 =	simm.s32 $0x1;
	s3 =	sand.u32 $0x1, s3;
	v2 =	vor.u32 $0x80000010, v0;
	v3 =	vor.u32 $0x80000020, v0;
	v4 =	vor.u32 $0x80000030, v0  }
0x7: {  	s15 =	simm.s32 $0x0;
	v1 =	vor.u32 $0x80000000, v0;
	v5 =	vor.u32 $0x80000040, v0;
	v6 =	vor.u32 $0x80000050, v0;
	s5 =	sshll.u32 s3, $0xE;
	s31 =	ssub.s32 $0x2, s3  }
0x8: {  	v14 =	vimm.f32 $0.0e+00;
	v7 =	vor.u32 $0x80000060, v0;
	v8 =	vor.u32 $0x80000070, v0;
	_ =	strace $0x80000047;
	s5 =	sor.u32 s5, s4;
	s9 =	sshrl.u32 s31, $0x1  }
0x9: {  	v19 =	vimm.f32 $1.000000000e+00;
	v9 =	vor.u32 $0x80000080, v0;
	v10 =	vor.u32 $0x80000090, v0;
	s3 =	simm.s32 $0x400;
	s8 =	sor.u32 $0x2000, s5;
	s9 =	ssub.s32 s31, s9  }
0xa: {  	v11 =	vor.u32 $0x800000A0, v0;
	v12 =	vor.u32 $0x800000B0, v0;
	v13 =	vor.u32 $0x800000C0, v0;
	s4 =	sadd.s32 s6, s5;
	s5 =	sadd.s32 s7, s5;
	s6 =	sadd.s32 s6, s8  }
0xb: {  	v15 =	vor.u32 $0x800000D0, v0;
	v16 =	vor.u32 $0x800000E0, v0;
	v17 =	vor.u32 $0x800000F0, v0;
	s7 =	sadd.s32 s7, s8;
	s8 =	smax.u32 s9, $0x1;
	s9 =	simm.s32 $0x80  }
.LBB2_1:
0xc: {  	s16 =	sand.u32 $0x1F00, s2  }
0xd: {  	s17 =	sand.u32 $0x70, s2;
	s16 =	sadd.s32 s16, s4  }
0xe: {  	_ =	strace $0x80000048;
	s16 =	sadd.s32 s17, s16  }
0xf: {  	[tilespmem:s2], [sflag:$0x1] =	stream.strided.gather [hbm4b:s16+s9], $0x100, s3, s9, $0x200038;
	[tilespmem:$0x10380] =	vst v63  }
0x10: {  	s18 =	simm.s32 $0x0;
	s17 =	simm.s32 $0x10;
	s16 =	simm.s32 $0x20  }
.LBB2_2:
0x11: {  	s19 =	sand.u32 $0x1F00, s16;
	p0 =	sne.s32 s16, $0x1FE0;
	s16 =	sadd.s32 $0x20, s16  }
.Ltmp0:
0x12: {  	s20 =	sand.u32 $0x70, s17;
	s19 =	sadd.s32 s19, s4;
	(pc) =	sbr.rel @p0 .LBB2_2-.Ltmp0, $4  }
0x13: {  	s18 =	sadd.s32 $0x100, s18;
	s19 =	sadd.s32 s20, s19  }
0x14: {  	[tilespmem:s18], [sflag:$0x1] =	stream.strided.gather [hbm4b:s19+s9], $0x100, s3, s9, $0x200038;
	[tilespmem:$0x10380] =	vst v63  }
0x15: {  	_ = 	snop  }
0x16: {  	s17 =	sadd.s32 $0x10, s17  }
0x17: {  	[tilespmem:$0x10200] =	vst v14  }
0x18: {  	[tilespmem:$0x10210] =	vst v14  }
0x19: {  	[tilespmem:$0x10220] =	vst v14  }
0x1a: {  	[tilespmem:$0x10230] =	vst v14  }
0x1b: {  	[tilespmem:$0x10240] =	vst v14  }
0x1c: {  	[tilespmem:$0x10250] =	vst v14  }
0x1d: {  	[tilespmem:$0x10260] =	vst v14  }
0x1e: {  	[tilespmem:$0x10270] =	vst v14  }
0x1f: {  	[tilespmem:$0x10280] =	vst v14  }
0x20: {  	[tilespmem:$0x10290] =	vst v14  }
0x21: {  	[tilespmem:$0x102A0] =	vst v14  }
0x22: {  	[tilespmem:$0x102B0] =	vst v14  }
0x23: {  	[tilespmem:$0x102C0] =	vst v14  }
0x24: {  	[tilespmem:$0x102D0] =	vst v14  }
0x25: {  	[tilespmem:$0x102E0] =	vst v14  }
0x26: {  	[tilespmem:$0x102F0] =	vst v14  }
0x27: {  	_ =	swait.ge [sflag:s10], $0x100  }
0x28: {  	s16 =	simm.s32 $0xFF;
	[sflag:s10] =	ssyncset.done $0x0  }
.LBB2_4:
0x29: {  	p0 =	sne.s32 s16, $0x1;
	s16 =	sadd.s32 $0xFFFFFFFF, s16;
	[sflag:s10] =	ssyncadd.s32 $0xFFFFFF00  }
.Ltmp1:
0x2a: {  	(pc) =	sbr.rel @p0 .LBB2_4-.Ltmp1, $3  }
0x2b: {  	_ =	sdelay $0x1  }
0x2c: {  	_ =	swait.ge [sflag:s10], $0x100  }
0x2d: {  	[sflag:s10] =	ssyncset.done $0x0  }
0x2e: {  	[sflag:s10] =	ssyncadd.s32 $0xFFFFFF00  }
0x2f: {  	_ =	strace $0x90000048  }
0x30: {  	s16 =	simm.s32 $0x200;
	_ =	strace $0x80000049  }
0x31: {  	v21 =	vld [tilespmem:s16+$0x150]  }
0x32: {  	v20 =	vld [tilespmem:s16+$0x140]  }
0x33: {  	v23 =	vld [tilespmem:s16+$0x120]  }
0x34: {  	v25 =	vld [tilespmem:s16+$0x100]  }
0x35: {  	v26 =	vld [tilespmem:s16+$0xFFFFFE00]  }
0x36: {  	v29 =	vld [tilespmem:s16+$0x0]  }
0x37: {  	v33 =	vld [tilespmem:s16+$0xFFFFFF00]  }
0x38: {  	v24 =	vld [tilespmem:s16+$0x110]  }
0x39: {  	v28 =	vld [tilespmem:s16+$0xFFFFFE10]  }
0x3a: {  	v50 =	vimm.s32 $0x0;
	v63 =	vimm.s32 $0x0;
	v31 =	vld [tilespmem:s16+$0x10]  }
0x3b: {  	v30 =	vld [tilespmem:s16+$0xFFFFFE20];
	vm0 =	vgt.f32 v25, $-3.402823470e+38;
	vm1 =	vgt.f32 v26, $-3.402823470e+38;
	vm3 =	vgt.f32 v29, $-3.402823470e+38  }
0x3c: {  	v34 =	vld [tilespmem:s16+$0xFFFFFF10];
	vm6 =	vgt.f32 v33, $-3.402823470e+38;
	v25 =	vnsel vm0, $0xFF7FFFFF, v25;
	v26 =	vnsel vm1, $0xFF7FFFFF, v26  }
0x3d: {  	v32 =	vld [tilespmem:s16+$0xFFFFFE30];
	v29 =	vnsel vm3, $0xFF7FFFFF, v29;
	v36 =	vnsel vm1, $0x80000000, v1;
	v37 =	vnsel vm3, $0x80000000, v1  }
0x3e: {  	v22 =	vld [tilespmem:s16+$0x130];
	v33 =	vnsel vm6, $0xFF7FFFFF, v33;
	v57 =	vnsel vm6, $0x80000000, v1;
	vm4 =	vgt.f32 v28, v26  }
0x3f: {  	v43 =	vld [tilespmem:s16+$0xFFFFFE40];
	vm2 =	vgt.f32 v24, v25;
	vm11 =	vgt.f32 v31, v29;
	v26 =	vsel vm4, v28, v26  }
0x40: {  	v35 =	vld [tilespmem:s16+$0xFFFFFF20];
	v24 =	vsel vm2, v24, v25;
	v25 =	vnsel vm0, $0x80000000, v1;
	vm0 =	vgt.f32 v30, v26  }
0x41: {  	v44 =	vld [tilespmem:s16+$0xFFFFFE50];
	vm15 =	vgt.f32 v34, v33;
	v36 =	vsel vm4, v2, v36;
	v26 =	vsel vm0, v30, v26  }
0x42: {  	v45 =	vld [tilespmem:s16+$0xFFFFFF30];
	v47 =	vsel vm15, v34, v33;
	vm5 =	vgt.f32 v23, v24;
	vm3 =	vgt.f32 v32, v26  }
0x43: {  	v25 =	vsel vm2, v2, v25;
	v23 =	vsel vm5, v23, v24;
	v24 =	vsel vm3, v32, v26;
	v26 =	vld [tilespmem:s16+$0xFFFFFE60]  }
0x44: {  	v46 =	vld [tilespmem:s16+$0xFFFFFE70];
	v25 =	vsel vm5, v3, v25;
	vm12 =	vgt.f32 v22, v23;
	vm7 =	vgt.f32 v43, v24  }
0x45: {  	v38 =	vld [tilespmem:s16+$0xFFFFFF40];
	vm8 =	vgt.f32 v35, v47;
	v25 =	vsel vm12, v4, v25;
	v24 =	vsel vm7, v43, v24  }
0x46: {  	v48 =	vld [tilespmem:s16+$0xFFFFFE80];
	v22 =	vsel vm12, v22, v23;
	v23 =	vsel vm8, v35, v47;
	vm5 =	vgt.f32 v44, v24  }
0x47: {  	v51 =	vld [tilespmem:s16+$0xFFFFFF50];
	vm10 =	vgt.f32 v45, v23;
	vm9 =	vgt.f32 v20, v22;
	v24 =	vsel vm5, v44, v24  }
0x48: {  	v53 =	vld [tilespmem:s16+$0xFFFFFEA0];
	v22 =	vsel vm9, v20, v22;
	v20 =	vsel vm9, v5, v25;
	vm13 =	vgt.f32 v26, v24  }
0x49: {  	v25 =	vimm.s32 $0x0;
	vm14 =	vgt.f32 v21, v22;
	v24 =	vsel vm13, v26, v24;
	v26 =	vld [tilespmem:s16+$0xFFFFFE90]  }
0x4a: {  	v54 =	vld [tilespmem:s16+$0xFFFFFF60];
	v25 =	vsel vm14, $0xFFFFFFFF, v25;
	v34 =	vsel vm13, $0xFFFFFFFF, v50;
	vm13 =	vgt.f32 v46, v24  }
0x4b: {  	v52 =	vsel vm0, v3, v36;
	v23 =	vsel vm10, v45, v23;
	[tilespmem:$0x1FFD0] =	vst v25;
	v25 =	vld [tilespmem:s16+$0x160];
	v24 =	vsel vm13, v46, v24  }
0x4c: {  	v49 =	vld [tilespmem:s16+$0x20];
	[tilespmem:$0x1FFC0] =	vst v34;
	v34 =	vsel vm3, v4, v52;
	vm3 =	vgt.f32 v38, v23;
	vm4 =	vgt.f32 v48, v24  }
0x4d: {  	v55 =	vld [tilespmem:s16+$0xFFFFFEB0];
	v37 =	vsel vm11, v2, v37;
	v23 =	vsel vm3, v38, v23;
	v24 =	vsel vm4, v48, v24  }
0x4e: {  	v27 =	vld [tilespmem:s16+$0x30];
	v29 =	vsel vm11, v31, v29;
	vm11 =	vgt.f32 v51, v23;
	vm9 =	vgt.f32 v26, v24  }
0x4f: {  	v21 =	vsel vm14, v21, v22;
	v23 =	vsel vm11, v51, v23;
	v22 =	vsel vm9, v26, v24;
	v24 =	vld [tilespmem:s16+$0xFFFFFEC0]  }
0x50: {  	v56 =	vld [tilespmem:s16+$0xFFFFFF70];
	vm0 =	vgt.f32 v25, v21;
	vm1 =	vgt.f32 v54, v23;
	vm12 =	vgt.f32 v53, v22  }
0x51: {  	v58 =	vld [tilespmem:s16+$0xFFFFFED0];
	v36 =	vsel vm0, $0xFFFFFFFF, v63;
	v21 =	vsel vm0, v25, v21;
	v22 =	vsel vm12, v53, v22  }
0x52: {  	v26 =	vsel vm7, v5, v34;
	vm7 =	vgt.f32 v49, v29;
	vm14 =	vgt.f32 v55, v22  }
0x53: {  	v61 =	vld [tilespmem:s16+$0xFFFFFEE0];
	v23 =	vsel vm1, v54, v23;
	v34 =	vsel vm15, v2, v57;
	v22 =	vsel vm14, v55, v22  }
0x54: {  	v25 =	vld [tilespmem:$0x1FFC0];
	v29 =	vsel vm7, v49, v29;
	v60 =	vsel vm7, v3, v37;
	vm15 =	vgt.f32 v24, v22  }
0x55: {  	vm6 =	vgt.f32 v56, v23;
	v34 =	vsel vm8, v3, v34;
	v22 =	vsel vm15, v24, v22;
	v24 =	vld [tilespmem:s16+$0xFFFFFEF0]  }
0x56: {  	v59 =	vld [tilespmem:s16+$0x40];
	v26 =	vsel vm5, v6, v26;
	vm7 =	vgt.f32 v27, v29;
	vm2 =	vgt.f32 v58, v22  }
0x57: {  	v62 =	vld [tilespmem:s16+$0x50];
	v34 =	vsel vm10, v4, v34;
	v23 =	vsel vm6, v56, v23;
	v22 =	vsel vm2, v58, v22  }
0x58: {  	v37 =	vld [tilespmem:s16+$0x170];
	v27 =	vsel vm7, v27, v29;
	v34 =	vsel vm3, v5, v34;
	vm5 =	vgt.f32 v61, v22  }
0x59: {  	v39 =	vld [tilespmem:s16+$0x180];
	v34 =	vsel vm11, v6, v34;
	vm11 =	vnez.u8 v25;
	v22 =	vsel vm5, v61, v22  }
0x5a: {  	v42 =	vld [tilespmem:s16+$0xFFFFFF80];
	v48 =	vsel vm7, v4, v60;
	v25 =	vsel vm11, v7, v26;
	vm3 =	vgt.f32 v24, v22  }
0x5b: {  	[tilespmem:$0x1FFE0] =	vst v36;
	v36 =	vld [tilespmem:s16+$0x60];
	vm10 =	vgt.f32 v59, v27;
	v25 =	vsel vm13, v8, v25;
	v22 =	vsel vm3, v24, v22  }
0x5c: {  	v27 =	vsel vm10, v59, v27;
	v34 =	vsel vm1, v7, v34;
	v25 =	vsel vm4, v9, v25;
	v24 =	vld [tilespmem:s16+$0x190];
	(xrf0) =	vmax.scan.msk.f32 $0xffff, v22  }
0x5d: {  	v38 =	vld [tilespmem:s16+$0x70];
	v26 =	vimm.s32 $0x0;
	vm13 =	vgt.f32 v37, v21;
	v25 =	vsel vm9, v10, v25  }
0x5e: {  	v40 =	vld [tilespmem:s16+$0x80];
	vm8 =	vgt.f32 v62, v27;
	v21 =	vsel vm13, v37, v21;
	v25 =	vsel vm12, v11, v25  }
0x5f: {  	v41 =	vld [tilespmem:s16+$0x1A0];
	v27 =	vsel vm8, v62, v27;
	vm4 =	vgt.f32 v39, v21;
	v25 =	vsel vm14, v12, v25  }
0x60: {  	v47 =	vld [tilespmem:s16+$0xFFFFFFA0];
	v26 =	vsel vm13, $0xFFFFFFFF, v26;
	vm11 =	vgt.f32 v36, v27;
	v21 =	vsel vm4, v39, v21  }
0x61: {  	vm1 =	vgt.f32 v42, v23;
	[tilespmem:$0x1FFF0] =	vst v26;
	v26 =	vsel vm11, v36, v27;
	v27 =	vld [tilespmem:s16+$0x90];
	vm14 =	vgt.f32 v24, v21  }
0x62: {  	v45 =	vld [tilespmem:s16+$0xFFFFFF90];
	vm13 =	vgt.f32 v38, v26;
	v21 =	vsel vm14, v24, v21;
	v24 =	vsel vm15, v13, v25;
	v25, _, _ =	vpop (xrf0)  }
0x63: {  	v44 =	vld [tilespmem:s16+$0xA0];
	v26 =	vsel vm13, v38, v26;
	v24 =	vsel vm2, v15, v24;
	v25 =	vbroadcast v25, $0xF  }
0x64: {  	v43 =	vld [tilespmem:s16+$0x1B0];
	v28 =	vsel vm10, v5, v48;
	vm9 =	vgt.f32 v40, v26;
	v24 =	vsel vm5, v16, v24  }
0x65: {  	v46 =	vld [tilespmem:s16+$0xB0];
	v26 =	vsel vm9, v40, v26;
	v24 =	vsel vm3, v17, v24;
	vm5 =	vge.f32 v22, v25  }
0x66: {  	vm12 =	vgt.f32 v27, v26;
	v22 =	vsel vm1, v42, v23;
	v23 =	vnsel vm5, $0x80000100, v24;
	v24 =	vld [tilespmem:s16+$0xFFFFFFB0]  }
0x67: {  	v51 =	vsel vm6, v8, v34;
	v26 =	vsel vm12, v27, v26;
	v27 =	vld [tilespmem:s16+$0xC0];
	vm7 =	vgt.f32 v45, v22  }
0x68: {  	v50 =	vld [tilespmem:s16+$0xFFFFFFC0];
	v28 =	vsel vm8, v6, v28;
	vm3 =	vgt.f32 v44, v26;
	v22 =	vsel vm7, v45, v22  }
0x69: {  	v49 =	vld [tilespmem:s16+$0xD0];
	v33 =	vsel vm1, v9, v51;
	v26 =	vsel vm3, v44, v26;
	vm6 =	vgt.f32 v47, v22  }
0x6a: {  	v53 =	vld [tilespmem:s16+$0xFFFFFFD0];
	vm15 =	vgt.f32 v41, v21;
	vm5 =	vgt.f32 v46, v26;
	v22 =	vsel vm6, v47, v22  }
0x6b: {  	v52 =	vld [tilespmem:s16+$0xE0];
	v21 =	vsel vm15, v41, v21;
	v26 =	vsel vm5, v46, v26;
	vm10 =	vgt.f32 v24, v22  }
0x6c: {  	(xrf0) =	vmin.scan.msk.u32 $0xffff, v23;
	v23 =	vld [tilespmem:s16+$0xFFFFFFE0];
	vm2 =	vgt.f32 v27, v26;
	v22 =	vsel vm10, v24, v22;
	v24 =	vsel vm11, v7, v28  }
0x6d: {  	v26 =	vsel vm2, v27, v26;
	v27 =	vld [tilespmem:s16+$0xF0];
	v24 =	vsel vm13, v8, v24;
	vm13 =	vgt.f32 v50, v22  }
0x6e: {  	v55 =	vld [tilespmem:s16+$0xFFFFFFF0];
	vm8 =	vgt.f32 v43, v21;
	vm11 =	vgt.f32 v49, v26;
	v22 =	vsel vm13, v50, v22  }
0x6f: {  	v54 =	vld [tilespmem:s16+$0x1C0];
	v26 =	vsel vm11, v49, v26;
	v24 =	vsel vm9, v9, v24;
	vm9 =	vgt.f32 v53, v22  }
0x70: {  	vm1 =	vgt.f32 v52, v26;
	v24 =	vsel vm12, v10, v24;
	v22 =	vsel vm9, v53, v22  }
0x71: {  	v56 =	vld [tilespmem:s16+$0x1D0];
	v26 =	vsel vm1, v52, v26;
	v24 =	vsel vm3, v11, v24;
	vm3 =	vgt.f32 v23, v22  }
0x72: {  	v60 =	vld [tilespmem:$0x1FFE0];
	v21 =	vsel vm8, v43, v21;
	v57, _, _ =	vpop (xrf0);
	vm0 =	vgt.f32 v27, v26;
	v22 =	vsel vm3, v23, v22  }
0x73: {  	(v2sf) =	vpush v57, $0xF;
	v26 =	vsel vm0, v27, v26;
	v27 =	vld [tilespmem:s16+$0x1E0];
	vm12 =	vgt.f32 v55, v22  }
0x74: {  	v58 =	vld [tilespmem:$0x1FFD0];
	v24 =	vsel vm5, v12, v24;
	vm5 =	vgt.f32 v54, v21;
	(xrf0) =	vmax.scan.msk.f32 $0xffff, v26;
	v22 =	vsel vm12, v55, v22  }
0x75: {  	v23 =	vsel vm2, v13, v24;
	v21 =	vsel vm5, v54, v21;
	v24 =	vld [tilespmem:s16+$0x1F0];
	(xrf0) =	vmax.scan.msk.f32 $0xffff, v22  }
0x76: {  	v61 =	vld [tilespmem:$0x1FFF0];
	v59 =	vsel vm7, v10, v33;
	v23 =	vsel vm11, v15, v23;
	vm11 =	vgt.f32 v56, v21  }
0x77: {  	vm7 =	vnez.u8 v60;
	v28 =	vsel vm6, v11, v59;
	v21 =	vsel vm11, v56, v21  }
0x78: {  	v28 =	vsel vm10, v12, v28;
	v23 =	vsel vm1, v16, v23;
	vm1 =	vgt.f32 v27, v21  }
0x79: {  	v28 =	vsel vm13, v13, v28;
	vm2 =	vnez.u8 v58;
	v27 =	vsel vm1, v27, v21  }
0x7a: {  	v28 =	vsel vm9, v15, v28;
	v20 =	vsel vm2, v6, v20;
	v21, _, _ =	vpop (xrf0);
	vm10 =	vgt.f32 v24, v27  }
0x7b: {  	v20 =	vsel vm7, v7, v20;
	vm7 =	vnez.u8 v61;
	v27 =	vsel vm10, v24, v27;
	v24, _, _ =	vpop (xrf0)  }
0x7c: {  	v23 =	vsel vm0, v17, v23;
	v20 =	vsel vm7, v8, v20;
	(xrf0) =	vmax.scan.msk.f32 $0xffff, v27;
	v62 =	vbroadcast v24, $0xF  }
0x7d: {  	v20 =	vsel vm4, v9, v20;
	v21 =	vbroadcast v21, $0xF;
	v24 =	vsel vm3, v16, v28  }
0x7e: {  	s17 =	simm.s32 $0x0;
	v20 =	vsel vm14, v10, v20;
	v24 =	vsel vm12, v17, v24;
	vm14 =	vge.f32 v22, v62  }
0x7f: {  	vm13 =	vge.f32 v26, v21;
	v26 =	vmov s17;
	v22 =	vnsel vm14, $0x80000100, v24  }
0x80: {  	s18 =	simm.s32 $0x1;
	v20 =	vsel vm15, v11, v20;
	v23 =	vnsel vm13, $0x80000100, v23;
	v26 =	vand.u32 $0xFFFFFFFC, v26  }
0x81: {  	v63 =	vmov s18;
	v20 =	vsel vm8, v12, v20;
	v26 =	vbroadcast v26, $0x0;
	(xrf0) =	vmin.scan.msk.u32 $0xffff, v23  }
0x82: {  	v20 =	vsel vm5, v13, v20;
	v24 =	vand.u32 $0xFFFFFFFD, v63;
	(xrf0) =	vmin.scan.msk.u32 $0xffff, v22;
	v22, _, _ =	vpop (xrf0)  }
0x83: {  	v20 =	vsel vm11, v15, v20;
	s31 =	spop (v2sf);
	v24 =	vbroadcast v24, $0x0;
	v23 =	vbroadcast v22, $0xF  }
0x84: {  	v20 =	vsel vm1, v16, v20;
	s18 =	sxor.u32 $0x80000000, s31  }
0x85: {  	v20 =	vsel vm10, v17, v20;
	v22 =	vmov s18;
	vm15 =	vge.f32 v27, v23  }
0x86: {  	v20 =	vnsel vm15, $0x80000100, v20  }
0x87: {  	[tilespmem:v26+s11+$0x0] =	vst.idx.msk $0x1, v25  }
0x88: {  	[tilespmem:v26+s12+$0x0] =	vst.idx.msk $0x1, v22;
	v22, _, _ =	vpop (xrf0)  }
0x89: {  	s19 =	simm.s32 $0x4;
	[tilespmem:v24+s11+$0x0] =	vst.idx.msk $0x1, v62;
	(xrf0) =	vmin.scan.msk.u32 $0xffff, v20;
	(v2sf) =	vpush v22, $0xF;
	v20, _, _ =	vpop (xrf0)  }
.LBB2_6:
0x8a: {  	_ =	sdelay $0x1  }
0x8b: {  	(v2sf) =	vpush v20, $0xF;
	_ =	sdelay $0x2  }
0x8c: {  	v22, _, _ =	vpop (xrf0)  }
0x8d: {  	(v2sf) =	vpush v22, $0xF;
	_ =	sdelay $0x5  }
0x8e: {  	s25 =	sadd.s32 $0x2, s17  }
0x8f: {  	v22 =	vmov s25  }
0x90: {  	v22 =	vand.u32 $0xFFFFFFFE, v22  }
0x91: {  	v22 =	vbroadcast v22, $0x0  }
0x92: {  	s26 =	spop (v2sf)  }
0x93: {  	s20 =	sadd.s32 $0x1, s19;
	s28 =	sadd.s32 $0x3, s17;
	s29 =	spop (v2sf)  }
0x94: {  	v20 =	vmov s20;
	v25 =	vmov s28;
	s20 =	sxor.u32 $0x80000000, s29  }
0x95: {  	s21 =	smov.u32 s19;
	v26 =	vmov s20  }
0x96: {  	s18 =	sadd.s32 $0x4, s19;
	p0 =	sne.s32 s19, $0xFC;
	s19 =	sxor.u32 $0x80000000, s26;
	[tilespmem:v24+s12+$0x0] =	vst.idx.msk $0x1, v26  }
0x97: {  	v24 =	vmov s19;
	[tilespmem:v22+s11+$0x0] =	vst.idx.msk $0x1, v21;
	s30 =	spop (v2sf)  }
0x98: {  	[tilespmem:v22+s12+$0x0] =	vst.idx.msk $0x1, v24;
	s19 =	sxor.u32 $0x80000000, s30  }
0x99: {  	[tilespmem:v25+s11+$0x0] =	vst.idx.msk $0x1, v23;
	v21 =	vmov s19  }
0x9a: {  	s16 =	sadd.s32 $0x400, s16;
	[tilespmem:v25+s12+$0x0] =	vst.idx.msk $0x1, v21  }
0x9b: {  	v28 =	vld [tilespmem:s16+$0x100]  }
0x9c: {  	v31 =	vld [tilespmem:s16+$0x0]  }
0x9d: {  	v32 =	vld [tilespmem:s16+$0xFFFFFE00]  }
0x9e: {  	v33 =	vld [tilespmem:s16+$0xFFFFFF00]  }
0x9f: {  	v27 =	vld [tilespmem:s16+$0x110]  }
0xa0: {  	v30 =	vld [tilespmem:s16+$0x10]  }
0xa1: {  	v53 =	vimm.s32 $0x0;
	v34 =	vld [tilespmem:s16+$0xFFFFFE10]  }
0xa2: {  	v60 =	vimm.s32 $0x0;
	v43 =	vimm.s32 $0x0;
	v35 =	vld [tilespmem:s16+$0xFFFFFF10];
	vm0 =	vgt.f32 v28, $-3.402823470e+38  }
0xa3: {  	v25 =	vld [tilespmem:s16+$0x130];
	vm10 =	vgt.f32 v31, $-3.402823470e+38;
	vm11 =	vgt.f32 v32, $-3.402823470e+38;
	vm3 =	vgt.f32 v33, $-3.402823470e+38  }
0xa4: {  	v26 =	vld [tilespmem:s16+$0x120];
	v28 =	vnsel vm0, $0xFF7FFFFF, v28;
	v61 =	vnsel vm0, $0x80000000, v1;
	v31 =	vnsel vm10, $0xFF7FFFFF, v31  }
0xa5: {  	v37 =	vld [tilespmem:s16+$0xFFFFFF20];
	v32 =	vnsel vm11, $0xFF7FFFFF, v32;
	v39 =	vnsel vm11, $0x80000000, v1;
	v40 =	vnsel vm10, $0x80000000, v1  }
0xa6: {  	v29 =	vld [tilespmem:s16+$0x20];
	v33 =	vnsel vm3, $0xFF7FFFFF, v33;
	v56 =	vnsel vm3, $0x80000000, v1;
	vm1 =	vgt.f32 v27, v28  }
0xa7: {  	v24 =	vld [tilespmem:s16+$0x30];
	vm12 =	vgt.f32 v34, v32;
	vm13 =	vgt.f32 v30, v31;
	vm0 =	vgt.f32 v35, v33  }
0xa8: {  	v36 =	vld [tilespmem:s16+$0xFFFFFE20];
	v27 =	vsel vm1, v27, v28;
	v28 =	vsel vm1, v2, v61;
	v39 =	vsel vm12, v2, v39  }
0xa9: {  	v21 =	vld [tilespmem:s16+$0x140];
	v40 =	vsel vm13, v2, v40;
	v30 =	vsel vm13, v30, v31;
	v33 =	vsel vm0, v35, v33  }
0xaa: {  	v41 =	vld [tilespmem:s16+$0xFFFFFF30];
	v61 =	vimm.s32 $0x0;
	vm2 =	vgt.f32 v26, v27;
	vm1 =	vgt.f32 v37, v33  }
0xab: {  	v38 =	vld [tilespmem:s16+$0xFFFFFE30];
	vm15 =	vgt.f32 v29, v30;
	v28 =	vsel vm2, v3, v28;
	v26 =	vsel vm2, v26, v27  }
0xac: {  	v55 =	vld [tilespmem:s16+$0x40];
	v27 =	vsel vm12, v34, v32;
	v48 =	vsel vm1, v37, v33;
	v29 =	vsel vm15, v29, v30  }
0xad: {  	v63 =	vld [tilespmem:s16+$0xFFFFFF40];
	vm14 =	vgt.f32 v36, v27;
	vm4 =	vgt.f32 v25, v26;
	vm12 =	vgt.f32 v24, v29  }
0xae: {  	v23 =	vld [tilespmem:s16+$0x150];
	v27 =	vsel vm14, v36, v27;
	v28 =	vsel vm4, v4, v28;
	v25 =	vsel vm4, v25, v26  }
0xaf: {  	v62 =	vld [tilespmem:s16+$0xFFFFFE40];
	v49 =	vsel vm14, v3, v39;
	vm4 =	vgt.f32 v41, v48;
	v35 =	vsel vm12, $0xFFFFFFFF, v60  }
0xb0: {  	v45 =	vld [tilespmem:s16+$0xFFFFFE50];
	v24 =	vsel vm12, v24, v29;
	v60 =	vimm.s32 $0x0;
	vm6 =	vgt.f32 v38, v27  }
0xb1: {  	v42 =	vld [tilespmem:s16+$0xFFFFFF50];
	v32 =	vsel vm4, v41, v48;
	vm7 =	vgt.f32 v21, v25;
	vm12 =	vgt.f32 v55, v24  }
0xb2: {  	v22 =	vld [tilespmem:s16+$0x180];
	v27 =	vsel vm6, v38, v27;
	v33 =	vsel vm6, v4, v49;
	vm6 =	vgt.f32 v63, v32  }
0xb3: {  	v46 =	vld [tilespmem:s16+$0xFFFFFE60];
	v25 =	vsel vm7, v21, v25;
	v21 =	vsel vm7, v5, v28;
	v39 =	vsel vm12, $0xFFFFFFFF, v43  }
0xb4: {  	v54 =	vld [tilespmem:s16+$0x160];
	v24 =	vsel vm12, v55, v24;
	v55 =	vimm.s32 $0x0;
	vm5 =	vgt.f32 v62, v27  }
0xb5: {  	v32 =	vsel vm6, v63, v32;
	vm9 =	vgt.f32 v23, v25;
	v26 =	vsel vm5, v62, v27;
	v27 =	vld [tilespmem:s16+$0xFFFFFE70]  }
0xb6: {  	v47 =	vld [tilespmem:s16+$0xFFFFFF60];
	v63 =	vimm.s32 $0x0;
	vm13 =	vgt.f32 v42, v32;
	vm2 =	vgt.f32 v45, v26  }
0xb7: {  	v51 =	vld [tilespmem:s16+$0xFFFFFE80];
	v28 =	vsel vm9, $0xFFFFFFFF, v53;
	v25 =	vsel vm9, v23, v25;
	v26 =	vsel vm2, v45, v26  }
0xb8: {  	v50 =	vld [tilespmem:s16+$0xFFFFFF70];
	v33 =	vsel vm5, v5, v33;
	v23 =	vsel vm15, v3, v40;
	vm8 =	vgt.f32 v46, v26  }
0xb9: {  	v52 =	vld [tilespmem:s16+$0xFFFFFE90];
	v53 =	vimm.s32 $0x0;
	v32 =	vsel vm13, v42, v32;
	v26 =	vsel vm8, v46, v26  }
0xba: {  	v58 =	vld [tilespmem:s16+$0x170];
	vm9 =	vgt.f32 v54, v25;
	v42 =	vsel vm0, v2, v56;
	vm7 =	vgt.f32 v27, v26  }
0xbb: {  	vm5 =	vgt.f32 v47, v32;
	v40 =	vsel vm9, $0xFFFFFFFF, v63;
	v26 =	vsel vm7, v27, v26;
	v27 =	vld [tilespmem:s16+$0xFFFFFEA0]  }
0xbc: {  	v57 =	vld [tilespmem:s16+$0xFFFFFEB0];
	v29 =	vsel vm1, v3, v42;
	v25 =	vsel vm9, v54, v25;
	vm10 =	vgt.f32 v51, v26  }
0xbd: {  	v62 =	vld [tilespmem:s16+$0x50];
	v48 =	vsel vm2, v6, v33;
	v42 =	vimm.s32 $0x0;
	v26 =	vsel vm10, v51, v26  }
0xbe: {  	v59 =	vld [tilespmem:s16+$0xFFFFFEC0];
	v32 =	vsel vm5, v47, v32;
	v29 =	vsel vm4, v4, v29;
	vm11 =	vgt.f32 v52, v26  }
0xbf: {  	v44 =	vld [tilespmem:s16+$0x60];
	vm3 =	vgt.f32 v50, v32;
	v29 =	vsel vm6, v5, v29;
	v26 =	vsel vm11, v52, v26  }
0xc0: {  	v49 =	vld [tilespmem:s16+$0x190];
	[tilespmem:$0x1FF40] =	vst v28;
	vm6 =	vgt.f32 v58, v25;
	v28 =	vsel vm8, v7, v48;
	vm15 =	vgt.f32 v27, v26  }
0xc1: {  	[tilespmem:$0x1FF10] =	vst v35;
	v35 =	vsel vm3, $0xFFFFFFFF, v61;
	v32 =	vsel vm3, v50, v32;
	v26 =	vsel vm15, v27, v26;
	v27 =	vld [tilespmem:s16+$0xFFFFFED0]  }
0xc2: {  	v45 =	vld [tilespmem:s16+$0xFFFFFEE0];
	vm12 =	vgt.f32 v62, v24;
	v29 =	vsel vm13, v6, v29;
	vm0 =	vgt.f32 v57, v26  }
0xc3: {  	v46 =	vld [tilespmem:s16+$0x70];
	v50 =	vimm.s32 $0x0;
	v25 =	vsel vm6, v58, v25;
	v26 =	vsel vm0, v57, v26  }
0xc4: {  	v38 =	vld [tilespmem:s16+$0xFFFFFF80];
	v24 =	vsel vm12, v62, v24;
	v29 =	vsel vm5, v7, v29;
	vm3 =	vgt.f32 v59, v26  }
0xc5: {  	v47 =	vld [tilespmem:s16+$0xFFFFFEF0];
	[tilespmem:$0x1FF30] =	vst v35;
	v35 =	vsel vm6, $0xFFFFFFFF, v50;
	vm1 =	vgt.f32 v22, v25;
	v26 =	vsel vm3, v59, v26  }
0xc6: {  	vm13 =	vgt.f32 v44, v24;
	v30 =	vsel vm1, $0xFFFFFFFF, v53;
	v51 =	vld [tilespmem:s16+$0x1A0];
	vm4 =	vgt.f32 v27, v26  }
0xc7: {  	v22 =	vsel vm1, v22, v25;
	v24 =	vsel vm13, v44, v24;
	v26 =	vsel vm4, v27, v26;
	v27 =	vld [tilespmem:s16+$0x80]  }
0xc8: {  	v25 =	vld [tilespmem:s16+$0x1B0];
	vm1 =	vgt.f32 v49, v22;
	vm14 =	vgt.f32 v46, v24;
	vm2 =	vgt.f32 v45, v26  }
0xc9: {  	v31 =	vsel vm1, $0xFFFFFFFF, v55;
	v22 =	vsel vm1, v49, v22;
	v52 =	vld [tilespmem:s16+$0x90];
	v26 =	vsel vm2, v45, v26  }
0xca: {  	v56 =	vld [tilespmem:s16+$0xFFFFFF90];
	vm1 =	vgt.f32 v38, v32;
	v24 =	vsel vm14, v46, v24;
	vm5 =	vgt.f32 v47, v26  }
0xcb: {  	v58 =	vld [tilespmem:s16+$0x1C0];
	v32 =	vsel vm1, v38, v32;
	vm9 =	vgt.f32 v51, v22;
	v26 =	vsel vm5, v47, v26  }
0xcc: {  	v54 =	vld [tilespmem:s16+$0xA0];
	v57 =	vimm.s32 $0x0;
	v22 =	vsel vm9, v51, v22;
	vm6 =	vgt.f32 v27, v24;
	(xrf0) =	vmax.scan.msk.f32 $0xffff, v26  }
0xcd: {  	v47 =	vld [tilespmem:$0x1FF10];
	v24 =	vsel vm6, v27, v24;
	v27 =	vsel vm7, v8, v28;
	v28 =	vsel vm9, $0xFFFFFFFF, v57  }
0xce: {  	v43 =	vld [tilespmem:s16+$0xFFFFFFC0];
	vm7 =	vgt.f32 v25, v22;
	vm8 =	vgt.f32 v52, v24;
	v27 =	vsel vm10, v9, v27  }
0xcf: {  	v61 =	vld [tilespmem:s16+$0x1D0];
	v34 =	vsel vm7, $0xFFFFFFFF, v60;
	v25 =	vsel vm7, v25, v22;
	v27 =	vsel vm11, v10, v27  }
0xd0: {  	v62 =	vld [tilespmem:s16+$0xFFFFFFA0];
	v24 =	vsel vm8, v52, v24;
	vm7 =	vgt.f32 v58, v25;
	v27 =	vsel vm15, v11, v27  }
0xd1: {  	[tilespmem:$0x1FF50] =	vst v40;
	v40 =	vld [tilespmem:s16+$0xFFFFFFB0];
	vm10 =	vgt.f32 v54, v24;
	vm15 =	vgt.f32 v56, v32;
	v37 =	vsel vm7, $0xFFFFFFFF, v42  }
0xd2: {  	[tilespmem:$0x1FF20] =	vst v39;
	v59 =	vld [tilespmem:s16+$0xB0];
	v25 =	vsel vm7, v58, v25;
	vm9 =	vnez.u8 v47;
	v27 =	vsel vm0, v12, v27;
	v22, _, _ =	vpop (xrf0)  }
0xd3: {  	v48 =	vld [tilespmem:$0x1FF20];
	v24 =	vsel vm10, v54, v24;
	v27 =	vsel vm3, v13, v27;
	v22 =	vbroadcast v22, $0xF  }
0xd4: {  	v63 =	vld [tilespmem:s16+$0xC0];
	[tilespmem:$0x1FF80] =	vst v31;
	v31 =	vsel vm15, v56, v32;
	vm11 =	vgt.f32 v61, v25;
	v27 =	vsel vm4, v15, v27  }
0xd5: {  	v41 =	vld [tilespmem:s16+$0xD0];
	vm7 =	vgt.f32 v62, v31;
	vm0 =	vge.f32 v26, v22;
	v26 =	vsel vm2, v16, v27  }
0xd6: {  	v44 =	vld [tilespmem:s16+$0xFFFFFFD0];
	v23 =	vsel vm9, v4, v23;
	v27 =	vsel vm7, v62, v31;
	v26 =	vsel vm5, v17, v26  }
0xd7: {  	v45 =	vld [tilespmem:s16+$0xE0];
	vm3 =	vgt.f32 v59, v24;
	vm4 =	vgt.f32 v40, v27;
	v26 =	vnsel vm0, $0x80000100, v26  }
0xd8: {  	vm9 =	vnez.u8 v48;
	v24 =	vsel vm3, v59, v24;
	v27 =	vsel vm4, v40, v27;
	(xrf0) =	vmin.scan.msk.u32 $0xffff, v26;
	v26 =	vld [tilespmem:s16+$0xFFFFFFE0]  }
0xd9: {  	v50 =	vld [tilespmem:$0x1FF30];
	v23 =	vsel vm9, v5, v23;
	vm2 =	vgt.f32 v63, v24;
	vm0 =	vgt.f32 v43, v27  }
0xda: {  	v46 =	vld [tilespmem:s16+$0xF0];
	v23 =	vsel vm12, v6, v23;
	v24 =	vsel vm2, v63, v24;
	v27 =	vsel vm0, v43, v27  }
0xdb: {  	v51 =	vld [tilespmem:s16+$0xFFFFFFF0];
	v23 =	vsel vm13, v7, v23;
	vm5 =	vgt.f32 v41, v24;
	vm12 =	vgt.f32 v44, v27  }
0xdc: {  	v23 =	vsel vm14, v8, v23;
	v24 =	vsel vm5, v41, v24;
	v27 =	vsel vm12, v44, v27  }
0xdd: {  	v49 =	vld [tilespmem:s16+$0x1E0];
	v23 =	vsel vm6, v9, v23;
	vm13 =	vgt.f32 v45, v24;
	vm6 =	vgt.f32 v26, v27  }
0xde: {  	vm9 =	vnez.u8 v50;
	v24 =	vsel vm13, v45, v24;
	v26 =	vsel vm6, v26, v27;
	v27 =	vld [tilespmem:$0x1FF40]  }
0xdf: {  	v52 =	vld [tilespmem:s16+$0x1F0];
	v25 =	vsel vm11, v61, v25;
	v23 =	vsel vm8, v10, v23;
	vm14 =	vgt.f32 v46, v24  }
0xe0: {  	v23 =	vsel vm10, v11, v23;
	v24 =	vsel vm14, v46, v24;
	vm8 =	vgt.f32 v51, v26  }
0xe1: {  	v54 =	vld [tilespmem:$0x1FF50];
	v29 =	vsel vm9, v8, v29;
	v23 =	vsel vm3, v12, v23;
	v53, _, _ =	vpop (xrf0);
	(xrf0) =	vmax.scan.msk.f32 $0xffff, v24;
	v26 =	vsel vm8, v51, v26  }
0xe2: {  	v29 =	vsel vm1, v9, v29;
	vm1 =	vgt.f32 v49, v25;
	v23 =	vsel vm2, v13, v23;
	(xrf0) =	vmax.scan.msk.f32 $0xffff, v26  }
0xe3: {  	v25 =	vsel vm1, v49, v25;
	v23 =	vsel vm5, v15, v23;
	vm10 =	vnez.u8 v27  }
0xe4: {  	vm3 =	vgt.f32 v52, v25;
	v23 =	vsel vm13, v16, v23;
	v21 =	vsel vm10, v6, v21  }
0xe5: {  	[tilespmem:$0x1FF60] =	vst v35;
	v25 =	vsel vm3, v52, v25;
	v23 =	vsel vm14, v17, v23  }
0xe6: {  	vm14 =	vnez.u8 v54;
	(v2sf) =	vpush v53, $0xF;
	(xrf0) =	vmax.scan.msk.f32 $0xffff, v25;
	v27 =	vsel vm15, v10, v29  }
0xe7: {  	[tilespmem:$0x1FF70] =	vst v30;
	v56 =	vld [tilespmem:$0x1FF60];
	v27 =	vsel vm7, v11, v27;
	v55 =	vsel vm14, v7, v21;
	v21, _, _ =	vpop (xrf0)  }
0xe8: {  	v58 =	vld [tilespmem:$0x1FF70];
	v27 =	vsel vm4, v12, v27;
	v21 =	vbroadcast v21, $0xF;
	v61, _, _ =	vpop (xrf0)  }
0xe9: {  	[tilespmem:$0x1FF90] =	vst v28;
	v59 =	vld [tilespmem:$0x1FF80];
	v27 =	vsel vm0, v13, v27;
	v30 =	vbroadcast v61, $0xF  }
0xea: {  	[tilespmem:$0x1FFA0] =	vst v34;
	v27 =	vsel vm12, v15, v27;
	vm9 =	vge.f32 v24, v21;
	v24 =	vld [tilespmem:$0x1FF90]  }
0xeb: {  	[tilespmem:$0x1FFB0] =	vst v37;
	v23 =	vnsel vm9, $0x80000100, v23;
	vm12 =	vge.f32 v26, v30;
	v26 =	vsel vm6, v16, v27;
	v27 =	vld [tilespmem:$0x1FFA0]  }
0xec: {  	vm15 =	vnez.u8 v56;
	v63, _, _ =	vpop (xrf0);
	(xrf0) =	vmin.scan.msk.u32 $0xffff, v23;
	v23 =	vsel vm8, v17, v26;
	v26 =	vld [tilespmem:$0x1FFB0]  }
0xed: {  	vm5 =	vnez.u8 v58;
	v28 =	vsel vm15, v8, v55  }
0xee: {  	s17 =	smov.u32 s21;
	v20 =	vand.u32 $0xFFFFFFFD, v20;
	vm7 =	vnez.u8 v59;
	v28 =	vsel vm5, v9, v28  }
0xef: {  	v57 =	vmov s17;
	v28 =	vsel vm7, v10, v28;
	vm10 =	vnez.u8 v24  }
0xf0: {  	v60 =	vand.u32 $0xFFFFFFFC, v57;
	v24 =	vsel vm10, v11, v28;
	vm13 =	vnez.u8 v27  }
0xf1: {  	v62 =	vbroadcast v60, $0x0;
	v24 =	vsel vm13, v12, v24;
	vm14 =	vnez.u8 v26  }
0xf2: {  	v26 =	vsel vm14, v13, v24;
	v24 =	vbroadcast v20, $0x0;
	v20 =	vnsel vm12, $0x80000100, v23  }
0xf3: {  	v23 =	vbroadcast v63, $0xF;
	v26 =	vsel vm11, v15, v26;
	(xrf0) =	vmin.scan.msk.u32 $0xffff, v20  }
0xf4: {  	v26 =	vsel vm1, v16, v26  }
.Ltmp2:
0xf5: {  	s31 =	spop (v2sf);
	vm15 =	vge.f32 v25, v23;
	v20 =	vsel vm3, v17, v26;
	(pc) =	sbr.rel @p0 .LBB2_6-.Ltmp2, $4  }
0xf6: {  	s19 =	sxor.u32 $0x80000000, s31;
	v20 =	vnsel vm15, $0x80000100, v20  }
0xf7: {  	[tilespmem:v62+s11+$0x0] =	vst.idx.msk $0x1, v22;
	v25 =	vmov s19  }
0xf8: {  	v22, _, _ =	vpop (xrf0);
	[tilespmem:v62+s12+$0x0] =	vst.idx.msk $0x1, v25  }
0xf9: {  	(v2sf) =	vpush v22, $0xF;
	s19 =	smov.u32 s18;
	(xrf0) =	vmin.scan.msk.u32 $0xffff, v20;
	[tilespmem:v24+s11+$0x0] =	vst.idx.msk $0x1, v30;
	v20, _, _ =	vpop (xrf0)  }
0xfa: {  	_ =	sdelay $0x1  }
0xfb: {  	(v2sf) =	vpush v20, $0xF;
	_ =	sdelay $0x2  }
0xfc: {  	v20, _, _ =	vpop (xrf0)  }
0xfd: {  	(v2sf) =	vpush v20, $0xF;
	_ =	sdelay $0x5  }
0xfe: {  	s16 =	sadd.s32 $0x2, s17  }
0xff: {  	v20 =	vmov s16  }
0x100: {  	v20 =	vand.u32 $0xFFFFFFFE, v20  }
0x101: {  	v20 =	vbroadcast v20, $0x0  }
0x102: {  	s28 =	spop (v2sf)  }
0x103: {  	s29 =	sadd.s32 $0x3, s17;
	s18 =	spop (v2sf)  }
0x104: {  	v22 =	vmov s29;
	s30 =	sxor.u32 $0x80000000, s18  }
0x105: {  	v25 =	vmov s30  }
0x106: {  	s16 =	sxor.u32 $0x80000000, s28;
	[tilespmem:v24+s12+$0x0] =	vst.idx.msk $0x1, v25  }
0x107: {  	v48 =	vmov s16;
	[tilespmem:v20+s11+$0x0] =	vst.idx.msk $0x1, v21;
	s31 =	spop (v2sf)  }
0x108: {  	[tilespmem:v20+s12+$0x0] =	vst.idx.msk $0x1, v48;
	s16 =	sxor.u32 $0x80000000, s31  }
0x109: {  	[tilespmem:v22+s11+$0x0] =	vst.idx.msk $0x1, v23;
	v20 =	vmov s16  }
0x10a: {  	[tilespmem:v22+s12+$0x0] =	vst.idx.msk $0x1, v20  }
0x10b: {  	_ =	strace $0x90000049  }
0x10c: {  	v20 =	vld [tilespmem:$0x10000]  }
0x10d: {  	v21 =	vld [tilespmem:$0x10010];
	_ =	sdelay $0x1  }
0x10e: {  	v22 =	vld [tilespmem:$0x10020];
	_ =	sdelay $0x1  }
0x10f: {  	(xrf0) =	vmax.scan.msk.f32 $0xffff, v20  }
0x110: {  	(xrf0) =	vmax.scan.msk.f32 $0xffff, v21  }
0x111: {  	v23 =	vld [tilespmem:$0x10030]  }
0x112: {  	v49 =	vld [tilespmem:$0x10040];
	(xrf0) =	vmax.scan.msk.f32 $0xffff, v22  }
0x113: {  	vm12 =	vmmov $0x1;
	v52 =	vimm.s32 $0x0;
	v50 =	vld [tilespmem:$0x10050]  }
0x114: {  	vm14 =	vmmov $0x3;
	v56 =	vimm.s32 $0x0;
	vm4 =	vmmov $0x7  }
0x115: {  	v62 =	vimm.s32 $0x0;
	vm6 =	vmmov $0xf;
	vm8 =	vmmov $0x1f;
	v26, _, _ =	vpop (xrf0)  }
0x116: {  	vm2 =	vmmov $0x3f;
	v38 =	vimm.s32 $0x0;
	vm11 =	vmmov $0x7f;
	(xrf0) =	vmax.scan.msk.f32 $0xffff, v23;
	v27, _, _ =	vpop (xrf0)  }
0x117: {  	v33 =	vimm.s32 $0x0;
	(xrf0) =	vmax.scan.msk.f32 $0xffff, v49;
	v26 =	vbroadcast v26, $0xF;
	v27 =	vbroadcast v27, $0xF  }
0x118: {  	v40 =	vimm.s32 $0x0;
	v46 =	vimm.s32 $0x0;
	v33 =	vsel vm11, $0xFFFFFFFF, v33;
	v29, _, _ =	vpop (xrf0);
	(xrf0) =	vmax.scan.msk.f32 $0xffff, v50  }
0x119: {  	vm1 =	vge.f32 v20, v26;
	vm0 =	vge.f32 v21, v27;
	v21 =	vbroadcast v29, $0xF  }
0x11a: {  	v28 =	vld [tilespmem:$0x10060];
	v30 =	vmctz.xlane vm1;
	v26 =	vsel vm12, v26, v27;
	v27 =	vsel vm12, $0xFFFFFFFF, v52  }
0x11b: {  	v29 =	vsel vm2, $0xFFFFFFFF, v40;
	v20 =	vmctz.xlane vm0;
	vm13 =	vge.f32 v22, v21  }
0x11c: {  	v51 =	vld [tilespmem:$0x10070];
	v22, _, _ =	vpop (xrf0);
	v21 =	vsel vm14, v26, v21;
	v26 =	vsel vm14, $0xFFFFFFFF, v56;
	v31 =	vmctz.xlane vm13  }
0x11d: {  	v20 =	vadd.s32 $0x10, v20;
	v22 =	vbroadcast v22, $0xF;
	v53, _, _ =	vpop (xrf0);
	vm13 =	vmmov $0xff  }
0x11e: {  	[tilespmem:$0x1FE80] =	vst v33;
	v20 =	vsel vm12, v30, v20;
	v58, _, _ =	vpop (xrf0);
	v33 =	vsel vm13, $0xFFFFFFFF, v46;
	v54 =	vadd.s32 $0x20, v31  }
0x11f: {  	v32 =	vld [tilespmem:$0x10080];
	(xrf0) =	vmax.scan.msk.f32 $0xffff, v28;
	vm15 =	vge.f32 v23, v22;
	v23 =	vbroadcast v53, $0xF;
	v59 =	vbroadcast v58, $0xF  }
0x120: {  	v21 =	vsel vm4, v21, v22;
	v31 =	vsel vm4, $0xFFFFFFFF, v62;
	v57 =	vmctz.xlane vm15  }
0x121: {  	(xrf0) =	vmax.scan.msk.f32 $0xffff, v51;
	v53 =	vimm.s32 $0x0;
	v58 =	vimm.s32 $0x0;
	v20 =	vsel vm14, v20, v54  }
0x122: {  	[tilespmem:$0x1FE40] =	vst v31;
	v31 =	vsel vm8, $0xFFFFFFFF, v38;
	vm15 =	vmmov $0x1ff;
	v22 =	vadd.s32 $0x30, v57  }
0x123: {  	v55 =	vld [tilespmem:$0x10090];
	v54 =	vimm.s32 $0x0;
	vm5 =	vge.f32 v49, v23;
	vm7 =	vge.f32 v50, v59  }
0x124: {  	v61 =	vld [tilespmem:$0x100A0];
	(xrf0) =	vmax.scan.msk.f32 $0xffff, v32;
	v21 =	vsel vm6, v21, v23;
	v23 =	vimm.s32 $0x0;
	v50 =	vimm.s32 $0x0  }
0x125: {  	v63 =	vld [tilespmem:$0x100B0];
	v60 =	vmctz.xlane vm5;
	v34 =	vmctz.xlane vm7;
	v20 =	vsel vm4, v20, v22;
	v22, _, _ =	vpop (xrf0)  }
0x126: {  	[tilespmem:$0x1FE30] =	vst v26;
	v23 =	vsel vm6, $0xFFFFFFFF, v23;
	v21 =	vsel vm8, v21, v59;
	v22 =	vbroadcast v22, $0xF  }
0x127: {  	vm5 =	vmmov $0x3ff;
	v30 =	vsel vm15, $0xFFFFFFFF, v50;
	vm7 =	vmmov $0x7ff;
	[tilespmem:$0x1FE50] =	vst v23  }
0x128: {  	[tilespmem:$0x1FEA0] =	vst v30;
	v30 =	vsel vm5, $0xFFFFFFFF, v53;
	v26 =	vadd.s32 $0x40, v60;
	(xrf0) =	vmax.scan.msk.f32 $0xffff, v55;
	v35, _, _ =	vpop (xrf0)  }
0x129: {  	v23 =	vadd.s32 $0x50, v34;
	(xrf0) =	vmax.scan.msk.f32 $0xffff, v61;
	v24 =	vbroadcast v35, $0xF;
	vm9 =	vge.f32 v28, v22  }
0x12a: {  	v37 =	vld [tilespmem:$0x100C0];
	v20 =	vsel vm6, v20, v26;
	v21 =	vsel vm2, v21, v22;
	v36 =	vmctz.xlane vm9;
	v22, _, _ =	vpop (xrf0);
	(xrf0) =	vmax.scan.msk.f32 $0xffff, v63  }
0x12b: {  	v39 =	vld [tilespmem:$0x100D0];
	v20 =	vsel vm8, v20, v23;
	vm10 =	vge.f32 v51, v24;
	v22 =	vbroadcast v22, $0xF  }
0x12c: {  	v42 =	vld [tilespmem:$0x100E0];
	v21 =	vsel vm11, v21, v24;
	vm9 =	vmmov $0xfff;
	v23 =	vadd.s32 $0x60, v36  }
0x12d: {  	v44 =	vld [tilespmem:$0x100F0];
	v20 =	vsel vm2, v20, v23;
	v23 =	vmctz.xlane vm10;
	vm12 =	vge.f32 v32, v22  }
0x12e: {  	[tilespmem:$0x1FE20] =	vst v27;
	v24 =	vsel vm7, $0xFFFFFFFF, v54;
	v28 =	vsel vm9, $0xFFFFFFFF, v58;
	v41, _, _ =	vpop (xrf0);
	v32 =	vmctz.xlane vm12  }
0x12f: {  	(xrf0) =	vmax.scan.msk.f32 $0xffff, v37;
	v43 =	vbroadcast v41, $0xF;
	v21 =	vsel vm13, v21, v22;
	v23 =	vadd.s32 $0x70, v23;
	v22, _, _ =	vpop (xrf0)  }
0x130: {  	v20 =	vsel vm11, v20, v23;
	(xrf0) =	vmax.scan.msk.f32 $0xffff, v39;
	v23 =	vadd.s32 $0x80, v32;
	v22 =	vbroadcast v22, $0xF;
	v45, _, _ =	vpop (xrf0)  }
0x131: {  	vm14 =	vge.f32 v55, v43;
	(xrf0) =	vmax.scan.msk.f32 $0xffff, v42;
	v20 =	vsel vm13, v20, v23;
	v23 =	vbroadcast v45, $0xF  }
0x132: {  	v21 =	vsel vm15, v21, v43;
	v27 =	vmctz.xlane vm14;
	(xrf0) =	vmax.scan.msk.f32 $0xffff, v44;
	vm4 =	vge.f32 v61, v22  }
0x133: {  	vm14 =	vmmov $0x3fff;
	v48 =	vmctz.xlane vm4;
	vm6 =	vge.f32 v63, v23  }
0x134: {  	v47 =	vadd.s32 $0x90, v27;
	v21 =	vsel vm5, v21, v22;
	v22 =	vmctz.xlane vm6  }
0x135: {  	v49, _, _ =	vpop (xrf0);
	vm13 =	vmmov $0x1fff;
	v20 =	vsel vm15, v20, v47;
	v51 =	vadd.s32 $0xA0, v48  }
0x136: {  	v25 =	vbroadcast v49, $0xF;
	v52, _, _ =	vpop (xrf0);
	v20 =	vsel vm5, v20, v51;
	v22 =	vadd.s32 $0xB0, v22  }
0x137: {  	v21 =	vsel vm7, v21, v23;
	v23, _, _ =	vpop (xrf0);
	v20 =	vsel vm7, v20, v22;
	v22 =	vbroadcast v52, $0xF  }
0x138: {  	vm15 =	vmmov $0x7fff;
	vm8 =	vge.f32 v37, v25;
	v23 =	vbroadcast v23, $0xF;
	v56, _, _ =	vpop (xrf0)  }
0x139: {  	[tilespmem:$0x1FE70] =	vst v29;
	v55 =	vmctz.xlane vm8;
	v57 =	vbroadcast v56, $0xF;
	vm10 =	vge.f32 v39, v22  }
0x13a: {  	[tilespmem:$0x1FE90] =	vst v33;
	v63 =	vimm.s32 $0x0;
	vm11 =	vge.f32 v42, v23;
	v26 =	vmctz.xlane vm10  }
0x13b: {  	[tilespmem:$0x1FEC0] =	vst v24;
	v24 =	vadd.s32 $0xC0, v55;
	vm12 =	vge.f32 v44, v57;
	v59 =	vmctz.xlane vm11  }
0x13c: {  	[tilespmem:$0x1FE60] =	vst v31;
	v20 =	vsel vm9, v20, v24;
	v61 =	vmctz.xlane vm12;
	v60 =	vadd.s32 $0xD0, v26  }
0x13d: {  	[tilespmem:$0x1FEB0] =	vst v30;
	v21 =	vsel vm9, v21, v25;
	v24 =	vadd.s32 $0xE0, v59;
	v20 =	vsel vm13, v20, v60  }
0x13e: {  	[tilespmem:$0x1FED0] =	vst v28;
	v25 =	vsel vm13, $0xFFFFFFFF, v63;
	v62 =	vadd.s32 $0xF0, v61;
	v20 =	vsel vm14, v20, v24  }
.Ltmp3:
0x13f: {  	[tilespmem:$0x1FEE0] =	vst v25;
	v21 =	vsel vm13, v21, v22;
	v22 =	vimm.s32 $0x0;
	v20 =	vsel vm15, v20, v62;
	(pc) =	sbr.rel .LBB2_8-.Ltmp3, $4  }
0x140: {  	v22 =	vsel vm14, $0xFFFFFFFF, v22;
	[tilespmem:$0x10300] =	vst v20;
	v20 =	vimm.s32 $0x0  }
0x141: {  	[tilespmem:$0x1FEF0] =	vst v22;
	v20 =	vsel vm15, $0xFFFFFFFF, v20  }
0x142: {  	v21 =	vsel vm14, v21, v23;
	[tilespmem:$0x1FF00] =	vst v20  }
0x143: {  	s16 =	simm.s32 $0x0;
	v20 =	vsel vm15, v21, v56;
	_ =	strace $0x8000004A  }
.LBB2_10:
0x144: {  	s19 =	sshll.u32 s18, $0xA  }
0x145: {  	v23 =	vld [tilespmem:$0x10200];
	s19 =	sshra.s32 s19, $0x2  }
0x146: {  	v22 =	vld [tilespmem:s19+$0x0]  }
0x147: {  	v25 =	vld [tilespmem:$0x10210]  }
0x148: {  	v24 =	vld [tilespmem:s19+$0x10]  }
0x149: {  	v27 =	vld [tilespmem:$0x10220]  }
0x14a: {  	v26 =	vld [tilespmem:s19+$0x20]  }
0x14b: {  	v28 =	vld [tilespmem:$0x10230];
	v22 =	vadd.f32 v23, v22  }
0x14c: {  	v23 =	vld [tilespmem:s19+$0x30]  }
0x14d: {  	v29 =	vld [tilespmem:$0x10240];
	v24 =	vadd.f32 v25, v24;
	vm0 =	vgt.f32 v22, $-3.402823470e+38  }
0x14e: {  	v40 =	vld [tilespmem:s19+$0x40];
	v22 =	vnsel vm0, $0xFF7FFFFF, v22  }
0x14f: {  	v42 =	vld [tilespmem:$0x10250];
	v26 =	vadd.f32 v27, v26;
	vm1 =	vgt.f32 v24, v22  }
0x150: {  	v41 =	vld [tilespmem:s19+$0x50];
	v22 =	vsel vm1, v24, v22  }
0x151: {  	v44 =	vld [tilespmem:$0x10260];
	v23 =	vadd.f32 v28, v23;
	vm2 =	vgt.f32 v26, v22  }
0x152: {  	v43 =	vld [tilespmem:s19+$0x60];
	v22 =	vsel vm2, v26, v22  }
0x153: {  	v45 =	vld [tilespmem:s19+$0x70];
	v25 =	vadd.f32 v29, v40;
	vm3 =	vgt.f32 v23, v22  }
0x154: {  	v22 =	vsel vm3, v23, v22;
	v23 =	vld [tilespmem:$0x10270]  }
0x155: {  	v47 =	vld [tilespmem:$0x10280];
	v24 =	vadd.f32 v42, v41;
	vm4 =	vgt.f32 v25, v22  }
0x156: {  	v46 =	vld [tilespmem:s19+$0x80];
	v22 =	vsel vm4, v25, v22  }
0x157: {  	v49 =	vld [tilespmem:$0x10290];
	v26 =	vadd.f32 v44, v43;
	vm5 =	vgt.f32 v24, v22  }
0x158: {  	v48 =	vld [tilespmem:s19+$0x90];
	v22 =	vsel vm5, v24, v22  }
0x159: {  	v51 =	vld [tilespmem:$0x102A0];
	vm6 =	vgt.f32 v26, v22;
	v23 =	vadd.f32 v23, v45  }
0x15a: {  	v50 =	vld [tilespmem:s19+$0xA0];
	v22 =	vsel vm6, v26, v22  }
0x15b: {  	v52 =	vld [tilespmem:s19+$0xB0];
	v25 =	vadd.f32 v47, v46;
	vm7 =	vgt.f32 v23, v22  }
0x15c: {  	v22 =	vsel vm7, v23, v22;
	v23 =	vld [tilespmem:$0x102B0]  }
0x15d: {  	v54 =	vld [tilespmem:$0x102C0];
	v24 =	vadd.f32 v49, v48;
	vm8 =	vgt.f32 v25, v22  }
0x15e: {  	v53 =	vld [tilespmem:s19+$0xC0];
	v22 =	vsel vm8, v25, v22  }
0x15f: {  	v56 =	vld [tilespmem:$0x102D0];
	v26 =	vadd.f32 v51, v50;
	vm9 =	vgt.f32 v24, v22  }
0x160: {  	v55 =	vld [tilespmem:s19+$0xD0];
	v22 =	vsel vm9, v24, v22  }
0x161: {  	v58 =	vld [tilespmem:$0x102E0];
	vm10 =	vgt.f32 v26, v22;
	v23 =	vadd.f32 v23, v52  }
0x162: {  	v57 =	vld [tilespmem:s19+$0xE0];
	v22 =	vsel vm10, v26, v22  }
0x163: {  	v59 =	vld [tilespmem:s19+$0xF0];
	v25 =	vadd.f32 v54, v53;
	vm11 =	vgt.f32 v23, v22  }
0x164: {  	v22 =	vsel vm11, v23, v22;
	v23 =	vld [tilespmem:$0x102F0]  }
0x165: {  	v24 =	vadd.f32 v56, v55;
	vm12 =	vgt.f32 v25, v22  }
0x166: {  	v22 =	vsel vm12, v25, v22  }
0x167: {  	v60 =	vadd.f32 v58, v57;
	v61 =	vnsel vm0, $0x80000000, v1;
	vm15 =	vgt.f32 v24, v22  }
0x168: {  	v26 =	vsel vm1, v2, v61;
	v22 =	vsel vm15, v24, v22  }
0x169: {  	v62 =	vsel vm2, v3, v26;
	v23 =	vadd.f32 v23, v59;
	vm13 =	vgt.f32 v60, v22  }
0x16a: {  	v24 =	vsel vm3, v4, v62;
	v22 =	vsel vm13, v60, v22  }
0x16b: {  	v24 =	vsel vm4, v5, v24;
	vm14 =	vgt.f32 v23, v22  }
0x16c: {  	v24 =	vsel vm5, v6, v24;
	v22 =	vsel vm14, v23, v22  }
0x16d: {  	v23 =	vsel vm6, v7, v24;
	(xrf0) =	vmax.scan.msk.f32 $0xffff, v22  }
0x16e: {  	v23 =	vsel vm7, v8, v23  }
0x16f: {  	v23 =	vsel vm8, v9, v23  }
0x170: {  	v23 =	vsel vm9, v10, v23  }
0x171: {  	v23 =	vsel vm10, v11, v23  }
0x172: {  	v23 =	vsel vm11, v12, v23  }
0x173: {  	v23 =	vsel vm12, v13, v23;
	v63, _, _ =	vpop (xrf0)  }
0x174: {  	v23 =	vsel vm15, v15, v23;
	v24 =	vbroadcast v63, $0xF  }
0x175: {  	v23 =	vsel vm13, v16, v23  }
0x176: {  	v23 =	vsel vm14, v17, v23;
	vm15 =	vge.f32 v22, v24  }
0x177: {  	v22 =	vnsel vm15, $0x80000100, v23  }
0x178: {  	(xrf0) =	vmin.scan.msk.u32 $0xffff, v22;
	_ =	sdelay $0x5  }
0x179: {  	v22, _, _ =	vpop (xrf0)  }
0x17a: {  	(v2sf) =	vpush v22, $0xF;
	_ =	sdelay $0xe  }
0x17b: {  	s31 =	spop (v2sf)  }
0x17c: {  	s19 =	sxor.u32 $0x80000000, s31  }
0x17d: {  	[tilespmem:v21+s11+$0x0] =	vst.idx.msk $0x1, v24;
	v22 =	vmov s19  }
0x17e: {  	[tilespmem:v21+s12+$0x0] =	vst.idx.msk $0x1, v22  }
.LBB2_11:
0x17f: {  	s19 =	sand.u32 $0xFFFFFFF0, s18  }
0x180: {  	v21 =	vld [tilespmem:s19+$0x10000];
	_ =	sdelay $0x4  }
0x181: {  	(xrf0) =	vmax.scan.msk.f32 $0xffff, v21;
	_ =	sdelay $0x3  }
0x182: {  	p0 =	seq.f32 s17, $0.0e+00  }
0x183: {  	s17 =	simm.s32 $0x1  }
0x184: {  	s17 =	simm.s32 @!p0 $0x0;
	v22, _, _ =	vpop (xrf0)  }
0x185: {  	s31 =	sshrl.u32 s18, $0x4;
	s16 =	sadd.s32 s17, s16;
	v22 =	vbroadcast v22, $0xF  }
0x186: {  	v23 =	vmov s31;
	p0 =	slt.u32 s16, $0x100  }
.Ltmp4:
0x187: {  	vm0 =	vge.f32 v21, v22;
	(pc) =	sbr.rel @!p0 .LBB2_12-.Ltmp4, $3  }
0x188: {  	v21 =	vmctz.xlane vm0;
	_ =	sdelay $0x1  }
0x189: {  	vm15 =	veq.s32 v23, v0;
	v21 =	vadd.s32 s19, v21  }
0x18a: {  	v20 =	vsel vm15, v22, v20;
	[tilespmem:v23+s13+$0x0] =	vst.idx.msk $0x1, v21  }
.LBB2_8:
0x18b: {  	(xrf0) =	vmax.scan.msk.f32 $0xffff, v20;
	_ =	sdelay $0x5  }
0x18c: {  	v21, _, _ =	vpop (xrf0)  }
0x18d: {  	v21 =	vbroadcast v21, $0xF;
	_ =	sdelay $0x1  }
0x18e: {  	vm0 =	vge.f32 v20, v21  }
0x18f: {  	v21 =	vmctz.xlane vm0;
	_ =	sdelay $0x5  }
0x190: {  	v21 =	vld.idx.msk [tilespmem:v21+s13+$0x0], $0xffff;
	_ =	sdelay $0x7  }
0x191: {  	v22 =	vld.idx.msk [tilespmem:v21+s12+$0x0], $0xffff;
	_ =	sdelay $0x7  }
0x192: {  	v23 =	vld.idx.msk [tilespmem:v22+s14+$0x0], $0xffff;
	_ =	sdelay $0x3  }
0x193: {  	(v2sf) =	vpush v21, $0x0  }
0x194: {  	(v2sf) =	vpush v23, $0x0;
	_ =	sdelay $0xd  }
0x195: {  	s18 =	spop (v2sf)  }
0x196: {  	s17 =	spop (v2sf)  }
0x197: {  	p0 =	sne.f32 s17, $0.0e+00  }
.Ltmp5:
0x198: {  	_ = 	snop;
	(pc) =	sbr.rel @p0 .LBB2_10-.Ltmp5, $1  }
0x199: {  	_ =	sdelay $0x3  }
0x19a: {  	_ = 	snop  }
.Ltmp6:
0x19b: {  	_ = 	snop;
	(pc) =	sbr.rel .LBB2_11-.Ltmp6, $3  }
0x19c: {  	_ =	sdelay $0x1  }
0x19d: {  	[tilespmem:v22+s14+$0x0] =	vst.idx.msk $0x1, v18  }
0x19e: {  	[tilespmem:v21+s11+$0x0] =	vst.idx.msk $0x1, v18  }
.LBB2_12:
0x19f: {  	_ =	strace $0x9000004A  }
0x1a0: {  	s16 =	simm.s32 $0x0;
	s17 =	simm.s32 $0x400;
	_ =	strace $0x8000004B  }
.LBB2_13:
0x1a1: {  	p0 =	sne.s32 s17, $0x3FC00;
	[tilespmem:s16+$0xF0] =	vst v14  }
0x1a2: {  	[tilespmem:s16+$0x0] =	vst v14  }
0x1a3: {  	[tilespmem:s16+$0x10] =	vst v14  }
0x1a4: {  	[tilespmem:s16+$0x20] =	vst v14  }
0x1a5: {  	[tilespmem:s16+$0x30] =	vst v14  }
0x1a6: {  	[tilespmem:s16+$0x40] =	vst v14  }
0x1a7: {  	[tilespmem:s16+$0x50] =	vst v14  }
0x1a8: {  	[tilespmem:s16+$0x60] =	vst v14  }
0x1a9: {  	[tilespmem:s16+$0x70] =	vst v14  }
0x1aa: {  	[tilespmem:s16+$0x80] =	vst v14  }
0x1ab: {  	[tilespmem:s16+$0x90] =	vst v14  }
.Ltmp7:
0x1ac: {  	[tilespmem:s16+$0xA0] =	vst v14;
	(pc) =	sbr.rel @p0 .LBB2_13-.Ltmp7, $4  }
0x1ad: {  	[tilespmem:s16+$0xB0] =	vst v14  }
0x1ae: {  	[tilespmem:s16+$0xC0] =	vst v14  }
0x1af: {  	[tilespmem:s16+$0xD0] =	vst v14  }
0x1b0: {  	[tilespmem:s16+$0xE0] =	vst v14;
	s16 =	sshra.s32 s17, $0x2;
	s17 =	sadd.s32 $0x400, s17  }
0x1b1: {  	[tilespmem:s16+$0xF0] =	vst v14  }
0x1b2: {  	[tilespmem:s16+$0x0] =	vst v14  }
0x1b3: {  	[tilespmem:s16+$0x10] =	vst v14  }
0x1b4: {  	[tilespmem:s16+$0x20] =	vst v14  }
0x1b5: {  	[tilespmem:s16+$0x30] =	vst v14  }
0x1b6: {  	[tilespmem:s16+$0x40] =	vst v14  }
0x1b7: {  	[tilespmem:s16+$0x50] =	vst v14  }
0x1b8: {  	[tilespmem:s16+$0x60] =	vst v14  }
0x1b9: {  	[tilespmem:s16+$0x70] =	vst v14  }
0x1ba: {  	[tilespmem:s16+$0x80] =	vst v14  }
0x1bb: {  	[tilespmem:s16+$0x90] =	vst v14  }
0x1bc: {  	[tilespmem:s16+$0xA0] =	vst v14  }
0x1bd: {  	[tilespmem:s16+$0xB0] =	vst v14  }
0x1be: {  	[tilespmem:s16+$0xC0] =	vst v14  }
0x1bf: {  	[tilespmem:s16+$0xD0] =	vst v14  }
0x1c0: {  	[tilespmem:s16+$0xE0] =	vst v14  }
0x1c1: {  	v21 =	vld [tilespmem:$0x10100];
	_ =	sdelay $0x2  }
0x1c2: {  	v20 =	vmul.u32 $0x100, v0;
	_ =	sdelay $0x1  }
0x1c3: {  	v21 =	vadd.s32 v20, v21;
	_ =	sdelay $0x3  }
0x1c4: {  	s16 =	simm.s32 $0x0  }
0x1c5: {  	[tilespmem:v21+s16+$0x0] =	vst.idx.msk $0xffff, v19  }
0x1c6: {  	v22 =	vld [tilespmem:$0x10110];
	_ =	sdelay $0x3  }
0x1c7: {  	v21 =	vor.u32 $0x1000, v20  }
0x1c8: {  	v22 =	vadd.s32 v21, v22;
	_ =	sdelay $0x4  }
0x1c9: {  	[tilespmem:v22+s16+$0x0] =	vst.idx.msk $0xffff, v19  }
0x1ca: {  	v23 =	vld [tilespmem:$0x10120];
	_ =	sdelay $0x3  }
0x1cb: {  	[tilespmem:$0x1FDD0] =	vst v21;
	v21 =	vor.u32 $0x2000, v20  }
0x1cc: {  	v23 =	vadd.s32 v21, v23;
	_ =	sdelay $0x4  }
0x1cd: {  	[tilespmem:v23+s16+$0x0] =	vst.idx.msk $0xffff, v19  }
0x1ce: {  	v24 =	vld [tilespmem:$0x10130];
	_ =	sdelay $0x3  }
0x1cf: {  	[tilespmem:$0x1FDE0] =	vst v21;
	v21 =	vor.u32 $0x3000, v20  }
0x1d0: {  	v24 =	vadd.s32 v21, v24;
	_ =	sdelay $0x4  }
0x1d1: {  	[tilespmem:v24+s16+$0x0] =	vst.idx.msk $0xffff, v19  }
0x1d2: {  	v25 =	vld [tilespmem:$0x10140];
	_ =	sdelay $0x3  }
0x1d3: {  	[tilespmem:$0x1FDF0] =	vst v21;
	v21 =	vor.u32 $0x4000, v20  }
0x1d4: {  	v25 =	vadd.s32 v21, v25;
	_ =	sdelay $0x4  }
0x1d5: {  	[tilespmem:v25+s16+$0x0] =	vst.idx.msk $0xffff, v19  }
0x1d6: {  	v26 =	vld [tilespmem:$0x10150];
	_ =	sdelay $0x3  }
0x1d7: {  	[tilespmem:$0x1FE00] =	vst v21;
	v21 =	vor.u32 $0x5000, v20  }
0x1d8: {  	v26 =	vadd.s32 v21, v26;
	_ =	sdelay $0x4  }
0x1d9: {  	[tilespmem:v26+s16+$0x0] =	vst.idx.msk $0xffff, v19  }
0x1da: {  	v27 =	vld [tilespmem:$0x10160];
	_ =	sdelay $0x3  }
0x1db: {  	v26 =	vor.u32 $0x6000, v20  }
0x1dc: {  	v27 =	vadd.s32 v26, v27;
	_ =	sdelay $0x4  }
0x1dd: {  	[tilespmem:v27+s16+$0x0] =	vst.idx.msk $0xffff, v19  }
0x1de: {  	v28 =	vld [tilespmem:$0x10170];
	_ =	sdelay $0x3  }
0x1df: {  	v27 =	vor.u32 $0x7000, v20  }
0x1e0: {  	v28 =	vadd.s32 v27, v28;
	_ =	sdelay $0x4  }
0x1e1: {  	[tilespmem:v28+s16+$0x0] =	vst.idx.msk $0xffff, v19  }
0x1e2: {  	v29 =	vld [tilespmem:$0x10180];
	_ =	sdelay $0x3  }
0x1e3: {  	v28 =	vor.u32 $0x8000, v20  }
0x1e4: {  	v29 =	vadd.s32 v28, v29;
	_ =	sdelay $0x4  }
0x1e5: {  	[tilespmem:v29+s16+$0x0] =	vst.idx.msk $0xffff, v19  }
0x1e6: {  	v30 =	vld [tilespmem:$0x10190];
	_ =	sdelay $0x3  }
0x1e7: {  	v29 =	vor.u32 $0x9000, v20  }
0x1e8: {  	v30 =	vadd.s32 v29, v30;
	_ =	sdelay $0x4  }
0x1e9: {  	[tilespmem:v30+s16+$0x0] =	vst.idx.msk $0xffff, v19  }
0x1ea: {  	v31 =	vld [tilespmem:$0x101A0];
	_ =	sdelay $0x3  }
0x1eb: {  	v30 =	vor.u32 $0xA000, v20  }
0x1ec: {  	v31 =	vadd.s32 v30, v31;
	_ =	sdelay $0x4  }
0x1ed: {  	[tilespmem:v31+s16+$0x0] =	vst.idx.msk $0xffff, v19  }
0x1ee: {  	v32 =	vld [tilespmem:$0x101B0];
	_ =	sdelay $0x3  }
0x1ef: {  	v31 =	vor.u32 $0xB000, v20  }
0x1f0: {  	v32 =	vadd.s32 v31, v32;
	_ =	sdelay $0x4  }
0x1f1: {  	[tilespmem:v32+s16+$0x0] =	vst.idx.msk $0xffff, v19  }
0x1f2: {  	v33 =	vld [tilespmem:$0x101C0];
	_ =	sdelay $0x3  }
0x1f3: {  	v32 =	vor.u32 $0xC000, v20  }
0x1f4: {  	v33 =	vadd.s32 v32, v33;
	_ =	sdelay $0x4  }
0x1f5: {  	[tilespmem:v33+s16+$0x0] =	vst.idx.msk $0xffff, v19  }
0x1f6: {  	v34 =	vld [tilespmem:$0x101D0];
	_ =	sdelay $0x3  }
0x1f7: {  	v33 =	vor.u32 $0xD000, v20  }
0x1f8: {  	v34 =	vadd.s32 v33, v34;
	_ =	sdelay $0x4  }
0x1f9: {  	[tilespmem:v34+s16+$0x0] =	vst.idx.msk $0xffff, v19  }
0x1fa: {  	v35 =	vld [tilespmem:$0x101E0];
	_ =	sdelay $0x3  }
0x1fb: {  	v34 =	vor.u32 $0xE000, v20  }
0x1fc: {  	v35 =	vadd.s32 v34, v35;
	_ =	sdelay $0x4  }
0x1fd: {  	[tilespmem:v35+s16+$0x0] =	vst.idx.msk $0xffff, v19  }
0x1fe: {  	v36 =	vld [tilespmem:$0x101F0];
	_ =	sdelay $0x3  }
0x1ff: {  	v35 =	vor.u32 $0xF000, v20  }
0x200: {  	v36 =	vadd.s32 v35, v36;
	_ =	sdelay $0x2  }
0x201: {  	s17 =	sand.u32 $0x1F00, s16  }
0x202: {  	s18 =	sand.u32 $0x70, s16;
	s17 =	sadd.s32 s17, s5  }
0x203: {  	s17 =	sadd.s32 s18, s17;
	[tilespmem:v36+s16+$0x0] =	vst.idx.msk $0xffff, v19  }
0x204: {  	[hbm4b:s17+s9] =	stream.strided.scatter [tilespmem:s16], [sflag:$0x1], $0x100, s3, s9, $0x200038;
	[tilespmem:$0x10380] =	vst v63  }
0x205: {  	s18 =	simm.s32 $0x10;
	[tilespmem:$0x1FE10] =	vst v21;
	s17 =	simm.s32 $0x20  }
.LBB2_15:
0x206: {  	s19 =	sand.u32 $0x1F00, s17;
	p0 =	sne.s32 s17, $0x1FE0;
	s17 =	sadd.s32 $0x20, s17  }
.Ltmp8:
0x207: {  	s20 =	sand.u32 $0x70, s18;
	s19 =	sadd.s32 s19, s5;
	(pc) =	sbr.rel @p0 .LBB2_15-.Ltmp8, $4  }
0x208: {  	s16 =	sadd.s32 $0x100, s16;
	s19 =	sadd.s32 s20, s19  }
0x209: {  	[hbm4b:s19+s9] =	stream.strided.scatter [tilespmem:s16], [sflag:$0x1], $0x100, s3, s9, $0x200038;
	[tilespmem:$0x10380] =	vst v63  }
0x20a: {  	_ = 	snop  }
0x20b: {  	s18 =	sadd.s32 $0x10, s18  }
0x20c: {  	_ =	swait.ge [sflag:s10], $0x100  }
0x20d: {  	s16 =	simm.s32 $0xFF;
	[sflag:s10] =	ssyncset.done $0x0  }
.LBB2_17:
0x20e: {  	p0 =	sne.s32 s16, $0x1;
	s16 =	sadd.s32 $0xFFFFFFFF, s16;
	[sflag:s10] =	ssyncadd.s32 $0xFFFFFF00  }
.Ltmp9:
0x20f: {  	(pc) =	sbr.rel @p0 .LBB2_17-.Ltmp9, $3  }
0x210: {  	_ =	sdelay $0x1  }
0x211: {  	_ =	swait.ge [sflag:s10], $0x100  }
0x212: {  	[sflag:s10] =	ssyncset.done $0x0  }
0x213: {  	s16 =	simm.s32 $0x0  }
0x214: {  	[sflag:s10] =	ssyncadd.s32 $0xFFFFFF00;
	s17 =	sand.u32 $0x1F00, s16  }
0x215: {  	_ =	strace $0x9000004B;
	s18 =	sand.u32 $0x70, s16;
	s17 =	sadd.s32 s17, s6  }
0x216: {  	_ =	strace $0x8000004C;
	s17 =	sadd.s32 s18, s17  }
0x217: {  	[tilespmem:s16], [sflag:$0x1] =	stream.strided.gather [hbm4b:s17+s9], $0x100, s3, s9, $0x200038;
	[tilespmem:$0x10380] =	vst v63  }
0x218: {  	s18 =	simm.s32 $0x10;
	s17 =	simm.s32 $0x20  }
.LBB2_19:
0x219: {  	s19 =	sand.u32 $0x1F00, s17;
	p0 =	sne.s32 s17, $0x1FE0;
	s17 =	sadd.s32 $0x20, s17  }
.Ltmp10:
0x21a: {  	s20 =	sand.u32 $0x70, s18;
	s19 =	sadd.s32 s19, s6;
	(pc) =	sbr.rel @p0 .LBB2_19-.Ltmp10, $4  }
0x21b: {  	s16 =	sadd.s32 $0x100, s16;
	s19 =	sadd.s32 s20, s19  }
0x21c: {  	[tilespmem:s16], [sflag:$0x1] =	stream.strided.gather [hbm4b:s19+s9], $0x100, s3, s9, $0x200038;
	[tilespmem:$0x10380] =	vst v63  }
0x21d: {  	_ = 	snop  }
0x21e: {  	s18 =	sadd.s32 $0x10, s18  }
0x21f: {  	[tilespmem:$0x10200] =	vst v14  }
0x220: {  	[tilespmem:$0x10210] =	vst v14  }
0x221: {  	[tilespmem:$0x10220] =	vst v14  }
0x222: {  	[tilespmem:$0x10230] =	vst v14  }
0x223: {  	[tilespmem:$0x10240] =	vst v14  }
0x224: {  	[tilespmem:$0x10250] =	vst v14  }
0x225: {  	[tilespmem:$0x10260] =	vst v14  }
0x226: {  	[tilespmem:$0x10270] =	vst v14  }
0x227: {  	[tilespmem:$0x10280] =	vst v14  }
0x228: {  	[tilespmem:$0x10290] =	vst v14  }
0x229: {  	[tilespmem:$0x102A0] =	vst v14  }
0x22a: {  	[tilespmem:$0x102B0] =	vst v14  }
0x22b: {  	[tilespmem:$0x102C0] =	vst v14  }
0x22c: {  	[tilespmem:$0x102D0] =	vst v14  }
0x22d: {  	[tilespmem:$0x102E0] =	vst v14  }
0x22e: {  	[tilespmem:$0x102F0] =	vst v14  }
0x22f: {  	_ =	swait.ge [sflag:s10], $0x100  }
0x230: {  	s16 =	simm.s32 $0xFF;
	[sflag:s10] =	ssyncset.done $0x0  }
.LBB2_21:
0x231: {  	p0 =	sne.s32 s16, $0x1;
	s16 =	sadd.s32 $0xFFFFFFFF, s16;
	[sflag:s10] =	ssyncadd.s32 $0xFFFFFF00  }
.Ltmp11:
0x232: {  	(pc) =	sbr.rel @p0 .LBB2_21-.Ltmp11, $3  }
0x233: {  	_ =	sdelay $0x1  }
0x234: {  	_ =	swait.ge [sflag:s10], $0x100  }
0x235: {  	[sflag:s10] =	ssyncset.done $0x0  }
0x236: {  	[sflag:s10] =	ssyncadd.s32 $0xFFFFFF00  }
0x237: {  	_ =	strace $0x9000004C  }
0x238: {  	s16 =	simm.s32 $0x200;
	_ =	strace $0x8000004D  }
0x239: {  	v37 =	vld [tilespmem:s16+$0x150]  }
0x23a: {  	v40 =	vld [tilespmem:s16+$0x110]  }
0x23b: {  	v41 =	vld [tilespmem:s16+$0x100]  }
0x23c: {  	v42 =	vld [tilespmem:s16+$0xFFFFFE00]  }
0x23d: {  	v45 =	vld [tilespmem:s16+$0x0]  }
0x23e: {  	v49 =	vld [tilespmem:s16+$0xFFFFFF00]  }
0x23f: {  	v44 =	vld [tilespmem:s16+$0xFFFFFE10]  }
0x240: {  	v47 =	vld [tilespmem:s16+$0x10]  }
0x241: {  	v21 =	vimm.s32 $0x0;
	v50 =	vld [tilespmem:s16+$0xFFFFFF10]  }
0x242: {  	v39 =	vld [tilespmem:s16+$0x120];
	vm0 =	vgt.f32 v41, $-3.402823470e+38;
	vm1 =	vgt.f32 v42, $-3.402823470e+38;
	vm3 =	vgt.f32 v45, $-3.402823470e+38  }
0x243: {  	v46 =	vld [tilespmem:s16+$0xFFFFFE20];
	vm6 =	vgt.f32 v49, $-3.402823470e+38;
	v41 =	vnsel vm0, $0xFF7FFFFF, v41;
	v42 =	vnsel vm1, $0xFF7FFFFF, v42  }
0x244: {  	v48 =	vld [tilespmem:s16+$0xFFFFFE30];
	v57 =	vnsel vm0, $0x80000000, v1;
	v45 =	vnsel vm3, $0xFF7FFFFF, v45;
	v52 =	vnsel vm1, $0x80000000, v1  }
0x245: {  	v51 =	vld [tilespmem:s16+$0xFFFFFF20];
	v53 =	vnsel vm3, $0x80000000, v1;
	v49 =	vnsel vm6, $0xFF7FFFFF, v49;
	vm2 =	vgt.f32 v40, v41  }
0x246: {  	v38 =	vld [tilespmem:s16+$0x130];
	vm4 =	vgt.f32 v44, v42;
	vm11 =	vgt.f32 v47, v45;
	vm15 =	vgt.f32 v50, v49  }
0x247: {  	v58 =	vld [tilespmem:s16+$0xFFFFFE40];
	v40 =	vsel vm2, v40, v41;
	v42 =	vsel vm4, v44, v42;
	v41 =	vsel vm2, v2, v57  }
0x248: {  	v36 =	vld [tilespmem:s16+$0x140];
	v52 =	vsel vm4, v2, v52;
	v53 =	vsel vm11, v2, v53;
	vm0 =	vgt.f32 v46, v42  }
0x249: {  	v59 =	vld [tilespmem:s16+$0xFFFFFE50];
	v56 =	vsel vm15, v50, v49;
	vm5 =	vgt.f32 v39, v40;
	v42 =	vsel vm0, v46, v42  }
0x24a: {  	v62 =	vld [tilespmem:s16+$0xFFFFFF30];
	vm8 =	vgt.f32 v51, v56;
	v39 =	vsel vm5, v39, v40;
	vm3 =	vgt.f32 v48, v42  }
0x24b: {  	v61 =	vld [tilespmem:s16+$0xFFFFFE60];
	v41 =	vsel vm5, v3, v41;
	vm12 =	vgt.f32 v38, v39;
	v60 =	vsel vm3, v48, v42  }
0x24c: {  	v63 =	vld [tilespmem:s16+$0xFFFFFE70];
	v41 =	vsel vm12, v4, v41;
	v38 =	vsel vm12, v38, v39;
	vm7 =	vgt.f32 v58, v60  }
0x24d: {  	v54 =	vld [tilespmem:s16+$0xFFFFFF40];
	vm9 =	vgt.f32 v36, v38;
	v40 =	vsel vm7, v58, v60;
	v58 =	vsel vm8, v51, v56  }
0x24e: {  	v38 =	vsel vm9, v36, v38;
	v36 =	vsel vm9, v5, v41;
	v41 =	vld [tilespmem:s16+$0x160];
	vm5 =	vgt.f32 v59, v40  }
0x24f: {  	v45 =	vsel vm11, v47, v45;
	v57 =	vld [tilespmem:s16+$0xFFFFFE80];
	vm10 =	vgt.f32 v62, v58;
	v40 =	vsel vm5, v59, v40  }
0x250: {  	v49 =	vld [tilespmem:s16+$0x20];
	vm14 =	vgt.f32 v37, v38;
	v39 =	vsel vm10, v62, v58;
	vm13 =	vgt.f32 v61, v40  }
0x251: {  	v60 =	vld [tilespmem:s16+$0xFFFFFF50];
	v37 =	vsel vm14, v37, v38;
	v40 =	vsel vm13, v61, v40;
	v61 =	vsel vm0, v3, v52  }
0x252: {  	v43 =	vld [tilespmem:s16+$0x30];
	v21 =	vsel vm13, $0xFFFFFFFF, v21;
	vm13 =	vgt.f32 v63, v40;
	v50 =	vsel vm3, v4, v61  }
0x253: {  	v55 =	vld [tilespmem:s16+$0xFFFFFEB0];
	[tilespmem:$0x1FD90] =	vst v21;
	vm3 =	vgt.f32 v54, v39;
	v21 =	vimm.s32 $0x0;
	vm0 =	vgt.f32 v41, v37  }
0x254: {  	v59 =	vld [tilespmem:s16+$0xFFFFFE90];
	v40 =	vsel vm13, v63, v40;
	v39 =	vsel vm3, v54, v39;
	v21 =	vsel vm14, $0xFFFFFFFF, v21  }
0x255: {  	v62 =	vld [tilespmem:s16+$0xFFFFFEA0];
	v58 =	vsel vm7, v5, v50;
	vm7 =	vgt.f32 v49, v45;
	v37 =	vsel vm0, v41, v37  }
0x256: {  	v63 =	vld [tilespmem:s16+$0xFFFFFF60];
	vm4 =	vgt.f32 v57, v40;
	vm11 =	vgt.f32 v60, v39;
	v45 =	vsel vm7, v49, v45  }
0x257: {  	v46 =	vld [tilespmem:s16+$0x1B0];
	[tilespmem:$0x1FDA0] =	vst v21;
	v49 =	vsel vm7, v3, v53;
	v21 =	vimm.s32 $0x0;
	v42 =	vsel vm5, v6, v58  }
0x258: {  	v51 =	vld [tilespmem:s16+$0xFFFFFF70];
	v40 =	vsel vm4, v57, v40;
	v39 =	vsel vm11, v60, v39;
	vm7 =	vgt.f32 v43, v45  }
0x259: {  	v61 =	vld [tilespmem:s16+$0x40];
	v21 =	vsel vm0, $0xFFFFFFFF, v21;
	vm9 =	vgt.f32 v59, v40;
	v43 =	vsel vm7, v43, v45  }
0x25a: {  	v57 =	vld [tilespmem:s16+$0xFFFFFEC0];
	v49 =	vsel vm7, v4, v49;
	v56 =	vsel vm9, v59, v40;
	v59 =	vnsel vm6, $0x80000000, v1  }
0x25b: {  	[tilespmem:$0x1FDB0] =	vst v21;
	v21 =	vld [tilespmem:$0x1FD90];
	vm12 =	vgt.f32 v62, v56;
	vm1 =	vgt.f32 v63, v39;
	v50 =	vsel vm15, v2, v59  }
0x25c: {  	v60 =	vld [tilespmem:s16+$0xFFFFFED0];
	v38 =	vsel vm12, v62, v56;
	v39 =	vsel vm1, v63, v39;
	v50 =	vsel vm8, v3, v50  }
0x25d: {  	v63 =	vld [tilespmem:s16+$0x50];
	vm14 =	vgt.f32 v55, v38;
	vm6 =	vgt.f32 v51, v39;
	v50 =	vsel vm10, v4, v50  }
0x25e: {  	v54 =	vld [tilespmem:s16+$0x170];
	vm10 =	vgt.f32 v61, v43;
	v38 =	vsel vm14, v55, v38;
	v50 =	vsel vm3, v5, v50  }
0x25f: {  	v62 =	vld [tilespmem:s16+$0xFFFFFEE0];
	v43 =	vsel vm10, v61, v43;
	v39 =	vsel vm6, v51, v39;
	v44 =	vsel vm10, v5, v49  }
0x260: {  	v52 =	vld [tilespmem:s16+$0xFFFFFEF0];
	vm15 =	vgt.f32 v57, v38;
	v50 =	vsel vm11, v6, v50;
	vm11 =	vnez.u8 v21  }
0x261: {  	v53 =	vld [tilespmem:s16+$0x60];
	v21 =	vimm.s32 $0x0;
	v38 =	vsel vm15, v57, v38;
	v50 =	vsel vm1, v7, v50  }
0x262: {  	v56 =	vld [tilespmem:s16+$0x180];
	v59 =	vsel vm11, v7, v42;
	vm2 =	vgt.f32 v60, v38;
	vm8 =	vgt.f32 v63, v43  }
0x263: {  	v55 =	vld [tilespmem:s16+$0x70];
	v41 =	vsel vm13, v8, v59;
	vm13 =	vgt.f32 v54, v37;
	v38 =	vsel vm2, v60, v38  }
0x264: {  	v58 =	vld [tilespmem:s16+$0x190];
	v43 =	vsel vm8, v63, v43;
	v21 =	vsel vm13, $0xFFFFFFFF, v21;
	vm5 =	vgt.f32 v62, v38  }
0x265: {  	v57 =	vld [tilespmem:s16+$0x80];
	v37 =	vsel vm13, v54, v37;
	v41 =	vsel vm4, v9, v41;
	v38 =	vsel vm5, v62, v38  }
0x266: {  	v61 =	vld [tilespmem:s16+$0x90];
	v44 =	vsel vm8, v6, v44;
	vm11 =	vgt.f32 v53, v43;
	vm3 =	vgt.f32 v52, v38  }
0x267: {  	v63 =	vld [tilespmem:s16+$0xFFFFFF80];
	v41 =	vsel vm9, v10, v41;
	v60 =	vsel vm11, v53, v43;
	v38 =	vsel vm3, v52, v38  }
0x268: {  	vm4 =	vgt.f32 v56, v37;
	v62 =	vld [tilespmem:s16+$0x1A0];
	v41 =	vsel vm12, v11, v41;
	vm13 =	vgt.f32 v55, v60;
	(xrf0) =	vmax.scan.msk.f32 $0xffff, v38  }
0x269: {  	v54 =	vld [tilespmem:s16+$0xA0];
	v37 =	vsel vm4, v56, v37;
	v41 =	vsel vm14, v12, v41;
	v42 =	vsel vm13, v55, v60  }
0x26a: {  	vm14 =	vgt.f32 v58, v37;
	v55 =	vld [tilespmem:s16+$0xFFFFFF90];
	v56 =	vsel vm15, v13, v41;
	vm9 =	vgt.f32 v57, v42  }
0x26b: {  	v59 =	vld [tilespmem:s16+$0xFFFFFFA0];
	v37 =	vsel vm14, v58, v37;
	v40 =	vsel vm2, v15, v56;
	v42 =	vsel vm9, v57, v42  }
0x26c: {  	[tilespmem:$0x1FDC0] =	vst v21;
	v21 =	vld [tilespmem:$0x1FDA0];
	vm1 =	vgt.f32 v63, v39;
	v40 =	vsel vm5, v16, v40;
	vm12 =	vgt.f32 v61, v42  }
0x26d: {  	v58 =	vld [tilespmem:s16+$0xB0];
	vm15 =	vgt.f32 v62, v37;
	v40 =	vsel vm3, v17, v40;
	v42 =	vsel vm12, v61, v42  }
0x26e: {  	v60 =	vld [tilespmem:s16+$0xC0];
	v37 =	vsel vm15, v62, v37;
	v61 =	vsel vm1, v63, v39;
	vm3 =	vgt.f32 v54, v42;
	v57, _, _ =	vpop (xrf0)  }
0x26f: {  	v63 =	vld [tilespmem:s16+$0xFFFFFFB0];
	vm7 =	vgt.f32 v55, v61;
	vm8 =	vgt.f32 v46, v37;
	v41 =	vbroadcast v57, $0xF  }
0x270: {  	v53 =	vld [tilespmem:s16+$0xFFFFFFC0];
	v42 =	vsel vm3, v54, v42;
	v54 =	vsel vm6, v8, v50;
	v37 =	vsel vm8, v46, v37  }
0x271: {  	v52 =	vld [tilespmem:s16+$0xD0];
	v49 =	vsel vm1, v9, v54;
	vm5 =	vge.f32 v38, v41;
	v38 =	vsel vm7, v55, v61  }
0x272: {  	v56 =	vld [tilespmem:s16+$0xFFFFFFD0];
	v62 =	vnsel vm5, $0x80000100, v40;
	vm5 =	vgt.f32 v58, v42;
	vm6 =	vgt.f32 v59, v38  }
0x273: {  	v55 =	vld [tilespmem:s16+$0xE0];
	v42 =	vsel vm5, v58, v42;
	v38 =	vsel vm6, v59, v38;
	v58 =	vsel vm11, v7, v44  }
0x274: {  	v57 =	vld [tilespmem:s16+$0xF0];
	(xrf0) =	vmin.scan.msk.u32 $0xffff, v62;
	vm2 =	vgt.f32 v60, v42;
	vm10 =	vgt.f32 v63, v38;
	v40 =	vsel vm13, v8, v58  }
0x275: {  	v59 =	vld [tilespmem:s16+$0xFFFFFFE0];
	v42 =	vsel vm2, v60, v42;
	v38 =	vsel vm10, v63, v38;
	v40 =	vsel vm9, v9, v40  }
0x276: {  	v60 =	vld [tilespmem:s16+$0x1C0];
	vm11 =	vgt.f32 v52, v42;
	vm13 =	vgt.f32 v53, v38;
	v40 =	vsel vm12, v10, v40  }
0x277: {  	v61 =	vld [tilespmem:s16+$0xFFFFFFF0];
	v42 =	vsel vm11, v52, v42;
	v38 =	vsel vm13, v53, v38;
	v40 =	vsel vm3, v11, v40  }
0x278: {  	v62 =	vld [tilespmem:s16+$0x1D0];
	vm1 =	vgt.f32 v55, v42;
	vm9 =	vgt.f32 v56, v38;
	v40 =	vsel vm5, v12, v40  }
0x279: {  	v42 =	vsel vm1, v55, v42;
	v51 =	vsel vm2, v13, v40;
	vm2 =	vnez.u8 v21;
	v21 =	vld [tilespmem:$0x1FDB0]  }
0x27a: {  	v63 =	vld [tilespmem:s16+$0x1E0];
	v53 =	vsel vm7, v10, v49;
	v38 =	vsel vm9, v56, v38;
	v50, _, _ =	vpop (xrf0);
	vm0 =	vgt.f32 v57, v42  }
0x27b: {  	vm3 =	vgt.f32 v59, v38;
	(v2sf) =	vpush v50, $0xF;
	vm5 =	vgt.f32 v60, v37  }
0x27c: {  	v52 =	vld [tilespmem:s16+$0x1F0];
	v42 =	vsel vm0, v57, v42;
	v38 =	vsel vm3, v59, v38;
	v37 =	vsel vm5, v60, v37  }
0x27d: {  	v39 =	vsel vm11, v15, v51;
	(xrf0) =	vmax.scan.msk.f32 $0xffff, v42;
	vm12 =	vgt.f32 v61, v38;
	vm11 =	vgt.f32 v62, v37  }
0x27e: {  	v38 =	vsel vm12, v61, v38;
	v37 =	vsel vm11, v62, v37;
	vm7 =	vnez.u8 v21;
	v21 =	vld [tilespmem:$0x1FDC0]  }
0x27f: {  	v44 =	vsel vm6, v11, v53;
	v39 =	vsel vm1, v16, v39;
	(xrf0) =	vmax.scan.msk.f32 $0xffff, v38;
	vm1 =	vgt.f32 v63, v37  }
0x280: {  	s17 =	simm.s32 $0x0;
	v44 =	vsel vm10, v12, v44;
	v43 =	vsel vm1, v63, v37  }
0x281: {  	v56 =	vmov s17;
	v44 =	vsel vm13, v13, v44;
	vm10 =	vgt.f32 v52, v43  }
0x282: {  	s18 =	simm.s32 $0x1;
	v36 =	vsel vm2, v6, v36;
	v44 =	vsel vm9, v15, v44;
	v43 =	vsel vm10, v52, v43  }
0x283: {  	v59 =	vmov s18;
	v36 =	vsel vm7, v7, v36;
	v54, _, _ =	vpop (xrf0);
	(xrf0) =	vmax.scan.msk.f32 $0xffff, v43;
	vm7 =	vnez.u8 v21  }
0x284: {  	v58 =	vsel vm3, v16, v44;
	v37 =	vbroadcast v54, $0xF;
	v36 =	vsel vm7, v8, v36  }
0x285: {  	v39 =	vsel vm0, v17, v39;
	v40 =	vsel vm12, v17, v58;
	v55, _, _ =	vpop (xrf0);
	v36 =	vsel vm4, v9, v36  }
0x286: {  	vm13 =	vge.f32 v42, v37;
	v57 =	vbroadcast v55, $0xF;
	v36 =	vsel vm14, v10, v36  }
0x287: {  	v42 =	vand.u32 $0xFFFFFFFC, v56;
	v39 =	vnsel vm13, $0x80000100, v39;
	v36 =	vsel vm15, v11, v36  }
0x288: {  	v42 =	vbroadcast v42, $0x0;
	vm14 =	vge.f32 v38, v57;
	v36 =	vsel vm8, v12, v36  }
0x289: {  	v60 =	vand.u32 $0xFFFFFFFD, v59;
	(xrf0) =	vmin.scan.msk.u32 $0xffff, v39;
	v38 =	vnsel vm14, $0x80000100, v40;
	v61, _, _ =	vpop (xrf0);
	v36 =	vsel vm5, v13, v36  }
0x28a: {  	v40 =	vbroadcast v60, $0x0;
	(xrf0) =	vmin.scan.msk.u32 $0xffff, v38;
	v39 =	vbroadcast v61, $0xF;
	v36 =	vsel vm11, v15, v36  }
0x28b: {  	v36 =	vsel vm1, v16, v36  }
0x28c: {  	s31 =	spop (v2sf);
	vm15 =	vge.f32 v43, v39;
	v36 =	vsel vm10, v17, v36  }
0x28d: {  	s18 =	sxor.u32 $0x80000000, s31;
	v36 =	vnsel vm15, $0x80000100, v36  }
0x28e: {  	v62 =	vmov s18;
	[tilespmem:v42+s11+$0x0] =	vst.idx.msk $0x1, v41  }
0x28f: {  	[tilespmem:v42+s12+$0x0] =	vst.idx.msk $0x1, v62;
	v63, _, _ =	vpop (xrf0)  }
0x290: {  	s19 =	simm.s32 $0x4;
	(xrf0) =	vmin.scan.msk.u32 $0xffff, v36;
	[tilespmem:v40+s11+$0x0] =	vst.idx.msk $0x1, v57;
	(v2sf) =	vpush v63, $0xF;
	v36, _, _ =	vpop (xrf0)  }
.LBB2_23:
0x291: {  	_ =	sdelay $0x1  }
0x292: {  	(v2sf) =	vpush v36, $0xF;
	_ =	sdelay $0x2  }
0x293: {  	v38, _, _ =	vpop (xrf0)  }
0x294: {  	(v2sf) =	vpush v38, $0xF;
	_ =	sdelay $0x5  }
0x295: {  	s25 =	sadd.s32 $0x2, s17  }
0x296: {  	v58 =	vmov s25  }
0x297: {  	v38 =	vand.u32 $0xFFFFFFFE, v58  }
0x298: {  	v38 =	vbroadcast v38, $0x0  }
0x299: {  	s26 =	spop (v2sf)  }
0x29a: {  	s20 =	sadd.s32 $0x1, s19;
	s28 =	sadd.s32 $0x3, s17;
	s29 =	spop (v2sf)  }
0x29b: {  	v57 =	vmov s20;
	v41 =	vmov s28;
	s20 =	sxor.u32 $0x80000000, s29  }
0x29c: {  	s21 =	smov.u32 s19;
	v42 =	vmov s20  }
0x29d: {  	s18 =	sadd.s32 $0x4, s19;
	p0 =	sne.s32 s19, $0xFC;
	s19 =	sxor.u32 $0x80000000, s26;
	[tilespmem:v40+s12+$0x0] =	vst.idx.msk $0x1, v42  }
0x29e: {  	v59 =	vmov s19;
	[tilespmem:v38+s11+$0x0] =	vst.idx.msk $0x1, v37;
	s30 =	spop (v2sf)  }
0x29f: {  	[tilespmem:v38+s12+$0x0] =	vst.idx.msk $0x1, v59;
	s19 =	sxor.u32 $0x80000000, s30  }
0x2a0: {  	[tilespmem:v41+s11+$0x0] =	vst.idx.msk $0x1, v39;
	v60 =	vmov s19  }
0x2a1: {  	s16 =	sadd.s32 $0x400, s16;
	[tilespmem:v41+s12+$0x0] =	vst.idx.msk $0x1, v60  }
0x2a2: {  	v39 =	vld [tilespmem:s16+$0x150]  }
0x2a3: {  	v43 =	vld [tilespmem:s16+$0x110]  }
0x2a4: {  	v44 =	vld [tilespmem:s16+$0x100]  }
0x2a5: {  	v47 =	vld [tilespmem:s16+$0x0]  }
0x2a6: {  	v48 =	vld [tilespmem:s16+$0xFFFFFE00]  }
0x2a7: {  	v49 =	vld [tilespmem:s16+$0xFFFFFF00]  }
0x2a8: {  	v46 =	vld [tilespmem:s16+$0x10]  }
0x2a9: {  	v50 =	vld [tilespmem:s16+$0xFFFFFE10]  }
0x2aa: {  	v21 =	vimm.s32 $0x0;
	v36 =	vand.u32 $0xFFFFFFFD, v57;
	v51 =	vld [tilespmem:s16+$0xFFFFFF10]  }
0x2ab: {  	v42 =	vld [tilespmem:s16+$0x120];
	vm0 =	vgt.f32 v44, $-3.402823470e+38;
	vm6 =	vgt.f32 v47, $-3.402823470e+38;
	vm7 =	vgt.f32 v48, $-3.402823470e+38  }
0x2ac: {  	v45 =	vld [tilespmem:s16+$0x20];
	vm3 =	vgt.f32 v49, $-3.402823470e+38;
	v44 =	vnsel vm0, $0xFF7FFFFF, v44;
	v61 =	vnsel vm0, $0x80000000, v1  }
0x2ad: {  	v52 =	vld [tilespmem:s16+$0xFFFFFE20];
	v47 =	vnsel vm6, $0xFF7FFFFF, v47;
	v48 =	vnsel vm7, $0xFF7FFFFF, v48;
	v55 =	vnsel vm7, $0x80000000, v1  }
0x2ae: {  	v53 =	vld [tilespmem:s16+$0xFFFFFF20];
	v56 =	vnsel vm6, $0x80000000, v1;
	v49 =	vnsel vm3, $0xFF7FFFFF, v49;
	vm1 =	vgt.f32 v43, v44  }
0x2af: {  	v54 =	vld [tilespmem:s16+$0xFFFFFE30];
	vm8 =	vgt.f32 v50, v48;
	vm9 =	vgt.f32 v46, v47;
	vm0 =	vgt.f32 v51, v49  }
0x2b0: {  	v41 =	vld [tilespmem:s16+$0x130];
	v43 =	vsel vm1, v43, v44;
	v44 =	vsel vm1, v2, v61;
	v62 =	vsel vm8, v50, v48  }
0x2b1: {  	v57 =	vld [tilespmem:s16+$0xFFFFFF30];
	v55 =	vsel vm8, v2, v55;
	v56 =	vsel vm9, v2, v56;
	v46 =	vsel vm9, v46, v47  }
0x2b2: {  	v63 =	vld [tilespmem:s16+$0xFFFFFE40];
	v49 =	vsel vm0, v51, v49;
	vm2 =	vgt.f32 v42, v43;
	vm10 =	vgt.f32 v52, v62  }
0x2b3: {  	v37 =	vld [tilespmem:s16+$0x140];
	vm1 =	vgt.f32 v53, v49;
	v42 =	vsel vm2, v42, v43;
	v43 =	vsel vm10, v52, v62  }
0x2b4: {  	v50 =	vld [tilespmem:s16+$0xFFFFFF40];
	vm11 =	vgt.f32 v45, v46;
	v44 =	vsel vm2, v3, v44;
	vm6 =	vgt.f32 v54, v43  }
0x2b5: {  	v52 =	vld [tilespmem:s16+$0xFFFFFE50];
	v62 =	vsel vm1, v53, v49;
	vm4 =	vgt.f32 v41, v42;
	v43 =	vsel vm6, v54, v43  }
0x2b6: {  	v40 =	vld [tilespmem:s16+$0x30];
	v44 =	vsel vm4, v4, v44;
	v41 =	vsel vm4, v41, v42;
	vm4 =	vgt.f32 v57, v62  }
0x2b7: {  	v58 =	vld [tilespmem:s16+$0xFFFFFF50];
	v45 =	vsel vm11, v45, v46;
	vm5 =	vgt.f32 v63, v43;
	v48 =	vsel vm4, v57, v62  }
0x2b8: {  	v47 =	vld [tilespmem:s16+$0xFFFFFE60];
	vm7 =	vgt.f32 v37, v41;
	v62 =	vnsel vm3, $0x80000000, v1;
	v60 =	vsel vm5, v63, v43  }
0x2b9: {  	v59 =	vld [tilespmem:s16+$0xFFFFFE80];
	v63 =	vsel vm10, v3, v55;
	v41 =	vsel vm7, v37, v41;
	v37 =	vsel vm7, v5, v44  }
0x2ba: {  	v61 =	vld [tilespmem:s16+$0xFFFFFE70];
	vm2 =	vgt.f32 v52, v60;
	v49 =	vsel vm6, v4, v63;
	vm6 =	vgt.f32 v50, v48  }
0x2bb: {  	v51 =	vld [tilespmem:s16+$0xFFFFFF60];
	vm9 =	vgt.f32 v39, v41;
	v42 =	vsel vm2, v52, v60;
	v48 =	vsel vm6, v50, v48  }
0x2bc: {  	v53 =	vld [tilespmem:s16+$0xFFFFFF70];
	v21 =	vsel vm9, $0xFFFFFFFF, v21;
	v41 =	vsel vm9, v39, v41;
	v49 =	vsel vm5, v5, v49  }
0x2bd: {  	v44 =	vld [tilespmem:s16+$0x160];
	v39 =	vsel vm11, v3, v56;
	vm5 =	vgt.f32 v40, v45;
	vm8 =	vgt.f32 v47, v42  }
0x2be: {  	v60 =	vld [tilespmem:s16+$0xFFFFFE90];
	vm12 =	vgt.f32 v58, v48;
	[tilespmem:$0x1FD20] =	vst v21;
	v21 =	vimm.s32 $0x0;
	v42 =	vsel vm8, v47, v42  }
0x2bf: {  	v50 =	vld [tilespmem:s16+$0x40];
	v40 =	vsel vm5, v40, v45;
	v56 =	vsel vm2, v6, v49;
	vm7 =	vgt.f32 v61, v42  }
0x2c0: {  	v48 =	vsel vm12, v58, v48;
	v21 =	vsel vm5, $0xFFFFFFFF, v21;
	v42 =	vsel vm7, v61, v42;
	v61 =	vld [tilespmem:s16+$0xFFFFFEA0]  }
0x2c1: {  	vm3 =	vgt.f32 v51, v48;
	[tilespmem:$0x1FCE0] =	vst v21;
	v21 =	vimm.s32 $0x0;
	vm9 =	vgt.f32 v59, v42  }
0x2c2: {  	v63 =	vld [tilespmem:s16+$0xFFFFFEB0];
	vm10 =	vgt.f32 v44, v41;
	v48 =	vsel vm3, v51, v48;
	v42 =	vsel vm9, v59, v42  }
0x2c3: {  	v57 =	vld [tilespmem:s16+$0xFFFFFEC0];
	v41 =	vsel vm10, v44, v41;
	vm11 =	vgt.f32 v53, v48;
	vm15 =	vgt.f32 v60, v42  }
0x2c4: {  	v51 =	vld [tilespmem:s16+$0x50];
	vm13 =	vgt.f32 v50, v40;
	v21 =	vsel vm11, $0xFFFFFFFF, v21;
	v42 =	vsel vm15, v60, v42  }
0x2c5: {  	v46 =	vld [tilespmem:s16+$0x170];
	v59 =	vsel vm0, v2, v62;
	[tilespmem:$0x1FD00] =	vst v21;
	v21 =	vimm.s32 $0x0;
	vm14 =	vgt.f32 v61, v42  }
0x2c6: {  	v58 =	vld [tilespmem:s16+$0xFFFFFED0];
	v40 =	vsel vm13, v50, v40;
	v21 =	vsel vm10, $0xFFFFFFFF, v21;
	v42 =	vsel vm14, v61, v42  }
0x2c7: {  	v38 =	vld [tilespmem:s16+$0x180];
	v45 =	vsel vm1, v3, v59;
	[tilespmem:$0x1FD30] =	vst v21;
	v21 =	vimm.s32 $0x0;
	vm5 =	vgt.f32 v63, v42  }
0x2c8: {  	v45 =	vsel vm4, v4, v45;
	v21 =	vsel vm13, $0xFFFFFFFF, v21;
	v61 =	vld [tilespmem:s16+$0xFFFFFEE0];
	v42 =	vsel vm5, v63, v42  }
0x2c9: {  	vm4 =	vgt.f32 v51, v40;
	[tilespmem:$0x1FCF0] =	vst v21;
	v21 =	vimm.s32 $0x0;
	vm0 =	vgt.f32 v57, v42  }
0x2ca: {  	v45 =	vsel vm6, v5, v45;
	v21 =	vsel vm4, $0xFFFFFFFF, v21;
	v42 =	vsel vm0, v57, v42;
	v57 =	vld [tilespmem:s16+$0x190]  }
0x2cb: {  	vm6 =	vgt.f32 v46, v41;
	[tilespmem:$0x1FD10] =	vst v21;
	v21 =	vimm.s32 $0x0;
	vm10 =	vgt.f32 v58, v42  }
0x2cc: {  	v59 =	vld [tilespmem:s16+$0x1A0];
	v41 =	vsel vm6, v46, v41;
	v21 =	vsel vm6, $0xFFFFFFFF, v21;
	v42 =	vsel vm10, v58, v42  }
0x2cd: {  	vm1 =	vgt.f32 v38, v41;
	[tilespmem:$0x1FD40] =	vst v21;
	v21 =	vimm.s32 $0x0;
	vm2 =	vgt.f32 v61, v42  }
0x2ce: {  	v38 =	vsel vm1, v38, v41;
	v21 =	vsel vm1, $0xFFFFFFFF, v21;
	v42 =	vsel vm2, v61, v42;
	v61 =	vld [tilespmem:s16+$0x1B0]  }
0x2cf: {  	[tilespmem:$0x1FD50] =	vst v21;
	v21 =	vimm.s32 $0x0;
	vm1 =	vgt.f32 v57, v38  }
0x2d0: {  	v21 =	vsel vm1, $0xFFFFFFFF, v21;
	v38 =	vsel vm1, v57, v38  }
0x2d1: {  	[tilespmem:$0x1FD60] =	vst v21;
	vm1 =	vgt.f32 v59, v38;
	v21 =	vimm.s32 $0x0  }
0x2d2: {  	v21 =	vsel vm1, $0xFFFFFFFF, v21;
	v38 =	vsel vm1, v59, v38  }
0x2d3: {  	[tilespmem:$0x1FD70] =	vst v21;
	vm1 =	vgt.f32 v61, v38;
	v21 =	vimm.s32 $0x0  }
0x2d4: {  	v21 =	vsel vm1, $0xFFFFFFFF, v21  }
0x2d5: {  	[tilespmem:$0x1FD80] =	vst v21;
	v21 =	vld [tilespmem:$0x1FCE0];
	_ =	sdelay $0x4  }
0x2d6: {  	v44 =	vsel vm8, v7, v56;
	vm8 =	vnez.u8 v21;
	v21 =	vld [tilespmem:$0x1FCF0];
	_ =	sdelay $0x3  }
0x2d7: {  	v54 =	vld [tilespmem:s16+$0xFFFFFF80]  }
0x2d8: {  	v39 =	vsel vm8, v4, v39;
	vm8 =	vnez.u8 v21;
	v21 =	vld [tilespmem:$0x1FD00]  }
0x2d9: {  	v60 =	vld [tilespmem:s16+$0x60]  }
0x2da: {  	v62 =	vld [tilespmem:s16+$0x70]  }
0x2db: {  	v55 =	vsel vm7, v8, v44;
	v63 =	vld [tilespmem:s16+$0xFFFFFEF0]  }
0x2dc: {  	v43 =	vsel vm9, v9, v55;
	v58 =	vld [tilespmem:s16+$0x80]  }
0x2dd: {  	v40 =	vsel vm4, v51, v40;
	v39 =	vsel vm8, v5, v39;
	vm8 =	vnez.u8 v21;
	v21 =	vld [tilespmem:$0x1FD10]  }
0x2de: {  	v43 =	vsel vm15, v10, v43;
	v45 =	vsel vm12, v6, v45;
	vm12 =	vgt.f32 v60, v40  }
0x2df: {  	v48 =	vsel vm11, v53, v48;
	v43 =	vsel vm14, v11, v43;
	v40 =	vsel vm12, v60, v40;
	v60 =	vld [tilespmem:s16+$0x90]  }
0x2e0: {  	v45 =	vsel vm3, v7, v45;
	vm13 =	vgt.f32 v62, v40;
	vm4 =	vgt.f32 v63, v42  }
0x2e1: {  	vm3 =	vgt.f32 v54, v48;
	v40 =	vsel vm13, v62, v40;
	v62 =	vld [tilespmem:s16+$0xA0];
	v42 =	vsel vm4, v63, v42  }
0x2e2: {  	v63 =	vld [tilespmem:s16+$0xFFFFFF90];
	vm6 =	vgt.f32 v58, v40;
	(xrf0) =	vmax.scan.msk.f32 $0xffff, v42;
	v45 =	vsel vm8, v8, v45;
	vm8 =	vnez.u8 v21  }
0x2e3: {  	v48 =	vsel vm3, v54, v48;
	v40 =	vsel vm6, v58, v40;
	v21 =	vld [tilespmem:$0x1FD20];
	v39 =	vsel vm8, v6, v39  }
0x2e4: {  	v43 =	vsel vm5, v12, v43;
	v57 =	vld [tilespmem:s16+$0xB0];
	vm11 =	vgt.f32 v60, v40;
	v39 =	vsel vm12, v7, v39  }
0x2e5: {  	v43 =	vsel vm0, v13, v43;
	v58 =	vld [tilespmem:s16+$0xFFFFFFA0];
	v40 =	vsel vm11, v60, v40;
	v39 =	vsel vm13, v8, v39  }
0x2e6: {  	v43 =	vsel vm10, v15, v43;
	v59 =	vld [tilespmem:s16+$0xC0];
	vm9 =	vgt.f32 v62, v40;
	v39 =	vsel vm6, v9, v39  }
0x2e7: {  	v41 =	vsel vm1, v61, v38;
	v40 =	vsel vm9, v62, v40;
	v62 =	vld [tilespmem:s16+$0xD0];
	v39 =	vsel vm11, v10, v39  }
0x2e8: {  	vm14 =	vgt.f32 v63, v48;
	v60, _, _ =	vpop (xrf0);
	v39 =	vsel vm9, v11, v39;
	vm9 =	vnez.u8 v21;
	v21 =	vld [tilespmem:$0x1FD30]  }
0x2e9: {  	v47 =	vsel vm14, v63, v48;
	vm5 =	vgt.f32 v57, v40;
	v38 =	vbroadcast v60, $0xF  }
0x2ea: {  	v54 =	vsel vm2, v16, v43;
	vm7 =	vgt.f32 v58, v47;
	v40 =	vsel vm5, v57, v40;
	v57 =	vld [tilespmem:s16+$0xE0]  }
0x2eb: {  	v56 =	vld [tilespmem:s16+$0x1C0];
	vm1 =	vgt.f32 v59, v40;
	vm0 =	vge.f32 v42, v38;
	v42 =	vsel vm4, v17, v54  }
0x2ec: {  	v55 =	vsel vm7, v58, v47;
	v58 =	vld [tilespmem:s16+$0xF0];
	v40 =	vsel vm1, v59, v40;
	v42 =	vnsel vm0, $0x80000100, v42  }
0x2ed: {  	vm0 =	vgt.f32 v62, v40;
	v37 =	vsel vm9, v6, v37;
	vm9 =	vnez.u8 v21;
	v21 =	vld [tilespmem:$0x1FD40]  }
0x2ee: {  	v40 =	vsel vm0, v62, v40;
	v39 =	vsel vm5, v12, v39  }
0x2ef: {  	v61 =	vld [tilespmem:s16+$0xFFFFFFB0];
	v45 =	vsel vm3, v9, v45;
	vm3 =	vgt.f32 v57, v40;
	v39 =	vsel vm1, v13, v39  }
0x2f0: {  	v50 =	vld [tilespmem:s16+$0x1D0];
	v40 =	vsel vm3, v57, v40;
	v39 =	vsel vm0, v15, v39  }
0x2f1: {  	vm15 =	vgt.f32 v56, v41;
	v63 =	vld [tilespmem:s16+$0xFFFFFFC0];
	vm13 =	vgt.f32 v58, v40;
	v39 =	vsel vm3, v16, v39  }
0x2f2: {  	v40 =	vsel vm13, v58, v40;
	v39 =	vsel vm13, v17, v39;
	vm13 =	vnez.u8 v21;
	v21 =	vld [tilespmem:$0x1FD50]  }
0x2f3: {  	v41 =	vsel vm15, v56, v41;
	v56 =	vld [tilespmem:s16+$0xFFFFFFD0]  }
0x2f4: {  	vm4 =	vgt.f32 v61, v55;
	(xrf0) =	vmin.scan.msk.u32 $0xffff, v42  }
0x2f5: {  	vm10 =	vgt.f32 v50, v41;
	v59 =	vld [tilespmem:s16+$0xFFFFFFE0];
	v43 =	vsel vm4, v61, v55  }
0x2f6: {  	v41 =	vsel vm10, v50, v41;
	v61 =	vld [tilespmem:s16+$0xFFFFFFF0];
	vm2 =	vgt.f32 v63, v43  }
0x2f7: {  	v43 =	vsel vm2, v63, v43;
	v50 =	vsel vm14, v10, v45;
	vm14 =	vnez.u8 v21;
	v21 =	vld [tilespmem:$0x1FD60]  }
0x2f8: {  	vm8 =	vgt.f32 v56, v43  }
0x2f9: {  	v60 =	vld [tilespmem:s16+$0x1E0];
	v43 =	vsel vm8, v56, v43  }
0x2fa: {  	v63, _, _ =	vpop (xrf0);
	vm6 =	vgt.f32 v59, v43  }
0x2fb: {  	v62 =	vld [tilespmem:s16+$0x1F0];
	(v2sf) =	vpush v63, $0xF;
	v42 =	vsel vm6, v59, v43;
	(xrf0) =	vmax.scan.msk.f32 $0xffff, v40;
	v43 =	vsel vm7, v11, v50  }
0x2fc: {  	vm12 =	vgt.f32 v61, v42;
	v43 =	vsel vm4, v12, v43;
	vm4 =	vnez.u8 v21;
	v21 =	vld [tilespmem:$0x1FD70]  }
0x2fd: {  	v42 =	vsel vm12, v61, v42  }
0x2fe: {  	vm11 =	vgt.f32 v60, v41;
	(xrf0) =	vmax.scan.msk.f32 $0xffff, v42  }
0x2ff: {  	v41 =	vsel vm11, v60, v41  }
0x300: {  	vm5 =	vgt.f32 v62, v41;
	v43 =	vsel vm2, v13, v43  }
0x301: {  	v41 =	vsel vm5, v62, v41;
	v53, _, _ =	vpop (xrf0);
	v22 =	vsel vm9, v7, v37;
	vm9 =	vnez.u8 v21;
	v21 =	vld [tilespmem:$0x1FD80]  }
0x302: {  	s17 =	smov.u32 s21;
	v43 =	vsel vm8, v15, v43;
	(xrf0) =	vmax.scan.msk.f32 $0xffff, v41;
	v37 =	vbroadcast v53, $0xF  }
0x303: {  	v52 =	vmov s17;
	v58 =	vsel vm6, v16, v43;
	v51 =	vsel vm13, v8, v22  }
0x304: {  	v59 =	vsel vm12, v17, v58;
	v54, _, _ =	vpop (xrf0);
	vm7 =	vge.f32 v40, v37;
	v44 =	vsel vm14, v9, v51  }
0x305: {  	v46 =	vbroadcast v54, $0xF;
	v39 =	vnsel vm7, $0x80000100, v39;
	v44 =	vsel vm4, v10, v44  }
0x306: {  	v22 =	vand.u32 $0xFFFFFFFC, v52;
	v55 =	vsel vm9, v11, v44;
	vm14 =	vnez.u8 v21  }
0x307: {  	vm13 =	vge.f32 v42, v46;
	v56 =	vbroadcast v22, $0x0;
	v40 =	vsel vm14, v12, v55  }
0x308: {  	v57, _, _ =	vpop (xrf0);
	(xrf0) =	vmin.scan.msk.u32 $0xffff, v39;
	v61 =	vnsel vm13, $0x80000100, v59;
	v60 =	vsel vm15, v13, v40  }
0x309: {  	v39 =	vbroadcast v57, $0xF;
	(xrf0) =	vmin.scan.msk.u32 $0xffff, v61;
	v40 =	vbroadcast v36, $0x0;
	v42 =	vsel vm10, v15, v60  }
0x30a: {  	v42 =	vsel vm11, v16, v42  }
.Ltmp12:
0x30b: {  	s31 =	spop (v2sf);
	vm15 =	vge.f32 v41, v39;
	v62 =	vsel vm5, v17, v42;
	(pc) =	sbr.rel @p0 .LBB2_23-.Ltmp12, $4  }
0x30c: {  	s19 =	sxor.u32 $0x80000000, s31;
	v36 =	vnsel vm15, $0x80000100, v62  }
0x30d: {  	[tilespmem:v56+s11+$0x0] =	vst.idx.msk $0x1, v38;
	v21 =	vmov s19  }
0x30e: {  	v63, _, _ =	vpop (xrf0);
	[tilespmem:v56+s12+$0x0] =	vst.idx.msk $0x1, v21  }
0x30f: {  	(v2sf) =	vpush v63, $0xF;
	s19 =	smov.u32 s18;
	(xrf0) =	vmin.scan.msk.u32 $0xffff, v36;
	[tilespmem:v40+s11+$0x0] =	vst.idx.msk $0x1, v46;
	v36, _, _ =	vpop (xrf0)  }
0x310: {  	_ =	sdelay $0x1  }
0x311: {  	(v2sf) =	vpush v36, $0xF;
	_ =	sdelay $0x2  }
0x312: {  	v52, _, _ =	vpop (xrf0)  }
0x313: {  	(v2sf) =	vpush v52, $0xF;
	_ =	sdelay $0x5  }
0x314: {  	s16 =	sadd.s32 $0x2, s17  }
0x315: {  	v53 =	vmov s16  }
0x316: {  	v36 =	vand.u32 $0xFFFFFFFE, v53  }
0x317: {  	v36 =	vbroadcast v36, $0x0  }
0x318: {  	s28 =	spop (v2sf)  }
0x319: {  	s29 =	sadd.s32 $0x3, s17;
	s18 =	spop (v2sf)  }
0x31a: {  	v38 =	vmov s29;
	s30 =	sxor.u32 $0x80000000, s18  }
0x31b: {  	v41 =	vmov s30  }
0x31c: {  	s16 =	sxor.u32 $0x80000000, s28;
	[tilespmem:v40+s12+$0x0] =	vst.idx.msk $0x1, v41  }
0x31d: {  	v54 =	vmov s16;
	[tilespmem:v36+s11+$0x0] =	vst.idx.msk $0x1, v37;
	s31 =	spop (v2sf)  }
0x31e: {  	[tilespmem:v36+s12+$0x0] =	vst.idx.msk $0x1, v54;
	s16 =	sxor.u32 $0x80000000, s31  }
0x31f: {  	[tilespmem:v38+s11+$0x0] =	vst.idx.msk $0x1, v39;
	v55 =	vmov s16  }
0x320: {  	[tilespmem:v38+s12+$0x0] =	vst.idx.msk $0x1, v55  }
0x321: {  	_ =	strace $0x9000004D  }
0x322: {  	v36 =	vld [tilespmem:$0x10000]  }
0x323: {  	v37 =	vld [tilespmem:$0x10010]  }
0x324: {  	v38 =	vld [tilespmem:$0x10020]  }
0x325: {  	v39 =	vld [tilespmem:$0x10030]  }
0x326: {  	v40 =	vld [tilespmem:$0x10040]  }
0x327: {  	v41 =	vld [tilespmem:$0x10050];
	(xrf0) =	vmax.scan.msk.f32 $0xffff, v36  }
0x328: {  	v42 =	vld [tilespmem:$0x10060];
	(xrf0) =	vmax.scan.msk.f32 $0xffff, v37  }
0x329: {  	v43 =	vld [tilespmem:$0x10070];
	(xrf0) =	vmax.scan.msk.f32 $0xffff, v38  }
0x32a: {  	v44 =	vld [tilespmem:$0x10080];
	(xrf0) =	vmax.scan.msk.f32 $0xffff, v39  }
0x32b: {  	v45 =	vld [tilespmem:$0x10090];
	(xrf0) =	vmax.scan.msk.f32 $0xffff, v40  }
0x32c: {  	v46 =	vld [tilespmem:$0x100A0];
	(xrf0) =	vmax.scan.msk.f32 $0xffff, v41  }
0x32d: {  	v48 =	vld [tilespmem:$0x100B0];
	v47, _, _ =	vpop (xrf0);
	(xrf0) =	vmax.scan.msk.f32 $0xffff, v42  }
0x32e: {  	v50 =	vld [tilespmem:$0x100C0];
	v49, _, _ =	vpop (xrf0);
	(xrf0) =	vmax.scan.msk.f32 $0xffff, v43  }
0x32f: {  	v52 =	vld [tilespmem:$0x100D0];
	v51, _, _ =	vpop (xrf0);
	(xrf0) =	vmax.scan.msk.f32 $0xffff, v44  }
0x330: {  	v54 =	vld [tilespmem:$0x100E0];
	v53, _, _ =	vpop (xrf0);
	(xrf0) =	vmax.scan.msk.f32 $0xffff, v45  }
0x331: {  	v56 =	vld [tilespmem:$0x100F0];
	v55, _, _ =	vpop (xrf0);
	(xrf0) =	vmax.scan.msk.f32 $0xffff, v46  }
0x332: {  	v57, _, _ =	vpop (xrf0);
	(xrf0) =	vmax.scan.msk.f32 $0xffff, v48  }
0x333: {  	v58, _, _ =	vpop (xrf0);
	(xrf0) =	vmax.scan.msk.f32 $0xffff, v50  }
0x334: {  	v59, _, _ =	vpop (xrf0);
	(xrf0) =	vmax.scan.msk.f32 $0xffff, v52  }
0x335: {  	v60, _, _ =	vpop (xrf0);
	(xrf0) =	vmax.scan.msk.f32 $0xffff, v54  }
0x336: {  	v61, _, _ =	vpop (xrf0);
	(xrf0) =	vmax.scan.msk.f32 $0xffff, v56  }
0x337: {  	v62, _, _ =	vpop (xrf0)  }
0x338: {  	v63, _, _ =	vpop (xrf0)  }
0x339: {  	v47 =	vbroadcast v47, $0xF;
	v21, _, _ =	vpop (xrf0)  }
0x33a: {  	v49 =	vbroadcast v49, $0xF;
	v22, _, _ =	vpop (xrf0)  }
0x33b: {  	vm0 =	vge.f32 v36, v47;
	v36 =	vbroadcast v51, $0xF;
	v23, _, _ =	vpop (xrf0)  }
0x33c: {  	vm14 =	vge.f32 v37, v49;
	v37, _, _ =	vpop (xrf0)  }
0x33d: {  	vm15 =	vge.f32 v38, v36;
	v38 =	vbroadcast v37, $0xF;
	_ =	sdelay $0x1  }
0x33e: {  	v51 =	vmctz.xlane vm0;
	v53 =	vbroadcast v53, $0xF;
	vm0 =	vge.f32 v56, v38;
	v56 =	vld [tilespmem:$0x1FE20];
	_ =	sdelay $0x1  }
0x33f: {  	vm4 =	vge.f32 v39, v53;
	v39 =	vbroadcast v55, $0xF;
	v55 =	vld [tilespmem:$0x1FE30]  }
0x340: {  	v24 =	vmctz.xlane vm14  }
0x341: {  	v25 =	vmctz.xlane vm15  }
0x342: {  	v24 =	vadd.s32 $0x10, v24;
	vm1 =	vnez.u8 v56  }
0x343: {  	v25 =	vadd.s32 $0x20, v25;
	vm5 =	vge.f32 v40, v39;
	v38 =	vsel vm1, v47, v49;
	v47 =	vld [tilespmem:$0x1FE40]  }
0x344: {  	vm2 =	vnez.u8 v55;
	v56 =	vmctz.xlane vm4;
	v24 =	vsel vm1, v51, v24  }
0x345: {  	v49 =	vmctz.xlane vm5;
	v24 =	vsel vm2, v24, v25;
	v25 =	vbroadcast v57, $0xF  }
0x346: {  	v36 =	vsel vm2, v38, v36;
	v57 =	vld [tilespmem:$0x1FE60]  }
0x347: {  	v38 =	vadd.s32 $0x30, v56;
	v55 =	vadd.s32 $0x40, v49;
	v49 =	vld [tilespmem:$0x1FE70];
	vm7 =	vge.f32 v41, v25  }
0x348: {  	v56 =	vmctz.xlane vm7;
	vm6 =	vnez.u8 v47;
	v47 =	vbroadcast v60, $0xF;
	v60 =	vld [tilespmem:$0x1FE90]  }
0x349: {  	v36 =	vsel vm6, v36, v53;
	v53 =	vld [tilespmem:$0x1FE50]  }
0x34a: {  	v51 =	vbroadcast v58, $0xF;
	v58 =	vadd.s32 $0x50, v56;
	v56 =	vld [tilespmem:$0x1FE80]  }
0x34b: {  	vm13 =	vge.f32 v44, v47;
	v44 =	vld [tilespmem:$0x1FEA0]  }
0x34c: {  	vm12 =	vnez.u8 v49;
	v49 =	vld [tilespmem:$0x1FEB0]  }
0x34d: {  	v21 =	vbroadcast v21, $0xF;
	vm9 =	vge.f32 v42, v51  }
0x34e: {  	v24 =	vsel vm6, v24, v38;
	vm10 =	vnez.u8 v57;
	vm8 =	vnez.u8 v53  }
0x34f: {  	vm4 =	vnez.u8 v60;
	vm14 =	vnez.u8 v56;
	v36 =	vsel vm8, v36, v39  }
0x350: {  	v24 =	vsel vm8, v24, v55;
	v39 =	vbroadcast v59, $0xF;
	v59 =	vmctz.xlane vm9  }
0x351: {  	v55 =	vbroadcast v61, $0xF;
	vm5 =	vnez.u8 v44;
	vm3 =	vnez.u8 v49  }
0x352: {  	v25 =	vsel vm10, v36, v25;
	v24 =	vsel vm10, v24, v58;
	vm11 =	vge.f32 v43, v39  }
0x353: {  	v25 =	vsel vm12, v25, v51;
	v51 =	vadd.s32 $0x60, v59;
	v53 =	vmctz.xlane vm11  }
0x354: {  	vm15 =	vge.f32 v45, v55;
	v59 =	vbroadcast v62, $0xF;
	v25 =	vsel vm14, v25, v39  }
0x355: {  	v24 =	vsel vm12, v24, v51;
	v25 =	vsel vm4, v25, v47;
	v57 =	vadd.s32 $0x70, v53  }
0x356: {  	v62 =	vmctz.xlane vm15;
	v25 =	vsel vm5, v25, v55;
	v24 =	vsel vm14, v24, v57;
	v57 =	vld [tilespmem:$0x1FEC0]  }
0x357: {  	v22 =	vbroadcast v22, $0xF;
	vm6 =	vge.f32 v46, v59;
	v25 =	vsel vm3, v25, v59;
	v59 =	vld [tilespmem:$0x1FED0]  }
0x358: {  	v23 =	vbroadcast v23, $0xF;
	v58 =	vmctz.xlane vm13;
	v45 =	vadd.s32 $0x90, v62;
	v62 =	vld [tilespmem:$0x1FEE0]  }
0x359: {  	vm8 =	vge.f32 v50, v21;
	vm9 =	vge.f32 v52, v22;
	v47 =	vbroadcast v63, $0xF  }
0x35a: {  	vm10 =	vge.f32 v54, v23;
	v61 =	vadd.s32 $0x80, v58;
	v46 =	vmctz.xlane vm6  }
0x35b: {  	v55 =	vmctz.xlane vm8;
	vm7 =	vge.f32 v48, v47;
	vm11 =	vnez.u8 v57  }
0x35c: {  	v24 =	vsel vm4, v24, v61;
	vm12 =	vnez.u8 v59;
	v25 =	vsel vm11, v25, v47  }
0x35d: {  	v53 =	vmctz.xlane vm7;
	vm13 =	vnez.u8 v62;
	v21 =	vsel vm12, v25, v21;
	v25 =	vld [tilespmem:$0x1FEF0]  }
0x35e: {  	v51 =	vadd.s32 $0xA0, v46;
	v24 =	vsel vm5, v24, v45;
	v21 =	vsel vm13, v21, v22;
	v22 =	vld [tilespmem:$0x1FF00]  }
0x35f: {  	v56 =	vmctz.xlane vm9;
	v24 =	vsel vm3, v24, v51;
	v38 =	vadd.s32 $0xB0, v53  }
0x360: {  	v58 =	vmctz.xlane vm10;
	v36 =	vadd.s32 $0xC0, v55;
	v24 =	vsel vm11, v24, v38  }
0x361: {  	v60 =	vadd.s32 $0xD0, v56;
	v61 =	vmctz.xlane vm0;
	v24 =	vsel vm12, v24, v36  }
.Ltmp13:
0x362: {  	v63 =	vadd.s32 $0xE0, v58;
	v24 =	vsel vm13, v24, v60;
	vm14 =	vnez.u8 v25;
	(pc) =	sbr.rel .LBB2_25-.Ltmp13, $4  }
0x363: {  	v25 =	vadd.s32 $0xF0, v61;
	v24 =	vsel vm14, v24, v63;
	vm15 =	vnez.u8 v22  }
0x364: {  	v22 =	vsel vm15, v24, v25  }
0x365: {  	v21 =	vsel vm14, v21, v23;
	[tilespmem:$0x10300] =	vst v22  }
0x366: {  	s16 =	simm.s32 $0x0;
	v36 =	vsel vm15, v21, v37;
	_ =	strace $0x8000004E  }
.LBB2_27:
0x367: {  	s19 =	sshll.u32 s18, $0xA  }
0x368: {  	v22 =	vld [tilespmem:$0x10200];
	s19 =	sshra.s32 s19, $0x2  }
0x369: {  	v21 =	vld [tilespmem:s19+$0x0]  }
0x36a: {  	v24 =	vld [tilespmem:$0x10210]  }
0x36b: {  	v23 =	vld [tilespmem:s19+$0x10]  }
0x36c: {  	v38 =	vld [tilespmem:$0x10220]  }
0x36d: {  	v25 =	vld [tilespmem:s19+$0x20]  }
0x36e: {  	v39 =	vld [tilespmem:$0x10230];
	v21 =	vadd.f32 v22, v21  }
0x36f: {  	v22 =	vld [tilespmem:s19+$0x30]  }
0x370: {  	v40 =	vld [tilespmem:$0x10240];
	v23 =	vadd.f32 v24, v23;
	vm0 =	vgt.f32 v21, $-3.402823470e+38  }
0x371: {  	v24 =	vld [tilespmem:s19+$0x40];
	v21 =	vnsel vm0, $0xFF7FFFFF, v21  }
0x372: {  	v53 =	vld [tilespmem:s19+$0x50];
	v25 =	vadd.f32 v38, v25;
	vm1 =	vgt.f32 v23, v21  }
0x373: {  	v21 =	vsel vm1, v23, v21;
	v23 =	vld [tilespmem:$0x10250]  }
0x374: {  	v54 =	vld [tilespmem:s19+$0x60];
	v22 =	vadd.f32 v39, v22;
	vm2 =	vgt.f32 v25, v21  }
0x375: {  	v21 =	vsel vm2, v25, v21;
	v25 =	vld [tilespmem:$0x10260]  }
0x376: {  	v55 =	vld [tilespmem:s19+$0x70];
	v24 =	vadd.f32 v40, v24;
	vm3 =	vgt.f32 v22, v21  }
0x377: {  	v21 =	vsel vm3, v22, v21;
	v22 =	vld [tilespmem:$0x10270]  }
0x378: {  	v56 =	vld [tilespmem:s19+$0x80];
	vm4 =	vgt.f32 v24, v21;
	v23 =	vadd.f32 v23, v53  }
0x379: {  	v21 =	vsel vm4, v24, v21;
	v24 =	vld [tilespmem:$0x10280]  }
0x37a: {  	v57 =	vld [tilespmem:s19+$0x90];
	vm5 =	vgt.f32 v23, v21;
	v25 =	vadd.f32 v25, v54  }
0x37b: {  	v21 =	vsel vm5, v23, v21;
	v23 =	vld [tilespmem:$0x10290]  }
0x37c: {  	v58 =	vld [tilespmem:s19+$0xA0];
	vm6 =	vgt.f32 v25, v21;
	v22 =	vadd.f32 v22, v55  }
0x37d: {  	v21 =	vsel vm6, v25, v21;
	v25 =	vld [tilespmem:$0x102A0]  }
0x37e: {  	v59 =	vld [tilespmem:s19+$0xB0];
	vm7 =	vgt.f32 v22, v21;
	v24 =	vadd.f32 v24, v56  }
0x37f: {  	v21 =	vsel vm7, v22, v21;
	v22 =	vld [tilespmem:$0x102B0]  }
0x380: {  	v60 =	vld [tilespmem:s19+$0xC0];
	vm8 =	vgt.f32 v24, v21;
	v23 =	vadd.f32 v23, v57  }
0x381: {  	v21 =	vsel vm8, v24, v21;
	v24 =	vld [tilespmem:$0x102C0]  }
0x382: {  	v61 =	vld [tilespmem:s19+$0xD0];
	vm9 =	vgt.f32 v23, v21;
	v25 =	vadd.f32 v25, v58  }
0x383: {  	v21 =	vsel vm9, v23, v21;
	v23 =	vld [tilespmem:$0x102D0]  }
0x384: {  	v62 =	vld [tilespmem:s19+$0xE0];
	vm10 =	vgt.f32 v25, v21;
	v22 =	vadd.f32 v22, v59  }
0x385: {  	v21 =	vsel vm10, v25, v21;
	v25 =	vld [tilespmem:$0x102E0]  }
0x386: {  	v63 =	vld [tilespmem:s19+$0xF0];
	vm11 =	vgt.f32 v22, v21;
	v24 =	vadd.f32 v24, v60  }
0x387: {  	v21 =	vsel vm11, v22, v21;
	v22 =	vld [tilespmem:$0x102F0]  }
0x388: {  	v23 =	vadd.f32 v23, v61;
	vm12 =	vgt.f32 v24, v21  }
0x389: {  	v21 =	vsel vm12, v24, v21  }
0x38a: {  	v24 =	vadd.f32 v25, v62;
	v25 =	vnsel vm0, $0x80000000, v1;
	vm15 =	vgt.f32 v23, v21  }
0x38b: {  	v25 =	vsel vm1, v2, v25;
	v21 =	vsel vm15, v23, v21  }
0x38c: {  	v22 =	vadd.f32 v22, v63;
	v23 =	vsel vm2, v3, v25;
	vm13 =	vgt.f32 v24, v21  }
0x38d: {  	v23 =	vsel vm3, v4, v23;
	v21 =	vsel vm13, v24, v21  }
0x38e: {  	v23 =	vsel vm4, v5, v23;
	vm14 =	vgt.f32 v22, v21  }
0x38f: {  	v23 =	vsel vm5, v6, v23;
	v21 =	vsel vm14, v22, v21  }
0x390: {  	v22 =	vsel vm6, v7, v23;
	(xrf0) =	vmax.scan.msk.f32 $0xffff, v21  }
0x391: {  	v22 =	vsel vm7, v8, v22  }
0x392: {  	v22 =	vsel vm8, v9, v22  }
0x393: {  	v22 =	vsel vm9, v10, v22  }
0x394: {  	v22 =	vsel vm10, v11, v22  }
0x395: {  	v22 =	vsel vm11, v12, v22  }
0x396: {  	v22 =	vsel vm12, v13, v22;
	v23, _, _ =	vpop (xrf0)  }
0x397: {  	v22 =	vsel vm15, v15, v22;
	v23 =	vbroadcast v23, $0xF  }
0x398: {  	v22 =	vsel vm13, v16, v22  }
0x399: {  	v22 =	vsel vm14, v17, v22;
	vm15 =	vge.f32 v21, v23  }
0x39a: {  	v21 =	vnsel vm15, $0x80000100, v22  }
0x39b: {  	(xrf0) =	vmin.scan.msk.u32 $0xffff, v21;
	_ =	sdelay $0x5  }
0x39c: {  	v21, _, _ =	vpop (xrf0)  }
0x39d: {  	(v2sf) =	vpush v21, $0xF;
	_ =	sdelay $0xe  }
0x39e: {  	s31 =	spop (v2sf)  }
0x39f: {  	s19 =	sxor.u32 $0x80000000, s31  }
0x3a0: {  	[tilespmem:v37+s11+$0x0] =	vst.idx.msk $0x1, v23;
	v21 =	vmov s19  }
0x3a1: {  	[tilespmem:v37+s12+$0x0] =	vst.idx.msk $0x1, v21  }
.LBB2_28:
0x3a2: {  	s19 =	sand.u32 $0xFFFFFFF0, s18  }
0x3a3: {  	v21 =	vld [tilespmem:s19+$0x10000];
	_ =	sdelay $0x4  }
0x3a4: {  	(xrf0) =	vmax.scan.msk.f32 $0xffff, v21;
	_ =	sdelay $0x3  }
0x3a5: {  	p0 =	seq.f32 s17, $0.0e+00  }
0x3a6: {  	s17 =	simm.s32 $0x1  }
0x3a7: {  	s17 =	simm.s32 @!p0 $0x0;
	v22, _, _ =	vpop (xrf0)  }
0x3a8: {  	s31 =	sshrl.u32 s18, $0x4;
	s16 =	sadd.s32 s17, s16;
	v22 =	vbroadcast v22, $0xF  }
0x3a9: {  	v23 =	vmov s31;
	p0 =	slt.u32 s16, $0x100  }
.Ltmp14:
0x3aa: {  	vm0 =	vge.f32 v21, v22;
	(pc) =	sbr.rel @!p0 .LBB2_29-.Ltmp14, $3  }
0x3ab: {  	v21 =	vmctz.xlane vm0;
	_ =	sdelay $0x1  }
0x3ac: {  	vm15 =	veq.s32 v23, v0;
	v21 =	vadd.s32 s19, v21  }
0x3ad: {  	v36 =	vsel vm15, v22, v36;
	[tilespmem:v23+s13+$0x0] =	vst.idx.msk $0x1, v21  }
.LBB2_25:
0x3ae: {  	(xrf0) =	vmax.scan.msk.f32 $0xffff, v36;
	_ =	sdelay $0x5  }
0x3af: {  	v21, _, _ =	vpop (xrf0)  }
0x3b0: {  	v21 =	vbroadcast v21, $0xF;
	_ =	sdelay $0x1  }
0x3b1: {  	vm0 =	vge.f32 v36, v21  }
0x3b2: {  	v21 =	vmctz.xlane vm0;
	_ =	sdelay $0x5  }
0x3b3: {  	v37 =	vld.idx.msk [tilespmem:v21+s13+$0x0], $0xffff;
	_ =	sdelay $0x7  }
0x3b4: {  	v38 =	vld.idx.msk [tilespmem:v37+s12+$0x0], $0xffff;
	_ =	sdelay $0x7  }
0x3b5: {  	v21 =	vld.idx.msk [tilespmem:v38+s14+$0x0], $0xffff;
	_ =	sdelay $0x3  }
0x3b6: {  	(v2sf) =	vpush v37, $0x0  }
0x3b7: {  	(v2sf) =	vpush v21, $0x0;
	_ =	sdelay $0xd  }
0x3b8: {  	s18 =	spop (v2sf)  }
0x3b9: {  	s17 =	spop (v2sf)  }
0x3ba: {  	p0 =	sne.f32 s17, $0.0e+00  }
.Ltmp15:
0x3bb: {  	_ = 	snop;
	(pc) =	sbr.rel @p0 .LBB2_27-.Ltmp15, $1  }
0x3bc: {  	_ =	sdelay $0x3  }
0x3bd: {  	_ = 	snop  }
.Ltmp16:
0x3be: {  	_ = 	snop;
	(pc) =	sbr.rel .LBB2_28-.Ltmp16, $3  }
0x3bf: {  	_ =	sdelay $0x1  }
0x3c0: {  	[tilespmem:v38+s14+$0x0] =	vst.idx.msk $0x1, v18  }
0x3c1: {  	[tilespmem:v37+s11+$0x0] =	vst.idx.msk $0x1, v18  }
.LBB2_29:
0x3c2: {  	_ =	strace $0x9000004E  }
0x3c3: {  	s16 =	simm.s32 $0x0;
	s17 =	simm.s32 $0x400;
	_ =	strace $0x8000004F  }
.LBB2_30:
0x3c4: {  	p0 =	sne.s32 s17, $0x3FC00;
	[tilespmem:s16+$0xF0] =	vst v14  }
0x3c5: {  	[tilespmem:s16+$0x0] =	vst v14  }
0x3c6: {  	[tilespmem:s16+$0x10] =	vst v14  }
0x3c7: {  	[tilespmem:s16+$0x20] =	vst v14  }
0x3c8: {  	[tilespmem:s16+$0x30] =	vst v14  }
0x3c9: {  	[tilespmem:s16+$0x40] =	vst v14  }
0x3ca: {  	[tilespmem:s16+$0x50] =	vst v14  }
0x3cb: {  	[tilespmem:s16+$0x60] =	vst v14  }
0x3cc: {  	[tilespmem:s16+$0x70] =	vst v14  }
0x3cd: {  	[tilespmem:s16+$0x80] =	vst v14  }
0x3ce: {  	[tilespmem:s16+$0x90] =	vst v14  }
.Ltmp17:
0x3cf: {  	[tilespmem:s16+$0xA0] =	vst v14;
	(pc) =	sbr.rel @p0 .LBB2_30-.Ltmp17, $4  }
0x3d0: {  	[tilespmem:s16+$0xB0] =	vst v14  }
0x3d1: {  	[tilespmem:s16+$0xC0] =	vst v14  }
0x3d2: {  	[tilespmem:s16+$0xD0] =	vst v14  }
0x3d3: {  	[tilespmem:s16+$0xE0] =	vst v14;
	s16 =	sshra.s32 s17, $0x2;
	s17 =	sadd.s32 $0x400, s17  }
0x3d4: {  	[tilespmem:s16+$0xF0] =	vst v14  }
0x3d5: {  	[tilespmem:s16+$0x0] =	vst v14  }
0x3d6: {  	[tilespmem:s16+$0x10] =	vst v14  }
0x3d7: {  	[tilespmem:s16+$0x20] =	vst v14  }
0x3d8: {  	[tilespmem:s16+$0x30] =	vst v14  }
0x3d9: {  	[tilespmem:s16+$0x40] =	vst v14  }
0x3da: {  	[tilespmem:s16+$0x50] =	vst v14  }
0x3db: {  	[tilespmem:s16+$0x60] =	vst v14  }
0x3dc: {  	[tilespmem:s16+$0x70] =	vst v14  }
0x3dd: {  	[tilespmem:s16+$0x80] =	vst v14  }
0x3de: {  	[tilespmem:s16+$0x90] =	vst v14  }
0x3df: {  	[tilespmem:s16+$0xA0] =	vst v14  }
0x3e0: {  	[tilespmem:s16+$0xB0] =	vst v14  }
0x3e1: {  	[tilespmem:s16+$0xC0] =	vst v14  }
0x3e2: {  	[tilespmem:s16+$0xD0] =	vst v14  }
0x3e3: {  	[tilespmem:s16+$0xE0] =	vst v14  }
0x3e4: {  	v21 =	vld [tilespmem:$0x10100];
	_ =	sdelay $0x4  }
0x3e5: {  	v20 =	vadd.s32 v20, v21;
	_ =	sdelay $0x3  }
0x3e6: {  	s16 =	simm.s32 $0x0  }
0x3e7: {  	v59 =	vld [tilespmem:$0x1FDD0];
	[tilespmem:v20+s16+$0x0] =	vst.idx.msk $0xffff, v19  }
0x3e8: {  	v20 =	vld [tilespmem:$0x10110];
	_ =	sdelay $0x4  }
0x3e9: {  	v20 =	vadd.s32 v59, v20;
	_ =	sdelay $0x4  }
0x3ea: {  	v60 =	vld [tilespmem:$0x1FDE0];
	[tilespmem:v20+s16+$0x0] =	vst.idx.msk $0xffff, v19  }
0x3eb: {  	v20 =	vld [tilespmem:$0x10120];
	_ =	sdelay $0x4  }
0x3ec: {  	v20 =	vadd.s32 v60, v20;
	_ =	sdelay $0x4  }
0x3ed: {  	v61 =	vld [tilespmem:$0x1FDF0];
	[tilespmem:v20+s16+$0x0] =	vst.idx.msk $0xffff, v19  }
0x3ee: {  	v20 =	vld [tilespmem:$0x10130];
	_ =	sdelay $0x4  }
0x3ef: {  	v20 =	vadd.s32 v61, v20;
	_ =	sdelay $0x4  }
0x3f0: {  	v62 =	vld [tilespmem:$0x1FE00];
	[tilespmem:v20+s16+$0x0] =	vst.idx.msk $0xffff, v19  }
0x3f1: {  	v20 =	vld [tilespmem:$0x10140];
	_ =	sdelay $0x4  }
0x3f2: {  	v20 =	vadd.s32 v62, v20;
	_ =	sdelay $0x4  }
0x3f3: {  	v63 =	vld [tilespmem:$0x1FE10];
	[tilespmem:v20+s16+$0x0] =	vst.idx.msk $0xffff, v19  }
0x3f4: {  	v20 =	vld [tilespmem:$0x10150];
	_ =	sdelay $0x4  }
0x3f5: {  	v20 =	vadd.s32 v63, v20;
	_ =	sdelay $0x4  }
0x3f6: {  	[tilespmem:v20+s16+$0x0] =	vst.idx.msk $0xffff, v19  }
0x3f7: {  	v20 =	vld [tilespmem:$0x10160];
	_ =	sdelay $0x4  }
0x3f8: {  	v20 =	vadd.s32 v26, v20;
	_ =	sdelay $0x4  }
0x3f9: {  	[tilespmem:v20+s16+$0x0] =	vst.idx.msk $0xffff, v19  }
0x3fa: {  	v20 =	vld [tilespmem:$0x10170];
	_ =	sdelay $0x4  }
0x3fb: {  	v20 =	vadd.s32 v27, v20;
	_ =	sdelay $0x4  }
0x3fc: {  	[tilespmem:v20+s16+$0x0] =	vst.idx.msk $0xffff, v19  }
0x3fd: {  	v20 =	vld [tilespmem:$0x10180];
	_ =	sdelay $0x4  }
0x3fe: {  	v20 =	vadd.s32 v28, v20;
	_ =	sdelay $0x4  }
0x3ff: {  	[tilespmem:v20+s16+$0x0] =	vst.idx.msk $0xffff, v19  }
0x400: {  	v20 =	vld [tilespmem:$0x10190];
	_ =	sdelay $0x4  }
0x401: {  	v20 =	vadd.s32 v29, v20;
	_ =	sdelay $0x4  }
0x402: {  	[tilespmem:v20+s16+$0x0] =	vst.idx.msk $0xffff, v19  }
0x403: {  	v20 =	vld [tilespmem:$0x101A0];
	_ =	sdelay $0x4  }
0x404: {  	v20 =	vadd.s32 v30, v20;
	_ =	sdelay $0x4  }
0x405: {  	[tilespmem:v20+s16+$0x0] =	vst.idx.msk $0xffff, v19  }
0x406: {  	v20 =	vld [tilespmem:$0x101B0];
	_ =	sdelay $0x4  }
0x407: {  	v20 =	vadd.s32 v31, v20;
	_ =	sdelay $0x4  }
0x408: {  	[tilespmem:v20+s16+$0x0] =	vst.idx.msk $0xffff, v19  }
0x409: {  	v20 =	vld [tilespmem:$0x101C0];
	_ =	sdelay $0x4  }
0x40a: {  	v20 =	vadd.s32 v32, v20;
	_ =	sdelay $0x4  }
0x40b: {  	[tilespmem:v20+s16+$0x0] =	vst.idx.msk $0xffff, v19  }
0x40c: {  	v20 =	vld [tilespmem:$0x101D0];
	_ =	sdelay $0x4  }
0x40d: {  	v20 =	vadd.s32 v33, v20;
	_ =	sdelay $0x4  }
0x40e: {  	[tilespmem:v20+s16+$0x0] =	vst.idx.msk $0xffff, v19  }
0x40f: {  	v20 =	vld [tilespmem:$0x101E0];
	_ =	sdelay $0x4  }
0x410: {  	v20 =	vadd.s32 v34, v20;
	_ =	sdelay $0x4  }
0x411: {  	[tilespmem:v20+s16+$0x0] =	vst.idx.msk $0xffff, v19  }
0x412: {  	v20 =	vld [tilespmem:$0x101F0];
	_ =	sdelay $0x4  }
0x413: {  	v20 =	vadd.s32 v35, v20;
	_ =	sdelay $0x2  }
0x414: {  	s17 =	sand.u32 $0x1F00, s16  }
0x415: {  	s18 =	sand.u32 $0x70, s16;
	s17 =	sadd.s32 s17, s7  }
0x416: {  	s17 =	sadd.s32 s18, s17;
	[tilespmem:v20+s16+$0x0] =	vst.idx.msk $0xffff, v19  }
0x417: {  	[hbm4b:s17+s9] =	stream.strided.scatter [tilespmem:s16], [sflag:$0x1], $0x100, s3, s9, $0x200038;
	[tilespmem:$0x10380] =	vst v63  }
0x418: {  	s18 =	simm.s32 $0x10;
	s17 =	simm.s32 $0x20  }
.LBB2_32:
0x419: {  	s19 =	sand.u32 $0x1F00, s17;
	p0 =	sne.s32 s17, $0x1FE0;
	s17 =	sadd.s32 $0x20, s17  }
.Ltmp18:
0x41a: {  	s20 =	sand.u32 $0x70, s18;
	s19 =	sadd.s32 s19, s7;
	(pc) =	sbr.rel @p0 .LBB2_32-.Ltmp18, $4  }
0x41b: {  	s16 =	sadd.s32 $0x100, s16;
	s19 =	sadd.s32 s20, s19  }
0x41c: {  	[hbm4b:s19+s9] =	stream.strided.scatter [tilespmem:s16], [sflag:$0x1], $0x100, s3, s9, $0x200038;
	[tilespmem:$0x10380] =	vst v63  }
0x41d: {  	_ = 	snop  }
0x41e: {  	s18 =	sadd.s32 $0x10, s18  }
0x41f: {  	_ =	swait.ge [sflag:s10], $0x100  }
0x420: {  	s16 =	simm.s32 $0xFF;
	[sflag:s10] =	ssyncset.done $0x0  }
.LBB2_34:
0x421: {  	p0 =	sne.s32 s16, $0x1;
	s16 =	sadd.s32 $0xFFFFFFFF, s16;
	[sflag:s10] =	ssyncadd.s32 $0xFFFFFF00  }
.Ltmp19:
0x422: {  	(pc) =	sbr.rel @p0 .LBB2_34-.Ltmp19, $3  }
0x423: {  	_ =	sdelay $0x1  }
0x424: {  	_ =	swait.ge [sflag:s10], $0x100  }
0x425: {  	[sflag:s10] =	ssyncset.done $0x0  }
0x426: {  	s15 =	sadd.s32 $0x1, s15  }
0x427: {  	p0 =	sne.s32 s15, s8  }
.Ltmp20:
0x428: {  	_ = 	snop;
	(pc) =	sbr.rel @p0 .LBB2_1-.Ltmp20, $3  }
0x429: {  	_ =	sdelay $0x1  }
0x42a: {  	[sflag:s10] =	ssyncadd.s32 $0xFFFFFF00  }
0x42b: {  	_ =	strace $0x9000004F  }
0x42c: {  	_ =	sfence.sel $0x180000  }
0x42d: {  	[bflag:$0x0] =	sbarrier.arrive $0xFFFF  }
0x42e: {  	p0 =	sne.s32 s1, $0x0;
	_ =	strace $0x90000047  }
0x42f: {  	s0 =	sadd.s32 @!p0 $0x100000, s0;
	[bflag:$0x2] =	sbarrier.arrive $0xFFFF  }
0x430: {  	[sflag:s0] =	ssyncadd.tile.s32 @!p0 $0x1;
	_ =	shalt  }
.Lfunc_end2:
_tile_overlayer_lowered:
.L_overlay_start_2:
0x431: {  	(tag) =	ssettag $0x2  }
0x432: {  	s0 =	rddreg [dreg:$0x0];
	s2 =	stileid.u32  }
0x433: {  	s1 =	rddreg [dreg:$0x1];
	p0 =	sne.s32 s2, $0x0  }
0x434: {  	s3 =	rddreg [dreg:$0x2];
	[bflag:$0x3] =	sbarrier.arrive $0xFFFF;
	s2 =	simm.s32 @!p0 $0x1C02  }
0x435: {  	[timem:s3], [sflag:s2] =	dma.local @!p0 [hbm:s0], s1  }
0x436: {  	s0 =	simm.s32 @!p0 $0x2  }
0x437: {  	_ =	swait.ge @!p0 [sflag:s0], s1  }
0x438: {  	s1 =	ssub.s32 @!p0 $0x0, s1;
	[sflag:s0] =	ssyncset.done @!p0 $0x0  }
0x439: {  	[sflag:s0] =	ssyncadd.s32 @!p0 s1  }
0x43a: {  	[bflag:$0x3] =	sbarrier.arrive $0xFFFF  }
0x43b: {  	_ =	shalt  }

</sc_bundles>
